<compile_context>
chip_gen: v7x
topology: tpu7x:2x2x1
jax: 0.10.2.dev20260603
libtpu: 0.0.44.dev20260713+nightly
codegen_flags: <defaults>
</compile_context>

<pallas_src>
import functools

import jax
import jax.numpy as jnp
from jax import lax
from jax.experimental import pallas as pl
from jax.experimental.pallas import tpu as pltpu
from jax.experimental.pallas import tpu_sc as plsc

N = 10000
E = 160000
C = 128
R = 8
LANES = 16
LANES2 = 32
NF = C // LANES
NFB = C // LANES2
NS = 16
NC = 2
CH = 128
EPT = 10240
EP = EPT * NS
NCH = EPT // CH
KPAD = R * N
ACC_ROWS = 81920
RPT_Z = ACC_ROWS // NS
ZROWS = RPT_Z // 8
RPT = (R * N) // NS
BLK = 1000


def _sc_body(*refs):
    lanew = LANES2
    nblk = NFB
    (xb, srcp, dstp, typp, zeros_b, s4,
     src_v, kb, dstb, typb, rowb, rowb2, zbb, acc,
     ssem, ssem2, gsem, gsem2) = refs

    c = lax.axis_index("c")
    s = lax.axis_index("s")
    e0 = s * EPT

    pltpu.sync_copy(srcp.at[pl.ds(e0, EPT)], src_v)
    pltpu.sync_copy(zeros_b, zbb)

    HALF = EPT // 2
    for half in range(2):
        pltpu.sync_copy(dstp.at[pl.ds(e0 + half * HALF, HALF)], dstb)
        pltpu.sync_copy(typp.at[pl.ds(e0 + half * HALF, HALF)], typb)

        def krow(jr, carry, half=half):
            j = half * (NCH // 2) + jr
            for u in range(CH // LANES):
                off = jr * CH + u * LANES
                t16 = typb[pl.ds(off, LANES)]
                d16 = dstb[pl.ds(off, LANES)]
                kb[j, pl.ds(u * LANES, LANES)] = t16 * N + d16
            return carry
        lax.fori_loop(0, NCH // 2, krow, 0)

    def scatter_pipe(table):
        def gather(j, buf, gs):
            idx = src_v.at[pl.ds(j * CH, CH)]
            return pltpu.async_copy(table.at[idx], buf, gs)

        def gwait(j, buf, gs):
            idx = src_v.at[pl.ds(j * CH, CH)]
            pltpu.make_async_copy(table.at[idx], buf, gs).wait()

        gather(0, rowb, gsem)

        def pair(jj, carry):
            j0 = 2 * jj
            j1 = j0 + 1
            gwait(j0, rowb, gsem)
            gather(j1, rowb2, gsem2)
            pltpu.sync_copy(rowb, acc.at[kb.at[j0]], add=True)
            gwait(j1, rowb2, gsem2)

            @pl.when(jj + 1 < NCH // 2)
            def _():
                gather(j0 + 2, rowb, gsem)
            pltpu.sync_copy(rowb2, acc.at[kb.at[j1]], add=True)
            return carry
        lax.fori_loop(0, NCH // 2, pair, 0)

    def zero_acc():
        def zbody(i, carry):
            pltpu.sync_copy(zbb, acc.at[pl.ds(s * RPT_Z + i * ZROWS, ZROWS)])
            return carry
        lax.fori_loop(0, 8, zbody, 0)

    def writeback(f):
        r = s // 2
        i0 = (s % 2) * RPT
        pltpu.sync_copy(
            acc.at[pl.ds(s * RPT, RPT)],
            s4.at[r, pl.ds(i0, RPT), pl.ds(f * lanew, lanew)])

    for cv in range(NC):
        @pl.when(c == cv)
        def _passes(cv=cv):
            for p in range(nblk // NC):
                f = cv * (nblk // NC) + p
                zero_acc()
                plsc.subcore_barrier()
                scatter_pipe(xb.at[f])
                plsc.subcore_barrier()
                writeback(f)
                plsc.subcore_barrier()


def _cnt_body(*refs):
    (dstp, typp, zeros_h, ones_h, cnt4,
     kb, dstb, typb, onesb, zb, acc) = refs

    c = lax.axis_index("c")
    s = lax.axis_index("s")
    e0 = s * EPT
    pltpu.sync_copy(zeros_h, zb)
    pltpu.sync_copy(ones_h, onesb)

    HALF = EPT // 2
    for half in range(2):
        pltpu.sync_copy(dstp.at[pl.ds(e0 + half * HALF, HALF)], dstb)
        pltpu.sync_copy(typp.at[pl.ds(e0 + half * HALF, HALF)], typb)

        def krow(jr, carry, half=half):
            j = half * (NCH // 2) + jr
            for u in range(CH // LANES):
                off = jr * CH + u * LANES
                t16 = typb[pl.ds(off, LANES)]
                d16 = dstb[pl.ds(off, LANES)]
                kb[j, pl.ds(u * LANES, LANES)] = t16 * N + d16
            return carry
        lax.fori_loop(0, NCH // 2, krow, 0)

    def zbody(i, carry):
        pltpu.sync_copy(zb, acc.at[pl.ds(s * RPT_Z + i * ZROWS, ZROWS)])
        return carry
    lax.fori_loop(0, 8, zbody, 0)
    plsc.subcore_barrier()

    def chunk(j, carry):
        pltpu.sync_copy(onesb, acc.at[kb.at[j]], add=True)
        return carry
    lax.fori_loop(c * (NCH // 2), (c + 1) * (NCH // 2), chunk, 0)
    plsc.subcore_barrier()
    r = s // 2
    i0 = (s % 2) * RPT
    pltpu.sync_copy(acc.at[pl.ds(s * RPT, RPT)],
                    cnt4.at[c, r, pl.ds(i0, RPT)])


def _make_sc():
    scratch = [
        pltpu.VMEM((EPT,), jnp.int32),
        pltpu.VMEM((NCH, CH), jnp.int32),
        pltpu.VMEM((EPT // 2,), jnp.int32),
        pltpu.VMEM((EPT // 2,), jnp.int32),
        pltpu.VMEM((CH, LANES2), jnp.bfloat16),
        pltpu.VMEM((CH, LANES2), jnp.bfloat16),
        pltpu.VMEM((ZROWS, LANES2), jnp.bfloat16),
        pltpu.VMEM_SHARED((ACC_ROWS, LANES2), jnp.bfloat16),
        pltpu.SemaphoreType.DMA,
        pltpu.SemaphoreType.DMA,
        pltpu.SemaphoreType.DMA,
        pltpu.SemaphoreType.DMA,
    ]
    mesh = plsc.VectorSubcoreMesh(core_axis_name="c", subcore_axis_name="s")
    return pl.kernel(
        _sc_body,
        out_type=jax.ShapeDtypeStruct((R, N, C), jnp.bfloat16),
        mesh=mesh,
        scratch_types=scratch,
        compiler_params=pltpu.CompilerParams(use_tc_tiling_on_sc=False),
    )


def _make_cnt():
    scratch = [
        pltpu.VMEM((NCH, CH), jnp.int32),
        pltpu.VMEM((EPT // 2,), jnp.int32),
        pltpu.VMEM((EPT // 2,), jnp.int32),
        pltpu.VMEM((CH, LANES), jnp.float32),
        pltpu.VMEM((ZROWS, LANES), jnp.float32),
        pltpu.VMEM_SHARED((ACC_ROWS, LANES), jnp.float32),
    ]
    mesh = plsc.VectorSubcoreMesh(core_axis_name="c", subcore_axis_name="s")
    return pl.kernel(
        _cnt_body,
        out_type=jax.ShapeDtypeStruct((NC, R, N, LANES), jnp.float32),
        mesh=mesh,
        scratch_types=scratch,
        compiler_params=pltpu.CompilerParams(use_tc_tiling_on_sc=False),
    )


_make_sc = functools.lru_cache(maxsize=None)(_make_sc)
_make_cnt = functools.lru_cache(maxsize=None)(_make_cnt)


def _tc_body(relu, x_ref, s_ref, c_ref, w_ref, root_ref, b_ref, o_ref):
    acc = jnp.dot(x_ref[...], root_ref[...],
                  preferred_element_type=jnp.float32) + b_ref[...]
    for r in range(R):
        cr = c_ref[0, r][:, 0:1] + c_ref[1, r][:, 0:1]
        inv = 1.0 / jnp.maximum(cr, 1.0)
        sr = s_ref[r].astype(jnp.float32)
        acc = acc + jnp.dot(sr * inv, w_ref[r],
                            preferred_element_type=jnp.float32)
    o_ref[...] = jnp.maximum(acc, 0.0) if relu else acc


def _tc_combine(xin, S, cnt3, W, root, b, relu):
    return pl.pallas_call(
        functools.partial(_tc_body, relu),
        grid=(N // BLK,),
        in_specs=[
            pl.BlockSpec((BLK, C), lambda i: (i, 0)),
            pl.BlockSpec((R, BLK, C), lambda i: (0, i, 0)),
            pl.BlockSpec((NC, R, BLK, LANES), lambda i: (0, 0, i, 0)),
            pl.BlockSpec((R, C, C), lambda i: (0, 0, 0)),
            pl.BlockSpec((C, C), lambda i: (0, 0)),
            pl.BlockSpec((1, C), lambda i: (0, 0)),
        ],
        out_specs=pl.BlockSpec((BLK, C), lambda i: (i, 0)),
        out_shape=jax.ShapeDtypeStruct((N, C), jnp.float32),
    )(xin, S, cnt3, W, root, b.reshape(1, C))


def kernel(x, edge_index, edge_attr, W1, root1, b1, W2, root2, b2):
    src = edge_index[0].astype(jnp.int32)
    dst = edge_index[1].astype(jnp.int32)
    typ = edge_attr.astype(jnp.int32)
    pad = EP - E
    srcp = jnp.pad(src, (0, pad))
    dstp = jnp.pad(dst, (0, pad))
    typp = jnp.pad(typ, (0, pad), constant_values=R)
    zeros_h = jnp.zeros((ZROWS, LANES), jnp.float32)
    zeros_hb = jnp.zeros((ZROWS, LANES2), jnp.bfloat16)
    ones_h = jnp.ones((CH, LANES), jnp.float32)

    cnt4 = _make_cnt()(dstp, typp, zeros_h, ones_h)

    xb = jnp.transpose(
        x.astype(jnp.bfloat16).reshape(N, NFB, LANES2), (1, 0, 2))
    S1 = _make_sc()(xb, srcp, dstp, typp, zeros_hb)
    h = _tc_combine(x, S1, cnt4, W1, root1, b1, relu=True)

    hb = jnp.transpose(
        h.astype(jnp.bfloat16).reshape(N, NFB, LANES2), (1, 0, 2))
    S2 = _make_sc()(hb, srcp, dstp, typp, zeros_hb)
    out = _tc_combine(h, S2, cnt4, W2, root2, b2, relu=False)
    return out

# --- scband reference (transcript-rebuilt; emitter-appended) ---
"""Pipeline reference for scband-rgcn-16904991277355 (READ-ONLY COPY).

The authoritative reference and input builder live on the scoring server;
editing this copy changes nothing except your own understanding.
"""

import jax, jax.numpy as jnp
import numpy as np

NUM_NODES = 10000
NUM_EDGES = 160000
IN_CH = 128
HID_CH = 128
OUT_CH = 128
NUM_REL = 8


def setup_inputs(seed: int = 0) -> dict:
    key = jax.random.key(seed)
    ks = jax.random.split(key, 10)
    x = jax.random.normal(ks[0], (NUM_NODES, IN_CH), dtype=jnp.float32)
    edge_index = jax.random.randint(ks[1], (2, NUM_EDGES), 0, NUM_NODES, dtype=jnp.int64)
    edge_attr = jax.random.randint(ks[2], (NUM_EDGES,), 0, NUM_REL, dtype=jnp.int64)
    s1 = 1.0 / np.sqrt(IN_CH)
    s2 = 1.0 / np.sqrt(HID_CH)
    W1 = jax.random.normal(ks[3], (NUM_REL, IN_CH, HID_CH), dtype=jnp.float32) * s1
    root1 = jax.random.normal(ks[4], (IN_CH, HID_CH), dtype=jnp.float32) * s1
    b1 = jnp.zeros((HID_CH,), dtype=jnp.float32)
    W2 = jax.random.normal(ks[5], (NUM_REL, HID_CH, OUT_CH), dtype=jnp.float32) * s2
    root2 = jax.random.normal(ks[6], (HID_CH, OUT_CH), dtype=jnp.float32) * s2
    b2 = jnp.zeros((OUT_CH,), dtype=jnp.float32)
    return {"x": x, "edge_index": edge_index, "edge_attr": edge_attr,
            "W1": W1, "root1": root1, "b1": b1,
            "W2": W2, "root2": root2, "b2": b2}


def _rgcn_layer(x, edge_index, edge_type, W, root, b):
    # PyG RGCNConv semantics with mean aggregation per relation:
    # out_i = root @ x_i + b + sum_r (1/|N_r(i)|) sum_{j in N_r(i)} W_r @ x_j
    src = edge_index[0]
    dst = edge_index[1]
    n = x.shape[0]
    h_src = jnp.take(x, src, axis=0)  # gather: [E, in]
    out = x @ root + b
    num_rel = W.shape[0]
    for r in range(num_rel):
        mask = (edge_type == r).astype(x.dtype)  # [E]
        msg = (h_src @ W[r]) * mask[:, None]     # [E, out]
        agg = jax.ops.segment_sum(msg, dst, num_segments=n)
        cnt = jax.ops.segment_sum(mask, dst, num_segments=n)
        out = out + agg / jnp.clip(cnt, 1.0, None)[:, None]
    return out


def reference(x, edge_index, edge_attr, W1, root1, b1, W2, root2, b2):
    h = jax.nn.relu(_rgcn_layer(x, edge_index, edge_attr, W1, root1, b1))
    out = _rgcn_layer(h, edge_index, edge_attr, W2, root2, b2)
    return out

if __name__ == "__main__":
    import jax
    _d = setup_inputs()
    print(jax.jit(kernel)(*tuple(_d.values())))

</pallas_src>

<mosaic_0001>
#map = affine_map<(d0, d1) -> (0)>
#map1 = affine_map<(d0, d1) -> (0, 0)>
#map2 = affine_map<(d0, d1) -> (0, 0, 0, 0)>
module attributes {stable_mosaic.version = 14 : i64} {
  func.func @_cnt_body(%arg0: i32, %arg1: i32, %arg2: memref<163840xi32, #tpu.memory_space<hbm>>, %arg3: memref<163840xi32, #tpu.memory_space<hbm>>, %arg4: memref<640x16xf32, #tpu.memory_space<hbm>>, %arg5: memref<128x16xf32, #tpu.memory_space<hbm>>, %arg6: memref<2x8x10000x16xf32, #tpu.memory_space<hbm>>, %arg7: memref<80x128xi32, #tpu.memory_space<vmem>>, %arg8: memref<5120xi32, #tpu.memory_space<vmem>>, %arg9: memref<5120xi32, #tpu.memory_space<vmem>>, %arg10: memref<128x16xf32, #tpu.memory_space<vmem>>, %arg11: memref<640x16xf32, #tpu.memory_space<vmem>>, %arg12: memref<81920x16xf32, #tpu.memory_space<vmem_shared>>) attributes {dimension_semantics = [#tpu.dimension_semantics<core_parallel>, #tpu.dimension_semantics<subcore_parallel>], iteration_bounds = array<i64: 2, 16>, scalar_prefetch = 0 : i64, scratch_operands = 6 : i64, tpu.core_type = #tpu.core_type<sc_vector_subcore>, window_params = [{transform_indices = #map}, {transform_indices = #map}, {transform_indices = #map1}, {transform_indices = #map1}, {transform_indices = #map2}]} {
    %mul3A = arith.constant 10240 : i32
    %mul3A_0 = arith.muli %arg1, %mul3A : i32
    "tpu.region"() ({
      %run_scoped3A = tpu.sem_alloc : memref<!tpu.dma_semaphore, #tpu.memory_space<semaphore_mem>>
      tpu.enqueue_dma source(%arg4 : memref<640x16xf32, #tpu.memory_space<hbm>>) target(%arg11 : memref<640x16xf32, #tpu.memory_space<vmem>>) target_semaphore(%run_scoped3A : memref<!tpu.dma_semaphore, #tpu.memory_space<semaphore_mem>>)
      tpu.wait_dma2 semaphore(%run_scoped3A : memref<!tpu.dma_semaphore, #tpu.memory_space<semaphore_mem>>) src(%arg4 : memref<640x16xf32, #tpu.memory_space<hbm>>) dst(%arg11 : memref<640x16xf32, #tpu.memory_space<vmem>>)
      tpu.yield
    }) : () -> ()
    "tpu.region"() ({
      %run_scoped3A = tpu.sem_alloc : memref<!tpu.dma_semaphore, #tpu.memory_space<semaphore_mem>>
      tpu.enqueue_dma source(%arg5 : memref<128x16xf32, #tpu.memory_space<hbm>>) target(%arg10 : memref<128x16xf32, #tpu.memory_space<vmem>>) target_semaphore(%run_scoped3A : memref<!tpu.dma_semaphore, #tpu.memory_space<semaphore_mem>>)
      tpu.wait_dma2 semaphore(%run_scoped3A : memref<!tpu.dma_semaphore, #tpu.memory_space<semaphore_mem>>) src(%arg5 : memref<128x16xf32, #tpu.memory_space<hbm>>) dst(%arg10 : memref<128x16xf32, #tpu.memory_space<vmem>>)
      tpu.yield
    }) : () -> ()
    %add3A = arith.constant 0 : i32
    %add3A_1 = arith.addi %mul3A_0, %add3A : i32
    "tpu.region"() ({
      %run_scoped3A = tpu.sem_alloc : memref<!tpu.dma_semaphore, #tpu.memory_space<semaphore_mem>>
      %dma_start3A = tpu.memref_slice %arg2[%add3A_1] : memref<163840xi32, #tpu.memory_space<hbm>> -> memref<5120xi32, #tpu.memory_space<hbm>>
      %dma_start3A_74 = tpu.memref_slice %arg2[%add3A_1] : memref<163840xi32, #tpu.memory_space<hbm>> -> memref<5120xi32, #tpu.memory_space<hbm>>
      tpu.enqueue_dma source(%dma_start3A_74 : memref<5120xi32, #tpu.memory_space<hbm>>) target(%arg8 : memref<5120xi32, #tpu.memory_space<vmem>>) target_semaphore(%run_scoped3A : memref<!tpu.dma_semaphore, #tpu.memory_space<semaphore_mem>>)
      %dma_wait3A = tpu.memref_slice %arg2[%add3A_1] : memref<163840xi32, #tpu.memory_space<hbm>> -> memref<5120xi32, #tpu.memory_space<hbm>>
      %dma_wait3A_75 = tpu.memref_slice %arg2[%add3A_1] : memref<163840xi32, #tpu.memory_space<hbm>> -> memref<5120xi32, #tpu.memory_space<hbm>>
      tpu.wait_dma2 semaphore(%run_scoped3A : memref<!tpu.dma_semaphore, #tpu.memory_space<semaphore_mem>>) src(%dma_wait3A_75 : memref<5120xi32, #tpu.memory_space<hbm>>) dst(%arg8 : memref<5120xi32, #tpu.memory_space<vmem>>)
      tpu.yield
    }) : () -> ()
    %add3A_2 = arith.constant 0 : i32
    %add3A_3 = arith.addi %mul3A_0, %add3A_2 : i32
    "tpu.region"() ({
      %run_scoped3A = tpu.sem_alloc : memref<!tpu.dma_semaphore, #tpu.memory_space<semaphore_mem>>
      %dma_start3A = tpu.memref_slice %arg3[%add3A_3] : memref<163840xi32, #tpu.memory_space<hbm>> -> memref<5120xi32, #tpu.memory_space<hbm>>
      %dma_start3A_74 = tpu.memref_slice %arg3[%add3A_3] : memref<163840xi32, #tpu.memory_space<hbm>> -> memref<5120xi32, #tpu.memory_space<hbm>>
      tpu.enqueue_dma source(%dma_start3A_74 : memref<5120xi32, #tpu.memory_space<hbm>>) target(%arg9 : memref<5120xi32, #tpu.memory_space<vmem>>) target_semaphore(%run_scoped3A : memref<!tpu.dma_semaphore, #tpu.memory_space<semaphore_mem>>)
      %dma_wait3A = tpu.memref_slice %arg3[%add3A_3] : memref<163840xi32, #tpu.memory_space<hbm>> -> memref<5120xi32, #tpu.memory_space<hbm>>
      %dma_wait3A_75 = tpu.memref_slice %arg3[%add3A_3] : memref<163840xi32, #tpu.memory_space<hbm>> -> memref<5120xi32, #tpu.memory_space<hbm>>
      tpu.wait_dma2 semaphore(%run_scoped3A : memref<!tpu.dma_semaphore, #tpu.memory_space<semaphore_mem>>) src(%dma_wait3A_75 : memref<5120xi32, #tpu.memory_space<hbm>>) dst(%arg9 : memref<5120xi32, #tpu.memory_space<vmem>>)
      tpu.yield
    }) : () -> ()
    %scan3A = arith.constant 0 : i32
    %scan3A_4 = arith.constant 0 : i32
    %scan3A_5 = arith.constant 40 : i32
    %scan3A_6 = arith.addi %scan3A_4, %scan3A_5 : i32
    %scan3A_7 = arith.constant 1 : i32
    scf.for %scan3A_74 = %scan3A_4 to %scan3A_6 step %scan3A_7  : i32 {
      %add3A_75 = arith.constant 0 : i32
      %add3A_76 = arith.addi %add3A_75, %scan3A_74 : i32
      %mul3A_77 = arith.constant 128 : i32
      %mul3A_78 = arith.muli %scan3A_74, %mul3A_77 : i32
      %add3A_79 = arith.constant 0 : i32
      %add3A_80 = arith.addi %mul3A_78, %add3A_79 : i32
      %get3A = arith.index_cast %add3A_80 : i32 to index
      %get3A_81 = tpu.vector_load %arg9[%get3A] {strides = array<i32>} : memref<5120xi32, #tpu.memory_space<vmem>>, vector<16xi32>,
      %get3A_82 = vector.shape_cast %get3A_81 : vector<16xi32> to vector<16xi32>
      %get3A_83 = arith.index_cast %add3A_80 : i32 to index
      %get3A_84 = tpu.vector_load %arg8[%get3A_83] {strides = array<i32>} : memref<5120xi32, #tpu.memory_space<vmem>>, vector<16xi32>,
      %get3A_85 = vector.shape_cast %get3A_84 : vector<16xi32> to vector<16xi32>
      %mul3A_86 = arith.constant 10000 : i32
      %mul3A_87 = vector.broadcast %mul3A_86 : i32 to vector<16xi32>
      %mul3A_88 = arith.muli %get3A_82, %mul3A_87 : vector<16xi32>
      %add3A_89 = arith.addi %mul3A_88, %get3A_85 : vector<16xi32>
      %swap3A = arith.index_cast %add3A_76 : i32 to index
      %swap3A_90 = arith.constant 0 : index
      %swap3A_91 = tpu.vector_load %arg7[%swap3A, %swap3A_90] {strides = array<i32>} : memref<80x128xi32, #tpu.memory_space<vmem>>, vector<1x16xi32>,
      %swap3A_92 = vector.shape_cast %swap3A_91 : vector<1x16xi32> to vector<16xi32>
      %swap3A_93 = vector.shape_cast %add3A_89 : vector<16xi32> to vector<1x16xi32>
      tpu.vector_store %arg7[%swap3A, %swap3A_90], %swap3A_93 {strides = array<i32>} : memref<80x128xi32, #tpu.memory_space<vmem>>, vector<1x16xi32>,
      %mul3A_94 = arith.constant 128 : i32
      %mul3A_95 = arith.muli %scan3A_74, %mul3A_94 : i32
      %add3A_96 = arith.constant 16 : i32
      %add3A_97 = arith.addi %mul3A_95, %add3A_96 : i32
      %get3A_98 = arith.index_cast %add3A_97 : i32 to index
      %get3A_99 = tpu.vector_load %arg9[%get3A_98] {strides = array<i32>} : memref<5120xi32, #tpu.memory_space<vmem>>, vector<16xi32>,
      %get3A_100 = vector.shape_cast %get3A_99 : vector<16xi32> to vector<16xi32>
      %get3A_101 = arith.index_cast %add3A_97 : i32 to index
      %get3A_102 = tpu.vector_load %arg8[%get3A_101] {strides = array<i32>} : memref<5120xi32, #tpu.memory_space<vmem>>, vector<16xi32>,
      %get3A_103 = vector.shape_cast %get3A_102 : vector<16xi32> to vector<16xi32>
      %mul3A_104 = arith.constant 10000 : i32
      %mul3A_105 = vector.broadcast %mul3A_104 : i32 to vector<16xi32>
      %mul3A_106 = arith.muli %get3A_100, %mul3A_105 : vector<16xi32>
      %add3A_107 = arith.addi %mul3A_106, %get3A_103 : vector<16xi32>
      %swap3A_108 = arith.index_cast %add3A_76 : i32 to index
      %swap3A_109 = arith.constant 16 : index
      %swap3A_110 = tpu.vector_load %arg7[%swap3A_108, %swap3A_109] {strides = array<i32>} : memref<80x128xi32, #tpu.memory_space<vmem>>, vector<1x16xi32>,
      %swap3A_111 = vector.shape_cast %swap3A_110 : vector<1x16xi32> to vector<16xi32>
      %swap3A_112 = vector.shape_cast %add3A_107 : vector<16xi32> to vector<1x16xi32>
      tpu.vector_store %arg7[%swap3A_108, %swap3A_109], %swap3A_112 {strides = array<i32>} : memref<80x128xi32, #tpu.memory_space<vmem>>, vector<1x16xi32>,
      %mul3A_113 = arith.constant 128 : i32
      %mul3A_114 = arith.muli %scan3A_74, %mul3A_113 : i32
      %add3A_115 = arith.constant 32 : i32
      %add3A_116 = arith.addi %mul3A_114, %add3A_115 : i32
      %get3A_117 = arith.index_cast %add3A_116 : i32 to index
      %get3A_118 = tpu.vector_load %arg9[%get3A_117] {strides = array<i32>} : memref<5120xi32, #tpu.memory_space<vmem>>, vector<16xi32>,
      %get3A_119 = vector.shape_cast %get3A_118 : vector<16xi32> to vector<16xi32>
      %get3A_120 = arith.index_cast %add3A_116 : i32 to index
      %get3A_121 = tpu.vector_load %arg8[%get3A_120] {strides = array<i32>} : memref<5120xi32, #tpu.memory_space<vmem>>, vector<16xi32>,
      %get3A_122 = vector.shape_cast %get3A_121 : vector<16xi32> to vector<16xi32>
      %mul3A_123 = arith.constant 10000 : i32
      %mul3A_124 = vector.broadcast %mul3A_123 : i32 to vector<16xi32>
      %mul3A_125 = arith.muli %get3A_119, %mul3A_124 : vector<16xi32>
      %add3A_126 = arith.addi %mul3A_125, %get3A_122 : vector<16xi32>
      %swap3A_127 = arith.index_cast %add3A_76 : i32 to index
      %swap3A_128 = arith.constant 32 : index
      %swap3A_129 = tpu.vector_load %arg7[%swap3A_127, %swap3A_128] {strides = array<i32>} : memref<80x128xi32, #tpu.memory_space<vmem>>, vector<1x16xi32>,
      %swap3A_130 = vector.shape_cast %swap3A_129 : vector<1x16xi32> to vector<16xi32>
      %swap3A_131 = vector.shape_cast %add3A_126 : vector<16xi32> to vector<1x16xi32>
      tpu.vector_store %arg7[%swap3A_127, %swap3A_128], %swap3A_131 {strides = array<i32>} : memref<80x128xi32, #tpu.memory_space<vmem>>, vector<1x16xi32>,
      %mul3A_132 = arith.constant 128 : i32
      %mul3A_133 = arith.muli %scan3A_74, %mul3A_132 : i32
      %add3A_134 = arith.constant 48 : i32
      %add3A_135 = arith.addi %mul3A_133, %add3A_134 : i32
      %get3A_136 = arith.index_cast %add3A_135 : i32 to index
      %get3A_137 = tpu.vector_load %arg9[%get3A_136] {strides = array<i32>} : memref<5120xi32, #tpu.memory_space<vmem>>, vector<16xi32>,
      %get3A_138 = vector.shape_cast %get3A_137 : vector<16xi32> to vector<16xi32>
      %get3A_139 = arith.index_cast %add3A_135 : i32 to index
      %get3A_140 = tpu.vector_load %arg8[%get3A_139] {strides = array<i32>} : memref<5120xi32, #tpu.memory_space<vmem>>, vector<16xi32>,
      %get3A_141 = vector.shape_cast %get3A_140 : vector<16xi32> to vector<16xi32>
      %mul3A_142 = arith.constant 10000 : i32
      %mul3A_143 = vector.broadcast %mul3A_142 : i32 to vector<16xi32>
      %mul3A_144 = arith.muli %get3A_138, %mul3A_143 : vector<16xi32>
      %add3A_145 = arith.addi %mul3A_144, %get3A_141 : vector<16xi32>
      %swap3A_146 = arith.index_cast %add3A_76 : i32 to index
      %swap3A_147 = arith.constant 48 : index
      %swap3A_148 = tpu.vector_load %arg7[%swap3A_146, %swap3A_147] {strides = array<i32>} : memref<80x128xi32, #tpu.memory_space<vmem>>, vector<1x16xi32>,
      %swap3A_149 = vector.shape_cast %swap3A_148 : vector<1x16xi32> to vector<16xi32>
      %swap3A_150 = vector.shape_cast %add3A_145 : vector<16xi32> to vector<1x16xi32>
      tpu.vector_store %arg7[%swap3A_146, %swap3A_147], %swap3A_150 {strides = array<i32>} : memref<80x128xi32, #tpu.memory_space<vmem>>, vector<1x16xi32>,
      %mul3A_151 = arith.constant 128 : i32
      %mul3A_152 = arith.muli %scan3A_74, %mul3A_151 : i32
      %add3A_153 = arith.constant 64 : i32
      %add3A_154 = arith.addi %mul3A_152, %add3A_153 : i32
      %get3A_155 = arith.index_cast %add3A_154 : i32 to index
      %get3A_156 = tpu.vector_load %arg9[%get3A_155] {strides = array<i32>} : memref<5120xi32, #tpu.memory_space<vmem>>, vector<16xi32>,
      %get3A_157 = vector.shape_cast %get3A_156 : vector<16xi32> to vector<16xi32>
      %get3A_158 = arith.index_cast %add3A_154 : i32 to index
      %get3A_159 = tpu.vector_load %arg8[%get3A_158] {strides = array<i32>} : memref<5120xi32, #tpu.memory_space<vmem>>, vector<16xi32>,
      %get3A_160 = vector.shape_cast %get3A_159 : vector<16xi32> to vector<16xi32>
      %mul3A_161 = arith.constant 10000 : i32
      %mul3A_162 = vector.broadcast %mul3A_161 : i32 to vector<16xi32>
      %mul3A_163 = arith.muli %get3A_157, %mul3A_162 : vector<16xi32>
      %add3A_164 = arith.addi %mul3A_163, %get3A_160 : vector<16xi32>
      %swap3A_165 = arith.index_cast %add3A_76 : i32 to index
      %swap3A_166 = arith.constant 64 : index
      %swap3A_167 = tpu.vector_load %arg7[%swap3A_165, %swap3A_166] {strides = array<i32>} : memref<80x128xi32, #tpu.memory_space<vmem>>, vector<1x16xi32>,
      %swap3A_168 = vector.shape_cast %swap3A_167 : vector<1x16xi32> to vector<16xi32>
      %swap3A_169 = vector.shape_cast %add3A_164 : vector<16xi32> to vector<1x16xi32>
      tpu.vector_store %arg7[%swap3A_165, %swap3A_166], %swap3A_169 {strides = array<i32>} : memref<80x128xi32, #tpu.memory_space<vmem>>, vector<1x16xi32>,
      %mul3A_170 = arith.constant 128 : i32
      %mul3A_171 = arith.muli %scan3A_74, %mul3A_170 : i32
      %add3A_172 = arith.constant 80 : i32
      %add3A_173 = arith.addi %mul3A_171, %add3A_172 : i32
      %get3A_174 = arith.index_cast %add3A_173 : i32 to index
      %get3A_175 = tpu.vector_load %arg9[%get3A_174] {strides = array<i32>} : memref<5120xi32, #tpu.memory_space<vmem>>, vector<16xi32>,
      %get3A_176 = vector.shape_cast %get3A_175 : vector<16xi32> to vector<16xi32>
      %get3A_177 = arith.index_cast %add3A_173 : i32 to index
      %get3A_178 = tpu.vector_load %arg8[%get3A_177] {strides = array<i32>} : memref<5120xi32, #tpu.memory_space<vmem>>, vector<16xi32>,
      %get3A_179 = vector.shape_cast %get3A_178 : vector<16xi32> to vector<16xi32>
      %mul3A_180 = arith.constant 10000 : i32
      %mul3A_181 = vector.broadcast %mul3A_180 : i32 to vector<16xi32>
      %mul3A_182 = arith.muli %get3A_176, %mul3A_181 : vector<16xi32>
      %add3A_183 = arith.addi %mul3A_182, %get3A_179 : vector<16xi32>
      %swap3A_184 = arith.index_cast %add3A_76 : i32 to index
      %swap3A_185 = arith.constant 80 : index
      %swap3A_186 = tpu.vector_load %arg7[%swap3A_184, %swap3A_185] {strides = array<i32>} : memref<80x128xi32, #tpu.memory_space<vmem>>, vector<1x16xi32>,
      %swap3A_187 = vector.shape_cast %swap3A_186 : vector<1x16xi32> to vector<16xi32>
      %swap3A_188 = vector.shape_cast %add3A_183 : vector<16xi32> to vector<1x16xi32>
      tpu.vector_store %arg7[%swap3A_184, %swap3A_185], %swap3A_188 {strides = array<i32>} : memref<80x128xi32, #tpu.memory_space<vmem>>, vector<1x16xi32>,
      %mul3A_189 = arith.constant 128 : i32
      %mul3A_190 = arith.muli %scan3A_74, %mul3A_189 : i32
      %add3A_191 = arith.constant 96 : i32
      %add3A_192 = arith.addi %mul3A_190, %add3A_191 : i32
      %get3A_193 = arith.index_cast %add3A_192 : i32 to index
      %get3A_194 = tpu.vector_load %arg9[%get3A_193] {strides = array<i32>} : memref<5120xi32, #tpu.memory_space<vmem>>, vector<16xi32>,
      %get3A_195 = vector.shape_cast %get3A_194 : vector<16xi32> to vector<16xi32>
      %get3A_196 = arith.index_cast %add3A_192 : i32 to index
      %get3A_197 = tpu.vector_load %arg8[%get3A_196] {strides = array<i32>} : memref<5120xi32, #tpu.memory_space<vmem>>, vector<16xi32>,
      %get3A_198 = vector.shape_cast %get3A_197 : vector<16xi32> to vector<16xi32>
      %mul3A_199 = arith.constant 10000 : i32
      %mul3A_200 = vector.broadcast %mul3A_199 : i32 to vector<16xi32>
      %mul3A_201 = arith.muli %get3A_195, %mul3A_200 : vector<16xi32>
      %add3A_202 = arith.addi %mul3A_201, %get3A_198 : vector<16xi32>
      %swap3A_203 = arith.index_cast %add3A_76 : i32 to index
      %swap3A_204 = arith.constant 96 : index
      %swap3A_205 = tpu.vector_load %arg7[%swap3A_203, %swap3A_204] {strides = array<i32>} : memref<80x128xi32, #tpu.memory_space<vmem>>, vector<1x16xi32>,
      %swap3A_206 = vector.shape_cast %swap3A_205 : vector<1x16xi32> to vector<16xi32>
      %swap3A_207 = vector.shape_cast %add3A_202 : vector<16xi32> to vector<1x16xi32>
      tpu.vector_store %arg7[%swap3A_203, %swap3A_204], %swap3A_207 {strides = array<i32>} : memref<80x128xi32, #tpu.memory_space<vmem>>, vector<1x16xi32>,
      %mul3A_208 = arith.constant 128 : i32
      %mul3A_209 = arith.muli %scan3A_74, %mul3A_208 : i32
      %add3A_210 = arith.constant 112 : i32
      %add3A_211 = arith.addi %mul3A_209, %add3A_210 : i32
      %get3A_212 = arith.index_cast %add3A_211 : i32 to index
      %get3A_213 = tpu.vector_load %arg9[%get3A_212] {strides = array<i32>} : memref<5120xi32, #tpu.memory_space<vmem>>, vector<16xi32>,
      %get3A_214 = vector.shape_cast %get3A_213 : vector<16xi32> to vector<16xi32>
      %get3A_215 = arith.index_cast %add3A_211 : i32 to index
      %get3A_216 = tpu.vector_load %arg8[%get3A_215] {strides = array<i32>} : memref<5120xi32, #tpu.memory_space<vmem>>, vector<16xi32>,
      %get3A_217 = vector.shape_cast %get3A_216 : vector<16xi32> to vector<16xi32>
      %mul3A_218 = arith.constant 10000 : i32
      %mul3A_219 = vector.broadcast %mul3A_218 : i32 to vector<16xi32>
      %mul3A_220 = arith.muli %get3A_214, %mul3A_219 : vector<16xi32>
      %add3A_221 = arith.addi %mul3A_220, %get3A_217 : vector<16xi32>
      %swap3A_222 = arith.index_cast %add3A_76 : i32 to index
      %swap3A_223 = arith.constant 112 : index
      %swap3A_224 = tpu.vector_load %arg7[%swap3A_222, %swap3A_223] {strides = array<i32>} : memref<80x128xi32, #tpu.memory_space<vmem>>, vector<1x16xi32>,
      %swap3A_225 = vector.shape_cast %swap3A_224 : vector<1x16xi32> to vector<16xi32>
      %swap3A_226 = vector.shape_cast %add3A_221 : vector<16xi32> to vector<1x16xi32>
      tpu.vector_store %arg7[%swap3A_222, %swap3A_223], %swap3A_226 {strides = array<i32>} : memref<80x128xi32, #tpu.memory_space<vmem>>, vector<1x16xi32>,
    }
    %scan3A_8 = arith.constant 40 : i32
    %add3A_9 = arith.constant 5120 : i32
    %add3A_10 = arith.addi %mul3A_0, %add3A_9 : i32
    "tpu.region"() ({
      %run_scoped3A = tpu.sem_alloc : memref<!tpu.dma_semaphore, #tpu.memory_space<semaphore_mem>>
      %dma_start3A = tpu.memref_slice %arg2[%add3A_10] : memref<163840xi32, #tpu.memory_space<hbm>> -> memref<5120xi32, #tpu.memory_space<hbm>>
      %dma_start3A_74 = tpu.memref_slice %arg2[%add3A_10] : memref<163840xi32, #tpu.memory_space<hbm>> -> memref<5120xi32, #tpu.memory_space<hbm>>
      tpu.enqueue_dma source(%dma_start3A_74 : memref<5120xi32, #tpu.memory_space<hbm>>) target(%arg8 : memref<5120xi32, #tpu.memory_space<vmem>>) target_semaphore(%run_scoped3A : memref<!tpu.dma_semaphore, #tpu.memory_space<semaphore_mem>>)
      %dma_wait3A = tpu.memref_slice %arg2[%add3A_10] : memref<163840xi32, #tpu.memory_space<hbm>> -> memref<5120xi32, #tpu.memory_space<hbm>>
      %dma_wait3A_75 = tpu.memref_slice %arg2[%add3A_10] : memref<163840xi32, #tpu.memory_space<hbm>> -> memref<5120xi32, #tpu.memory_space<hbm>>
      tpu.wait_dma2 semaphore(%run_scoped3A : memref<!tpu.dma_semaphore, #tpu.memory_space<semaphore_mem>>) src(%dma_wait3A_75 : memref<5120xi32, #tpu.memory_space<hbm>>) dst(%arg8 : memref<5120xi32, #tpu.memory_space<vmem>>)
      tpu.yield
    }) : () -> ()
    %add3A_11 = arith.constant 5120 : i32
    %add3A_12 = arith.addi %mul3A_0, %add3A_11 : i32
    "tpu.region"() ({
      %run_scoped3A = tpu.sem_alloc : memref<!tpu.dma_semaphore, #tpu.memory_space<semaphore_mem>>
      %dma_start3A = tpu.memref_slice %arg3[%add3A_12] : memref<163840xi32, #tpu.memory_space<hbm>> -> memref<5120xi32, #tpu.memory_space<hbm>>
      %dma_start3A_74 = tpu.memref_slice %arg3[%add3A_12] : memref<163840xi32, #tpu.memory_space<hbm>> -> memref<5120xi32, #tpu.memory_space<hbm>>
      tpu.enqueue_dma source(%dma_start3A_74 : memref<5120xi32, #tpu.memory_space<hbm>>) target(%arg9 : memref<5120xi32, #tpu.memory_space<vmem>>) target_semaphore(%run_scoped3A : memref<!tpu.dma_semaphore, #tpu.memory_space<semaphore_mem>>)
      %dma_wait3A = tpu.memref_slice %arg3[%add3A_12] : memref<163840xi32, #tpu.memory_space<hbm>> -> memref<5120xi32, #tpu.memory_space<hbm>>
      %dma_wait3A_75 = tpu.memref_slice %arg3[%add3A_12] : memref<163840xi32, #tpu.memory_space<hbm>> -> memref<5120xi32, #tpu.memory_space<hbm>>
      tpu.wait_dma2 semaphore(%run_scoped3A : memref<!tpu.dma_semaphore, #tpu.memory_space<semaphore_mem>>) src(%dma_wait3A_75 : memref<5120xi32, #tpu.memory_space<hbm>>) dst(%arg9 : memref<5120xi32, #tpu.memory_space<vmem>>)
      tpu.yield
    }) : () -> ()
    %scan3A_13 = arith.constant 0 : i32
    %scan3A_14 = arith.constant 0 : i32
    %scan3A_15 = arith.constant 40 : i32
    %scan3A_16 = arith.addi %scan3A_14, %scan3A_15 : i32
    %scan3A_17 = arith.constant 1 : i32
    scf.for %scan3A_74 = %scan3A_14 to %scan3A_16 step %scan3A_17  : i32 {
      %add3A_75 = arith.constant 40 : i32
      %add3A_76 = arith.addi %add3A_75, %scan3A_74 : i32
      %mul3A_77 = arith.constant 128 : i32
      %mul3A_78 = arith.muli %scan3A_74, %mul3A_77 : i32
      %add3A_79 = arith.constant 0 : i32
      %add3A_80 = arith.addi %mul3A_78, %add3A_79 : i32
      %get3A = arith.index_cast %add3A_80 : i32 to index
      %get3A_81 = tpu.vector_load %arg9[%get3A] {strides = array<i32>} : memref<5120xi32, #tpu.memory_space<vmem>>, vector<16xi32>,
      %get3A_82 = vector.shape_cast %get3A_81 : vector<16xi32> to vector<16xi32>
      %get3A_83 = arith.index_cast %add3A_80 : i32 to index
      %get3A_84 = tpu.vector_load %arg8[%get3A_83] {strides = array<i32>} : memref<5120xi32, #tpu.memory_space<vmem>>, vector<16xi32>,
      %get3A_85 = vector.shape_cast %get3A_84 : vector<16xi32> to vector<16xi32>
      %mul3A_86 = arith.constant 10000 : i32
      %mul3A_87 = vector.broadcast %mul3A_86 : i32 to vector<16xi32>
      %mul3A_88 = arith.muli %get3A_82, %mul3A_87 : vector<16xi32>
      %add3A_89 = arith.addi %mul3A_88, %get3A_85 : vector<16xi32>
      %swap3A = arith.index_cast %add3A_76 : i32 to index
      %swap3A_90 = arith.constant 0 : index
      %swap3A_91 = tpu.vector_load %arg7[%swap3A, %swap3A_90] {strides = array<i32>} : memref<80x128xi32, #tpu.memory_space<vmem>>, vector<1x16xi32>,
      %swap3A_92 = vector.shape_cast %swap3A_91 : vector<1x16xi32> to vector<16xi32>
      %swap3A_93 = vector.shape_cast %add3A_89 : vector<16xi32> to vector<1x16xi32>
      tpu.vector_store %arg7[%swap3A, %swap3A_90], %swap3A_93 {strides = array<i32>} : memref<80x128xi32, #tpu.memory_space<vmem>>, vector<1x16xi32>,
      %mul3A_94 = arith.constant 128 : i32
      %mul3A_95 = arith.muli %scan3A_74, %mul3A_94 : i32
      %add3A_96 = arith.constant 16 : i32
      %add3A_97 = arith.addi %mul3A_95, %add3A_96 : i32
      %get3A_98 = arith.index_cast %add3A_97 : i32 to index
      %get3A_99 = tpu.vector_load %arg9[%get3A_98] {strides = array<i32>} : memref<5120xi32, #tpu.memory_space<vmem>>, vector<16xi32>,
      %get3A_100 = vector.shape_cast %get3A_99 : vector<16xi32> to vector<16xi32>
      %get3A_101 = arith.index_cast %add3A_97 : i32 to index
      %get3A_102 = tpu.vector_load %arg8[%get3A_101] {strides = array<i32>} : memref<5120xi32, #tpu.memory_space<vmem>>, vector<16xi32>,
      %get3A_103 = vector.shape_cast %get3A_102 : vector<16xi32> to vector<16xi32>
      %mul3A_104 = arith.constant 10000 : i32
      %mul3A_105 = vector.broadcast %mul3A_104 : i32 to vector<16xi32>
      %mul3A_106 = arith.muli %get3A_100, %mul3A_105 : vector<16xi32>
      %add3A_107 = arith.addi %mul3A_106, %get3A_103 : vector<16xi32>
      %swap3A_108 = arith.index_cast %add3A_76 : i32 to index
      %swap3A_109 = arith.constant 16 : index
      %swap3A_110 = tpu.vector_load %arg7[%swap3A_108, %swap3A_109] {strides = array<i32>} : memref<80x128xi32, #tpu.memory_space<vmem>>, vector<1x16xi32>,
      %swap3A_111 = vector.shape_cast %swap3A_110 : vector<1x16xi32> to vector<16xi32>
      %swap3A_112 = vector.shape_cast %add3A_107 : vector<16xi32> to vector<1x16xi32>
      tpu.vector_store %arg7[%swap3A_108, %swap3A_109], %swap3A_112 {strides = array<i32>} : memref<80x128xi32, #tpu.memory_space<vmem>>, vector<1x16xi32>,
      %mul3A_113 = arith.constant 128 : i32
      %mul3A_114 = arith.muli %scan3A_74, %mul3A_113 : i32
      %add3A_115 = arith.constant 32 : i32
      %add3A_116 = arith.addi %mul3A_114, %add3A_115 : i32
      %get3A_117 = arith.index_cast %add3A_116 : i32 to index
      %get3A_118 = tpu.vector_load %arg9[%get3A_117] {strides = array<i32>} : memref<5120xi32, #tpu.memory_space<vmem>>, vector<16xi32>,
      %get3A_119 = vector.shape_cast %get3A_118 : vector<16xi32> to vector<16xi32>
      %get3A_120 = arith.index_cast %add3A_116 : i32 to index
      %get3A_121 = tpu.vector_load %arg8[%get3A_120] {strides = array<i32>} : memref<5120xi32, #tpu.memory_space<vmem>>, vector<16xi32>,
      %get3A_122 = vector.shape_cast %get3A_121 : vector<16xi32> to vector<16xi32>
      %mul3A_123 = arith.constant 10000 : i32
      %mul3A_124 = vector.broadcast %mul3A_123 : i32 to vector<16xi32>
      %mul3A_125 = arith.muli %get3A_119, %mul3A_124 : vector<16xi32>
      %add3A_126 = arith.addi %mul3A_125, %get3A_122 : vector<16xi32>
      %swap3A_127 = arith.index_cast %add3A_76 : i32 to index
      %swap3A_128 = arith.constant 32 : index
      %swap3A_129 = tpu.vector_load %arg7[%swap3A_127, %swap3A_128] {strides = array<i32>} : memref<80x128xi32, #tpu.memory_space<vmem>>, vector<1x16xi32>,
      %swap3A_130 = vector.shape_cast %swap3A_129 : vector<1x16xi32> to vector<16xi32>
      %swap3A_131 = vector.shape_cast %add3A_126 : vector<16xi32> to vector<1x16xi32>
      tpu.vector_store %arg7[%swap3A_127, %swap3A_128], %swap3A_131 {strides = array<i32>} : memref<80x128xi32, #tpu.memory_space<vmem>>, vector<1x16xi32>,
      %mul3A_132 = arith.constant 128 : i32
      %mul3A_133 = arith.muli %scan3A_74, %mul3A_132 : i32
      %add3A_134 = arith.constant 48 : i32
      %add3A_135 = arith.addi %mul3A_133, %add3A_134 : i32
      %get3A_136 = arith.index_cast %add3A_135 : i32 to index
      %get3A_137 = tpu.vector_load %arg9[%get3A_136] {strides = array<i32>} : memref<5120xi32, #tpu.memory_space<vmem>>, vector<16xi32>,
      %get3A_138 = vector.shape_cast %get3A_137 : vector<16xi32> to vector<16xi32>
      %get3A_139 = arith.index_cast %add3A_135 : i32 to index
      %get3A_140 = tpu.vector_load %arg8[%get3A_139] {strides = array<i32>} : memref<5120xi32, #tpu.memory_space<vmem>>, vector<16xi32>,
      %get3A_141 = vector.shape_cast %get3A_140 : vector<16xi32> to vector<16xi32>
      %mul3A_142 = arith.constant 10000 : i32
      %mul3A_143 = vector.broadcast %mul3A_142 : i32 to vector<16xi32>
      %mul3A_144 = arith.muli %get3A_138, %mul3A_143 : vector<16xi32>
      %add3A_145 = arith.addi %mul3A_144, %get3A_141 : vector<16xi32>
      %swap3A_146 = arith.index_cast %add3A_76 : i32 to index
      %swap3A_147 = arith.constant 48 : index
      %swap3A_148 = tpu.vector_load %arg7[%swap3A_146, %swap3A_147] {strides = array<i32>} : memref<80x128xi32, #tpu.memory_space<vmem>>, vector<1x16xi32>,
      %swap3A_149 = vector.shape_cast %swap3A_148 : vector<1x16xi32> to vector<16xi32>
      %swap3A_150 = vector.shape_cast %add3A_145 : vector<16xi32> to vector<1x16xi32>
      tpu.vector_store %arg7[%swap3A_146, %swap3A_147], %swap3A_150 {strides = array<i32>} : memref<80x128xi32, #tpu.memory_space<vmem>>, vector<1x16xi32>,
      %mul3A_151 = arith.constant 128 : i32
      %mul3A_152 = arith.muli %scan3A_74, %mul3A_151 : i32
      %add3A_153 = arith.constant 64 : i32
      %add3A_154 = arith.addi %mul3A_152, %add3A_153 : i32
      %get3A_155 = arith.index_cast %add3A_154 : i32 to index
      %get3A_156 = tpu.vector_load %arg9[%get3A_155] {strides = array<i32>} : memref<5120xi32, #tpu.memory_space<vmem>>, vector<16xi32>,
      %get3A_157 = vector.shape_cast %get3A_156 : vector<16xi32> to vector<16xi32>
      %get3A_158 = arith.index_cast %add3A_154 : i32 to index
      %get3A_159 = tpu.vector_load %arg8[%get3A_158] {strides = array<i32>} : memref<5120xi32, #tpu.memory_space<vmem>>, vector<16xi32>,
      %get3A_160 = vector.shape_cast %get3A_159 : vector<16xi32> to vector<16xi32>
      %mul3A_161 = arith.constant 10000 : i32
      %mul3A_162 = vector.broadcast %mul3A_161 : i32 to vector<16xi32>
      %mul3A_163 = arith.muli %get3A_157, %mul3A_162 : vector<16xi32>
      %add3A_164 = arith.addi %mul3A_163, %get3A_160 : vector<16xi32>
      %swap3A_165 = arith.index_cast %add3A_76 : i32 to index
      %swap3A_166 = arith.constant 64 : index
      %swap3A_167 = tpu.vector_load %arg7[%swap3A_165, %swap3A_166] {strides = array<i32>} : memref<80x128xi32, #tpu.memory_space<vmem>>, vector<1x16xi32>,
      %swap3A_168 = vector.shape_cast %swap3A_167 : vector<1x16xi32> to vector<16xi32>
      %swap3A_169 = vector.shape_cast %add3A_164 : vector<16xi32> to vector<1x16xi32>
      tpu.vector_store %arg7[%swap3A_165, %swap3A_166], %swap3A_169 {strides = array<i32>} : memref<80x128xi32, #tpu.memory_space<vmem>>, vector<1x16xi32>,
      %mul3A_170 = arith.constant 128 : i32
      %mul3A_171 = arith.muli %scan3A_74, %mul3A_170 : i32
      %add3A_172 = arith.constant 80 : i32
      %add3A_173 = arith.addi %mul3A_171, %add3A_172 : i32
      %get3A_174 = arith.index_cast %add3A_173 : i32 to index
      %get3A_175 = tpu.vector_load %arg9[%get3A_174] {strides = array<i32>} : memref<5120xi32, #tpu.memory_space<vmem>>, vector<16xi32>,
      %get3A_176 = vector.shape_cast %get3A_175 : vector<16xi32> to vector<16xi32>
      %get3A_177 = arith.index_cast %add3A_173 : i32 to index
      %get3A_178 = tpu.vector_load %arg8[%get3A_177] {strides = array<i32>} : memref<5120xi32, #tpu.memory_space<vmem>>, vector<16xi32>,
      %get3A_179 = vector.shape_cast %get3A_178 : vector<16xi32> to vector<16xi32>
      %mul3A_180 = arith.constant 10000 : i32
      %mul3A_181 = vector.broadcast %mul3A_180 : i32 to vector<16xi32>
      %mul3A_182 = arith.muli %get3A_176, %mul3A_181 : vector<16xi32>
      %add3A_183 = arith.addi %mul3A_182, %get3A_179 : vector<16xi32>
      %swap3A_184 = arith.index_cast %add3A_76 : i32 to index
      %swap3A_185 = arith.constant 80 : index
      %swap3A_186 = tpu.vector_load %arg7[%swap3A_184, %swap3A_185] {strides = array<i32>} : memref<80x128xi32, #tpu.memory_space<vmem>>, vector<1x16xi32>,
      %swap3A_187 = vector.shape_cast %swap3A_186 : vector<1x16xi32> to vector<16xi32>
      %swap3A_188 = vector.shape_cast %add3A_183 : vector<16xi32> to vector<1x16xi32>
      tpu.vector_store %arg7[%swap3A_184, %swap3A_185], %swap3A_188 {strides = array<i32>} : memref<80x128xi32, #tpu.memory_space<vmem>>, vector<1x16xi32>,
      %mul3A_189 = arith.constant 128 : i32
      %mul3A_190 = arith.muli %scan3A_74, %mul3A_189 : i32
      %add3A_191 = arith.constant 96 : i32
      %add3A_192 = arith.addi %mul3A_190, %add3A_191 : i32
      %get3A_193 = arith.index_cast %add3A_192 : i32 to index
      %get3A_194 = tpu.vector_load %arg9[%get3A_193] {strides = array<i32>} : memref<5120xi32, #tpu.memory_space<vmem>>, vector<16xi32>,
      %get3A_195 = vector.shape_cast %get3A_194 : vector<16xi32> to vector<16xi32>
      %get3A_196 = arith.index_cast %add3A_192 : i32 to index
      %get3A_197 = tpu.vector_load %arg8[%get3A_196] {strides = array<i32>} : memref<5120xi32, #tpu.memory_space<vmem>>, vector<16xi32>,
      %get3A_198 = vector.shape_cast %get3A_197 : vector<16xi32> to vector<16xi32>
      %mul3A_199 = arith.constant 10000 : i32
      %mul3A_200 = vector.broadcast %mul3A_199 : i32 to vector<16xi32>
      %mul3A_201 = arith.muli %get3A_195, %mul3A_200 : vector<16xi32>
      %add3A_202 = arith.addi %mul3A_201, %get3A_198 : vector<16xi32>
      %swap3A_203 = arith.index_cast %add3A_76 : i32 to index
      %swap3A_204 = arith.constant 96 : index
      %swap3A_205 = tpu.vector_load %arg7[%swap3A_203, %swap3A_204] {strides = array<i32>} : memref<80x128xi32, #tpu.memory_space<vmem>>, vector<1x16xi32>,
      %swap3A_206 = vector.shape_cast %swap3A_205 : vector<1x16xi32> to vector<16xi32>
      %swap3A_207 = vector.shape_cast %add3A_202 : vector<16xi32> to vector<1x16xi32>
      tpu.vector_store %arg7[%swap3A_203, %swap3A_204], %swap3A_207 {strides = array<i32>} : memref<80x128xi32, #tpu.memory_space<vmem>>, vector<1x16xi32>,
      %mul3A_208 = arith.constant 128 : i32
      %mul3A_209 = arith.muli %scan3A_74, %mul3A_208 : i32
      %add3A_210 = arith.constant 112 : i32
      %add3A_211 = arith.addi %mul3A_209, %add3A_210 : i32
      %get3A_212 = arith.index_cast %add3A_211 : i32 to index
      %get3A_213 = tpu.vector_load %arg9[%get3A_212] {strides = array<i32>} : memref<5120xi32, #tpu.memory_space<vmem>>, vector<16xi32>,
      %get3A_214 = vector.shape_cast %get3A_213 : vector<16xi32> to vector<16xi32>
      %get3A_215 = arith.index_cast %add3A_211 : i32 to index
      %get3A_216 = tpu.vector_load %arg8[%get3A_215] {strides = array<i32>} : memref<5120xi32, #tpu.memory_space<vmem>>, vector<16xi32>,
      %get3A_217 = vector.shape_cast %get3A_216 : vector<16xi32> to vector<16xi32>
      %mul3A_218 = arith.constant 10000 : i32
      %mul3A_219 = vector.broadcast %mul3A_218 : i32 to vector<16xi32>
      %mul3A_220 = arith.muli %get3A_214, %mul3A_219 : vector<16xi32>
      %add3A_221 = arith.addi %mul3A_220, %get3A_217 : vector<16xi32>
      %swap3A_222 = arith.index_cast %add3A_76 : i32 to index
      %swap3A_223 = arith.constant 112 : index
      %swap3A_224 = tpu.vector_load %arg7[%swap3A_222, %swap3A_223] {strides = array<i32>} : memref<80x128xi32, #tpu.memory_space<vmem>>, vector<1x16xi32>,
      %swap3A_225 = vector.shape_cast %swap3A_224 : vector<1x16xi32> to vector<16xi32>
      %swap3A_226 = vector.shape_cast %add3A_221 : vector<16xi32> to vector<1x16xi32>
      tpu.vector_store %arg7[%swap3A_222, %swap3A_223], %swap3A_226 {strides = array<i32>} : memref<80x128xi32, #tpu.memory_space<vmem>>, vector<1x16xi32>,
    }
    %scan3A_18 = arith.constant 40 : i32
    %scan3A_19 = arith.constant 0 : i32
    %scan3A_20 = arith.constant 0 : i32
    %scan3A_21 = arith.constant 8 : i32
    %scan3A_22 = arith.addi %scan3A_20, %scan3A_21 : i32
    %scan3A_23 = arith.constant 1 : i32
    scf.for %scan3A_74 = %scan3A_20 to %scan3A_22 step %scan3A_23  : i32 {
      %mul3A_75 = arith.constant 5120 : i32
      %mul3A_76 = arith.muli %arg1, %mul3A_75 : i32
      %mul3A_77 = arith.constant 640 : i32
      %mul3A_78 = arith.muli %scan3A_74, %mul3A_77 : i32
      %add3A_79 = arith.addi %mul3A_76, %mul3A_78 : i32
      "tpu.region"() ({
        %run_scoped3A = tpu.sem_alloc : memref<!tpu.dma_semaphore, #tpu.memory_space<semaphore_mem>>
        %dma_start3A = arith.constant 0 : i32
        %dma_start3A_80 = tpu.memref_slice %arg12[%add3A_79, %dma_start3A] : memref<81920x16xf32, #tpu.memory_space<vmem_shared>> -> memref<640x16xf32, #tpu.memory_space<vmem_shared>>
        %dma_start3A_81 = arith.constant 0 : i32
        %dma_start3A_82 = tpu.memref_slice %arg12[%add3A_79, %dma_start3A_81] : memref<81920x16xf32, #tpu.memory_space<vmem_shared>> -> memref<640x16xf32, #tpu.memory_space<vmem_shared>>
        tpu.enqueue_dma source(%arg11 : memref<640x16xf32, #tpu.memory_space<vmem>>) target(%dma_start3A_82 : memref<640x16xf32, #tpu.memory_space<vmem_shared>>) target_semaphore(%run_scoped3A : memref<!tpu.dma_semaphore, #tpu.memory_space<semaphore_mem>>)
        %dma_wait3A = arith.constant 0 : i32
        %dma_wait3A_83 = tpu.memref_slice %arg12[%add3A_79, %dma_wait3A] : memref<81920x16xf32, #tpu.memory_space<vmem_shared>> -> memref<640x16xf32, #tpu.memory_space<vmem_shared>>
        %dma_wait3A_84 = arith.constant 0 : i32
        %dma_wait3A_85 = tpu.memref_slice %arg12[%add3A_79, %dma_wait3A_84] : memref<81920x16xf32, #tpu.memory_space<vmem_shared>> -> memref<640x16xf32, #tpu.memory_space<vmem_shared>>
        tpu.wait_dma2 semaphore(%run_scoped3A : memref<!tpu.dma_semaphore, #tpu.memory_space<semaphore_mem>>) src(%arg11 : memref<640x16xf32, #tpu.memory_space<vmem>>) dst(%dma_wait3A_85 : memref<640x16xf32, #tpu.memory_space<vmem_shared>>)
        tpu.yield
      }) : () -> ()
    }
    %scan3A_24 = arith.constant 8 : i32
    %barrier3A = arith.constant 0 : index
    tpu.barrier barrier_id(%barrier3A)
    %mul3A_25 = arith.constant 40 : i32
    %mul3A_26 = arith.muli %arg0, %mul3A_25 : i32
    %add3A_27 = arith.constant 1 : i32
    %add3A_28 = arith.addi %arg0, %add3A_27 : i32
    %mul3A_29 = arith.constant 40 : i32
    %mul3A_30 = arith.muli %add3A_28, %mul3A_29 : i32
    %while3A = arith.constant 0 : i32
    %while3A_31 = arith.subi %mul3A_30, %mul3A_26 : i32
    %while3A_32 = arith.addi %mul3A_26, %while3A_31 : i32
    %while3A_33 = arith.constant 1 : i32
    %while3A_34 = arith.divsi %while3A_31, %while3A_33 : i32
    %while3A_35 = arith.muli %while3A_34, %while3A_33 : i32
    %while3A_36 = arith.addi %mul3A_26, %while3A_35 : i32
    %while3A_37 = arith.constant 1 : i32
    scf.for %while3A_74 = %mul3A_26 to %while3A_36 step %while3A_37  : i32 {
      "tpu.region"() ({
        %run_scoped3A = tpu.sem_alloc : memref<!tpu.dma_semaphore, #tpu.memory_space<semaphore_mem>>
        %dma_start3A = arith.constant 0 : i32
        %dma_start3A_75 = tpu.memref_slice %arg7[%while3A_74, %dma_start3A] : memref<80x128xi32, #tpu.memory_space<vmem>> -> memref<1x128xi32, #tpu.memory_space<vmem>>
        %dma_start3A_76 = tpu.memref_squeeze %dma_start3A_75 : memref<1x128xi32, #tpu.memory_space<vmem>> -> memref<128xi32, #tpu.memory_space<vmem>>
        %dma_start3A_77 = arith.constant 0 : i32
        %dma_start3A_78 = arith.constant 0 : i32
        %dma_start3A_79 = tpu.memref_slice %arg12[%dma_start3A_77, %dma_start3A_78] : memref<81920x16xf32, #tpu.memory_space<vmem_shared>> -> memref<81920x16xf32, #tpu.memory_space<vmem_shared>>
        tpu.enqueue_indirect_dma source(%arg10 : memref<128x16xf32, #tpu.memory_space<vmem>>) target(%dma_start3A_79 : memref<81920x16xf32, #tpu.memory_space<vmem_shared>>) offsets(%dma_start3A_76 : memref<128xi32, #tpu.memory_space<vmem>>) semaphore(%run_scoped3A : memref<!tpu.dma_semaphore, #tpu.memory_space<semaphore_mem>>) {add = true}
        %dma_wait3A = arith.constant 0 : i32
        %dma_wait3A_80 = tpu.memref_slice %arg7[%while3A_74, %dma_wait3A] : memref<80x128xi32, #tpu.memory_space<vmem>> -> memref<1x128xi32, #tpu.memory_space<vmem>>
        %dma_wait3A_81 = tpu.memref_squeeze %dma_wait3A_80 : memref<1x128xi32, #tpu.memory_space<vmem>> -> memref<128xi32, #tpu.memory_space<vmem>>
        %dma_wait3A_82 = arith.constant 0 : i32
        %dma_wait3A_83 = arith.constant 0 : i32
        %dma_wait3A_84 = tpu.memref_slice %arg12[%dma_wait3A_82, %dma_wait3A_83] : memref<81920x16xf32, #tpu.memory_space<vmem_shared>> -> memref<81920x16xf32, #tpu.memory_space<vmem_shared>>
        tpu.wait_indirect_dma semaphore(%run_scoped3A : memref<!tpu.dma_semaphore, #tpu.memory_space<semaphore_mem>>) src(%arg10 : memref<128x16xf32, #tpu.memory_space<vmem>>) dst(%dma_wait3A_84 : memref<81920x16xf32, #tpu.memory_space<vmem_shared>>)
        tpu.yield
      }) : () -> ()
    }
    %while3A_38 = arith.constant 1 : i32
    scf.for %while3A_74 = %while3A_36 to %while3A_32 step %while3A_38  : i32 {
      "tpu.region"() ({
        %run_scoped3A = tpu.sem_alloc : memref<!tpu.dma_semaphore, #tpu.memory_space<semaphore_mem>>
        %dma_start3A = arith.constant 0 : i32
        %dma_start3A_75 = tpu.memref_slice %arg7[%while3A_74, %dma_start3A] : memref<80x128xi32, #tpu.memory_space<vmem>> -> memref<1x128xi32, #tpu.memory_space<vmem>>
        %dma_start3A_76 = tpu.memref_squeeze %dma_start3A_75 : memref<1x128xi32, #tpu.memory_space<vmem>> -> memref<128xi32, #tpu.memory_space<vmem>>
        %dma_start3A_77 = arith.constant 0 : i32
        %dma_start3A_78 = arith.constant 0 : i32
        %dma_start3A_79 = tpu.memref_slice %arg12[%dma_start3A_77, %dma_start3A_78] : memref<81920x16xf32, #tpu.memory_space<vmem_shared>> -> memref<81920x16xf32, #tpu.memory_space<vmem_shared>>
        tpu.enqueue_indirect_dma source(%arg10 : memref<128x16xf32, #tpu.memory_space<vmem>>) target(%dma_start3A_79 : memref<81920x16xf32, #tpu.memory_space<vmem_shared>>) offsets(%dma_start3A_76 : memref<128xi32, #tpu.memory_space<vmem>>) semaphore(%run_scoped3A : memref<!tpu.dma_semaphore, #tpu.memory_space<semaphore_mem>>) {add = true}
        %dma_wait3A = arith.constant 0 : i32
        %dma_wait3A_80 = tpu.memref_slice %arg7[%while3A_74, %dma_wait3A] : memref<80x128xi32, #tpu.memory_space<vmem>> -> memref<1x128xi32, #tpu.memory_space<vmem>>
        %dma_wait3A_81 = tpu.memref_squeeze %dma_wait3A_80 : memref<1x128xi32, #tpu.memory_space<vmem>> -> memref<128xi32, #tpu.memory_space<vmem>>
        %dma_wait3A_82 = arith.constant 0 : i32
        %dma_wait3A_83 = arith.constant 0 : i32
        %dma_wait3A_84 = tpu.memref_slice %arg12[%dma_wait3A_82, %dma_wait3A_83] : memref<81920x16xf32, #tpu.memory_space<vmem_shared>> -> memref<81920x16xf32, #tpu.memory_space<vmem_shared>>
        tpu.wait_indirect_dma semaphore(%run_scoped3A : memref<!tpu.dma_semaphore, #tpu.memory_space<semaphore_mem>>) src(%arg10 : memref<128x16xf32, #tpu.memory_space<vmem>>) dst(%dma_wait3A_84 : memref<81920x16xf32, #tpu.memory_space<vmem_shared>>)
        tpu.yield
      }) : () -> ()
    }
    %barrier3A_39 = arith.constant 0 : index
    tpu.barrier barrier_id(%barrier3A_39)
    %jit3A = arith.constant 2 : i32
    %div3A = arith.divsi %arg1, %jit3A : i32
    %sign3A = arith.constant 0 : i32
    %sign3A_40 = arith.cmpi sgt, %arg1, %sign3A : i32
    %sign3A_41 = arith.extui %sign3A_40 : i1 to i32
    %sign3A_42 = arith.constant 0 : i32
    %sign3A_43 = arith.cmpi slt, %arg1, %sign3A_42 : i32
    %sign3A_44 = arith.extui %sign3A_43 : i1 to i32
    %sign3A_45 = arith.subi %sign3A_41, %sign3A_44 : i32
    %sign3A_46 = arith.constant 0 : i32
    %sign3A_47 = arith.cmpi sgt, %jit3A, %sign3A_46 : i32
    %sign3A_48 = arith.extui %sign3A_47 : i1 to i32
    %sign3A_49 = arith.constant 0 : i32
    %sign3A_50 = arith.cmpi slt, %jit3A, %sign3A_49 : i32
    %sign3A_51 = arith.extui %sign3A_50 : i1 to i32
    %sign3A_52 = arith.subi %sign3A_48, %sign3A_51 : i32
    %ne3A = arith.cmpi ne, %sign3A_45, %sign3A_52 : i32
    %rem3A = arith.remsi %arg1, %jit3A : i32
    %ne3A_53 = arith.constant 0 : i32
    %ne3A_54 = arith.cmpi ne, %rem3A, %ne3A_53 : i32
    %and3A = arith.andi %ne3A, %ne3A_54 : i1
    %sub3A = arith.constant 1 : i32
    %sub3A_55 = arith.subi %div3A, %sub3A : i32
    %select_n3A = arith.select %and3A, %sub3A_55, %div3A : i32
    %jit3A_56 = arith.constant 2 : i32
    %eq3A = arith.constant 0 : i32
    %eq3A_57 = arith.cmpi eq, %jit3A_56, %eq3A : i32
    %jit3A_58 = arith.constant 1 : i32
    %select_n3A_59 = arith.select %eq3A_57, %jit3A_58, %jit3A_56 : i32
    %rem3A_60 = arith.remsi %arg1, %select_n3A_59 : i32
    %ne3A_61 = arith.constant 0 : i32
    %ne3A_62 = arith.cmpi ne, %rem3A_60, %ne3A_61 : i32
    %lt3A = arith.constant 0 : i32
    %lt3A_63 = arith.cmpi slt, %rem3A_60, %lt3A : i32
    %lt3A_64 = arith.constant 0 : i32
    %lt3A_65 = arith.cmpi slt, %select_n3A_59, %lt3A_64 : i32
    %ne3A_66 = arith.xori %lt3A_63, %lt3A_65 : i1
    %and3A_67 = arith.andi %ne3A_66, %ne3A_62 : i1
    %add3A_68 = arith.addi %rem3A_60, %select_n3A_59 : i32
    %select_n3A_69 = arith.select %and3A_67, %add3A_68, %rem3A_60 : i32
    %mul3A_70 = arith.constant 5000 : i32
    %mul3A_71 = arith.muli %select_n3A_69, %mul3A_70 : i32
    %mul3A_72 = arith.constant 5000 : i32
    %mul3A_73 = arith.muli %arg1, %mul3A_72 : i32
    "tpu.region"() ({
      %run_scoped3A = tpu.sem_alloc : memref<!tpu.dma_semaphore, #tpu.memory_space<semaphore_mem>>
      %dma_start3A = arith.constant 0 : i32
      %dma_start3A_74 = tpu.memref_slice %arg6[%arg0, %select_n3A, %mul3A_71, %dma_start3A] : memref<2x8x10000x16xf32, #tpu.memory_space<hbm>> -> memref<1x1x5000x16xf32, #tpu.memory_space<hbm>>
      %dma_start3A_75 = tpu.memref_squeeze %dma_start3A_74 : memref<1x1x5000x16xf32, #tpu.memory_space<hbm>> -> memref<5000x16xf32, #tpu.memory_space<hbm>>
      %dma_start3A_76 = arith.constant 0 : i32
      %dma_start3A_77 = tpu.memref_slice %arg12[%mul3A_73, %dma_start3A_76] : memref<81920x16xf32, #tpu.memory_space<vmem_shared>> -> memref<5000x16xf32, #tpu.memory_space<vmem_shared>>
      tpu.enqueue_dma source(%dma_start3A_77 : memref<5000x16xf32, #tpu.memory_space<vmem_shared>>) target(%dma_start3A_75 : memref<5000x16xf32, #tpu.memory_space<hbm>>) target_semaphore(%run_scoped3A : memref<!tpu.dma_semaphore, #tpu.memory_space<semaphore_mem>>)
      %dma_wait3A = arith.constant 0 : i32
      %dma_wait3A_78 = tpu.memref_slice %arg6[%arg0, %select_n3A, %mul3A_71, %dma_wait3A] : memref<2x8x10000x16xf32, #tpu.memory_space<hbm>> -> memref<1x1x5000x16xf32, #tpu.memory_space<hbm>>
      %dma_wait3A_79 = tpu.memref_squeeze %dma_wait3A_78 : memref<1x1x5000x16xf32, #tpu.memory_space<hbm>> -> memref<5000x16xf32, #tpu.memory_space<hbm>>
      %dma_wait3A_80 = arith.constant 0 : i32
      %dma_wait3A_81 = tpu.memref_slice %arg12[%mul3A_73, %dma_wait3A_80] : memref<81920x16xf32, #tpu.memory_space<vmem_shared>> -> memref<5000x16xf32, #tpu.memory_space<vmem_shared>>
      tpu.wait_dma2 semaphore(%run_scoped3A : memref<!tpu.dma_semaphore, #tpu.memory_space<semaphore_mem>>) src(%dma_wait3A_81 : memref<5000x16xf32, #tpu.memory_space<vmem_shared>>) dst(%dma_wait3A_79 : memref<5000x16xf32, #tpu.memory_space<hbm>>)
      tpu.yield
    }) : () -> ()
    return
  }
}

#map = affine_map<(d0, d1) -> (0, 0, 0)>
#map1 = affine_map<(d0, d1) -> (0)>
#map2 = affine_map<(d0, d1) -> (0, 0)>
module attributes {stable_mosaic.version = 14 : i64} {
  func.func @_sc_body(%arg0: i32, %arg1: i32, %arg2: memref<4x10000x32xbf16, #tpu.memory_space<hbm>>, %arg3: memref<163840xi32, #tpu.memory_space<hbm>>, %arg4: memref<163840xi32, #tpu.memory_space<hbm>>, %arg5: memref<163840xi32, #tpu.memory_space<hbm>>, %arg6: memref<640x32xbf16, #tpu.memory_space<hbm>>, %arg7: memref<8x10000x128xbf16, #tpu.memory_space<hbm>>, %arg8: memref<10240xi32, #tpu.memory_space<vmem>>, %arg9: memref<80x128xi32, #tpu.memory_space<vmem>>, %arg10: memref<5120xi32, #tpu.memory_space<vmem>>, %arg11: memref<5120xi32, #tpu.memory_space<vmem>>, %arg12: memref<128x32xbf16, #tpu.memory_space<vmem>>, %arg13: memref<128x32xbf16, #tpu.memory_space<vmem>>, %arg14: memref<640x32xbf16, #tpu.memory_space<vmem>>, %arg15: memref<81920x32xbf16, #tpu.memory_space<vmem_shared>>, %arg16: memref<!tpu.dma_semaphore, #tpu.memory_space<semaphore_mem>>, %arg17: memref<!tpu.dma_semaphore, #tpu.memory_space<semaphore_mem>>, %arg18: memref<!tpu.dma_semaphore, #tpu.memory_space<semaphore_mem>>, %arg19: memref<!tpu.dma_semaphore, #tpu.memory_space<semaphore_mem>>) attributes {dimension_semantics = [#tpu.dimension_semantics<core_parallel>, #tpu.dimension_semantics<subcore_parallel>], iteration_bounds = array<i64: 2, 16>, scalar_prefetch = 0 : i64, scratch_operands = 12 : i64, tpu.core_type = #tpu.core_type<sc_vector_subcore>, window_params = [{transform_indices = #map}, {transform_indices = #map1}, {transform_indices = #map1}, {transform_indices = #map1}, {transform_indices = #map2}, {transform_indices = #map}]} {
    %mul3A = arith.constant 10240 : i32
    %mul3A_0 = arith.muli %arg1, %mul3A : i32
    "tpu.region"() ({
      %run_scoped3A = tpu.sem_alloc : memref<!tpu.dma_semaphore, #tpu.memory_space<semaphore_mem>>
      %dma_start3A = tpu.memref_slice %arg3[%mul3A_0] : memref<163840xi32, #tpu.memory_space<hbm>> -> memref<10240xi32, #tpu.memory_space<hbm>>
      %dma_start3A_26 = tpu.memref_slice %arg3[%mul3A_0] : memref<163840xi32, #tpu.memory_space<hbm>> -> memref<10240xi32, #tpu.memory_space<hbm>>
      tpu.enqueue_dma source(%dma_start3A_26 : memref<10240xi32, #tpu.memory_space<hbm>>) target(%arg8 : memref<10240xi32, #tpu.memory_space<vmem>>) target_semaphore(%run_scoped3A : memref<!tpu.dma_semaphore, #tpu.memory_space<semaphore_mem>>)
      %dma_wait3A = tpu.memref_slice %arg3[%mul3A_0] : memref<163840xi32, #tpu.memory_space<hbm>> -> memref<10240xi32, #tpu.memory_space<hbm>>
      %dma_wait3A_27 = tpu.memref_slice %arg3[%mul3A_0] : memref<163840xi32, #tpu.memory_space<hbm>> -> memref<10240xi32, #tpu.memory_space<hbm>>
      tpu.wait_dma2 semaphore(%run_scoped3A : memref<!tpu.dma_semaphore, #tpu.memory_space<semaphore_mem>>) src(%dma_wait3A_27 : memref<10240xi32, #tpu.memory_space<hbm>>) dst(%arg8 : memref<10240xi32, #tpu.memory_space<vmem>>)
      tpu.yield
    }) : () -> ()
    "tpu.region"() ({
      %run_scoped3A = tpu.sem_alloc : memref<!tpu.dma_semaphore, #tpu.memory_space<semaphore_mem>>
      tpu.enqueue_dma source(%arg6 : memref<640x32xbf16, #tpu.memory_space<hbm>>) target(%arg14 : memref<640x32xbf16, #tpu.memory_space<vmem>>) target_semaphore(%run_scoped3A : memref<!tpu.dma_semaphore, #tpu.memory_space<semaphore_mem>>)
      tpu.wait_dma2 semaphore(%run_scoped3A : memref<!tpu.dma_semaphore, #tpu.memory_space<semaphore_mem>>) src(%arg6 : memref<640x32xbf16, #tpu.memory_space<hbm>>) dst(%arg14 : memref<640x32xbf16, #tpu.memory_space<vmem>>)
      tpu.yield
    }) : () -> ()
    %add3A = arith.constant 0 : i32
    %add3A_1 = arith.addi %mul3A_0, %add3A : i32
    "tpu.region"() ({
      %run_scoped3A = tpu.sem_alloc : memref<!tpu.dma_semaphore, #tpu.memory_space<semaphore_mem>>
      %dma_start3A = tpu.memref_slice %arg4[%add3A_1] : memref<163840xi32, #tpu.memory_space<hbm>> -> memref<5120xi32, #tpu.memory_space<hbm>>
      %dma_start3A_26 = tpu.memref_slice %arg4[%add3A_1] : memref<163840xi32, #tpu.memory_space<hbm>> -> memref<5120xi32, #tpu.memory_space<hbm>>
      tpu.enqueue_dma source(%dma_start3A_26 : memref<5120xi32, #tpu.memory_space<hbm>>) target(%arg10 : memref<5120xi32, #tpu.memory_space<vmem>>) target_semaphore(%run_scoped3A : memref<!tpu.dma_semaphore, #tpu.memory_space<semaphore_mem>>)
      %dma_wait3A = tpu.memref_slice %arg4[%add3A_1] : memref<163840xi32, #tpu.memory_space<hbm>> -> memref<5120xi32, #tpu.memory_space<hbm>>
      %dma_wait3A_27 = tpu.memref_slice %arg4[%add3A_1] : memref<163840xi32, #tpu.memory_space<hbm>> -> memref<5120xi32, #tpu.memory_space<hbm>>
      tpu.wait_dma2 semaphore(%run_scoped3A : memref<!tpu.dma_semaphore, #tpu.memory_space<semaphore_mem>>) src(%dma_wait3A_27 : memref<5120xi32, #tpu.memory_space<hbm>>) dst(%arg10 : memref<5120xi32, #tpu.memory_space<vmem>>)
      tpu.yield
    }) : () -> ()
    %add3A_2 = arith.constant 0 : i32
    %add3A_3 = arith.addi %mul3A_0, %add3A_2 : i32
    "tpu.region"() ({
      %run_scoped3A = tpu.sem_alloc : memref<!tpu.dma_semaphore, #tpu.memory_space<semaphore_mem>>
      %dma_start3A = tpu.memref_slice %arg5[%add3A_3] : memref<163840xi32, #tpu.memory_space<hbm>> -> memref<5120xi32, #tpu.memory_space<hbm>>
      %dma_start3A_26 = tpu.memref_slice %arg5[%add3A_3] : memref<163840xi32, #tpu.memory_space<hbm>> -> memref<5120xi32, #tpu.memory_space<hbm>>
      tpu.enqueue_dma source(%dma_start3A_26 : memref<5120xi32, #tpu.memory_space<hbm>>) target(%arg11 : memref<5120xi32, #tpu.memory_space<vmem>>) target_semaphore(%run_scoped3A : memref<!tpu.dma_semaphore, #tpu.memory_space<semaphore_mem>>)
      %dma_wait3A = tpu.memref_slice %arg5[%add3A_3] : memref<163840xi32, #tpu.memory_space<hbm>> -> memref<5120xi32, #tpu.memory_space<hbm>>
      %dma_wait3A_27 = tpu.memref_slice %arg5[%add3A_3] : memref<163840xi32, #tpu.memory_space<hbm>> -> memref<5120xi32, #tpu.memory_space<hbm>>
      tpu.wait_dma2 semaphore(%run_scoped3A : memref<!tpu.dma_semaphore, #tpu.memory_space<semaphore_mem>>) src(%dma_wait3A_27 : memref<5120xi32, #tpu.memory_space<hbm>>) dst(%arg11 : memref<5120xi32, #tpu.memory_space<vmem>>)
      tpu.yield
    }) : () -> ()
    %scan3A = arith.constant 0 : i32
    %scan3A_4 = arith.constant 0 : i32
    %scan3A_5 = arith.constant 40 : i32
    %scan3A_6 = arith.addi %scan3A_4, %scan3A_5 : i32
    %scan3A_7 = arith.constant 1 : i32
    scf.for %scan3A_26 = %scan3A_4 to %scan3A_6 step %scan3A_7  : i32 {
      %add3A_27 = arith.constant 0 : i32
      %add3A_28 = arith.addi %add3A_27, %scan3A_26 : i32
      %mul3A_29 = arith.constant 128 : i32
      %mul3A_30 = arith.muli %scan3A_26, %mul3A_29 : i32
      %add3A_31 = arith.constant 0 : i32
      %add3A_32 = arith.addi %mul3A_30, %add3A_31 : i32
      %get3A = arith.index_cast %add3A_32 : i32 to index
      %get3A_33 = tpu.vector_load %arg11[%get3A] {strides = array<i32>} : memref<5120xi32, #tpu.memory_space<vmem>>, vector<16xi32>,
      %get3A_34 = vector.shape_cast %get3A_33 : vector<16xi32> to vector<16xi32>
      %get3A_35 = arith.index_cast %add3A_32 : i32 to index
      %get3A_36 = tpu.vector_load %arg10[%get3A_35] {strides = array<i32>} : memref<5120xi32, #tpu.memory_space<vmem>>, vector<16xi32>,
      %get3A_37 = vector.shape_cast %get3A_36 : vector<16xi32> to vector<16xi32>
      %mul3A_38 = arith.constant 10000 : i32
      %mul3A_39 = vector.broadcast %mul3A_38 : i32 to vector<16xi32>
      %mul3A_40 = arith.muli %get3A_34, %mul3A_39 : vector<16xi32>
      %add3A_41 = arith.addi %mul3A_40, %get3A_37 : vector<16xi32>
      %swap3A = arith.index_cast %add3A_28 : i32 to index
      %swap3A_42 = arith.constant 0 : index
      %swap3A_43 = tpu.vector_load %arg9[%swap3A, %swap3A_42] {strides = array<i32>} : memref<80x128xi32, #tpu.memory_space<vmem>>, vector<1x16xi32>,
      %swap3A_44 = vector.shape_cast %swap3A_43 : vector<1x16xi32> to vector<16xi32>
      %swap3A_45 = vector.shape_cast %add3A_41 : vector<16xi32> to vector<1x16xi32>
      tpu.vector_store %arg9[%swap3A, %swap3A_42], %swap3A_45 {strides = array<i32>} : memref<80x128xi32, #tpu.memory_space<vmem>>, vector<1x16xi32>,
      %mul3A_46 = arith.constant 128 : i32
      %mul3A_47 = arith.muli %scan3A_26, %mul3A_46 : i32
      %add3A_48 = arith.constant 16 : i32
      %add3A_49 = arith.addi %mul3A_47, %add3A_48 : i32
      %get3A_50 = arith.index_cast %add3A_49 : i32 to index
      %get3A_51 = tpu.vector_load %arg11[%get3A_50] {strides = array<i32>} : memref<5120xi32, #tpu.memory_space<vmem>>, vector<16xi32>,
      %get3A_52 = vector.shape_cast %get3A_51 : vector<16xi32> to vector<16xi32>
      %get3A_53 = arith.index_cast %add3A_49 : i32 to index
      %get3A_54 = tpu.vector_load %arg10[%get3A_53] {strides = array<i32>} : memref<5120xi32, #tpu.memory_space<vmem>>, vector<16xi32>,
      %get3A_55 = vector.shape_cast %get3A_54 : vector<16xi32> to vector<16xi32>
      %mul3A_56 = arith.constant 10000 : i32
      %mul3A_57 = vector.broadcast %mul3A_56 : i32 to vector<16xi32>
      %mul3A_58 = arith.muli %get3A_52, %mul3A_57 : vector<16xi32>
      %add3A_59 = arith.addi %mul3A_58, %get3A_55 : vector<16xi32>
      %swap3A_60 = arith.index_cast %add3A_28 : i32 to index
      %swap3A_61 = arith.constant 16 : index
      %swap3A_62 = tpu.vector_load %arg9[%swap3A_60, %swap3A_61] {strides = array<i32>} : memref<80x128xi32, #tpu.memory_space<vmem>>, vector<1x16xi32>,
      %swap3A_63 = vector.shape_cast %swap3A_62 : vector<1x16xi32> to vector<16xi32>
      %swap3A_64 = vector.shape_cast %add3A_59 : vector<16xi32> to vector<1x16xi32>
      tpu.vector_store %arg9[%swap3A_60, %swap3A_61], %swap3A_64 {strides = array<i32>} : memref<80x128xi32, #tpu.memory_space<vmem>>, vector<1x16xi32>,
      %mul3A_65 = arith.constant 128 : i32
      %mul3A_66 = arith.muli %scan3A_26, %mul3A_65 : i32
      %add3A_67 = arith.constant 32 : i32
      %add3A_68 = arith.addi %mul3A_66, %add3A_67 : i32
      %get3A_69 = arith.index_cast %add3A_68 : i32 to index
      %get3A_70 = tpu.vector_load %arg11[%get3A_69] {strides = array<i32>} : memref<5120xi32, #tpu.memory_space<vmem>>, vector<16xi32>,
      %get3A_71 = vector.shape_cast %get3A_70 : vector<16xi32> to vector<16xi32>
      %get3A_72 = arith.index_cast %add3A_68 : i32 to index
      %get3A_73 = tpu.vector_load %arg10[%get3A_72] {strides = array<i32>} : memref<5120xi32, #tpu.memory_space<vmem>>, vector<16xi32>,
      %get3A_74 = vector.shape_cast %get3A_73 : vector<16xi32> to vector<16xi32>
      %mul3A_75 = arith.constant 10000 : i32
      %mul3A_76 = vector.broadcast %mul3A_75 : i32 to vector<16xi32>
      %mul3A_77 = arith.muli %get3A_71, %mul3A_76 : vector<16xi32>
      %add3A_78 = arith.addi %mul3A_77, %get3A_74 : vector<16xi32>
      %swap3A_79 = arith.index_cast %add3A_28 : i32 to index
      %swap3A_80 = arith.constant 32 : index
      %swap3A_81 = tpu.vector_load %arg9[%swap3A_79, %swap3A_80] {strides = array<i32>} : memref<80x128xi32, #tpu.memory_space<vmem>>, vector<1x16xi32>,
      %swap3A_82 = vector.shape_cast %swap3A_81 : vector<1x16xi32> to vector<16xi32>
      %swap3A_83 = vector.shape_cast %add3A_78 : vector<16xi32> to vector<1x16xi32>
      tpu.vector_store %arg9[%swap3A_79, %swap3A_80], %swap3A_83 {strides = array<i32>} : memref<80x128xi32, #tpu.memory_space<vmem>>, vector<1x16xi32>,
      %mul3A_84 = arith.constant 128 : i32
      %mul3A_85 = arith.muli %scan3A_26, %mul3A_84 : i32
      %add3A_86 = arith.constant 48 : i32
      %add3A_87 = arith.addi %mul3A_85, %add3A_86 : i32
      %get3A_88 = arith.index_cast %add3A_87 : i32 to index
      %get3A_89 = tpu.vector_load %arg11[%get3A_88] {strides = array<i32>} : memref<5120xi32, #tpu.memory_space<vmem>>, vector<16xi32>,
      %get3A_90 = vector.shape_cast %get3A_89 : vector<16xi32> to vector<16xi32>
      %get3A_91 = arith.index_cast %add3A_87 : i32 to index
      %get3A_92 = tpu.vector_load %arg10[%get3A_91] {strides = array<i32>} : memref<5120xi32, #tpu.memory_space<vmem>>, vector<16xi32>,
      %get3A_93 = vector.shape_cast %get3A_92 : vector<16xi32> to vector<16xi32>
      %mul3A_94 = arith.constant 10000 : i32
      %mul3A_95 = vector.broadcast %mul3A_94 : i32 to vector<16xi32>
      %mul3A_96 = arith.muli %get3A_90, %mul3A_95 : vector<16xi32>
      %add3A_97 = arith.addi %mul3A_96, %get3A_93 : vector<16xi32>
      %swap3A_98 = arith.index_cast %add3A_28 : i32 to index
      %swap3A_99 = arith.constant 48 : index
      %swap3A_100 = tpu.vector_load %arg9[%swap3A_98, %swap3A_99] {strides = array<i32>} : memref<80x128xi32, #tpu.memory_space<vmem>>, vector<1x16xi32>,
      %swap3A_101 = vector.shape_cast %swap3A_100 : vector<1x16xi32> to vector<16xi32>
      %swap3A_102 = vector.shape_cast %add3A_97 : vector<16xi32> to vector<1x16xi32>
      tpu.vector_store %arg9[%swap3A_98, %swap3A_99], %swap3A_102 {strides = array<i32>} : memref<80x128xi32, #tpu.memory_space<vmem>>, vector<1x16xi32>,
      %mul3A_103 = arith.constant 128 : i32
      %mul3A_104 = arith.muli %scan3A_26, %mul3A_103 : i32
      %add3A_105 = arith.constant 64 : i32
      %add3A_106 = arith.addi %mul3A_104, %add3A_105 : i32
      %get3A_107 = arith.index_cast %add3A_106 : i32 to index
      %get3A_108 = tpu.vector_load %arg11[%get3A_107] {strides = array<i32>} : memref<5120xi32, #tpu.memory_space<vmem>>, vector<16xi32>,
      %get3A_109 = vector.shape_cast %get3A_108 : vector<16xi32> to vector<16xi32>
      %get3A_110 = arith.index_cast %add3A_106 : i32 to index
      %get3A_111 = tpu.vector_load %arg10[%get3A_110] {strides = array<i32>} : memref<5120xi32, #tpu.memory_space<vmem>>, vector<16xi32>,
      %get3A_112 = vector.shape_cast %get3A_111 : vector<16xi32> to vector<16xi32>
      %mul3A_113 = arith.constant 10000 : i32
      %mul3A_114 = vector.broadcast %mul3A_113 : i32 to vector<16xi32>
      %mul3A_115 = arith.muli %get3A_109, %mul3A_114 : vector<16xi32>
      %add3A_116 = arith.addi %mul3A_115, %get3A_112 : vector<16xi32>
      %swap3A_117 = arith.index_cast %add3A_28 : i32 to index
      %swap3A_118 = arith.constant 64 : index
      %swap3A_119 = tpu.vector_load %arg9[%swap3A_117, %swap3A_118] {strides = array<i32>} : memref<80x128xi32, #tpu.memory_space<vmem>>, vector<1x16xi32>,
      %swap3A_120 = vector.shape_cast %swap3A_119 : vector<1x16xi32> to vector<16xi32>
      %swap3A_121 = vector.shape_cast %add3A_116 : vector<16xi32> to vector<1x16xi32>
      tpu.vector_store %arg9[%swap3A_117, %swap3A_118], %swap3A_121 {strides = array<i32>} : memref<80x128xi32, #tpu.memory_space<vmem>>, vector<1x16xi32>,
      %mul3A_122 = arith.constant 128 : i32
      %mul3A_123 = arith.muli %scan3A_26, %mul3A_122 : i32
      %add3A_124 = arith.constant 80 : i32
      %add3A_125 = arith.addi %mul3A_123, %add3A_124 : i32
      %get3A_126 = arith.index_cast %add3A_125 : i32 to index
      %get3A_127 = tpu.vector_load %arg11[%get3A_126] {strides = array<i32>} : memref<5120xi32, #tpu.memory_space<vmem>>, vector<16xi32>,
      %get3A_128 = vector.shape_cast %get3A_127 : vector<16xi32> to vector<16xi32>
      %get3A_129 = arith.index_cast %add3A_125 : i32 to index
      %get3A_130 = tpu.vector_load %arg10[%get3A_129] {strides = array<i32>} : memref<5120xi32, #tpu.memory_space<vmem>>, vector<16xi32>,
      %get3A_131 = vector.shape_cast %get3A_130 : vector<16xi32> to vector<16xi32>
      %mul3A_132 = arith.constant 10000 : i32
      %mul3A_133 = vector.broadcast %mul3A_132 : i32 to vector<16xi32>
      %mul3A_134 = arith.muli %get3A_128, %mul3A_133 : vector<16xi32>
      %add3A_135 = arith.addi %mul3A_134, %get3A_131 : vector<16xi32>
      %swap3A_136 = arith.index_cast %add3A_28 : i32 to index
      %swap3A_137 = arith.constant 80 : index
      %swap3A_138 = tpu.vector_load %arg9[%swap3A_136, %swap3A_137] {strides = array<i32>} : memref<80x128xi32, #tpu.memory_space<vmem>>, vector<1x16xi32>,
      %swap3A_139 = vector.shape_cast %swap3A_138 : vector<1x16xi32> to vector<16xi32>
      %swap3A_140 = vector.shape_cast %add3A_135 : vector<16xi32> to vector<1x16xi32>
      tpu.vector_store %arg9[%swap3A_136, %swap3A_137], %swap3A_140 {strides = array<i32>} : memref<80x128xi32, #tpu.memory_space<vmem>>, vector<1x16xi32>,
      %mul3A_141 = arith.constant 128 : i32
      %mul3A_142 = arith.muli %scan3A_26, %mul3A_141 : i32
      %add3A_143 = arith.constant 96 : i32
      %add3A_144 = arith.addi %mul3A_142, %add3A_143 : i32
      %get3A_145 = arith.index_cast %add3A_144 : i32 to index
      %get3A_146 = tpu.vector_load %arg11[%get3A_145] {strides = array<i32>} : memref<5120xi32, #tpu.memory_space<vmem>>, vector<16xi32>,
      %get3A_147 = vector.shape_cast %get3A_146 : vector<16xi32> to vector<16xi32>
      %get3A_148 = arith.index_cast %add3A_144 : i32 to index
      %get3A_149 = tpu.vector_load %arg10[%get3A_148] {strides = array<i32>} : memref<5120xi32, #tpu.memory_space<vmem>>, vector<16xi32>,
      %get3A_150 = vector.shape_cast %get3A_149 : vector<16xi32> to vector<16xi32>
      %mul3A_151 = arith.constant 10000 : i32
      %mul3A_152 = vector.broadcast %mul3A_151 : i32 to vector<16xi32>
      %mul3A_153 = arith.muli %get3A_147, %mul3A_152 : vector<16xi32>
      %add3A_154 = arith.addi %mul3A_153, %get3A_150 : vector<16xi32>
      %swap3A_155 = arith.index_cast %add3A_28 : i32 to index
      %swap3A_156 = arith.constant 96 : index
      %swap3A_157 = tpu.vector_load %arg9[%swap3A_155, %swap3A_156] {strides = array<i32>} : memref<80x128xi32, #tpu.memory_space<vmem>>, vector<1x16xi32>,
      %swap3A_158 = vector.shape_cast %swap3A_157 : vector<1x16xi32> to vector<16xi32>
      %swap3A_159 = vector.shape_cast %add3A_154 : vector<16xi32> to vector<1x16xi32>
      tpu.vector_store %arg9[%swap3A_155, %swap3A_156], %swap3A_159 {strides = array<i32>} : memref<80x128xi32, #tpu.memory_space<vmem>>, vector<1x16xi32>,
      %mul3A_160 = arith.constant 128 : i32
      %mul3A_161 = arith.muli %scan3A_26, %mul3A_160 : i32
      %add3A_162 = arith.constant 112 : i32
      %add3A_163 = arith.addi %mul3A_161, %add3A_162 : i32
      %get3A_164 = arith.index_cast %add3A_163 : i32 to index
      %get3A_165 = tpu.vector_load %arg11[%get3A_164] {strides = array<i32>} : memref<5120xi32, #tpu.memory_space<vmem>>, vector<16xi32>,
      %get3A_166 = vector.shape_cast %get3A_165 : vector<16xi32> to vector<16xi32>
      %get3A_167 = arith.index_cast %add3A_163 : i32 to index
      %get3A_168 = tpu.vector_load %arg10[%get3A_167] {strides = array<i32>} : memref<5120xi32, #tpu.memory_space<vmem>>, vector<16xi32>,
      %get3A_169 = vector.shape_cast %get3A_168 : vector<16xi32> to vector<16xi32>
      %mul3A_170 = arith.constant 10000 : i32
      %mul3A_171 = vector.broadcast %mul3A_170 : i32 to vector<16xi32>
      %mul3A_172 = arith.muli %get3A_166, %mul3A_171 : vector<16xi32>
      %add3A_173 = arith.addi %mul3A_172, %get3A_169 : vector<16xi32>
      %swap3A_174 = arith.index_cast %add3A_28 : i32 to index
      %swap3A_175 = arith.constant 112 : index
      %swap3A_176 = tpu.vector_load %arg9[%swap3A_174, %swap3A_175] {strides = array<i32>} : memref<80x128xi32, #tpu.memory_space<vmem>>, vector<1x16xi32>,
      %swap3A_177 = vector.shape_cast %swap3A_176 : vector<1x16xi32> to vector<16xi32>
      %swap3A_178 = vector.shape_cast %add3A_173 : vector<16xi32> to vector<1x16xi32>
      tpu.vector_store %arg9[%swap3A_174, %swap3A_175], %swap3A_178 {strides = array<i32>} : memref<80x128xi32, #tpu.memory_space<vmem>>, vector<1x16xi32>,
    }
    %scan3A_8 = arith.constant 40 : i32
    %add3A_9 = arith.constant 5120 : i32
    %add3A_10 = arith.addi %mul3A_0, %add3A_9 : i32
    "tpu.region"() ({
      %run_scoped3A = tpu.sem_alloc : memref<!tpu.dma_semaphore, #tpu.memory_space<semaphore_mem>>
      %dma_start3A = tpu.memref_slice %arg4[%add3A_10] : memref<163840xi32, #tpu.memory_space<hbm>> -> memref<5120xi32, #tpu.memory_space<hbm>>
      %dma_start3A_26 = tpu.memref_slice %arg4[%add3A_10] : memref<163840xi32, #tpu.memory_space<hbm>> -> memref<5120xi32, #tpu.memory_space<hbm>>
      tpu.enqueue_dma source(%dma_start3A_26 : memref<5120xi32, #tpu.memory_space<hbm>>) target(%arg10 : memref<5120xi32, #tpu.memory_space<vmem>>) target_semaphore(%run_scoped3A : memref<!tpu.dma_semaphore, #tpu.memory_space<semaphore_mem>>)
      %dma_wait3A = tpu.memref_slice %arg4[%add3A_10] : memref<163840xi32, #tpu.memory_space<hbm>> -> memref<5120xi32, #tpu.memory_space<hbm>>
      %dma_wait3A_27 = tpu.memref_slice %arg4[%add3A_10] : memref<163840xi32, #tpu.memory_space<hbm>> -> memref<5120xi32, #tpu.memory_space<hbm>>
      tpu.wait_dma2 semaphore(%run_scoped3A : memref<!tpu.dma_semaphore, #tpu.memory_space<semaphore_mem>>) src(%dma_wait3A_27 : memref<5120xi32, #tpu.memory_space<hbm>>) dst(%arg10 : memref<5120xi32, #tpu.memory_space<vmem>>)
      tpu.yield
    }) : () -> ()
    %add3A_11 = arith.constant 5120 : i32
    %add3A_12 = arith.addi %mul3A_0, %add3A_11 : i32
    "tpu.region"() ({
      %run_scoped3A = tpu.sem_alloc : memref<!tpu.dma_semaphore, #tpu.memory_space<semaphore_mem>>
      %dma_start3A = tpu.memref_slice %arg5[%add3A_12] : memref<163840xi32, #tpu.memory_space<hbm>> -> memref<5120xi32, #tpu.memory_space<hbm>>
      %dma_start3A_26 = tpu.memref_slice %arg5[%add3A_12] : memref<163840xi32, #tpu.memory_space<hbm>> -> memref<5120xi32, #tpu.memory_space<hbm>>
      tpu.enqueue_dma source(%dma_start3A_26 : memref<5120xi32, #tpu.memory_space<hbm>>) target(%arg11 : memref<5120xi32, #tpu.memory_space<vmem>>) target_semaphore(%run_scoped3A : memref<!tpu.dma_semaphore, #tpu.memory_space<semaphore_mem>>)
      %dma_wait3A = tpu.memref_slice %arg5[%add3A_12] : memref<163840xi32, #tpu.memory_space<hbm>> -> memref<5120xi32, #tpu.memory_space<hbm>>
      %dma_wait3A_27 = tpu.memref_slice %arg5[%add3A_12] : memref<163840xi32, #tpu.memory_space<hbm>> -> memref<5120xi32, #tpu.memory_space<hbm>>
      tpu.wait_dma2 semaphore(%run_scoped3A : memref<!tpu.dma_semaphore, #tpu.memory_space<semaphore_mem>>) src(%dma_wait3A_27 : memref<5120xi32, #tpu.memory_space<hbm>>) dst(%arg11 : memref<5120xi32, #tpu.memory_space<vmem>>)
      tpu.yield
    }) : () -> ()
    %scan3A_13 = arith.constant 0 : i32
    %scan3A_14 = arith.constant 0 : i32
    %scan3A_15 = arith.constant 40 : i32
    %scan3A_16 = arith.addi %scan3A_14, %scan3A_15 : i32
    %scan3A_17 = arith.constant 1 : i32
    scf.for %scan3A_26 = %scan3A_14 to %scan3A_16 step %scan3A_17  : i32 {
      %add3A_27 = arith.constant 40 : i32
      %add3A_28 = arith.addi %add3A_27, %scan3A_26 : i32
      %mul3A_29 = arith.constant 128 : i32
      %mul3A_30 = arith.muli %scan3A_26, %mul3A_29 : i32
      %add3A_31 = arith.constant 0 : i32
      %add3A_32 = arith.addi %mul3A_30, %add3A_31 : i32
      %get3A = arith.index_cast %add3A_32 : i32 to index
      %get3A_33 = tpu.vector_load %arg11[%get3A] {strides = array<i32>} : memref<5120xi32, #tpu.memory_space<vmem>>, vector<16xi32>,
      %get3A_34 = vector.shape_cast %get3A_33 : vector<16xi32> to vector<16xi32>
      %get3A_35 = arith.index_cast %add3A_32 : i32 to index
      %get3A_36 = tpu.vector_load %arg10[%get3A_35] {strides = array<i32>} : memref<5120xi32, #tpu.memory_space<vmem>>, vector<16xi32>,
      %get3A_37 = vector.shape_cast %get3A_36 : vector<16xi32> to vector<16xi32>
      %mul3A_38 = arith.constant 10000 : i32
      %mul3A_39 = vector.broadcast %mul3A_38 : i32 to vector<16xi32>
      %mul3A_40 = arith.muli %get3A_34, %mul3A_39 : vector<16xi32>
      %add3A_41 = arith.addi %mul3A_40, %get3A_37 : vector<16xi32>
      %swap3A = arith.index_cast %add3A_28 : i32 to index
      %swap3A_42 = arith.constant 0 : index
      %swap3A_43 = tpu.vector_load %arg9[%swap3A, %swap3A_42] {strides = array<i32>} : memref<80x128xi32, #tpu.memory_space<vmem>>, vector<1x16xi32>,
      %swap3A_44 = vector.shape_cast %swap3A_43 : vector<1x16xi32> to vector<16xi32>
      %swap3A_45 = vector.shape_cast %add3A_41 : vector<16xi32> to vector<1x16xi32>
      tpu.vector_store %arg9[%swap3A, %swap3A_42], %swap3A_45 {strides = array<i32>} : memref<80x128xi32, #tpu.memory_space<vmem>>, vector<1x16xi32>,
      %mul3A_46 = arith.constant 128 : i32
      %mul3A_47 = arith.muli %scan3A_26, %mul3A_46 : i32
      %add3A_48 = arith.constant 16 : i32
      %add3A_49 = arith.addi %mul3A_47, %add3A_48 : i32
      %get3A_50 = arith.index_cast %add3A_49 : i32 to index
      %get3A_51 = tpu.vector_load %arg11[%get3A_50] {strides = array<i32>} : memref<5120xi32, #tpu.memory_space<vmem>>, vector<16xi32>,
      %get3A_52 = vector.shape_cast %get3A_51 : vector<16xi32> to vector<16xi32>
      %get3A_53 = arith.index_cast %add3A_49 : i32 to index
      %get3A_54 = tpu.vector_load %arg10[%get3A_53] {strides = array<i32>} : memref<5120xi32, #tpu.memory_space<vmem>>, vector<16xi32>,
      %get3A_55 = vector.shape_cast %get3A_54 : vector<16xi32> to vector<16xi32>
      %mul3A_56 = arith.constant 10000 : i32
      %mul3A_57 = vector.broadcast %mul3A_56 : i32 to vector<16xi32>
      %mul3A_58 = arith.muli %get3A_52, %mul3A_57 : vector<16xi32>
      %add3A_59 = arith.addi %mul3A_58, %get3A_55 : vector<16xi32>
      %swap3A_60 = arith.index_cast %add3A_28 : i32 to index
      %swap3A_61 = arith.constant 16 : index
      %swap3A_62 = tpu.vector_load %arg9[%swap3A_60, %swap3A_61] {strides = array<i32>} : memref<80x128xi32, #tpu.memory_space<vmem>>, vector<1x16xi32>,
      %swap3A_63 = vector.shape_cast %swap3A_62 : vector<1x16xi32> to vector<16xi32>
      %swap3A_64 = vector.shape_cast %add3A_59 : vector<16xi32> to vector<1x16xi32>
      tpu.vector_store %arg9[%swap3A_60, %swap3A_61], %swap3A_64 {strides = array<i32>} : memref<80x128xi32, #tpu.memory_space<vmem>>, vector<1x16xi32>,
      %mul3A_65 = arith.constant 128 : i32
      %mul3A_66 = arith.muli %scan3A_26, %mul3A_65 : i32
      %add3A_67 = arith.constant 32 : i32
      %add3A_68 = arith.addi %mul3A_66, %add3A_67 : i32
      %get3A_69 = arith.index_cast %add3A_68 : i32 to index
      %get3A_70 = tpu.vector_load %arg11[%get3A_69] {strides = array<i32>} : memref<5120xi32, #tpu.memory_space<vmem>>, vector<16xi32>,
      %get3A_71 = vector.shape_cast %get3A_70 : vector<16xi32> to vector<16xi32>
      %get3A_72 = arith.index_cast %add3A_68 : i32 to index
      %get3A_73 = tpu.vector_load %arg10[%get3A_72] {strides = array<i32>} : memref<5120xi32, #tpu.memory_space<vmem>>, vector<16xi32>,
      %get3A_74 = vector.shape_cast %get3A_73 : vector<16xi32> to vector<16xi32>
      %mul3A_75 = arith.constant 10000 : i32
      %mul3A_76 = vector.broadcast %mul3A_75 : i32 to vector<16xi32>
      %mul3A_77 = arith.muli %get3A_71, %mul3A_76 : vector<16xi32>
      %add3A_78 = arith.addi %mul3A_77, %get3A_74 : vector<16xi32>
      %swap3A_79 = arith.index_cast %add3A_28 : i32 to index
      %swap3A_80 = arith.constant 32 : index
      %swap3A_81 = tpu.vector_load %arg9[%swap3A_79, %swap3A_80] {strides = array<i32>} : memref<80x128xi32, #tpu.memory_space<vmem>>, vector<1x16xi32>,
      %swap3A_82 = vector.shape_cast %swap3A_81 : vector<1x16xi32> to vector<16xi32>
      %swap3A_83 = vector.shape_cast %add3A_78 : vector<16xi32> to vector<1x16xi32>
      tpu.vector_store %arg9[%swap3A_79, %swap3A_80], %swap3A_83 {strides = array<i32>} : memref<80x128xi32, #tpu.memory_space<vmem>>, vector<1x16xi32>,
      %mul3A_84 = arith.constant 128 : i32
      %mul3A_85 = arith.muli %scan3A_26, %mul3A_84 : i32
      %add3A_86 = arith.constant 48 : i32
      %add3A_87 = arith.addi %mul3A_85, %add3A_86 : i32
      %get3A_88 = arith.index_cast %add3A_87 : i32 to index
      %get3A_89 = tpu.vector_load %arg11[%get3A_88] {strides = array<i32>} : memref<5120xi32, #tpu.memory_space<vmem>>, vector<16xi32>,
      %get3A_90 = vector.shape_cast %get3A_89 : vector<16xi32> to vector<16xi32>
      %get3A_91 = arith.index_cast %add3A_87 : i32 to index
      %get3A_92 = tpu.vector_load %arg10[%get3A_91] {strides = array<i32>} : memref<5120xi32, #tpu.memory_space<vmem>>, vector<16xi32>,
      %get3A_93 = vector.shape_cast %get3A_92 : vector<16xi32> to vector<16xi32>
      %mul3A_94 = arith.constant 10000 : i32
      %mul3A_95 = vector.broadcast %mul3A_94 : i32 to vector<16xi32>
      %mul3A_96 = arith.muli %get3A_90, %mul3A_95 : vector<16xi32>
      %add3A_97 = arith.addi %mul3A_96, %get3A_93 : vector<16xi32>
      %swap3A_98 = arith.index_cast %add3A_28 : i32 to index
      %swap3A_99 = arith.constant 48 : index
      %swap3A_100 = tpu.vector_load %arg9[%swap3A_98, %swap3A_99] {strides = array<i32>} : memref<80x128xi32, #tpu.memory_space<vmem>>, vector<1x16xi32>,
      %swap3A_101 = vector.shape_cast %swap3A_100 : vector<1x16xi32> to vector<16xi32>
      %swap3A_102 = vector.shape_cast %add3A_97 : vector<16xi32> to vector<1x16xi32>
      tpu.vector_store %arg9[%swap3A_98, %swap3A_99], %swap3A_102 {strides = array<i32>} : memref<80x128xi32, #tpu.memory_space<vmem>>, vector<1x16xi32>,
      %mul3A_103 = arith.constant 128 : i32
      %mul3A_104 = arith.muli %scan3A_26, %mul3A_103 : i32
      %add3A_105 = arith.constant 64 : i32
      %add3A_106 = arith.addi %mul3A_104, %add3A_105 : i32
      %get3A_107 = arith.index_cast %add3A_106 : i32 to index
      %get3A_108 = tpu.vector_load %arg11[%get3A_107] {strides = array<i32>} : memref<5120xi32, #tpu.memory_space<vmem>>, vector<16xi32>,
      %get3A_109 = vector.shape_cast %get3A_108 : vector<16xi32> to vector<16xi32>
      %get3A_110 = arith.index_cast %add3A_106 : i32 to index
      %get3A_111 = tpu.vector_load %arg10[%get3A_110] {strides = array<i32>} : memref<5120xi32, #tpu.memory_space<vmem>>, vector<16xi32>,
      %get3A_112 = vector.shape_cast %get3A_111 : vector<16xi32> to vector<16xi32>
      %mul3A_113 = arith.constant 10000 : i32
      %mul3A_114 = vector.broadcast %mul3A_113 : i32 to vector<16xi32>
      %mul3A_115 = arith.muli %get3A_109, %mul3A_114 : vector<16xi32>
      %add3A_116 = arith.addi %mul3A_115, %get3A_112 : vector<16xi32>
      %swap3A_117 = arith.index_cast %add3A_28 : i32 to index
      %swap3A_118 = arith.constant 64 : index
      %swap3A_119 = tpu.vector_load %arg9[%swap3A_117, %swap3A_118] {strides = array<i32>} : memref<80x128xi32, #tpu.memory_space<vmem>>, vector<1x16xi32>,
      %swap3A_120 = vector.shape_cast %swap3A_119 : vector<1x16xi32> to vector<16xi32>
      %swap3A_121 = vector.shape_cast %add3A_116 : vector<16xi32> to vector<1x16xi32>
      tpu.vector_store %arg9[%swap3A_117, %swap3A_118], %swap3A_121 {strides = array<i32>} : memref<80x128xi32, #tpu.memory_space<vmem>>, vector<1x16xi32>,
      %mul3A_122 = arith.constant 128 : i32
      %mul3A_123 = arith.muli %scan3A_26, %mul3A_122 : i32
      %add3A_124 = arith.constant 80 : i32
      %add3A_125 = arith.addi %mul3A_123, %add3A_124 : i32
      %get3A_126 = arith.index_cast %add3A_125 : i32 to index
      %get3A_127 = tpu.vector_load %arg11[%get3A_126] {strides = array<i32>} : memref<5120xi32, #tpu.memory_space<vmem>>, vector<16xi32>,
      %get3A_128 = vector.shape_cast %get3A_127 : vector<16xi32> to vector<16xi32>
      %get3A_129 = arith.index_cast %add3A_125 : i32 to index
      %get3A_130 = tpu.vector_load %arg10[%get3A_129] {strides = array<i32>} : memref<5120xi32, #tpu.memory_space<vmem>>, vector<16xi32>,
      %get3A_131 = vector.shape_cast %get3A_130 : vector<16xi32> to vector<16xi32>
      %mul3A_132 = arith.constant 10000 : i32
      %mul3A_133 = vector.broadcast %mul3A_132 : i32 to vector<16xi32>
      %mul3A_134 = arith.muli %get3A_128, %mul3A_133 : vector<16xi32>
      %add3A_135 = arith.addi %mul3A_134, %get3A_131 : vector<16xi32>
      %swap3A_136 = arith.index_cast %add3A_28 : i32 to index
      %swap3A_137 = arith.constant 80 : index
      %swap3A_138 = tpu.vector_load %arg9[%swap3A_136, %swap3A_137] {strides = array<i32>} : memref<80x128xi32, #tpu.memory_space<vmem>>, vector<1x16xi32>,
      %swap3A_139 = vector.shape_cast %swap3A_138 : vector<1x16xi32> to vector<16xi32>
      %swap3A_140 = vector.shape_cast %add3A_135 : vector<16xi32> to vector<1x16xi32>
      tpu.vector_store %arg9[%swap3A_136, %swap3A_137], %swap3A_140 {strides = array<i32>} : memref<80x128xi32, #tpu.memory_space<vmem>>, vector<1x16xi32>,
      %mul3A_141 = arith.constant 128 : i32
      %mul3A_142 = arith.muli %scan3A_26, %mul3A_141 : i32
      %add3A_143 = arith.constant 96 : i32
      %add3A_144 = arith.addi %mul3A_142, %add3A_143 : i32
      %get3A_145 = arith.index_cast %add3A_144 : i32 to index
      %get3A_146 = tpu.vector_load %arg11[%get3A_145] {strides = array<i32>} : memref<5120xi32, #tpu.memory_space<vmem>>, vector<16xi32>,
      %get3A_147 = vector.shape_cast %get3A_146 : vector<16xi32> to vector<16xi32>
      %get3A_148 = arith.index_cast %add3A_144 : i32 to index
      %get3A_149 = tpu.vector_load %arg10[%get3A_148] {strides = array<i32>} : memref<5120xi32, #tpu.memory_space<vmem>>, vector<16xi32>,
      %get3A_150 = vector.shape_cast %get3A_149 : vector<16xi32> to vector<16xi32>
      %mul3A_151 = arith.constant 10000 : i32
      %mul3A_152 = vector.broadcast %mul3A_151 : i32 to vector<16xi32>
      %mul3A_153 = arith.muli %get3A_147, %mul3A_152 : vector<16xi32>
      %add3A_154 = arith.addi %mul3A_153, %get3A_150 : vector<16xi32>
      %swap3A_155 = arith.index_cast %add3A_28 : i32 to index
      %swap3A_156 = arith.constant 96 : index
      %swap3A_157 = tpu.vector_load %arg9[%swap3A_155, %swap3A_156] {strides = array<i32>} : memref<80x128xi32, #tpu.memory_space<vmem>>, vector<1x16xi32>,
      %swap3A_158 = vector.shape_cast %swap3A_157 : vector<1x16xi32> to vector<16xi32>
      %swap3A_159 = vector.shape_cast %add3A_154 : vector<16xi32> to vector<1x16xi32>
      tpu.vector_store %arg9[%swap3A_155, %swap3A_156], %swap3A_159 {strides = array<i32>} : memref<80x128xi32, #tpu.memory_space<vmem>>, vector<1x16xi32>,
      %mul3A_160 = arith.constant 128 : i32
      %mul3A_161 = arith.muli %scan3A_26, %mul3A_160 : i32
      %add3A_162 = arith.constant 112 : i32
      %add3A_163 = arith.addi %mul3A_161, %add3A_162 : i32
      %get3A_164 = arith.index_cast %add3A_163 : i32 to index
      %get3A_165 = tpu.vector_load %arg11[%get3A_164] {strides = array<i32>} : memref<5120xi32, #tpu.memory_space<vmem>>, vector<16xi32>,
      %get3A_166 = vector.shape_cast %get3A_165 : vector<16xi32> to vector<16xi32>
      %get3A_167 = arith.index_cast %add3A_163 : i32 to index
      %get3A_168 = tpu.vector_load %arg10[%get3A_167] {strides = array<i32>} : memref<5120xi32, #tpu.memory_space<vmem>>, vector<16xi32>,
      %get3A_169 = vector.shape_cast %get3A_168 : vector<16xi32> to vector<16xi32>
      %mul3A_170 = arith.constant 10000 : i32
      %mul3A_171 = vector.broadcast %mul3A_170 : i32 to vector<16xi32>
      %mul3A_172 = arith.muli %get3A_166, %mul3A_171 : vector<16xi32>
      %add3A_173 = arith.addi %mul3A_172, %get3A_169 : vector<16xi32>
      %swap3A_174 = arith.index_cast %add3A_28 : i32 to index
      %swap3A_175 = arith.constant 112 : index
      %swap3A_176 = tpu.vector_load %arg9[%swap3A_174, %swap3A_175] {strides = array<i32>} : memref<80x128xi32, #tpu.memory_space<vmem>>, vector<1x16xi32>,
      %swap3A_177 = vector.shape_cast %swap3A_176 : vector<1x16xi32> to vector<16xi32>
      %swap3A_178 = vector.shape_cast %add3A_173 : vector<16xi32> to vector<1x16xi32>
      tpu.vector_store %arg9[%swap3A_174, %swap3A_175], %swap3A_178 {strides = array<i32>} : memref<80x128xi32, #tpu.memory_space<vmem>>, vector<1x16xi32>,
    }
    %scan3A_18 = arith.constant 40 : i32
    %eq3A = arith.constant 0 : i32
    %eq3A_19 = arith.cmpi eq, %arg0, %eq3A : i32
    %convert_element_type3A = arith.extui %eq3A_19 : i1 to i32
    %cond3A = arith.constant 0 : i32
    %cond3A_20 = arith.cmpi ne, %convert_element_type3A, %cond3A : i32
    scf.if %cond3A_20 {
      %scan3A_26 = arith.constant 0 : i32
      %scan3A_27 = arith.constant 0 : i32
      %scan3A_28 = arith.constant 8 : i32
      %scan3A_29 = arith.addi %scan3A_27, %scan3A_28 : i32
      %scan3A_30 = arith.constant 1 : i32
      scf.for %scan3A_155 = %scan3A_27 to %scan3A_29 step %scan3A_30  : i32 {
        %mul3A_156 = arith.constant 5120 : i32
        %mul3A_157 = arith.muli %arg1, %mul3A_156 : i32
        %mul3A_158 = arith.constant 640 : i32
        %mul3A_159 = arith.muli %scan3A_155, %mul3A_158 : i32
        %add3A_160 = arith.addi %mul3A_157, %mul3A_159 : i32
        "tpu.region"() ({
          %run_scoped3A = tpu.sem_alloc : memref<!tpu.dma_semaphore, #tpu.memory_space<semaphore_mem>>
          %dma_start3A_161 = arith.constant 0 : i32
          %dma_start3A_162 = tpu.memref_slice %arg15[%add3A_160, %dma_start3A_161] : memref<81920x32xbf16, #tpu.memory_space<vmem_shared>> -> memref<640x32xbf16, #tpu.memory_space<vmem_shared>>
          %dma_start3A_163 = arith.constant 0 : i32
          %dma_start3A_164 = tpu.memref_slice %arg15[%add3A_160, %dma_start3A_163] : memref<81920x32xbf16, #tpu.memory_space<vmem_shared>> -> memref<640x32xbf16, #tpu.memory_space<vmem_shared>>
          tpu.enqueue_dma source(%arg14 : memref<640x32xbf16, #tpu.memory_space<vmem>>) target(%dma_start3A_164 : memref<640x32xbf16, #tpu.memory_space<vmem_shared>>) target_semaphore(%run_scoped3A : memref<!tpu.dma_semaphore, #tpu.memory_space<semaphore_mem>>)
          %dma_wait3A = arith.constant 0 : i32
          %dma_wait3A_165 = tpu.memref_slice %arg15[%add3A_160, %dma_wait3A] : memref<81920x32xbf16, #tpu.memory_space<vmem_shared>> -> memref<640x32xbf16, #tpu.memory_space<vmem_shared>>
          %dma_wait3A_166 = arith.constant 0 : i32
          %dma_wait3A_167 = tpu.memref_slice %arg15[%add3A_160, %dma_wait3A_166] : memref<81920x32xbf16, #tpu.memory_space<vmem_shared>> -> memref<640x32xbf16, #tpu.memory_space<vmem_shared>>
          tpu.wait_dma2 semaphore(%run_scoped3A : memref<!tpu.dma_semaphore, #tpu.memory_space<semaphore_mem>>) src(%arg14 : memref<640x32xbf16, #tpu.memory_space<vmem>>) dst(%dma_wait3A_167 : memref<640x32xbf16, #tpu.memory_space<vmem_shared>>)
          tpu.yield
        }) : () -> ()
      }
      %scan3A_31 = arith.constant 8 : i32
      %barrier3A = arith.constant 0 : index
      tpu.barrier barrier_id(%barrier3A)
      %dma_start3A = arith.constant 0 : i32
      %dma_start3A_32 = arith.constant 0 : i32
      %dma_start3A_33 = tpu.memref_slice %arg8[%dma_start3A_32] : memref<10240xi32, #tpu.memory_space<vmem>> -> memref<128xi32, #tpu.memory_space<vmem>>
      %dma_start3A_34 = arith.constant 0 : i32
      %dma_start3A_35 = arith.constant 0 : i32
      %dma_start3A_36 = tpu.memref_slice %arg2[%dma_start3A, %dma_start3A_34, %dma_start3A_35] : memref<4x10000x32xbf16, #tpu.memory_space<hbm>> -> memref<1x10000x32xbf16, #tpu.memory_space<hbm>>
      %dma_start3A_37 = tpu.memref_squeeze %dma_start3A_36 : memref<1x10000x32xbf16, #tpu.memory_space<hbm>> -> memref<10000x32xbf16, #tpu.memory_space<hbm>>
      %dma_start3A_38 = arith.constant 0 : i32
      %dma_start3A_39 = arith.constant 0 : i32
      %dma_start3A_40 = tpu.memref_slice %dma_start3A_37[%dma_start3A_38, %dma_start3A_39] : memref<10000x32xbf16, #tpu.memory_space<hbm>> -> memref<10000x32xbf16, #tpu.memory_space<hbm>>
      tpu.enqueue_indirect_dma source(%dma_start3A_40 : memref<10000x32xbf16, #tpu.memory_space<hbm>>) target(%arg12 : memref<128x32xbf16, #tpu.memory_space<vmem>>) offsets(%dma_start3A_33 : memref<128xi32, #tpu.memory_space<vmem>>) semaphore(%arg18 : memref<!tpu.dma_semaphore, #tpu.memory_space<semaphore_mem>>)
      %scan3A_41 = arith.constant 0 : i32
      %scan3A_42 = arith.constant 0 : i32
      %scan3A_43 = arith.constant 0 : i32
      %scan3A_44 = arith.constant 40 : i32
      %scan3A_45 = arith.addi %scan3A_43, %scan3A_44 : i32
      %scan3A_46 = arith.constant 1 : i32
      scf.for %scan3A_155 = %scan3A_43 to %scan3A_45 step %scan3A_46  : i32 {
        %mul3A_156 = arith.constant 2 : i32
        %mul3A_157 = arith.muli %mul3A_156, %scan3A_155 : i32
        %add3A_158 = arith.constant 1 : i32
        %add3A_159 = arith.addi %mul3A_157, %add3A_158 : i32
        %mul3A_160 = arith.constant 128 : i32
        %mul3A_161 = arith.muli %mul3A_157, %mul3A_160 : i32
        %dma_wait3A = tpu.memref_slice %arg8[%mul3A_161] : memref<10240xi32, #tpu.memory_space<vmem>> -> memref<128xi32, #tpu.memory_space<vmem>>
        %dma_wait3A_162 = arith.constant 0 : i32
        %dma_wait3A_163 = arith.constant 0 : i32
        %dma_wait3A_164 = tpu.memref_slice %arg2[%scan3A_42, %dma_wait3A_162, %dma_wait3A_163] : memref<4x10000x32xbf16, #tpu.memory_space<hbm>> -> memref<1x10000x32xbf16, #tpu.memory_space<hbm>>
        %dma_wait3A_165 = tpu.memref_squeeze %dma_wait3A_164 : memref<1x10000x32xbf16, #tpu.memory_space<hbm>> -> memref<10000x32xbf16, #tpu.memory_space<hbm>>
        %dma_wait3A_166 = arith.constant 0 : i32
        %dma_wait3A_167 = arith.constant 0 : i32
        %dma_wait3A_168 = tpu.memref_slice %dma_wait3A_165[%dma_wait3A_166, %dma_wait3A_167] : memref<10000x32xbf16, #tpu.memory_space<hbm>> -> memref<10000x32xbf16, #tpu.memory_space<hbm>>
        tpu.wait_indirect_dma semaphore(%arg18 : memref<!tpu.dma_semaphore, #tpu.memory_space<semaphore_mem>>) src(%dma_wait3A_168 : memref<10000x32xbf16, #tpu.memory_space<hbm>>) dst(%arg12 : memref<128x32xbf16, #tpu.memory_space<vmem>>)
        %mul3A_169 = arith.constant 128 : i32
        %mul3A_170 = arith.muli %add3A_159, %mul3A_169 : i32
        %dma_start3A_171 = tpu.memref_slice %arg8[%mul3A_170] : memref<10240xi32, #tpu.memory_space<vmem>> -> memref<128xi32, #tpu.memory_space<vmem>>
        %dma_start3A_172 = arith.constant 0 : i32
        %dma_start3A_173 = arith.constant 0 : i32
        %dma_start3A_174 = tpu.memref_slice %arg2[%scan3A_42, %dma_start3A_172, %dma_start3A_173] : memref<4x10000x32xbf16, #tpu.memory_space<hbm>> -> memref<1x10000x32xbf16, #tpu.memory_space<hbm>>
        %dma_start3A_175 = tpu.memref_squeeze %dma_start3A_174 : memref<1x10000x32xbf16, #tpu.memory_space<hbm>> -> memref<10000x32xbf16, #tpu.memory_space<hbm>>
        %dma_start3A_176 = arith.constant 0 : i32
        %dma_start3A_177 = arith.constant 0 : i32
        %dma_start3A_178 = tpu.memref_slice %dma_start3A_175[%dma_start3A_176, %dma_start3A_177] : memref<10000x32xbf16, #tpu.memory_space<hbm>> -> memref<10000x32xbf16, #tpu.memory_space<hbm>>
        tpu.enqueue_indirect_dma source(%dma_start3A_178 : memref<10000x32xbf16, #tpu.memory_space<hbm>>) target(%arg13 : memref<128x32xbf16, #tpu.memory_space<vmem>>) offsets(%dma_start3A_171 : memref<128xi32, #tpu.memory_space<vmem>>) semaphore(%arg19 : memref<!tpu.dma_semaphore, #tpu.memory_space<semaphore_mem>>)
        "tpu.region"() ({
          %run_scoped3A = tpu.sem_alloc : memref<!tpu.dma_semaphore, #tpu.memory_space<semaphore_mem>>
          %dma_start3A_196 = arith.constant 0 : i32
          %dma_start3A_197 = tpu.memref_slice %arg9[%mul3A_157, %dma_start3A_196] : memref<80x128xi32, #tpu.memory_space<vmem>> -> memref<1x128xi32, #tpu.memory_space<vmem>>
          %dma_start3A_198 = tpu.memref_squeeze %dma_start3A_197 : memref<1x128xi32, #tpu.memory_space<vmem>> -> memref<128xi32, #tpu.memory_space<vmem>>
          %dma_start3A_199 = arith.constant 0 : i32
          %dma_start3A_200 = arith.constant 0 : i32
          %dma_start3A_201 = tpu.memref_slice %arg15[%dma_start3A_199, %dma_start3A_200] : memref<81920x32xbf16, #tpu.memory_space<vmem_shared>> -> memref<81920x32xbf16, #tpu.memory_space<vmem_shared>>
          tpu.enqueue_indirect_dma source(%arg12 : memref<128x32xbf16, #tpu.memory_space<vmem>>) target(%dma_start3A_201 : memref<81920x32xbf16, #tpu.memory_space<vmem_shared>>) offsets(%dma_start3A_198 : memref<128xi32, #tpu.memory_space<vmem>>) semaphore(%run_scoped3A : memref<!tpu.dma_semaphore, #tpu.memory_space<semaphore_mem>>) {add = true}
          %dma_wait3A_202 = arith.constant 0 : i32
          %dma_wait3A_203 = tpu.memref_slice %arg9[%mul3A_157, %dma_wait3A_202] : memref<80x128xi32, #tpu.memory_space<vmem>> -> memref<1x128xi32, #tpu.memory_space<vmem>>
          %dma_wait3A_204 = tpu.memref_squeeze %dma_wait3A_203 : memref<1x128xi32, #tpu.memory_space<vmem>> -> memref<128xi32, #tpu.memory_space<vmem>>
          %dma_wait3A_205 = arith.constant 0 : i32
          %dma_wait3A_206 = arith.constant 0 : i32
          %dma_wait3A_207 = tpu.memref_slice %arg15[%dma_wait3A_205, %dma_wait3A_206] : memref<81920x32xbf16, #tpu.memory_space<vmem_shared>> -> memref<81920x32xbf16, #tpu.memory_space<vmem_shared>>
          tpu.wait_indirect_dma semaphore(%run_scoped3A : memref<!tpu.dma_semaphore, #tpu.memory_space<semaphore_mem>>) src(%arg12 : memref<128x32xbf16, #tpu.memory_space<vmem>>) dst(%dma_wait3A_207 : memref<81920x32xbf16, #tpu.memory_space<vmem_shared>>)
          tpu.yield
        }) : () -> ()
        %mul3A_179 = arith.constant 128 : i32
        %mul3A_180 = arith.muli %add3A_159, %mul3A_179 : i32
        %dma_wait3A_181 = tpu.memref_slice %arg8[%mul3A_180] : memref<10240xi32, #tpu.memory_space<vmem>> -> memref<128xi32, #tpu.memory_space<vmem>>
        %dma_wait3A_182 = arith.constant 0 : i32
        %dma_wait3A_183 = arith.constant 0 : i32
        %dma_wait3A_184 = tpu.memref_slice %arg2[%scan3A_42, %dma_wait3A_182, %dma_wait3A_183] : memref<4x10000x32xbf16, #tpu.memory_space<hbm>> -> memref<1x10000x32xbf16, #tpu.memory_space<hbm>>
        %dma_wait3A_185 = tpu.memref_squeeze %dma_wait3A_184 : memref<1x10000x32xbf16, #tpu.memory_space<hbm>> -> memref<10000x32xbf16, #tpu.memory_space<hbm>>
        %dma_wait3A_186 = arith.constant 0 : i32
        %dma_wait3A_187 = arith.constant 0 : i32
        %dma_wait3A_188 = tpu.memref_slice %dma_wait3A_185[%dma_wait3A_186, %dma_wait3A_187] : memref<10000x32xbf16, #tpu.memory_space<hbm>> -> memref<10000x32xbf16, #tpu.memory_space<hbm>>
        tpu.wait_indirect_dma semaphore(%arg19 : memref<!tpu.dma_semaphore, #tpu.memory_space<semaphore_mem>>) src(%dma_wait3A_188 : memref<10000x32xbf16, #tpu.memory_space<hbm>>) dst(%arg13 : memref<128x32xbf16, #tpu.memory_space<vmem>>)
        %add3A_189 = arith.constant 1 : i32
        %add3A_190 = arith.addi %scan3A_155, %add3A_189 : i32
        %lt3A_191 = arith.constant 40 : i32
        %lt3A_192 = arith.cmpi slt, %add3A_190, %lt3A_191 : i32
        %convert_element_type3A_193 = arith.extui %lt3A_192 : i1 to i32
        %cond3A_194 = arith.constant 0 : i32
        %cond3A_195 = arith.cmpi ne, %convert_element_type3A_193, %cond3A_194 : i32
        scf.if %cond3A_195 {
          %add3A_196 = arith.constant 2 : i32
          %add3A_197 = arith.addi %mul3A_157, %add3A_196 : i32
          %mul3A_198 = arith.constant 128 : i32
          %mul3A_199 = arith.muli %add3A_197, %mul3A_198 : i32
          %dma_start3A_200 = tpu.memref_slice %arg8[%mul3A_199] : memref<10240xi32, #tpu.memory_space<vmem>> -> memref<128xi32, #tpu.memory_space<vmem>>
          %dma_start3A_201 = arith.constant 0 : i32
          %dma_start3A_202 = arith.constant 0 : i32
          %dma_start3A_203 = tpu.memref_slice %arg2[%scan3A_42, %dma_start3A_201, %dma_start3A_202] : memref<4x10000x32xbf16, #tpu.memory_space<hbm>> -> memref<1x10000x32xbf16, #tpu.memory_space<hbm>>
          %dma_start3A_204 = tpu.memref_squeeze %dma_start3A_203 : memref<1x10000x32xbf16, #tpu.memory_space<hbm>> -> memref<10000x32xbf16, #tpu.memory_space<hbm>>
          %dma_start3A_205 = arith.constant 0 : i32
          %dma_start3A_206 = arith.constant 0 : i32
          %dma_start3A_207 = tpu.memref_slice %dma_start3A_204[%dma_start3A_205, %dma_start3A_206] : memref<10000x32xbf16, #tpu.memory_space<hbm>> -> memref<10000x32xbf16, #tpu.memory_space<hbm>>
          tpu.enqueue_indirect_dma source(%dma_start3A_207 : memref<10000x32xbf16, #tpu.memory_space<hbm>>) target(%arg12 : memref<128x32xbf16, #tpu.memory_space<vmem>>) offsets(%dma_start3A_200 : memref<128xi32, #tpu.memory_space<vmem>>) semaphore(%arg18 : memref<!tpu.dma_semaphore, #tpu.memory_space<semaphore_mem>>)
        } else {
        }
        "tpu.region"() ({
          %run_scoped3A = tpu.sem_alloc : memref<!tpu.dma_semaphore, #tpu.memory_space<semaphore_mem>>
          %dma_start3A_196 = arith.constant 0 : i32
          %dma_start3A_197 = tpu.memref_slice %arg9[%add3A_159, %dma_start3A_196] : memref<80x128xi32, #tpu.memory_space<vmem>> -> memref<1x128xi32, #tpu.memory_space<vmem>>
          %dma_start3A_198 = tpu.memref_squeeze %dma_start3A_197 : memref<1x128xi32, #tpu.memory_space<vmem>> -> memref<128xi32, #tpu.memory_space<vmem>>
          %dma_start3A_199 = arith.constant 0 : i32
          %dma_start3A_200 = arith.constant 0 : i32
          %dma_start3A_201 = tpu.memref_slice %arg15[%dma_start3A_199, %dma_start3A_200] : memref<81920x32xbf16, #tpu.memory_space<vmem_shared>> -> memref<81920x32xbf16, #tpu.memory_space<vmem_shared>>
          tpu.enqueue_indirect_dma source(%arg13 : memref<128x32xbf16, #tpu.memory_space<vmem>>) target(%dma_start3A_201 : memref<81920x32xbf16, #tpu.memory_space<vmem_shared>>) offsets(%dma_start3A_198 : memref<128xi32, #tpu.memory_space<vmem>>) semaphore(%run_scoped3A : memref<!tpu.dma_semaphore, #tpu.memory_space<semaphore_mem>>) {add = true}
          %dma_wait3A_202 = arith.constant 0 : i32
          %dma_wait3A_203 = tpu.memref_slice %arg9[%add3A_159, %dma_wait3A_202] : memref<80x128xi32, #tpu.memory_space<vmem>> -> memref<1x128xi32, #tpu.memory_space<vmem>>
          %dma_wait3A_204 = tpu.memref_squeeze %dma_wait3A_203 : memref<1x128xi32, #tpu.memory_space<vmem>> -> memref<128xi32, #tpu.memory_space<vmem>>
          %dma_wait3A_205 = arith.constant 0 : i32
          %dma_wait3A_206 = arith.constant 0 : i32
          %dma_wait3A_207 = tpu.memref_slice %arg15[%dma_wait3A_205, %dma_wait3A_206] : memref<81920x32xbf16, #tpu.memory_space<vmem_shared>> -> memref<81920x32xbf16, #tpu.memory_space<vmem_shared>>
          tpu.wait_indirect_dma semaphore(%run_scoped3A : memref<!tpu.dma_semaphore, #tpu.memory_space<semaphore_mem>>) src(%arg13 : memref<128x32xbf16, #tpu.memory_space<vmem>>) dst(%dma_wait3A_207 : memref<81920x32xbf16, #tpu.memory_space<vmem_shared>>)
          tpu.yield
        }) : () -> ()
      }
      %scan3A_47 = arith.constant 40 : i32
      %barrier3A_48 = arith.constant 0 : index
      tpu.barrier barrier_id(%barrier3A_48)
      %jit3A = arith.constant 2 : i32
      %div3A = arith.divsi %arg1, %jit3A : i32
      %sign3A = arith.constant 0 : i32
      %sign3A_49 = arith.cmpi sgt, %arg1, %sign3A : i32
      %sign3A_50 = arith.extui %sign3A_49 : i1 to i32
      %sign3A_51 = arith.constant 0 : i32
      %sign3A_52 = arith.cmpi slt, %arg1, %sign3A_51 : i32
      %sign3A_53 = arith.extui %sign3A_52 : i1 to i32
      %sign3A_54 = arith.subi %sign3A_50, %sign3A_53 : i32
      %sign3A_55 = arith.constant 0 : i32
      %sign3A_56 = arith.cmpi sgt, %jit3A, %sign3A_55 : i32
      %sign3A_57 = arith.extui %sign3A_56 : i1 to i32
      %sign3A_58 = arith.constant 0 : i32
      %sign3A_59 = arith.cmpi slt, %jit3A, %sign3A_58 : i32
      %sign3A_60 = arith.extui %sign3A_59 : i1 to i32
      %sign3A_61 = arith.subi %sign3A_57, %sign3A_60 : i32
      %ne3A = arith.cmpi ne, %sign3A_54, %sign3A_61 : i32
      %rem3A = arith.remsi %arg1, %jit3A : i32
      %ne3A_62 = arith.constant 0 : i32
      %ne3A_63 = arith.cmpi ne, %rem3A, %ne3A_62 : i32
      %and3A = arith.andi %ne3A, %ne3A_63 : i1
      %sub3A = arith.constant 1 : i32
      %sub3A_64 = arith.subi %div3A, %sub3A : i32
      %select_n3A = arith.select %and3A, %sub3A_64, %div3A : i32
      %jit3A_65 = arith.constant 2 : i32
      %eq3A_66 = arith.constant 0 : i32
      %eq3A_67 = arith.cmpi eq, %jit3A_65, %eq3A_66 : i32
      %jit3A_68 = arith.constant 1 : i32
      %select_n3A_69 = arith.select %eq3A_67, %jit3A_68, %jit3A_65 : i32
      %rem3A_70 = arith.remsi %arg1, %select_n3A_69 : i32
      %ne3A_71 = arith.constant 0 : i32
      %ne3A_72 = arith.cmpi ne, %rem3A_70, %ne3A_71 : i32
      %lt3A = arith.constant 0 : i32
      %lt3A_73 = arith.cmpi slt, %rem3A_70, %lt3A : i32
      %lt3A_74 = arith.constant 0 : i32
      %lt3A_75 = arith.cmpi slt, %select_n3A_69, %lt3A_74 : i32
      %ne3A_76 = arith.xori %lt3A_73, %lt3A_75 : i1
      %and3A_77 = arith.andi %ne3A_76, %ne3A_72 : i1
      %add3A_78 = arith.addi %rem3A_70, %select_n3A_69 : i32
      %select_n3A_79 = arith.select %and3A_77, %add3A_78, %rem3A_70 : i32
      %mul3A_80 = arith.constant 5000 : i32
      %mul3A_81 = arith.muli %select_n3A_79, %mul3A_80 : i32
      %mul3A_82 = arith.constant 5000 : i32
      %mul3A_83 = arith.muli %arg1, %mul3A_82 : i32
      "tpu.region"() ({
        %run_scoped3A = tpu.sem_alloc : memref<!tpu.dma_semaphore, #tpu.memory_space<semaphore_mem>>
        %dma_start3A_155 = arith.constant 0 : i32
        %dma_start3A_156 = tpu.memref_slice %arg7[%select_n3A, %mul3A_81, %dma_start3A_155] : memref<8x10000x128xbf16, #tpu.memory_space<hbm>> -> memref<1x5000x32xbf16, #tpu.memory_space<hbm>>
        %dma_start3A_157 = tpu.memref_squeeze %dma_start3A_156 : memref<1x5000x32xbf16, #tpu.memory_space<hbm>> -> memref<5000x32xbf16, #tpu.memory_space<hbm>>
        %dma_start3A_158 = arith.constant 0 : i32
        %dma_start3A_159 = tpu.memref_slice %arg15[%mul3A_83, %dma_start3A_158] : memref<81920x32xbf16, #tpu.memory_space<vmem_shared>> -> memref<5000x32xbf16, #tpu.memory_space<vmem_shared>>
        tpu.enqueue_dma source(%dma_start3A_159 : memref<5000x32xbf16, #tpu.memory_space<vmem_shared>>) target(%dma_start3A_157 : memref<5000x32xbf16, #tpu.memory_space<hbm>>) target_semaphore(%run_scoped3A : memref<!tpu.dma_semaphore, #tpu.memory_space<semaphore_mem>>)
        %dma_wait3A = arith.constant 0 : i32
        %dma_wait3A_160 = tpu.memref_slice %arg7[%select_n3A, %mul3A_81, %dma_wait3A] : memref<8x10000x128xbf16, #tpu.memory_space<hbm>> -> memref<1x5000x32xbf16, #tpu.memory_space<hbm>>
        %dma_wait3A_161 = tpu.memref_squeeze %dma_wait3A_160 : memref<1x5000x32xbf16, #tpu.memory_space<hbm>> -> memref<5000x32xbf16, #tpu.memory_space<hbm>>
        %dma_wait3A_162 = arith.constant 0 : i32
        %dma_wait3A_163 = tpu.memref_slice %arg15[%mul3A_83, %dma_wait3A_162] : memref<81920x32xbf16, #tpu.memory_space<vmem_shared>> -> memref<5000x32xbf16, #tpu.memory_space<vmem_shared>>
        tpu.wait_dma2 semaphore(%run_scoped3A : memref<!tpu.dma_semaphore, #tpu.memory_space<semaphore_mem>>) src(%dma_wait3A_163 : memref<5000x32xbf16, #tpu.memory_space<vmem_shared>>) dst(%dma_wait3A_161 : memref<5000x32xbf16, #tpu.memory_space<hbm>>)
        tpu.yield
      }) : () -> ()
      %barrier3A_84 = arith.constant 0 : index
      tpu.barrier barrier_id(%barrier3A_84)
      %scan3A_85 = arith.constant 0 : i32
      %scan3A_86 = arith.constant 0 : i32
      %scan3A_87 = arith.constant 8 : i32
      %scan3A_88 = arith.addi %scan3A_86, %scan3A_87 : i32
      %scan3A_89 = arith.constant 1 : i32
      scf.for %scan3A_155 = %scan3A_86 to %scan3A_88 step %scan3A_89  : i32 {
        %mul3A_156 = arith.constant 5120 : i32
        %mul3A_157 = arith.muli %arg1, %mul3A_156 : i32
        %mul3A_158 = arith.constant 640 : i32
        %mul3A_159 = arith.muli %scan3A_155, %mul3A_158 : i32
        %add3A_160 = arith.addi %mul3A_157, %mul3A_159 : i32
        "tpu.region"() ({
          %run_scoped3A = tpu.sem_alloc : memref<!tpu.dma_semaphore, #tpu.memory_space<semaphore_mem>>
          %dma_start3A_161 = arith.constant 0 : i32
          %dma_start3A_162 = tpu.memref_slice %arg15[%add3A_160, %dma_start3A_161] : memref<81920x32xbf16, #tpu.memory_space<vmem_shared>> -> memref<640x32xbf16, #tpu.memory_space<vmem_shared>>
          %dma_start3A_163 = arith.constant 0 : i32
          %dma_start3A_164 = tpu.memref_slice %arg15[%add3A_160, %dma_start3A_163] : memref<81920x32xbf16, #tpu.memory_space<vmem_shared>> -> memref<640x32xbf16, #tpu.memory_space<vmem_shared>>
          tpu.enqueue_dma source(%arg14 : memref<640x32xbf16, #tpu.memory_space<vmem>>) target(%dma_start3A_164 : memref<640x32xbf16, #tpu.memory_space<vmem_shared>>) target_semaphore(%run_scoped3A : memref<!tpu.dma_semaphore, #tpu.memory_space<semaphore_mem>>)
          %dma_wait3A = arith.constant 0 : i32
          %dma_wait3A_165 = tpu.memref_slice %arg15[%add3A_160, %dma_wait3A] : memref<81920x32xbf16, #tpu.memory_space<vmem_shared>> -> memref<640x32xbf16, #tpu.memory_space<vmem_shared>>
          %dma_wait3A_166 = arith.constant 0 : i32
          %dma_wait3A_167 = tpu.memref_slice %arg15[%add3A_160, %dma_wait3A_166] : memref<81920x32xbf16, #tpu.memory_space<vmem_shared>> -> memref<640x32xbf16, #tpu.memory_space<vmem_shared>>
          tpu.wait_dma2 semaphore(%run_scoped3A : memref<!tpu.dma_semaphore, #tpu.memory_space<semaphore_mem>>) src(%arg14 : memref<640x32xbf16, #tpu.memory_space<vmem>>) dst(%dma_wait3A_167 : memref<640x32xbf16, #tpu.memory_space<vmem_shared>>)
          tpu.yield
        }) : () -> ()
      }
      %scan3A_90 = arith.constant 8 : i32
      %barrier3A_91 = arith.constant 0 : index
      tpu.barrier barrier_id(%barrier3A_91)
      %dma_start3A_92 = arith.constant 1 : i32
      %dma_start3A_93 = arith.constant 0 : i32
      %dma_start3A_94 = tpu.memref_slice %arg8[%dma_start3A_93] : memref<10240xi32, #tpu.memory_space<vmem>> -> memref<128xi32, #tpu.memory_space<vmem>>
      %dma_start3A_95 = arith.constant 0 : i32
      %dma_start3A_96 = arith.constant 0 : i32
      %dma_start3A_97 = tpu.memref_slice %arg2[%dma_start3A_92, %dma_start3A_95, %dma_start3A_96] : memref<4x10000x32xbf16, #tpu.memory_space<hbm>> -> memref<1x10000x32xbf16, #tpu.memory_space<hbm>>
      %dma_start3A_98 = tpu.memref_squeeze %dma_start3A_97 : memref<1x10000x32xbf16, #tpu.memory_space<hbm>> -> memref<10000x32xbf16, #tpu.memory_space<hbm>>
      %dma_start3A_99 = arith.constant 0 : i32
      %dma_start3A_100 = arith.constant 0 : i32
      %dma_start3A_101 = tpu.memref_slice %dma_start3A_98[%dma_start3A_99, %dma_start3A_100] : memref<10000x32xbf16, #tpu.memory_space<hbm>> -> memref<10000x32xbf16, #tpu.memory_space<hbm>>
      tpu.enqueue_indirect_dma source(%dma_start3A_101 : memref<10000x32xbf16, #tpu.memory_space<hbm>>) target(%arg12 : memref<128x32xbf16, #tpu.memory_space<vmem>>) offsets(%dma_start3A_94 : memref<128xi32, #tpu.memory_space<vmem>>) semaphore(%arg18 : memref<!tpu.dma_semaphore, #tpu.memory_space<semaphore_mem>>)
      %scan3A_102 = arith.constant 0 : i32
      %scan3A_103 = arith.constant 1 : i32
      %scan3A_104 = arith.constant 0 : i32
      %scan3A_105 = arith.constant 40 : i32
      %scan3A_106 = arith.addi %scan3A_104, %scan3A_105 : i32
      %scan3A_107 = arith.constant 1 : i32
      scf.for %scan3A_155 = %scan3A_104 to %scan3A_106 step %scan3A_107  : i32 {
        %mul3A_156 = arith.constant 2 : i32
        %mul3A_157 = arith.muli %mul3A_156, %scan3A_155 : i32
        %add3A_158 = arith.constant 1 : i32
        %add3A_159 = arith.addi %mul3A_157, %add3A_158 : i32
        %mul3A_160 = arith.constant 128 : i32
        %mul3A_161 = arith.muli %mul3A_157, %mul3A_160 : i32
        %dma_wait3A = tpu.memref_slice %arg8[%mul3A_161] : memref<10240xi32, #tpu.memory_space<vmem>> -> memref<128xi32, #tpu.memory_space<vmem>>
        %dma_wait3A_162 = arith.constant 0 : i32
        %dma_wait3A_163 = arith.constant 0 : i32
        %dma_wait3A_164 = tpu.memref_slice %arg2[%scan3A_103, %dma_wait3A_162, %dma_wait3A_163] : memref<4x10000x32xbf16, #tpu.memory_space<hbm>> -> memref<1x10000x32xbf16, #tpu.memory_space<hbm>>
        %dma_wait3A_165 = tpu.memref_squeeze %dma_wait3A_164 : memref<1x10000x32xbf16, #tpu.memory_space<hbm>> -> memref<10000x32xbf16, #tpu.memory_space<hbm>>
        %dma_wait3A_166 = arith.constant 0 : i32
        %dma_wait3A_167 = arith.constant 0 : i32
        %dma_wait3A_168 = tpu.memref_slice %dma_wait3A_165[%dma_wait3A_166, %dma_wait3A_167] : memref<10000x32xbf16, #tpu.memory_space<hbm>> -> memref<10000x32xbf16, #tpu.memory_space<hbm>>
        tpu.wait_indirect_dma semaphore(%arg18 : memref<!tpu.dma_semaphore, #tpu.memory_space<semaphore_mem>>) src(%dma_wait3A_168 : memref<10000x32xbf16, #tpu.memory_space<hbm>>) dst(%arg12 : memref<128x32xbf16, #tpu.memory_space<vmem>>)
        %mul3A_169 = arith.constant 128 : i32
        %mul3A_170 = arith.muli %add3A_159, %mul3A_169 : i32
        %dma_start3A_171 = tpu.memref_slice %arg8[%mul3A_170] : memref<10240xi32, #tpu.memory_space<vmem>> -> memref<128xi32, #tpu.memory_space<vmem>>
        %dma_start3A_172 = arith.constant 0 : i32
        %dma_start3A_173 = arith.constant 0 : i32
        %dma_start3A_174 = tpu.memref_slice %arg2[%scan3A_103, %dma_start3A_172, %dma_start3A_173] : memref<4x10000x32xbf16, #tpu.memory_space<hbm>> -> memref<1x10000x32xbf16, #tpu.memory_space<hbm>>
        %dma_start3A_175 = tpu.memref_squeeze %dma_start3A_174 : memref<1x10000x32xbf16, #tpu.memory_space<hbm>> -> memref<10000x32xbf16, #tpu.memory_space<hbm>>
        %dma_start3A_176 = arith.constant 0 : i32
        %dma_start3A_177 = arith.constant 0 : i32
        %dma_start3A_178 = tpu.memref_slice %dma_start3A_175[%dma_start3A_176, %dma_start3A_177] : memref<10000x32xbf16, #tpu.memory_space<hbm>> -> memref<10000x32xbf16, #tpu.memory_space<hbm>>
        tpu.enqueue_indirect_dma source(%dma_start3A_178 : memref<10000x32xbf16, #tpu.memory_space<hbm>>) target(%arg13 : memref<128x32xbf16, #tpu.memory_space<vmem>>) offsets(%dma_start3A_171 : memref<128xi32, #tpu.memory_space<vmem>>) semaphore(%arg19 : memref<!tpu.dma_semaphore, #tpu.memory_space<semaphore_mem>>)
        "tpu.region"() ({
          %run_scoped3A = tpu.sem_alloc : memref<!tpu.dma_semaphore, #tpu.memory_space<semaphore_mem>>
          %dma_start3A_196 = arith.constant 0 : i32
          %dma_start3A_197 = tpu.memref_slice %arg9[%mul3A_157, %dma_start3A_196] : memref<80x128xi32, #tpu.memory_space<vmem>> -> memref<1x128xi32, #tpu.memory_space<vmem>>
          %dma_start3A_198 = tpu.memref_squeeze %dma_start3A_197 : memref<1x128xi32, #tpu.memory_space<vmem>> -> memref<128xi32, #tpu.memory_space<vmem>>
          %dma_start3A_199 = arith.constant 0 : i32
          %dma_start3A_200 = arith.constant 0 : i32
          %dma_start3A_201 = tpu.memref_slice %arg15[%dma_start3A_199, %dma_start3A_200] : memref<81920x32xbf16, #tpu.memory_space<vmem_shared>> -> memref<81920x32xbf16, #tpu.memory_space<vmem_shared>>
          tpu.enqueue_indirect_dma source(%arg12 : memref<128x32xbf16, #tpu.memory_space<vmem>>) target(%dma_start3A_201 : memref<81920x32xbf16, #tpu.memory_space<vmem_shared>>) offsets(%dma_start3A_198 : memref<128xi32, #tpu.memory_space<vmem>>) semaphore(%run_scoped3A : memref<!tpu.dma_semaphore, #tpu.memory_space<semaphore_mem>>) {add = true}
          %dma_wait3A_202 = arith.constant 0 : i32
          %dma_wait3A_203 = tpu.memref_slice %arg9[%mul3A_157, %dma_wait3A_202] : memref<80x128xi32, #tpu.memory_space<vmem>> -> memref<1x128xi32, #tpu.memory_space<vmem>>
          %dma_wait3A_204 = tpu.memref_squeeze %dma_wait3A_203 : memref<1x128xi32, #tpu.memory_space<vmem>> -> memref<128xi32, #tpu.memory_space<vmem>>
          %dma_wait3A_205 = arith.constant 0 : i32
          %dma_wait3A_206 = arith.constant 0 : i32
          %dma_wait3A_207 = tpu.memref_slice %arg15[%dma_wait3A_205, %dma_wait3A_206] : memref<81920x32xbf16, #tpu.memory_space<vmem_shared>> -> memref<81920x32xbf16, #tpu.memory_space<vmem_shared>>
          tpu.wait_indirect_dma semaphore(%run_scoped3A : memref<!tpu.dma_semaphore, #tpu.memory_space<semaphore_mem>>) src(%arg12 : memref<128x32xbf16, #tpu.memory_space<vmem>>) dst(%dma_wait3A_207 : memref<81920x32xbf16, #tpu.memory_space<vmem_shared>>)
          tpu.yield
        }) : () -> ()
        %mul3A_179 = arith.constant 128 : i32
        %mul3A_180 = arith.muli %add3A_159, %mul3A_179 : i32
        %dma_wait3A_181 = tpu.memref_slice %arg8[%mul3A_180] : memref<10240xi32, #tpu.memory_space<vmem>> -> memref<128xi32, #tpu.memory_space<vmem>>
        %dma_wait3A_182 = arith.constant 0 : i32
        %dma_wait3A_183 = arith.constant 0 : i32
        %dma_wait3A_184 = tpu.memref_slice %arg2[%scan3A_103, %dma_wait3A_182, %dma_wait3A_183] : memref<4x10000x32xbf16, #tpu.memory_space<hbm>> -> memref<1x10000x32xbf16, #tpu.memory_space<hbm>>
        %dma_wait3A_185 = tpu.memref_squeeze %dma_wait3A_184 : memref<1x10000x32xbf16, #tpu.memory_space<hbm>> -> memref<10000x32xbf16, #tpu.memory_space<hbm>>
        %dma_wait3A_186 = arith.constant 0 : i32
        %dma_wait3A_187 = arith.constant 0 : i32
        %dma_wait3A_188 = tpu.memref_slice %dma_wait3A_185[%dma_wait3A_186, %dma_wait3A_187] : memref<10000x32xbf16, #tpu.memory_space<hbm>> -> memref<10000x32xbf16, #tpu.memory_space<hbm>>
        tpu.wait_indirect_dma semaphore(%arg19 : memref<!tpu.dma_semaphore, #tpu.memory_space<semaphore_mem>>) src(%dma_wait3A_188 : memref<10000x32xbf16, #tpu.memory_space<hbm>>) dst(%arg13 : memref<128x32xbf16, #tpu.memory_space<vmem>>)
        %add3A_189 = arith.constant 1 : i32
        %add3A_190 = arith.addi %scan3A_155, %add3A_189 : i32
        %lt3A_191 = arith.constant 40 : i32
        %lt3A_192 = arith.cmpi slt, %add3A_190, %lt3A_191 : i32
        %convert_element_type3A_193 = arith.extui %lt3A_192 : i1 to i32
        %cond3A_194 = arith.constant 0 : i32
        %cond3A_195 = arith.cmpi ne, %convert_element_type3A_193, %cond3A_194 : i32
        scf.if %cond3A_195 {
          %add3A_196 = arith.constant 2 : i32
          %add3A_197 = arith.addi %mul3A_157, %add3A_196 : i32
          %mul3A_198 = arith.constant 128 : i32
          %mul3A_199 = arith.muli %add3A_197, %mul3A_198 : i32
          %dma_start3A_200 = tpu.memref_slice %arg8[%mul3A_199] : memref<10240xi32, #tpu.memory_space<vmem>> -> memref<128xi32, #tpu.memory_space<vmem>>
          %dma_start3A_201 = arith.constant 0 : i32
          %dma_start3A_202 = arith.constant 0 : i32
          %dma_start3A_203 = tpu.memref_slice %arg2[%scan3A_103, %dma_start3A_201, %dma_start3A_202] : memref<4x10000x32xbf16, #tpu.memory_space<hbm>> -> memref<1x10000x32xbf16, #tpu.memory_space<hbm>>
          %dma_start3A_204 = tpu.memref_squeeze %dma_start3A_203 : memref<1x10000x32xbf16, #tpu.memory_space<hbm>> -> memref<10000x32xbf16, #tpu.memory_space<hbm>>
          %dma_start3A_205 = arith.constant 0 : i32
          %dma_start3A_206 = arith.constant 0 : i32
          %dma_start3A_207 = tpu.memref_slice %dma_start3A_204[%dma_start3A_205, %dma_start3A_206] : memref<10000x32xbf16, #tpu.memory_space<hbm>> -> memref<10000x32xbf16, #tpu.memory_space<hbm>>
          tpu.enqueue_indirect_dma source(%dma_start3A_207 : memref<10000x32xbf16, #tpu.memory_space<hbm>>) target(%arg12 : memref<128x32xbf16, #tpu.memory_space<vmem>>) offsets(%dma_start3A_200 : memref<128xi32, #tpu.memory_space<vmem>>) semaphore(%arg18 : memref<!tpu.dma_semaphore, #tpu.memory_space<semaphore_mem>>)
        } else {
        }
        "tpu.region"() ({
          %run_scoped3A = tpu.sem_alloc : memref<!tpu.dma_semaphore, #tpu.memory_space<semaphore_mem>>
          %dma_start3A_196 = arith.constant 0 : i32
          %dma_start3A_197 = tpu.memref_slice %arg9[%add3A_159, %dma_start3A_196] : memref<80x128xi32, #tpu.memory_space<vmem>> -> memref<1x128xi32, #tpu.memory_space<vmem>>
          %dma_start3A_198 = tpu.memref_squeeze %dma_start3A_197 : memref<1x128xi32, #tpu.memory_space<vmem>> -> memref<128xi32, #tpu.memory_space<vmem>>
          %dma_start3A_199 = arith.constant 0 : i32
          %dma_start3A_200 = arith.constant 0 : i32
          %dma_start3A_201 = tpu.memref_slice %arg15[%dma_start3A_199, %dma_start3A_200] : memref<81920x32xbf16, #tpu.memory_space<vmem_shared>> -> memref<81920x32xbf16, #tpu.memory_space<vmem_shared>>
          tpu.enqueue_indirect_dma source(%arg13 : memref<128x32xbf16, #tpu.memory_space<vmem>>) target(%dma_start3A_201 : memref<81920x32xbf16, #tpu.memory_space<vmem_shared>>) offsets(%dma_start3A_198 : memref<128xi32, #tpu.memory_space<vmem>>) semaphore(%run_scoped3A : memref<!tpu.dma_semaphore, #tpu.memory_space<semaphore_mem>>) {add = true}
          %dma_wait3A_202 = arith.constant 0 : i32
          %dma_wait3A_203 = tpu.memref_slice %arg9[%add3A_159, %dma_wait3A_202] : memref<80x128xi32, #tpu.memory_space<vmem>> -> memref<1x128xi32, #tpu.memory_space<vmem>>
          %dma_wait3A_204 = tpu.memref_squeeze %dma_wait3A_203 : memref<1x128xi32, #tpu.memory_space<vmem>> -> memref<128xi32, #tpu.memory_space<vmem>>
          %dma_wait3A_205 = arith.constant 0 : i32
          %dma_wait3A_206 = arith.constant 0 : i32
          %dma_wait3A_207 = tpu.memref_slice %arg15[%dma_wait3A_205, %dma_wait3A_206] : memref<81920x32xbf16, #tpu.memory_space<vmem_shared>> -> memref<81920x32xbf16, #tpu.memory_space<vmem_shared>>
          tpu.wait_indirect_dma semaphore(%run_scoped3A : memref<!tpu.dma_semaphore, #tpu.memory_space<semaphore_mem>>) src(%arg13 : memref<128x32xbf16, #tpu.memory_space<vmem>>) dst(%dma_wait3A_207 : memref<81920x32xbf16, #tpu.memory_space<vmem_shared>>)
          tpu.yield
        }) : () -> ()
      }
      %scan3A_108 = arith.constant 40 : i32
      %barrier3A_109 = arith.constant 0 : index
      tpu.barrier barrier_id(%barrier3A_109)
      %jit3A_110 = arith.constant 2 : i32
      %div3A_111 = arith.divsi %arg1, %jit3A_110 : i32
      %sign3A_112 = arith.constant 0 : i32
      %sign3A_113 = arith.cmpi sgt, %arg1, %sign3A_112 : i32
      %sign3A_114 = arith.extui %sign3A_113 : i1 to i32
      %sign3A_115 = arith.constant 0 : i32
      %sign3A_116 = arith.cmpi slt, %arg1, %sign3A_115 : i32
      %sign3A_117 = arith.extui %sign3A_116 : i1 to i32
      %sign3A_118 = arith.subi %sign3A_114, %sign3A_117 : i32
      %sign3A_119 = arith.constant 0 : i32
      %sign3A_120 = arith.cmpi sgt, %jit3A_110, %sign3A_119 : i32
      %sign3A_121 = arith.extui %sign3A_120 : i1 to i32
      %sign3A_122 = arith.constant 0 : i32
      %sign3A_123 = arith.cmpi slt, %jit3A_110, %sign3A_122 : i32
      %sign3A_124 = arith.extui %sign3A_123 : i1 to i32
      %sign3A_125 = arith.subi %sign3A_121, %sign3A_124 : i32
      %ne3A_126 = arith.cmpi ne, %sign3A_118, %sign3A_125 : i32
      %rem3A_127 = arith.remsi %arg1, %jit3A_110 : i32
      %ne3A_128 = arith.constant 0 : i32
      %ne3A_129 = arith.cmpi ne, %rem3A_127, %ne3A_128 : i32
      %and3A_130 = arith.andi %ne3A_126, %ne3A_129 : i1
      %sub3A_131 = arith.constant 1 : i32
      %sub3A_132 = arith.subi %div3A_111, %sub3A_131 : i32
      %select_n3A_133 = arith.select %and3A_130, %sub3A_132, %div3A_111 : i32
      %jit3A_134 = arith.constant 2 : i32
      %eq3A_135 = arith.constant 0 : i32
      %eq3A_136 = arith.cmpi eq, %jit3A_134, %eq3A_135 : i32
      %jit3A_137 = arith.constant 1 : i32
      %select_n3A_138 = arith.select %eq3A_136, %jit3A_137, %jit3A_134 : i32
      %rem3A_139 = arith.remsi %arg1, %select_n3A_138 : i32
      %ne3A_140 = arith.constant 0 : i32
      %ne3A_141 = arith.cmpi ne, %rem3A_139, %ne3A_140 : i32
      %lt3A_142 = arith.constant 0 : i32
      %lt3A_143 = arith.cmpi slt, %rem3A_139, %lt3A_142 : i32
      %lt3A_144 = arith.constant 0 : i32
      %lt3A_145 = arith.cmpi slt, %select_n3A_138, %lt3A_144 : i32
      %ne3A_146 = arith.xori %lt3A_143, %lt3A_145 : i1
      %and3A_147 = arith.andi %ne3A_146, %ne3A_141 : i1
      %add3A_148 = arith.addi %rem3A_139, %select_n3A_138 : i32
      %select_n3A_149 = arith.select %and3A_147, %add3A_148, %rem3A_139 : i32
      %mul3A_150 = arith.constant 5000 : i32
      %mul3A_151 = arith.muli %select_n3A_149, %mul3A_150 : i32
      %mul3A_152 = arith.constant 5000 : i32
      %mul3A_153 = arith.muli %arg1, %mul3A_152 : i32
      "tpu.region"() ({
        %run_scoped3A = tpu.sem_alloc : memref<!tpu.dma_semaphore, #tpu.memory_space<semaphore_mem>>
        %dma_start3A_155 = arith.constant 32 : i32
        %dma_start3A_156 = tpu.memref_slice %arg7[%select_n3A_133, %mul3A_151, %dma_start3A_155] : memref<8x10000x128xbf16, #tpu.memory_space<hbm>> -> memref<1x5000x32xbf16, #tpu.memory_space<hbm>>
        %dma_start3A_157 = tpu.memref_squeeze %dma_start3A_156 : memref<1x5000x32xbf16, #tpu.memory_space<hbm>> -> memref<5000x32xbf16, #tpu.memory_space<hbm>>
        %dma_start3A_158 = arith.constant 0 : i32
        %dma_start3A_159 = tpu.memref_slice %arg15[%mul3A_153, %dma_start3A_158] : memref<81920x32xbf16, #tpu.memory_space<vmem_shared>> -> memref<5000x32xbf16, #tpu.memory_space<vmem_shared>>
        tpu.enqueue_dma source(%dma_start3A_159 : memref<5000x32xbf16, #tpu.memory_space<vmem_shared>>) target(%dma_start3A_157 : memref<5000x32xbf16, #tpu.memory_space<hbm>>) target_semaphore(%run_scoped3A : memref<!tpu.dma_semaphore, #tpu.memory_space<semaphore_mem>>)
        %dma_wait3A = arith.constant 32 : i32
        %dma_wait3A_160 = tpu.memref_slice %arg7[%select_n3A_133, %mul3A_151, %dma_wait3A] : memref<8x10000x128xbf16, #tpu.memory_space<hbm>> -> memref<1x5000x32xbf16, #tpu.memory_space<hbm>>
        %dma_wait3A_161 = tpu.memref_squeeze %dma_wait3A_160 : memref<1x5000x32xbf16, #tpu.memory_space<hbm>> -> memref<5000x32xbf16, #tpu.memory_space<hbm>>
        %dma_wait3A_162 = arith.constant 0 : i32
        %dma_wait3A_163 = tpu.memref_slice %arg15[%mul3A_153, %dma_wait3A_162] : memref<81920x32xbf16, #tpu.memory_space<vmem_shared>> -> memref<5000x32xbf16, #tpu.memory_space<vmem_shared>>
        tpu.wait_dma2 semaphore(%run_scoped3A : memref<!tpu.dma_semaphore, #tpu.memory_space<semaphore_mem>>) src(%dma_wait3A_163 : memref<5000x32xbf16, #tpu.memory_space<vmem_shared>>) dst(%dma_wait3A_161 : memref<5000x32xbf16, #tpu.memory_space<hbm>>)
        tpu.yield
      }) : () -> ()
      %barrier3A_154 = arith.constant 0 : index
      tpu.barrier barrier_id(%barrier3A_154)
    } else {
    }
    %eq3A_21 = arith.constant 1 : i32
    %eq3A_22 = arith.cmpi eq, %arg0, %eq3A_21 : i32
    %convert_element_type3A_23 = arith.extui %eq3A_22 : i1 to i32
    %cond3A_24 = arith.constant 0 : i32
    %cond3A_25 = arith.cmpi ne, %convert_element_type3A_23, %cond3A_24 : i32
    scf.if %cond3A_25 {
      %scan3A_26 = arith.constant 0 : i32
      %scan3A_27 = arith.constant 0 : i32
      %scan3A_28 = arith.constant 8 : i32
      %scan3A_29 = arith.addi %scan3A_27, %scan3A_28 : i32
      %scan3A_30 = arith.constant 1 : i32
      scf.for %scan3A_155 = %scan3A_27 to %scan3A_29 step %scan3A_30  : i32 {
        %mul3A_156 = arith.constant 5120 : i32
        %mul3A_157 = arith.muli %arg1, %mul3A_156 : i32
        %mul3A_158 = arith.constant 640 : i32
        %mul3A_159 = arith.muli %scan3A_155, %mul3A_158 : i32
        %add3A_160 = arith.addi %mul3A_157, %mul3A_159 : i32
        "tpu.region"() ({
          %run_scoped3A = tpu.sem_alloc : memref<!tpu.dma_semaphore, #tpu.memory_space<semaphore_mem>>
          %dma_start3A_161 = arith.constant 0 : i32
          %dma_start3A_162 = tpu.memref_slice %arg15[%add3A_160, %dma_start3A_161] : memref<81920x32xbf16, #tpu.memory_space<vmem_shared>> -> memref<640x32xbf16, #tpu.memory_space<vmem_shared>>
          %dma_start3A_163 = arith.constant 0 : i32
          %dma_start3A_164 = tpu.memref_slice %arg15[%add3A_160, %dma_start3A_163] : memref<81920x32xbf16, #tpu.memory_space<vmem_shared>> -> memref<640x32xbf16, #tpu.memory_space<vmem_shared>>
          tpu.enqueue_dma source(%arg14 : memref<640x32xbf16, #tpu.memory_space<vmem>>) target(%dma_start3A_164 : memref<640x32xbf16, #tpu.memory_space<vmem_shared>>) target_semaphore(%run_scoped3A : memref<!tpu.dma_semaphore, #tpu.memory_space<semaphore_mem>>)
          %dma_wait3A = arith.constant 0 : i32
          %dma_wait3A_165 = tpu.memref_slice %arg15[%add3A_160, %dma_wait3A] : memref<81920x32xbf16, #tpu.memory_space<vmem_shared>> -> memref<640x32xbf16, #tpu.memory_space<vmem_shared>>
          %dma_wait3A_166 = arith.constant 0 : i32
          %dma_wait3A_167 = tpu.memref_slice %arg15[%add3A_160, %dma_wait3A_166] : memref<81920x32xbf16, #tpu.memory_space<vmem_shared>> -> memref<640x32xbf16, #tpu.memory_space<vmem_shared>>
          tpu.wait_dma2 semaphore(%run_scoped3A : memref<!tpu.dma_semaphore, #tpu.memory_space<semaphore_mem>>) src(%arg14 : memref<640x32xbf16, #tpu.memory_space<vmem>>) dst(%dma_wait3A_167 : memref<640x32xbf16, #tpu.memory_space<vmem_shared>>)
          tpu.yield
        }) : () -> ()
      }
      %scan3A_31 = arith.constant 8 : i32
      %barrier3A = arith.constant 0 : index
      tpu.barrier barrier_id(%barrier3A)
      %dma_start3A = arith.constant 2 : i32
      %dma_start3A_32 = arith.constant 0 : i32
      %dma_start3A_33 = tpu.memref_slice %arg8[%dma_start3A_32] : memref<10240xi32, #tpu.memory_space<vmem>> -> memref<128xi32, #tpu.memory_space<vmem>>
      %dma_start3A_34 = arith.constant 0 : i32
      %dma_start3A_35 = arith.constant 0 : i32
      %dma_start3A_36 = tpu.memref_slice %arg2[%dma_start3A, %dma_start3A_34, %dma_start3A_35] : memref<4x10000x32xbf16, #tpu.memory_space<hbm>> -> memref<1x10000x32xbf16, #tpu.memory_space<hbm>>
      %dma_start3A_37 = tpu.memref_squeeze %dma_start3A_36 : memref<1x10000x32xbf16, #tpu.memory_space<hbm>> -> memref<10000x32xbf16, #tpu.memory_space<hbm>>
      %dma_start3A_38 = arith.constant 0 : i32
      %dma_start3A_39 = arith.constant 0 : i32
      %dma_start3A_40 = tpu.memref_slice %dma_start3A_37[%dma_start3A_38, %dma_start3A_39] : memref<10000x32xbf16, #tpu.memory_space<hbm>> -> memref<10000x32xbf16, #tpu.memory_space<hbm>>
      tpu.enqueue_indirect_dma source(%dma_start3A_40 : memref<10000x32xbf16, #tpu.memory_space<hbm>>) target(%arg12 : memref<128x32xbf16, #tpu.memory_space<vmem>>) offsets(%dma_start3A_33 : memref<128xi32, #tpu.memory_space<vmem>>) semaphore(%arg18 : memref<!tpu.dma_semaphore, #tpu.memory_space<semaphore_mem>>)
      %scan3A_41 = arith.constant 0 : i32
      %scan3A_42 = arith.constant 2 : i32
      %scan3A_43 = arith.constant 0 : i32
      %scan3A_44 = arith.constant 40 : i32
      %scan3A_45 = arith.addi %scan3A_43, %scan3A_44 : i32
      %scan3A_46 = arith.constant 1 : i32
      scf.for %scan3A_155 = %scan3A_43 to %scan3A_45 step %scan3A_46  : i32 {
        %mul3A_156 = arith.constant 2 : i32
        %mul3A_157 = arith.muli %mul3A_156, %scan3A_155 : i32
        %add3A_158 = arith.constant 1 : i32
        %add3A_159 = arith.addi %mul3A_157, %add3A_158 : i32
        %mul3A_160 = arith.constant 128 : i32
        %mul3A_161 = arith.muli %mul3A_157, %mul3A_160 : i32
        %dma_wait3A = tpu.memref_slice %arg8[%mul3A_161] : memref<10240xi32, #tpu.memory_space<vmem>> -> memref<128xi32, #tpu.memory_space<vmem>>
        %dma_wait3A_162 = arith.constant 0 : i32
        %dma_wait3A_163 = arith.constant 0 : i32
        %dma_wait3A_164 = tpu.memref_slice %arg2[%scan3A_42, %dma_wait3A_162, %dma_wait3A_163] : memref<4x10000x32xbf16, #tpu.memory_space<hbm>> -> memref<1x10000x32xbf16, #tpu.memory_space<hbm>>
        %dma_wait3A_165 = tpu.memref_squeeze %dma_wait3A_164 : memref<1x10000x32xbf16, #tpu.memory_space<hbm>> -> memref<10000x32xbf16, #tpu.memory_space<hbm>>
        %dma_wait3A_166 = arith.constant 0 : i32
        %dma_wait3A_167 = arith.constant 0 : i32
        %dma_wait3A_168 = tpu.memref_slice %dma_wait3A_165[%dma_wait3A_166, %dma_wait3A_167] : memref<10000x32xbf16, #tpu.memory_space<hbm>> -> memref<10000x32xbf16, #tpu.memory_space<hbm>>
        tpu.wait_indirect_dma semaphore(%arg18 : memref<!tpu.dma_semaphore, #tpu.memory_space<semaphore_mem>>) src(%dma_wait3A_168 : memref<10000x32xbf16, #tpu.memory_space<hbm>>) dst(%arg12 : memref<128x32xbf16, #tpu.memory_space<vmem>>)
        %mul3A_169 = arith.constant 128 : i32
        %mul3A_170 = arith.muli %add3A_159, %mul3A_169 : i32
        %dma_start3A_171 = tpu.memref_slice %arg8[%mul3A_170] : memref<10240xi32, #tpu.memory_space<vmem>> -> memref<128xi32, #tpu.memory_space<vmem>>
        %dma_start3A_172 = arith.constant 0 : i32
        %dma_start3A_173 = arith.constant 0 : i32
        %dma_start3A_174 = tpu.memref_slice %arg2[%scan3A_42, %dma_start3A_172, %dma_start3A_173] : memref<4x10000x32xbf16, #tpu.memory_space<hbm>> -> memref<1x10000x32xbf16, #tpu.memory_space<hbm>>
        %dma_start3A_175 = tpu.memref_squeeze %dma_start3A_174 : memref<1x10000x32xbf16, #tpu.memory_space<hbm>> -> memref<10000x32xbf16, #tpu.memory_space<hbm>>
        %dma_start3A_176 = arith.constant 0 : i32
        %dma_start3A_177 = arith.constant 0 : i32
        %dma_start3A_178 = tpu.memref_slice %dma_start3A_175[%dma_start3A_176, %dma_start3A_177] : memref<10000x32xbf16, #tpu.memory_space<hbm>> -> memref<10000x32xbf16, #tpu.memory_space<hbm>>
        tpu.enqueue_indirect_dma source(%dma_start3A_178 : memref<10000x32xbf16, #tpu.memory_space<hbm>>) target(%arg13 : memref<128x32xbf16, #tpu.memory_space<vmem>>) offsets(%dma_start3A_171 : memref<128xi32, #tpu.memory_space<vmem>>) semaphore(%arg19 : memref<!tpu.dma_semaphore, #tpu.memory_space<semaphore_mem>>)
        "tpu.region"() ({
          %run_scoped3A = tpu.sem_alloc : memref<!tpu.dma_semaphore, #tpu.memory_space<semaphore_mem>>
          %dma_start3A_196 = arith.constant 0 : i32
          %dma_start3A_197 = tpu.memref_slice %arg9[%mul3A_157, %dma_start3A_196] : memref<80x128xi32, #tpu.memory_space<vmem>> -> memref<1x128xi32, #tpu.memory_space<vmem>>
          %dma_start3A_198 = tpu.memref_squeeze %dma_start3A_197 : memref<1x128xi32, #tpu.memory_space<vmem>> -> memref<128xi32, #tpu.memory_space<vmem>>
          %dma_start3A_199 = arith.constant 0 : i32
          %dma_start3A_200 = arith.constant 0 : i32
          %dma_start3A_201 = tpu.memref_slice %arg15[%dma_start3A_199, %dma_start3A_200] : memref<81920x32xbf16, #tpu.memory_space<vmem_shared>> -> memref<81920x32xbf16, #tpu.memory_space<vmem_shared>>
          tpu.enqueue_indirect_dma source(%arg12 : memref<128x32xbf16, #tpu.memory_space<vmem>>) target(%dma_start3A_201 : memref<81920x32xbf16, #tpu.memory_space<vmem_shared>>) offsets(%dma_start3A_198 : memref<128xi32, #tpu.memory_space<vmem>>) semaphore(%run_scoped3A : memref<!tpu.dma_semaphore, #tpu.memory_space<semaphore_mem>>) {add = true}
          %dma_wait3A_202 = arith.constant 0 : i32
          %dma_wait3A_203 = tpu.memref_slice %arg9[%mul3A_157, %dma_wait3A_202] : memref<80x128xi32, #tpu.memory_space<vmem>> -> memref<1x128xi32, #tpu.memory_space<vmem>>
          %dma_wait3A_204 = tpu.memref_squeeze %dma_wait3A_203 : memref<1x128xi32, #tpu.memory_space<vmem>> -> memref<128xi32, #tpu.memory_space<vmem>>
          %dma_wait3A_205 = arith.constant 0 : i32
          %dma_wait3A_206 = arith.constant 0 : i32
          %dma_wait3A_207 = tpu.memref_slice %arg15[%dma_wait3A_205, %dma_wait3A_206] : memref<81920x32xbf16, #tpu.memory_space<vmem_shared>> -> memref<81920x32xbf16, #tpu.memory_space<vmem_shared>>
          tpu.wait_indirect_dma semaphore(%run_scoped3A : memref<!tpu.dma_semaphore, #tpu.memory_space<semaphore_mem>>) src(%arg12 : memref<128x32xbf16, #tpu.memory_space<vmem>>) dst(%dma_wait3A_207 : memref<81920x32xbf16, #tpu.memory_space<vmem_shared>>)
          tpu.yield
        }) : () -> ()
        %mul3A_179 = arith.constant 128 : i32
        %mul3A_180 = arith.muli %add3A_159, %mul3A_179 : i32
        %dma_wait3A_181 = tpu.memref_slice %arg8[%mul3A_180] : memref<10240xi32, #tpu.memory_space<vmem>> -> memref<128xi32, #tpu.memory_space<vmem>>
        %dma_wait3A_182 = arith.constant 0 : i32
        %dma_wait3A_183 = arith.constant 0 : i32
        %dma_wait3A_184 = tpu.memref_slice %arg2[%scan3A_42, %dma_wait3A_182, %dma_wait3A_183] : memref<4x10000x32xbf16, #tpu.memory_space<hbm>> -> memref<1x10000x32xbf16, #tpu.memory_space<hbm>>
        %dma_wait3A_185 = tpu.memref_squeeze %dma_wait3A_184 : memref<1x10000x32xbf16, #tpu.memory_space<hbm>> -> memref<10000x32xbf16, #tpu.memory_space<hbm>>
        %dma_wait3A_186 = arith.constant 0 : i32
        %dma_wait3A_187 = arith.constant 0 : i32
        %dma_wait3A_188 = tpu.memref_slice %dma_wait3A_185[%dma_wait3A_186, %dma_wait3A_187] : memref<10000x32xbf16, #tpu.memory_space<hbm>> -> memref<10000x32xbf16, #tpu.memory_space<hbm>>
        tpu.wait_indirect_dma semaphore(%arg19 : memref<!tpu.dma_semaphore, #tpu.memory_space<semaphore_mem>>) src(%dma_wait3A_188 : memref<10000x32xbf16, #tpu.memory_space<hbm>>) dst(%arg13 : memref<128x32xbf16, #tpu.memory_space<vmem>>)
        %add3A_189 = arith.constant 1 : i32
        %add3A_190 = arith.addi %scan3A_155, %add3A_189 : i32
        %lt3A_191 = arith.constant 40 : i32
        %lt3A_192 = arith.cmpi slt, %add3A_190, %lt3A_191 : i32
        %convert_element_type3A_193 = arith.extui %lt3A_192 : i1 to i32
        %cond3A_194 = arith.constant 0 : i32
        %cond3A_195 = arith.cmpi ne, %convert_element_type3A_193, %cond3A_194 : i32
        scf.if %cond3A_195 {
          %add3A_196 = arith.constant 2 : i32
          %add3A_197 = arith.addi %mul3A_157, %add3A_196 : i32
          %mul3A_198 = arith.constant 128 : i32
          %mul3A_199 = arith.muli %add3A_197, %mul3A_198 : i32
          %dma_start3A_200 = tpu.memref_slice %arg8[%mul3A_199] : memref<10240xi32, #tpu.memory_space<vmem>> -> memref<128xi32, #tpu.memory_space<vmem>>
          %dma_start3A_201 = arith.constant 0 : i32
          %dma_start3A_202 = arith.constant 0 : i32
          %dma_start3A_203 = tpu.memref_slice %arg2[%scan3A_42, %dma_start3A_201, %dma_start3A_202] : memref<4x10000x32xbf16, #tpu.memory_space<hbm>> -> memref<1x10000x32xbf16, #tpu.memory_space<hbm>>
          %dma_start3A_204 = tpu.memref_squeeze %dma_start3A_203 : memref<1x10000x32xbf16, #tpu.memory_space<hbm>> -> memref<10000x32xbf16, #tpu.memory_space<hbm>>
          %dma_start3A_205 = arith.constant 0 : i32
          %dma_start3A_206 = arith.constant 0 : i32
          %dma_start3A_207 = tpu.memref_slice %dma_start3A_204[%dma_start3A_205, %dma_start3A_206] : memref<10000x32xbf16, #tpu.memory_space<hbm>> -> memref<10000x32xbf16, #tpu.memory_space<hbm>>
          tpu.enqueue_indirect_dma source(%dma_start3A_207 : memref<10000x32xbf16, #tpu.memory_space<hbm>>) target(%arg12 : memref<128x32xbf16, #tpu.memory_space<vmem>>) offsets(%dma_start3A_200 : memref<128xi32, #tpu.memory_space<vmem>>) semaphore(%arg18 : memref<!tpu.dma_semaphore, #tpu.memory_space<semaphore_mem>>)
        } else {
        }
        "tpu.region"() ({
          %run_scoped3A = tpu.sem_alloc : memref<!tpu.dma_semaphore, #tpu.memory_space<semaphore_mem>>
          %dma_start3A_196 = arith.constant 0 : i32
          %dma_start3A_197 = tpu.memref_slice %arg9[%add3A_159, %dma_start3A_196] : memref<80x128xi32, #tpu.memory_space<vmem>> -> memref<1x128xi32, #tpu.memory_space<vmem>>
          %dma_start3A_198 = tpu.memref_squeeze %dma_start3A_197 : memref<1x128xi32, #tpu.memory_space<vmem>> -> memref<128xi32, #tpu.memory_space<vmem>>
          %dma_start3A_199 = arith.constant 0 : i32
          %dma_start3A_200 = arith.constant 0 : i32
          %dma_start3A_201 = tpu.memref_slice %arg15[%dma_start3A_199, %dma_start3A_200] : memref<81920x32xbf16, #tpu.memory_space<vmem_shared>> -> memref<81920x32xbf16, #tpu.memory_space<vmem_shared>>
          tpu.enqueue_indirect_dma source(%arg13 : memref<128x32xbf16, #tpu.memory_space<vmem>>) target(%dma_start3A_201 : memref<81920x32xbf16, #tpu.memory_space<vmem_shared>>) offsets(%dma_start3A_198 : memref<128xi32, #tpu.memory_space<vmem>>) semaphore(%run_scoped3A : memref<!tpu.dma_semaphore, #tpu.memory_space<semaphore_mem>>) {add = true}
          %dma_wait3A_202 = arith.constant 0 : i32
          %dma_wait3A_203 = tpu.memref_slice %arg9[%add3A_159, %dma_wait3A_202] : memref<80x128xi32, #tpu.memory_space<vmem>> -> memref<1x128xi32, #tpu.memory_space<vmem>>
          %dma_wait3A_204 = tpu.memref_squeeze %dma_wait3A_203 : memref<1x128xi32, #tpu.memory_space<vmem>> -> memref<128xi32, #tpu.memory_space<vmem>>
          %dma_wait3A_205 = arith.constant 0 : i32
          %dma_wait3A_206 = arith.constant 0 : i32
          %dma_wait3A_207 = tpu.memref_slice %arg15[%dma_wait3A_205, %dma_wait3A_206] : memref<81920x32xbf16, #tpu.memory_space<vmem_shared>> -> memref<81920x32xbf16, #tpu.memory_space<vmem_shared>>
          tpu.wait_indirect_dma semaphore(%run_scoped3A : memref<!tpu.dma_semaphore, #tpu.memory_space<semaphore_mem>>) src(%arg13 : memref<128x32xbf16, #tpu.memory_space<vmem>>) dst(%dma_wait3A_207 : memref<81920x32xbf16, #tpu.memory_space<vmem_shared>>)
          tpu.yield
        }) : () -> ()
      }
      %scan3A_47 = arith.constant 40 : i32
      %barrier3A_48 = arith.constant 0 : index
      tpu.barrier barrier_id(%barrier3A_48)
      %jit3A = arith.constant 2 : i32
      %div3A = arith.divsi %arg1, %jit3A : i32
      %sign3A = arith.constant 0 : i32
      %sign3A_49 = arith.cmpi sgt, %arg1, %sign3A : i32
      %sign3A_50 = arith.extui %sign3A_49 : i1 to i32
      %sign3A_51 = arith.constant 0 : i32
      %sign3A_52 = arith.cmpi slt, %arg1, %sign3A_51 : i32
      %sign3A_53 = arith.extui %sign3A_52 : i1 to i32
      %sign3A_54 = arith.subi %sign3A_50, %sign3A_53 : i32
      %sign3A_55 = arith.constant 0 : i32
      %sign3A_56 = arith.cmpi sgt, %jit3A, %sign3A_55 : i32
      %sign3A_57 = arith.extui %sign3A_56 : i1 to i32
      %sign3A_58 = arith.constant 0 : i32
      %sign3A_59 = arith.cmpi slt, %jit3A, %sign3A_58 : i32
      %sign3A_60 = arith.extui %sign3A_59 : i1 to i32
      %sign3A_61 = arith.subi %sign3A_57, %sign3A_60 : i32
      %ne3A = arith.cmpi ne, %sign3A_54, %sign3A_61 : i32
      %rem3A = arith.remsi %arg1, %jit3A : i32
      %ne3A_62 = arith.constant 0 : i32
      %ne3A_63 = arith.cmpi ne, %rem3A, %ne3A_62 : i32
      %and3A = arith.andi %ne3A, %ne3A_63 : i1
      %sub3A = arith.constant 1 : i32
      %sub3A_64 = arith.subi %div3A, %sub3A : i32
      %select_n3A = arith.select %and3A, %sub3A_64, %div3A : i32
      %jit3A_65 = arith.constant 2 : i32
      %eq3A_66 = arith.constant 0 : i32
      %eq3A_67 = arith.cmpi eq, %jit3A_65, %eq3A_66 : i32
      %jit3A_68 = arith.constant 1 : i32
      %select_n3A_69 = arith.select %eq3A_67, %jit3A_68, %jit3A_65 : i32
      %rem3A_70 = arith.remsi %arg1, %select_n3A_69 : i32
      %ne3A_71 = arith.constant 0 : i32
      %ne3A_72 = arith.cmpi ne, %rem3A_70, %ne3A_71 : i32
      %lt3A = arith.constant 0 : i32
      %lt3A_73 = arith.cmpi slt, %rem3A_70, %lt3A : i32
      %lt3A_74 = arith.constant 0 : i32
      %lt3A_75 = arith.cmpi slt, %select_n3A_69, %lt3A_74 : i32
      %ne3A_76 = arith.xori %lt3A_73, %lt3A_75 : i1
      %and3A_77 = arith.andi %ne3A_76, %ne3A_72 : i1
      %add3A_78 = arith.addi %rem3A_70, %select_n3A_69 : i32
      %select_n3A_79 = arith.select %and3A_77, %add3A_78, %rem3A_70 : i32
      %mul3A_80 = arith.constant 5000 : i32
      %mul3A_81 = arith.muli %select_n3A_79, %mul3A_80 : i32
      %mul3A_82 = arith.constant 5000 : i32
      %mul3A_83 = arith.muli %arg1, %mul3A_82 : i32
      "tpu.region"() ({
        %run_scoped3A = tpu.sem_alloc : memref<!tpu.dma_semaphore, #tpu.memory_space<semaphore_mem>>
        %dma_start3A_155 = arith.constant 64 : i32
        %dma_start3A_156 = tpu.memref_slice %arg7[%select_n3A, %mul3A_81, %dma_start3A_155] : memref<8x10000x128xbf16, #tpu.memory_space<hbm>> -> memref<1x5000x32xbf16, #tpu.memory_space<hbm>>
        %dma_start3A_157 = tpu.memref_squeeze %dma_start3A_156 : memref<1x5000x32xbf16, #tpu.memory_space<hbm>> -> memref<5000x32xbf16, #tpu.memory_space<hbm>>
        %dma_start3A_158 = arith.constant 0 : i32
        %dma_start3A_159 = tpu.memref_slice %arg15[%mul3A_83, %dma_start3A_158] : memref<81920x32xbf16, #tpu.memory_space<vmem_shared>> -> memref<5000x32xbf16, #tpu.memory_space<vmem_shared>>
        tpu.enqueue_dma source(%dma_start3A_159 : memref<5000x32xbf16, #tpu.memory_space<vmem_shared>>) target(%dma_start3A_157 : memref<5000x32xbf16, #tpu.memory_space<hbm>>) target_semaphore(%run_scoped3A : memref<!tpu.dma_semaphore, #tpu.memory_space<semaphore_mem>>)
        %dma_wait3A = arith.constant 64 : i32
        %dma_wait3A_160 = tpu.memref_slice %arg7[%select_n3A, %mul3A_81, %dma_wait3A] : memref<8x10000x128xbf16, #tpu.memory_space<hbm>> -> memref<1x5000x32xbf16, #tpu.memory_space<hbm>>
        %dma_wait3A_161 = tpu.memref_squeeze %dma_wait3A_160 : memref<1x5000x32xbf16, #tpu.memory_space<hbm>> -> memref<5000x32xbf16, #tpu.memory_space<hbm>>
        %dma_wait3A_162 = arith.constant 0 : i32
        %dma_wait3A_163 = tpu.memref_slice %arg15[%mul3A_83, %dma_wait3A_162] : memref<81920x32xbf16, #tpu.memory_space<vmem_shared>> -> memref<5000x32xbf16, #tpu.memory_space<vmem_shared>>
        tpu.wait_dma2 semaphore(%run_scoped3A : memref<!tpu.dma_semaphore, #tpu.memory_space<semaphore_mem>>) src(%dma_wait3A_163 : memref<5000x32xbf16, #tpu.memory_space<vmem_shared>>) dst(%dma_wait3A_161 : memref<5000x32xbf16, #tpu.memory_space<hbm>>)
        tpu.yield
      }) : () -> ()
      %barrier3A_84 = arith.constant 0 : index
      tpu.barrier barrier_id(%barrier3A_84)
      %scan3A_85 = arith.constant 0 : i32
      %scan3A_86 = arith.constant 0 : i32
      %scan3A_87 = arith.constant 8 : i32
      %scan3A_88 = arith.addi %scan3A_86, %scan3A_87 : i32
      %scan3A_89 = arith.constant 1 : i32
      scf.for %scan3A_155 = %scan3A_86 to %scan3A_88 step %scan3A_89  : i32 {
        %mul3A_156 = arith.constant 5120 : i32
        %mul3A_157 = arith.muli %arg1, %mul3A_156 : i32
        %mul3A_158 = arith.constant 640 : i32
        %mul3A_159 = arith.muli %scan3A_155, %mul3A_158 : i32
        %add3A_160 = arith.addi %mul3A_157, %mul3A_159 : i32
        "tpu.region"() ({
          %run_scoped3A = tpu.sem_alloc : memref<!tpu.dma_semaphore, #tpu.memory_space<semaphore_mem>>
          %dma_start3A_161 = arith.constant 0 : i32
          %dma_start3A_162 = tpu.memref_slice %arg15[%add3A_160, %dma_start3A_161] : memref<81920x32xbf16, #tpu.memory_space<vmem_shared>> -> memref<640x32xbf16, #tpu.memory_space<vmem_shared>>
          %dma_start3A_163 = arith.constant 0 : i32
          %dma_start3A_164 = tpu.memref_slice %arg15[%add3A_160, %dma_start3A_163] : memref<81920x32xbf16, #tpu.memory_space<vmem_shared>> -> memref<640x32xbf16, #tpu.memory_space<vmem_shared>>
          tpu.enqueue_dma source(%arg14 : memref<640x32xbf16, #tpu.memory_space<vmem>>) target(%dma_start3A_164 : memref<640x32xbf16, #tpu.memory_space<vmem_shared>>) target_semaphore(%run_scoped3A : memref<!tpu.dma_semaphore, #tpu.memory_space<semaphore_mem>>)
          %dma_wait3A = arith.constant 0 : i32
          %dma_wait3A_165 = tpu.memref_slice %arg15[%add3A_160, %dma_wait3A] : memref<81920x32xbf16, #tpu.memory_space<vmem_shared>> -> memref<640x32xbf16, #tpu.memory_space<vmem_shared>>
          %dma_wait3A_166 = arith.constant 0 : i32
          %dma_wait3A_167 = tpu.memref_slice %arg15[%add3A_160, %dma_wait3A_166] : memref<81920x32xbf16, #tpu.memory_space<vmem_shared>> -> memref<640x32xbf16, #tpu.memory_space<vmem_shared>>
          tpu.wait_dma2 semaphore(%run_scoped3A : memref<!tpu.dma_semaphore, #tpu.memory_space<semaphore_mem>>) src(%arg14 : memref<640x32xbf16, #tpu.memory_space<vmem>>) dst(%dma_wait3A_167 : memref<640x32xbf16, #tpu.memory_space<vmem_shared>>)
          tpu.yield
        }) : () -> ()
      }
      %scan3A_90 = arith.constant 8 : i32
      %barrier3A_91 = arith.constant 0 : index
      tpu.barrier barrier_id(%barrier3A_91)
      %dma_start3A_92 = arith.constant 3 : i32
      %dma_start3A_93 = arith.constant 0 : i32
      %dma_start3A_94 = tpu.memref_slice %arg8[%dma_start3A_93] : memref<10240xi32, #tpu.memory_space<vmem>> -> memref<128xi32, #tpu.memory_space<vmem>>
      %dma_start3A_95 = arith.constant 0 : i32
      %dma_start3A_96 = arith.constant 0 : i32
      %dma_start3A_97 = tpu.memref_slice %arg2[%dma_start3A_92, %dma_start3A_95, %dma_start3A_96] : memref<4x10000x32xbf16, #tpu.memory_space<hbm>> -> memref<1x10000x32xbf16, #tpu.memory_space<hbm>>
      %dma_start3A_98 = tpu.memref_squeeze %dma_start3A_97 : memref<1x10000x32xbf16, #tpu.memory_space<hbm>> -> memref<10000x32xbf16, #tpu.memory_space<hbm>>
      %dma_start3A_99 = arith.constant 0 : i32
      %dma_start3A_100 = arith.constant 0 : i32
      %dma_start3A_101 = tpu.memref_slice %dma_start3A_98[%dma_start3A_99, %dma_start3A_100] : memref<10000x32xbf16, #tpu.memory_space<hbm>> -> memref<10000x32xbf16, #tpu.memory_space<hbm>>
      tpu.enqueue_indirect_dma source(%dma_start3A_101 : memref<10000x32xbf16, #tpu.memory_space<hbm>>) target(%arg12 : memref<128x32xbf16, #tpu.memory_space<vmem>>) offsets(%dma_start3A_94 : memref<128xi32, #tpu.memory_space<vmem>>) semaphore(%arg18 : memref<!tpu.dma_semaphore, #tpu.memory_space<semaphore_mem>>)
      %scan3A_102 = arith.constant 0 : i32
      %scan3A_103 = arith.constant 3 : i32
      %scan3A_104 = arith.constant 0 : i32
      %scan3A_105 = arith.constant 40 : i32
      %scan3A_106 = arith.addi %scan3A_104, %scan3A_105 : i32
      %scan3A_107 = arith.constant 1 : i32
      scf.for %scan3A_155 = %scan3A_104 to %scan3A_106 step %scan3A_107  : i32 {
        %mul3A_156 = arith.constant 2 : i32
        %mul3A_157 = arith.muli %mul3A_156, %scan3A_155 : i32
        %add3A_158 = arith.constant 1 : i32
        %add3A_159 = arith.addi %mul3A_157, %add3A_158 : i32
        %mul3A_160 = arith.constant 128 : i32
        %mul3A_161 = arith.muli %mul3A_157, %mul3A_160 : i32
        %dma_wait3A = tpu.memref_slice %arg8[%mul3A_161] : memref<10240xi32, #tpu.memory_space<vmem>> -> memref<128xi32, #tpu.memory_space<vmem>>
        %dma_wait3A_162 = arith.constant 0 : i32
        %dma_wait3A_163 = arith.constant 0 : i32
        %dma_wait3A_164 = tpu.memref_slice %arg2[%scan3A_103, %dma_wait3A_162, %dma_wait3A_163] : memref<4x10000x32xbf16, #tpu.memory_space<hbm>> -> memref<1x10000x32xbf16, #tpu.memory_space<hbm>>
        %dma_wait3A_165 = tpu.memref_squeeze %dma_wait3A_164 : memref<1x10000x32xbf16, #tpu.memory_space<hbm>> -> memref<10000x32xbf16, #tpu.memory_space<hbm>>
        %dma_wait3A_166 = arith.constant 0 : i32
        %dma_wait3A_167 = arith.constant 0 : i32
        %dma_wait3A_168 = tpu.memref_slice %dma_wait3A_165[%dma_wait3A_166, %dma_wait3A_167] : memref<10000x32xbf16, #tpu.memory_space<hbm>> -> memref<10000x32xbf16, #tpu.memory_space<hbm>>
        tpu.wait_indirect_dma semaphore(%arg18 : memref<!tpu.dma_semaphore, #tpu.memory_space<semaphore_mem>>) src(%dma_wait3A_168 : memref<10000x32xbf16, #tpu.memory_space<hbm>>) dst(%arg12 : memref<128x32xbf16, #tpu.memory_space<vmem>>)
        %mul3A_169 = arith.constant 128 : i32
        %mul3A_170 = arith.muli %add3A_159, %mul3A_169 : i32
        %dma_start3A_171 = tpu.memref_slice %arg8[%mul3A_170] : memref<10240xi32, #tpu.memory_space<vmem>> -> memref<128xi32, #tpu.memory_space<vmem>>
        %dma_start3A_172 = arith.constant 0 : i32
        %dma_start3A_173 = arith.constant 0 : i32
        %dma_start3A_174 = tpu.memref_slice %arg2[%scan3A_103, %dma_start3A_172, %dma_start3A_173] : memref<4x10000x32xbf16, #tpu.memory_space<hbm>> -> memref<1x10000x32xbf16, #tpu.memory_space<hbm>>
        %dma_start3A_175 = tpu.memref_squeeze %dma_start3A_174 : memref<1x10000x32xbf16, #tpu.memory_space<hbm>> -> memref<10000x32xbf16, #tpu.memory_space<hbm>>
        %dma_start3A_176 = arith.constant 0 : i32
        %dma_start3A_177 = arith.constant 0 : i32
        %dma_start3A_178 = tpu.memref_slice %dma_start3A_175[%dma_start3A_176, %dma_start3A_177] : memref<10000x32xbf16, #tpu.memory_space<hbm>> -> memref<10000x32xbf16, #tpu.memory_space<hbm>>
        tpu.enqueue_indirect_dma source(%dma_start3A_178 : memref<10000x32xbf16, #tpu.memory_space<hbm>>) target(%arg13 : memref<128x32xbf16, #tpu.memory_space<vmem>>) offsets(%dma_start3A_171 : memref<128xi32, #tpu.memory_space<vmem>>) semaphore(%arg19 : memref<!tpu.dma_semaphore, #tpu.memory_space<semaphore_mem>>)
        "tpu.region"() ({
          %run_scoped3A = tpu.sem_alloc : memref<!tpu.dma_semaphore, #tpu.memory_space<semaphore_mem>>
          %dma_start3A_196 = arith.constant 0 : i32
          %dma_start3A_197 = tpu.memref_slice %arg9[%mul3A_157, %dma_start3A_196] : memref<80x128xi32, #tpu.memory_space<vmem>> -> memref<1x128xi32, #tpu.memory_space<vmem>>
          %dma_start3A_198 = tpu.memref_squeeze %dma_start3A_197 : memref<1x128xi32, #tpu.memory_space<vmem>> -> memref<128xi32, #tpu.memory_space<vmem>>
          %dma_start3A_199 = arith.constant 0 : i32
          %dma_start3A_200 = arith.constant 0 : i32
          %dma_start3A_201 = tpu.memref_slice %arg15[%dma_start3A_199, %dma_start3A_200] : memref<81920x32xbf16, #tpu.memory_space<vmem_shared>> -> memref<81920x32xbf16, #tpu.memory_space<vmem_shared>>
          tpu.enqueue_indirect_dma source(%arg12 : memref<128x32xbf16, #tpu.memory_space<vmem>>) target(%dma_start3A_201 : memref<81920x32xbf16, #tpu.memory_space<vmem_shared>>) offsets(%dma_start3A_198 : memref<128xi32, #tpu.memory_space<vmem>>) semaphore(%run_scoped3A : memref<!tpu.dma_semaphore, #tpu.memory_space<semaphore_mem>>) {add = true}
          %dma_wait3A_202 = arith.constant 0 : i32
          %dma_wait3A_203 = tpu.memref_slice %arg9[%mul3A_157, %dma_wait3A_202] : memref<80x128xi32, #tpu.memory_space<vmem>> -> memref<1x128xi32, #tpu.memory_space<vmem>>
          %dma_wait3A_204 = tpu.memref_squeeze %dma_wait3A_203 : memref<1x128xi32, #tpu.memory_space<vmem>> -> memref<128xi32, #tpu.memory_space<vmem>>
          %dma_wait3A_205 = arith.constant 0 : i32
          %dma_wait3A_206 = arith.constant 0 : i32
          %dma_wait3A_207 = tpu.memref_slice %arg15[%dma_wait3A_205, %dma_wait3A_206] : memref<81920x32xbf16, #tpu.memory_space<vmem_shared>> -> memref<81920x32xbf16, #tpu.memory_space<vmem_shared>>
          tpu.wait_indirect_dma semaphore(%run_scoped3A : memref<!tpu.dma_semaphore, #tpu.memory_space<semaphore_mem>>) src(%arg12 : memref<128x32xbf16, #tpu.memory_space<vmem>>) dst(%dma_wait3A_207 : memref<81920x32xbf16, #tpu.memory_space<vmem_shared>>)
          tpu.yield
        }) : () -> ()
        %mul3A_179 = arith.constant 128 : i32
        %mul3A_180 = arith.muli %add3A_159, %mul3A_179 : i32
        %dma_wait3A_181 = tpu.memref_slice %arg8[%mul3A_180] : memref<10240xi32, #tpu.memory_space<vmem>> -> memref<128xi32, #tpu.memory_space<vmem>>
        %dma_wait3A_182 = arith.constant 0 : i32
        %dma_wait3A_183 = arith.constant 0 : i32
        %dma_wait3A_184 = tpu.memref_slice %arg2[%scan3A_103, %dma_wait3A_182, %dma_wait3A_183] : memref<4x10000x32xbf16, #tpu.memory_space<hbm>> -> memref<1x10000x32xbf16, #tpu.memory_space<hbm>>
        %dma_wait3A_185 = tpu.memref_squeeze %dma_wait3A_184 : memref<1x10000x32xbf16, #tpu.memory_space<hbm>> -> memref<10000x32xbf16, #tpu.memory_space<hbm>>
        %dma_wait3A_186 = arith.constant 0 : i32
        %dma_wait3A_187 = arith.constant 0 : i32
        %dma_wait3A_188 = tpu.memref_slice %dma_wait3A_185[%dma_wait3A_186, %dma_wait3A_187] : memref<10000x32xbf16, #tpu.memory_space<hbm>> -> memref<10000x32xbf16, #tpu.memory_space<hbm>>
        tpu.wait_indirect_dma semaphore(%arg19 : memref<!tpu.dma_semaphore, #tpu.memory_space<semaphore_mem>>) src(%dma_wait3A_188 : memref<10000x32xbf16, #tpu.memory_space<hbm>>) dst(%arg13 : memref<128x32xbf16, #tpu.memory_space<vmem>>)
        %add3A_189 = arith.constant 1 : i32
        %add3A_190 = arith.addi %scan3A_155, %add3A_189 : i32
        %lt3A_191 = arith.constant 40 : i32
        %lt3A_192 = arith.cmpi slt, %add3A_190, %lt3A_191 : i32
        %convert_element_type3A_193 = arith.extui %lt3A_192 : i1 to i32
        %cond3A_194 = arith.constant 0 : i32
        %cond3A_195 = arith.cmpi ne, %convert_element_type3A_193, %cond3A_194 : i32
        scf.if %cond3A_195 {
          %add3A_196 = arith.constant 2 : i32
          %add3A_197 = arith.addi %mul3A_157, %add3A_196 : i32
          %mul3A_198 = arith.constant 128 : i32
          %mul3A_199 = arith.muli %add3A_197, %mul3A_198 : i32
          %dma_start3A_200 = tpu.memref_slice %arg8[%mul3A_199] : memref<10240xi32, #tpu.memory_space<vmem>> -> memref<128xi32, #tpu.memory_space<vmem>>
          %dma_start3A_201 = arith.constant 0 : i32
          %dma_start3A_202 = arith.constant 0 : i32
          %dma_start3A_203 = tpu.memref_slice %arg2[%scan3A_103, %dma_start3A_201, %dma_start3A_202] : memref<4x10000x32xbf16, #tpu.memory_space<hbm>> -> memref<1x10000x32xbf16, #tpu.memory_space<hbm>>
          %dma_start3A_204 = tpu.memref_squeeze %dma_start3A_203 : memref<1x10000x32xbf16, #tpu.memory_space<hbm>> -> memref<10000x32xbf16, #tpu.memory_space<hbm>>
          %dma_start3A_205 = arith.constant 0 : i32
          %dma_start3A_206 = arith.constant 0 : i32
          %dma_start3A_207 = tpu.memref_slice %dma_start3A_204[%dma_start3A_205, %dma_start3A_206] : memref<10000x32xbf16, #tpu.memory_space<hbm>> -> memref<10000x32xbf16, #tpu.memory_space<hbm>>
          tpu.enqueue_indirect_dma source(%dma_start3A_207 : memref<10000x32xbf16, #tpu.memory_space<hbm>>) target(%arg12 : memref<128x32xbf16, #tpu.memory_space<vmem>>) offsets(%dma_start3A_200 : memref<128xi32, #tpu.memory_space<vmem>>) semaphore(%arg18 : memref<!tpu.dma_semaphore, #tpu.memory_space<semaphore_mem>>)
        } else {
        }
        "tpu.region"() ({
          %run_scoped3A = tpu.sem_alloc : memref<!tpu.dma_semaphore, #tpu.memory_space<semaphore_mem>>
          %dma_start3A_196 = arith.constant 0 : i32
          %dma_start3A_197 = tpu.memref_slice %arg9[%add3A_159, %dma_start3A_196] : memref<80x128xi32, #tpu.memory_space<vmem>> -> memref<1x128xi32, #tpu.memory_space<vmem>>
          %dma_start3A_198 = tpu.memref_squeeze %dma_start3A_197 : memref<1x128xi32, #tpu.memory_space<vmem>> -> memref<128xi32, #tpu.memory_space<vmem>>
          %dma_start3A_199 = arith.constant 0 : i32
          %dma_start3A_200 = arith.constant 0 : i32
          %dma_start3A_201 = tpu.memref_slice %arg15[%dma_start3A_199, %dma_start3A_200] : memref<81920x32xbf16, #tpu.memory_space<vmem_shared>> -> memref<81920x32xbf16, #tpu.memory_space<vmem_shared>>
          tpu.enqueue_indirect_dma source(%arg13 : memref<128x32xbf16, #tpu.memory_space<vmem>>) target(%dma_start3A_201 : memref<81920x32xbf16, #tpu.memory_space<vmem_shared>>) offsets(%dma_start3A_198 : memref<128xi32, #tpu.memory_space<vmem>>) semaphore(%run_scoped3A : memref<!tpu.dma_semaphore, #tpu.memory_space<semaphore_mem>>) {add = true}
          %dma_wait3A_202 = arith.constant 0 : i32
          %dma_wait3A_203 = tpu.memref_slice %arg9[%add3A_159, %dma_wait3A_202] : memref<80x128xi32, #tpu.memory_space<vmem>> -> memref<1x128xi32, #tpu.memory_space<vmem>>
          %dma_wait3A_204 = tpu.memref_squeeze %dma_wait3A_203 : memref<1x128xi32, #tpu.memory_space<vmem>> -> memref<128xi32, #tpu.memory_space<vmem>>
          %dma_wait3A_205 = arith.constant 0 : i32
          %dma_wait3A_206 = arith.constant 0 : i32
          %dma_wait3A_207 = tpu.memref_slice %arg15[%dma_wait3A_205, %dma_wait3A_206] : memref<81920x32xbf16, #tpu.memory_space<vmem_shared>> -> memref<81920x32xbf16, #tpu.memory_space<vmem_shared>>
          tpu.wait_indirect_dma semaphore(%run_scoped3A : memref<!tpu.dma_semaphore, #tpu.memory_space<semaphore_mem>>) src(%arg13 : memref<128x32xbf16, #tpu.memory_space<vmem>>) dst(%dma_wait3A_207 : memref<81920x32xbf16, #tpu.memory_space<vmem_shared>>)
          tpu.yield
        }) : () -> ()
      }
      %scan3A_108 = arith.constant 40 : i32
      %barrier3A_109 = arith.constant 0 : index
      tpu.barrier barrier_id(%barrier3A_109)
      %jit3A_110 = arith.constant 2 : i32
      %div3A_111 = arith.divsi %arg1, %jit3A_110 : i32
      %sign3A_112 = arith.constant 0 : i32
      %sign3A_113 = arith.cmpi sgt, %arg1, %sign3A_112 : i32
      %sign3A_114 = arith.extui %sign3A_113 : i1 to i32
      %sign3A_115 = arith.constant 0 : i32
      %sign3A_116 = arith.cmpi slt, %arg1, %sign3A_115 : i32
      %sign3A_117 = arith.extui %sign3A_116 : i1 to i32
      %sign3A_118 = arith.subi %sign3A_114, %sign3A_117 : i32
      %sign3A_119 = arith.constant 0 : i32
      %sign3A_120 = arith.cmpi sgt, %jit3A_110, %sign3A_119 : i32
      %sign3A_121 = arith.extui %sign3A_120 : i1 to i32
      %sign3A_122 = arith.constant 0 : i32
      %sign3A_123 = arith.cmpi slt, %jit3A_110, %sign3A_122 : i32
      %sign3A_124 = arith.extui %sign3A_123 : i1 to i32
      %sign3A_125 = arith.subi %sign3A_121, %sign3A_124 : i32
      %ne3A_126 = arith.cmpi ne, %sign3A_118, %sign3A_125 : i32
      %rem3A_127 = arith.remsi %arg1, %jit3A_110 : i32
      %ne3A_128 = arith.constant 0 : i32
      %ne3A_129 = arith.cmpi ne, %rem3A_127, %ne3A_128 : i32
      %and3A_130 = arith.andi %ne3A_126, %ne3A_129 : i1
      %sub3A_131 = arith.constant 1 : i32
      %sub3A_132 = arith.subi %div3A_111, %sub3A_131 : i32
      %select_n3A_133 = arith.select %and3A_130, %sub3A_132, %div3A_111 : i32
      %jit3A_134 = arith.constant 2 : i32
      %eq3A_135 = arith.constant 0 : i32
      %eq3A_136 = arith.cmpi eq, %jit3A_134, %eq3A_135 : i32
      %jit3A_137 = arith.constant 1 : i32
      %select_n3A_138 = arith.select %eq3A_136, %jit3A_137, %jit3A_134 : i32
      %rem3A_139 = arith.remsi %arg1, %select_n3A_138 : i32
      %ne3A_140 = arith.constant 0 : i32
      %ne3A_141 = arith.cmpi ne, %rem3A_139, %ne3A_140 : i32
      %lt3A_142 = arith.constant 0 : i32
      %lt3A_143 = arith.cmpi slt, %rem3A_139, %lt3A_142 : i32
      %lt3A_144 = arith.constant 0 : i32
      %lt3A_145 = arith.cmpi slt, %select_n3A_138, %lt3A_144 : i32
      %ne3A_146 = arith.xori %lt3A_143, %lt3A_145 : i1
      %and3A_147 = arith.andi %ne3A_146, %ne3A_141 : i1
      %add3A_148 = arith.addi %rem3A_139, %select_n3A_138 : i32
      %select_n3A_149 = arith.select %and3A_147, %add3A_148, %rem3A_139 : i32
      %mul3A_150 = arith.constant 5000 : i32
      %mul3A_151 = arith.muli %select_n3A_149, %mul3A_150 : i32
      %mul3A_152 = arith.constant 5000 : i32
      %mul3A_153 = arith.muli %arg1, %mul3A_152 : i32
      "tpu.region"() ({
        %run_scoped3A = tpu.sem_alloc : memref<!tpu.dma_semaphore, #tpu.memory_space<semaphore_mem>>
        %dma_start3A_155 = arith.constant 96 : i32
        %dma_start3A_156 = tpu.memref_slice %arg7[%select_n3A_133, %mul3A_151, %dma_start3A_155] : memref<8x10000x128xbf16, #tpu.memory_space<hbm>> -> memref<1x5000x32xbf16, #tpu.memory_space<hbm>>
        %dma_start3A_157 = tpu.memref_squeeze %dma_start3A_156 : memref<1x5000x32xbf16, #tpu.memory_space<hbm>> -> memref<5000x32xbf16, #tpu.memory_space<hbm>>
        %dma_start3A_158 = arith.constant 0 : i32
        %dma_start3A_159 = tpu.memref_slice %arg15[%mul3A_153, %dma_start3A_158] : memref<81920x32xbf16, #tpu.memory_space<vmem_shared>> -> memref<5000x32xbf16, #tpu.memory_space<vmem_shared>>
        tpu.enqueue_dma source(%dma_start3A_159 : memref<5000x32xbf16, #tpu.memory_space<vmem_shared>>) target(%dma_start3A_157 : memref<5000x32xbf16, #tpu.memory_space<hbm>>) target_semaphore(%run_scoped3A : memref<!tpu.dma_semaphore, #tpu.memory_space<semaphore_mem>>)
        %dma_wait3A = arith.constant 96 : i32
        %dma_wait3A_160 = tpu.memref_slice %arg7[%select_n3A_133, %mul3A_151, %dma_wait3A] : memref<8x10000x128xbf16, #tpu.memory_space<hbm>> -> memref<1x5000x32xbf16, #tpu.memory_space<hbm>>
        %dma_wait3A_161 = tpu.memref_squeeze %dma_wait3A_160 : memref<1x5000x32xbf16, #tpu.memory_space<hbm>> -> memref<5000x32xbf16, #tpu.memory_space<hbm>>
        %dma_wait3A_162 = arith.constant 0 : i32
        %dma_wait3A_163 = tpu.memref_slice %arg15[%mul3A_153, %dma_wait3A_162] : memref<81920x32xbf16, #tpu.memory_space<vmem_shared>> -> memref<5000x32xbf16, #tpu.memory_space<vmem_shared>>
        tpu.wait_dma2 semaphore(%run_scoped3A : memref<!tpu.dma_semaphore, #tpu.memory_space<semaphore_mem>>) src(%dma_wait3A_163 : memref<5000x32xbf16, #tpu.memory_space<vmem_shared>>) dst(%dma_wait3A_161 : memref<5000x32xbf16, #tpu.memory_space<hbm>>)
        tpu.yield
      }) : () -> ()
      %barrier3A_154 = arith.constant 0 : index
      tpu.barrier barrier_id(%barrier3A_154)
    } else {
    }
    return
  }
}

#map = affine_map<(d0, d1) -> (0, 0, 0)>
#map1 = affine_map<(d0, d1) -> (0)>
#map2 = affine_map<(d0, d1) -> (0, 0)>
module attributes {stable_mosaic.version = 14 : i64} {
  func.func @_sc_body(%arg0: i32, %arg1: i32, %arg2: memref<4x10000x32xbf16, #tpu.memory_space<hbm>>, %arg3: memref<163840xi32, #tpu.memory_space<hbm>>, %arg4: memref<163840xi32, #tpu.memory_space<hbm>>, %arg5: memref<163840xi32, #tpu.memory_space<hbm>>, %arg6: memref<640x32xbf16, #tpu.memory_space<hbm>>, %arg7: memref<8x10000x128xbf16, #tpu.memory_space<hbm>>, %arg8: memref<10240xi32, #tpu.memory_space<vmem>>, %arg9: memref<80x128xi32, #tpu.memory_space<vmem>>, %arg10: memref<5120xi32, #tpu.memory_space<vmem>>, %arg11: memref<5120xi32, #tpu.memory_space<vmem>>, %arg12: memref<128x32xbf16, #tpu.memory_space<vmem>>, %arg13: memref<128x32xbf16, #tpu.memory_space<vmem>>, %arg14: memref<640x32xbf16, #tpu.memory_space<vmem>>, %arg15: memref<81920x32xbf16, #tpu.memory_space<vmem_shared>>, %arg16: memref<!tpu.dma_semaphore, #tpu.memory_space<semaphore_mem>>, %arg17: memref<!tpu.dma_semaphore, #tpu.memory_space<semaphore_mem>>, %arg18: memref<!tpu.dma_semaphore, #tpu.memory_space<semaphore_mem>>, %arg19: memref<!tpu.dma_semaphore, #tpu.memory_space<semaphore_mem>>) attributes {dimension_semantics = [#tpu.dimension_semantics<core_parallel>, #tpu.dimension_semantics<subcore_parallel>], iteration_bounds = array<i64: 2, 16>, scalar_prefetch = 0 : i64, scratch_operands = 12 : i64, tpu.core_type = #tpu.core_type<sc_vector_subcore>, window_params = [{transform_indices = #map}, {transform_indices = #map1}, {transform_indices = #map1}, {transform_indices = #map1}, {transform_indices = #map2}, {transform_indices = #map}]} {
    %mul3A = arith.constant 10240 : i32
    %mul3A_0 = arith.muli %arg1, %mul3A : i32
    "tpu.region"() ({
      %run_scoped3A = tpu.sem_alloc : memref<!tpu.dma_semaphore, #tpu.memory_space<semaphore_mem>>
      %dma_start3A = tpu.memref_slice %arg3[%mul3A_0] : memref<163840xi32, #tpu.memory_space<hbm>> -> memref<10240xi32, #tpu.memory_space<hbm>>
      %dma_start3A_26 = tpu.memref_slice %arg3[%mul3A_0] : memref<163840xi32, #tpu.memory_space<hbm>> -> memref<10240xi32, #tpu.memory_space<hbm>>
      tpu.enqueue_dma source(%dma_start3A_26 : memref<10240xi32, #tpu.memory_space<hbm>>) target(%arg8 : memref<10240xi32, #tpu.memory_space<vmem>>) target_semaphore(%run_scoped3A : memref<!tpu.dma_semaphore, #tpu.memory_space<semaphore_mem>>)
      %dma_wait3A = tpu.memref_slice %arg3[%mul3A_0] : memref<163840xi32, #tpu.memory_space<hbm>> -> memref<10240xi32, #tpu.memory_space<hbm>>
      %dma_wait3A_27 = tpu.memref_slice %arg3[%mul3A_0] : memref<163840xi32, #tpu.memory_space<hbm>> -> memref<10240xi32, #tpu.memory_space<hbm>>
      tpu.wait_dma2 semaphore(%run_scoped3A : memref<!tpu.dma_semaphore, #tpu.memory_space<semaphore_mem>>) src(%dma_wait3A_27 : memref<10240xi32, #tpu.memory_space<hbm>>) dst(%arg8 : memref<10240xi32, #tpu.memory_space<vmem>>)
      tpu.yield
    }) : () -> ()
    "tpu.region"() ({
      %run_scoped3A = tpu.sem_alloc : memref<!tpu.dma_semaphore, #tpu.memory_space<semaphore_mem>>
      tpu.enqueue_dma source(%arg6 : memref<640x32xbf16, #tpu.memory_space<hbm>>) target(%arg14 : memref<640x32xbf16, #tpu.memory_space<vmem>>) target_semaphore(%run_scoped3A : memref<!tpu.dma_semaphore, #tpu.memory_space<semaphore_mem>>)
      tpu.wait_dma2 semaphore(%run_scoped3A : memref<!tpu.dma_semaphore, #tpu.memory_space<semaphore_mem>>) src(%arg6 : memref<640x32xbf16, #tpu.memory_space<hbm>>) dst(%arg14 : memref<640x32xbf16, #tpu.memory_space<vmem>>)
      tpu.yield
    }) : () -> ()
    %add3A = arith.constant 0 : i32
    %add3A_1 = arith.addi %mul3A_0, %add3A : i32
    "tpu.region"() ({
      %run_scoped3A = tpu.sem_alloc : memref<!tpu.dma_semaphore, #tpu.memory_space<semaphore_mem>>
      %dma_start3A = tpu.memref_slice %arg4[%add3A_1] : memref<163840xi32, #tpu.memory_space<hbm>> -> memref<5120xi32, #tpu.memory_space<hbm>>
      %dma_start3A_26 = tpu.memref_slice %arg4[%add3A_1] : memref<163840xi32, #tpu.memory_space<hbm>> -> memref<5120xi32, #tpu.memory_space<hbm>>
      tpu.enqueue_dma source(%dma_start3A_26 : memref<5120xi32, #tpu.memory_space<hbm>>) target(%arg10 : memref<5120xi32, #tpu.memory_space<vmem>>) target_semaphore(%run_scoped3A : memref<!tpu.dma_semaphore, #tpu.memory_space<semaphore_mem>>)
      %dma_wait3A = tpu.memref_slice %arg4[%add3A_1] : memref<163840xi32, #tpu.memory_space<hbm>> -> memref<5120xi32, #tpu.memory_space<hbm>>
      %dma_wait3A_27 = tpu.memref_slice %arg4[%add3A_1] : memref<163840xi32, #tpu.memory_space<hbm>> -> memref<5120xi32, #tpu.memory_space<hbm>>
      tpu.wait_dma2 semaphore(%run_scoped3A : memref<!tpu.dma_semaphore, #tpu.memory_space<semaphore_mem>>) src(%dma_wait3A_27 : memref<5120xi32, #tpu.memory_space<hbm>>) dst(%arg10 : memref<5120xi32, #tpu.memory_space<vmem>>)
      tpu.yield
    }) : () -> ()
    %add3A_2 = arith.constant 0 : i32
    %add3A_3 = arith.addi %mul3A_0, %add3A_2 : i32
    "tpu.region"() ({
      %run_scoped3A = tpu.sem_alloc : memref<!tpu.dma_semaphore, #tpu.memory_space<semaphore_mem>>
      %dma_start3A = tpu.memref_slice %arg5[%add3A_3] : memref<163840xi32, #tpu.memory_space<hbm>> -> memref<5120xi32, #tpu.memory_space<hbm>>
      %dma_start3A_26 = tpu.memref_slice %arg5[%add3A_3] : memref<163840xi32, #tpu.memory_space<hbm>> -> memref<5120xi32, #tpu.memory_space<hbm>>
      tpu.enqueue_dma source(%dma_start3A_26 : memref<5120xi32, #tpu.memory_space<hbm>>) target(%arg11 : memref<5120xi32, #tpu.memory_space<vmem>>) target_semaphore(%run_scoped3A : memref<!tpu.dma_semaphore, #tpu.memory_space<semaphore_mem>>)
      %dma_wait3A = tpu.memref_slice %arg5[%add3A_3] : memref<163840xi32, #tpu.memory_space<hbm>> -> memref<5120xi32, #tpu.memory_space<hbm>>
      %dma_wait3A_27 = tpu.memref_slice %arg5[%add3A_3] : memref<163840xi32, #tpu.memory_space<hbm>> -> memref<5120xi32, #tpu.memory_space<hbm>>
      tpu.wait_dma2 semaphore(%run_scoped3A : memref<!tpu.dma_semaphore, #tpu.memory_space<semaphore_mem>>) src(%dma_wait3A_27 : memref<5120xi32, #tpu.memory_space<hbm>>) dst(%arg11 : memref<5120xi32, #tpu.memory_space<vmem>>)
      tpu.yield
    }) : () -> ()
    %scan3A = arith.constant 0 : i32
    %scan3A_4 = arith.constant 0 : i32
    %scan3A_5 = arith.constant 40 : i32
    %scan3A_6 = arith.addi %scan3A_4, %scan3A_5 : i32
    %scan3A_7 = arith.constant 1 : i32
    scf.for %scan3A_26 = %scan3A_4 to %scan3A_6 step %scan3A_7  : i32 {
      %add3A_27 = arith.constant 0 : i32
      %add3A_28 = arith.addi %add3A_27, %scan3A_26 : i32
      %mul3A_29 = arith.constant 128 : i32
      %mul3A_30 = arith.muli %scan3A_26, %mul3A_29 : i32
      %add3A_31 = arith.constant 0 : i32
      %add3A_32 = arith.addi %mul3A_30, %add3A_31 : i32
      %get3A = arith.index_cast %add3A_32 : i32 to index
      %get3A_33 = tpu.vector_load %arg11[%get3A] {strides = array<i32>} : memref<5120xi32, #tpu.memory_space<vmem>>, vector<16xi32>,
      %get3A_34 = vector.shape_cast %get3A_33 : vector<16xi32> to vector<16xi32>
      %get3A_35 = arith.index_cast %add3A_32 : i32 to index
      %get3A_36 = tpu.vector_load %arg10[%get3A_35] {strides = array<i32>} : memref<5120xi32, #tpu.memory_space<vmem>>, vector<16xi32>,
      %get3A_37 = vector.shape_cast %get3A_36 : vector<16xi32> to vector<16xi32>
      %mul3A_38 = arith.constant 10000 : i32
      %mul3A_39 = vector.broadcast %mul3A_38 : i32 to vector<16xi32>
      %mul3A_40 = arith.muli %get3A_34, %mul3A_39 : vector<16xi32>
      %add3A_41 = arith.addi %mul3A_40, %get3A_37 : vector<16xi32>
      %swap3A = arith.index_cast %add3A_28 : i32 to index
      %swap3A_42 = arith.constant 0 : index
      %swap3A_43 = tpu.vector_load %arg9[%swap3A, %swap3A_42] {strides = array<i32>} : memref<80x128xi32, #tpu.memory_space<vmem>>, vector<1x16xi32>,
      %swap3A_44 = vector.shape_cast %swap3A_43 : vector<1x16xi32> to vector<16xi32>
      %swap3A_45 = vector.shape_cast %add3A_41 : vector<16xi32> to vector<1x16xi32>
      tpu.vector_store %arg9[%swap3A, %swap3A_42], %swap3A_45 {strides = array<i32>} : memref<80x128xi32, #tpu.memory_space<vmem>>, vector<1x16xi32>,
      %mul3A_46 = arith.constant 128 : i32
      %mul3A_47 = arith.muli %scan3A_26, %mul3A_46 : i32
      %add3A_48 = arith.constant 16 : i32
      %add3A_49 = arith.addi %mul3A_47, %add3A_48 : i32
      %get3A_50 = arith.index_cast %add3A_49 : i32 to index
      %get3A_51 = tpu.vector_load %arg11[%get3A_50] {strides = array<i32>} : memref<5120xi32, #tpu.memory_space<vmem>>, vector<16xi32>,
      %get3A_52 = vector.shape_cast %get3A_51 : vector<16xi32> to vector<16xi32>
      %get3A_53 = arith.index_cast %add3A_49 : i32 to index
      %get3A_54 = tpu.vector_load %arg10[%get3A_53] {strides = array<i32>} : memref<5120xi32, #tpu.memory_space<vmem>>, vector<16xi32>,
      %get3A_55 = vector.shape_cast %get3A_54 : vector<16xi32> to vector<16xi32>
      %mul3A_56 = arith.constant 10000 : i32
      %mul3A_57 = vector.broadcast %mul3A_56 : i32 to vector<16xi32>
      %mul3A_58 = arith.muli %get3A_52, %mul3A_57 : vector<16xi32>
      %add3A_59 = arith.addi %mul3A_58, %get3A_55 : vector<16xi32>
      %swap3A_60 = arith.index_cast %add3A_28 : i32 to index
      %swap3A_61 = arith.constant 16 : index
      %swap3A_62 = tpu.vector_load %arg9[%swap3A_60, %swap3A_61] {strides = array<i32>} : memref<80x128xi32, #tpu.memory_space<vmem>>, vector<1x16xi32>,
      %swap3A_63 = vector.shape_cast %swap3A_62 : vector<1x16xi32> to vector<16xi32>
      %swap3A_64 = vector.shape_cast %add3A_59 : vector<16xi32> to vector<1x16xi32>
      tpu.vector_store %arg9[%swap3A_60, %swap3A_61], %swap3A_64 {strides = array<i32>} : memref<80x128xi32, #tpu.memory_space<vmem>>, vector<1x16xi32>,
      %mul3A_65 = arith.constant 128 : i32
      %mul3A_66 = arith.muli %scan3A_26, %mul3A_65 : i32
      %add3A_67 = arith.constant 32 : i32
      %add3A_68 = arith.addi %mul3A_66, %add3A_67 : i32
      %get3A_69 = arith.index_cast %add3A_68 : i32 to index
      %get3A_70 = tpu.vector_load %arg11[%get3A_69] {strides = array<i32>} : memref<5120xi32, #tpu.memory_space<vmem>>, vector<16xi32>,
      %get3A_71 = vector.shape_cast %get3A_70 : vector<16xi32> to vector<16xi32>
      %get3A_72 = arith.index_cast %add3A_68 : i32 to index
      %get3A_73 = tpu.vector_load %arg10[%get3A_72] {strides = array<i32>} : memref<5120xi32, #tpu.memory_space<vmem>>, vector<16xi32>,
      %get3A_74 = vector.shape_cast %get3A_73 : vector<16xi32> to vector<16xi32>
      %mul3A_75 = arith.constant 10000 : i32
      %mul3A_76 = vector.broadcast %mul3A_75 : i32 to vector<16xi32>
      %mul3A_77 = arith.muli %get3A_71, %mul3A_76 : vector<16xi32>
      %add3A_78 = arith.addi %mul3A_77, %get3A_74 : vector<16xi32>
      %swap3A_79 = arith.index_cast %add3A_28 : i32 to index
      %swap3A_80 = arith.constant 32 : index
      %swap3A_81 = tpu.vector_load %arg9[%swap3A_79, %swap3A_80] {strides = array<i32>} : memref<80x128xi32, #tpu.memory_space<vmem>>, vector<1x16xi32>,
      %swap3A_82 = vector.shape_cast %swap3A_81 : vector<1x16xi32> to vector<16xi32>
      %swap3A_83 = vector.shape_cast %add3A_78 : vector<16xi32> to vector<1x16xi32>
      tpu.vector_store %arg9[%swap3A_79, %swap3A_80], %swap3A_83 {strides = array<i32>} : memref<80x128xi32, #tpu.memory_space<vmem>>, vector<1x16xi32>,
      %mul3A_84 = arith.constant 128 : i32
      %mul3A_85 = arith.muli %scan3A_26, %mul3A_84 : i32
      %add3A_86 = arith.constant 48 : i32
      %add3A_87 = arith.addi %mul3A_85, %add3A_86 : i32
      %get3A_88 = arith.index_cast %add3A_87 : i32 to index
      %get3A_89 = tpu.vector_load %arg11[%get3A_88] {strides = array<i32>} : memref<5120xi32, #tpu.memory_space<vmem>>, vector<16xi32>,
      %get3A_90 = vector.shape_cast %get3A_89 : vector<16xi32> to vector<16xi32>
      %get3A_91 = arith.index_cast %add3A_87 : i32 to index
      %get3A_92 = tpu.vector_load %arg10[%get3A_91] {strides = array<i32>} : memref<5120xi32, #tpu.memory_space<vmem>>, vector<16xi32>,
      %get3A_93 = vector.shape_cast %get3A_92 : vector<16xi32> to vector<16xi32>
      %mul3A_94 = arith.constant 10000 : i32
      %mul3A_95 = vector.broadcast %mul3A_94 : i32 to vector<16xi32>
      %mul3A_96 = arith.muli %get3A_90, %mul3A_95 : vector<16xi32>
      %add3A_97 = arith.addi %mul3A_96, %get3A_93 : vector<16xi32>
      %swap3A_98 = arith.index_cast %add3A_28 : i32 to index
      %swap3A_99 = arith.constant 48 : index
      %swap3A_100 = tpu.vector_load %arg9[%swap3A_98, %swap3A_99] {strides = array<i32>} : memref<80x128xi32, #tpu.memory_space<vmem>>, vector<1x16xi32>,
      %swap3A_101 = vector.shape_cast %swap3A_100 : vector<1x16xi32> to vector<16xi32>
      %swap3A_102 = vector.shape_cast %add3A_97 : vector<16xi32> to vector<1x16xi32>
      tpu.vector_store %arg9[%swap3A_98, %swap3A_99], %swap3A_102 {strides = array<i32>} : memref<80x128xi32, #tpu.memory_space<vmem>>, vector<1x16xi32>,
      %mul3A_103 = arith.constant 128 : i32
      %mul3A_104 = arith.muli %scan3A_26, %mul3A_103 : i32
      %add3A_105 = arith.constant 64 : i32
      %add3A_106 = arith.addi %mul3A_104, %add3A_105 : i32
      %get3A_107 = arith.index_cast %add3A_106 : i32 to index
      %get3A_108 = tpu.vector_load %arg11[%get3A_107] {strides = array<i32>} : memref<5120xi32, #tpu.memory_space<vmem>>, vector<16xi32>,
      %get3A_109 = vector.shape_cast %get3A_108 : vector<16xi32> to vector<16xi32>
      %get3A_110 = arith.index_cast %add3A_106 : i32 to index
      %get3A_111 = tpu.vector_load %arg10[%get3A_110] {strides = array<i32>} : memref<5120xi32, #tpu.memory_space<vmem>>, vector<16xi32>,
      %get3A_112 = vector.shape_cast %get3A_111 : vector<16xi32> to vector<16xi32>
      %mul3A_113 = arith.constant 10000 : i32
      %mul3A_114 = vector.broadcast %mul3A_113 : i32 to vector<16xi32>
      %mul3A_115 = arith.muli %get3A_109, %mul3A_114 : vector<16xi32>
      %add3A_116 = arith.addi %mul3A_115, %get3A_112 : vector<16xi32>
      %swap3A_117 = arith.index_cast %add3A_28 : i32 to index
      %swap3A_118 = arith.constant 64 : index
      %swap3A_119 = tpu.vector_load %arg9[%swap3A_117, %swap3A_118] {strides = array<i32>} : memref<80x128xi32, #tpu.memory_space<vmem>>, vector<1x16xi32>,
      %swap3A_120 = vector.shape_cast %swap3A_119 : vector<1x16xi32> to vector<16xi32>
      %swap3A_121 = vector.shape_cast %add3A_116 : vector<16xi32> to vector<1x16xi32>
      tpu.vector_store %arg9[%swap3A_117, %swap3A_118], %swap3A_121 {strides = array<i32>} : memref<80x128xi32, #tpu.memory_space<vmem>>, vector<1x16xi32>,
      %mul3A_122 = arith.constant 128 : i32
      %mul3A_123 = arith.muli %scan3A_26, %mul3A_122 : i32
      %add3A_124 = arith.constant 80 : i32
      %add3A_125 = arith.addi %mul3A_123, %add3A_124 : i32
      %get3A_126 = arith.index_cast %add3A_125 : i32 to index
      %get3A_127 = tpu.vector_load %arg11[%get3A_126] {strides = array<i32>} : memref<5120xi32, #tpu.memory_space<vmem>>, vector<16xi32>,
      %get3A_128 = vector.shape_cast %get3A_127 : vector<16xi32> to vector<16xi32>
      %get3A_129 = arith.index_cast %add3A_125 : i32 to index
      %get3A_130 = tpu.vector_load %arg10[%get3A_129] {strides = array<i32>} : memref<5120xi32, #tpu.memory_space<vmem>>, vector<16xi32>,
      %get3A_131 = vector.shape_cast %get3A_130 : vector<16xi32> to vector<16xi32>
      %mul3A_132 = arith.constant 10000 : i32
      %mul3A_133 = vector.broadcast %mul3A_132 : i32 to vector<16xi32>
      %mul3A_134 = arith.muli %get3A_128, %mul3A_133 : vector<16xi32>
      %add3A_135 = arith.addi %mul3A_134, %get3A_131 : vector<16xi32>
      %swap3A_136 = arith.index_cast %add3A_28 : i32 to index
      %swap3A_137 = arith.constant 80 : index
      %swap3A_138 = tpu.vector_load %arg9[%swap3A_136, %swap3A_137] {strides = array<i32>} : memref<80x128xi32, #tpu.memory_space<vmem>>, vector<1x16xi32>,
      %swap3A_139 = vector.shape_cast %swap3A_138 : vector<1x16xi32> to vector<16xi32>
      %swap3A_140 = vector.shape_cast %add3A_135 : vector<16xi32> to vector<1x16xi32>
      tpu.vector_store %arg9[%swap3A_136, %swap3A_137], %swap3A_140 {strides = array<i32>} : memref<80x128xi32, #tpu.memory_space<vmem>>, vector<1x16xi32>,
      %mul3A_141 = arith.constant 128 : i32
      %mul3A_142 = arith.muli %scan3A_26, %mul3A_141 : i32
      %add3A_143 = arith.constant 96 : i32
      %add3A_144 = arith.addi %mul3A_142, %add3A_143 : i32
      %get3A_145 = arith.index_cast %add3A_144 : i32 to index
      %get3A_146 = tpu.vector_load %arg11[%get3A_145] {strides = array<i32>} : memref<5120xi32, #tpu.memory_space<vmem>>, vector<16xi32>,
      %get3A_147 = vector.shape_cast %get3A_146 : vector<16xi32> to vector<16xi32>
      %get3A_148 = arith.index_cast %add3A_144 : i32 to index
      %get3A_149 = tpu.vector_load %arg10[%get3A_148] {strides = array<i32>} : memref<5120xi32, #tpu.memory_space<vmem>>, vector<16xi32>,
      %get3A_150 = vector.shape_cast %get3A_149 : vector<16xi32> to vector<16xi32>
      %mul3A_151 = arith.constant 10000 : i32
      %mul3A_152 = vector.broadcast %mul3A_151 : i32 to vector<16xi32>
      %mul3A_153 = arith.muli %get3A_147, %mul3A_152 : vector<16xi32>
      %add3A_154 = arith.addi %mul3A_153, %get3A_150 : vector<16xi32>
      %swap3A_155 = arith.index_cast %add3A_28 : i32 to index
      %swap3A_156 = arith.constant 96 : index
      %swap3A_157 = tpu.vector_load %arg9[%swap3A_155, %swap3A_156] {strides = array<i32>} : memref<80x128xi32, #tpu.memory_space<vmem>>, vector<1x16xi32>,
      %swap3A_158 = vector.shape_cast %swap3A_157 : vector<1x16xi32> to vector<16xi32>
      %swap3A_159 = vector.shape_cast %add3A_154 : vector<16xi32> to vector<1x16xi32>
      tpu.vector_store %arg9[%swap3A_155, %swap3A_156], %swap3A_159 {strides = array<i32>} : memref<80x128xi32, #tpu.memory_space<vmem>>, vector<1x16xi32>,
      %mul3A_160 = arith.constant 128 : i32
      %mul3A_161 = arith.muli %scan3A_26, %mul3A_160 : i32
      %add3A_162 = arith.constant 112 : i32
      %add3A_163 = arith.addi %mul3A_161, %add3A_162 : i32
      %get3A_164 = arith.index_cast %add3A_163 : i32 to index
      %get3A_165 = tpu.vector_load %arg11[%get3A_164] {strides = array<i32>} : memref<5120xi32, #tpu.memory_space<vmem>>, vector<16xi32>,
      %get3A_166 = vector.shape_cast %get3A_165 : vector<16xi32> to vector<16xi32>
      %get3A_167 = arith.index_cast %add3A_163 : i32 to index
      %get3A_168 = tpu.vector_load %arg10[%get3A_167] {strides = array<i32>} : memref<5120xi32, #tpu.memory_space<vmem>>, vector<16xi32>,
      %get3A_169 = vector.shape_cast %get3A_168 : vector<16xi32> to vector<16xi32>
      %mul3A_170 = arith.constant 10000 : i32
      %mul3A_171 = vector.broadcast %mul3A_170 : i32 to vector<16xi32>
      %mul3A_172 = arith.muli %get3A_166, %mul3A_171 : vector<16xi32>
      %add3A_173 = arith.addi %mul3A_172, %get3A_169 : vector<16xi32>
      %swap3A_174 = arith.index_cast %add3A_28 : i32 to index
      %swap3A_175 = arith.constant 112 : index
      %swap3A_176 = tpu.vector_load %arg9[%swap3A_174, %swap3A_175] {strides = array<i32>} : memref<80x128xi32, #tpu.memory_space<vmem>>, vector<1x16xi32>,
      %swap3A_177 = vector.shape_cast %swap3A_176 : vector<1x16xi32> to vector<16xi32>
      %swap3A_178 = vector.shape_cast %add3A_173 : vector<16xi32> to vector<1x16xi32>
      tpu.vector_store %arg9[%swap3A_174, %swap3A_175], %swap3A_178 {strides = array<i32>} : memref<80x128xi32, #tpu.memory_space<vmem>>, vector<1x16xi32>,
    }
    %scan3A_8 = arith.constant 40 : i32
    %add3A_9 = arith.constant 5120 : i32
    %add3A_10 = arith.addi %mul3A_0, %add3A_9 : i32
    "tpu.region"() ({
      %run_scoped3A = tpu.sem_alloc : memref<!tpu.dma_semaphore, #tpu.memory_space<semaphore_mem>>
      %dma_start3A = tpu.memref_slice %arg4[%add3A_10] : memref<163840xi32, #tpu.memory_space<hbm>> -> memref<5120xi32, #tpu.memory_space<hbm>>
      %dma_start3A_26 = tpu.memref_slice %arg4[%add3A_10] : memref<163840xi32, #tpu.memory_space<hbm>> -> memref<5120xi32, #tpu.memory_space<hbm>>
      tpu.enqueue_dma source(%dma_start3A_26 : memref<5120xi32, #tpu.memory_space<hbm>>) target(%arg10 : memref<5120xi32, #tpu.memory_space<vmem>>) target_semaphore(%run_scoped3A : memref<!tpu.dma_semaphore, #tpu.memory_space<semaphore_mem>>)
      %dma_wait3A = tpu.memref_slice %arg4[%add3A_10] : memref<163840xi32, #tpu.memory_space<hbm>> -> memref<5120xi32, #tpu.memory_space<hbm>>
      %dma_wait3A_27 = tpu.memref_slice %arg4[%add3A_10] : memref<163840xi32, #tpu.memory_space<hbm>> -> memref<5120xi32, #tpu.memory_space<hbm>>
      tpu.wait_dma2 semaphore(%run_scoped3A : memref<!tpu.dma_semaphore, #tpu.memory_space<semaphore_mem>>) src(%dma_wait3A_27 : memref<5120xi32, #tpu.memory_space<hbm>>) dst(%arg10 : memref<5120xi32, #tpu.memory_space<vmem>>)
      tpu.yield
    }) : () -> ()
    %add3A_11 = arith.constant 5120 : i32
    %add3A_12 = arith.addi %mul3A_0, %add3A_11 : i32
    "tpu.region"() ({
      %run_scoped3A = tpu.sem_alloc : memref<!tpu.dma_semaphore, #tpu.memory_space<semaphore_mem>>
      %dma_start3A = tpu.memref_slice %arg5[%add3A_12] : memref<163840xi32, #tpu.memory_space<hbm>> -> memref<5120xi32, #tpu.memory_space<hbm>>
      %dma_start3A_26 = tpu.memref_slice %arg5[%add3A_12] : memref<163840xi32, #tpu.memory_space<hbm>> -> memref<5120xi32, #tpu.memory_space<hbm>>
      tpu.enqueue_dma source(%dma_start3A_26 : memref<5120xi32, #tpu.memory_space<hbm>>) target(%arg11 : memref<5120xi32, #tpu.memory_space<vmem>>) target_semaphore(%run_scoped3A : memref<!tpu.dma_semaphore, #tpu.memory_space<semaphore_mem>>)
      %dma_wait3A = tpu.memref_slice %arg5[%add3A_12] : memref<163840xi32, #tpu.memory_space<hbm>> -> memref<5120xi32, #tpu.memory_space<hbm>>
      %dma_wait3A_27 = tpu.memref_slice %arg5[%add3A_12] : memref<163840xi32, #tpu.memory_space<hbm>> -> memref<5120xi32, #tpu.memory_space<hbm>>
      tpu.wait_dma2 semaphore(%run_scoped3A : memref<!tpu.dma_semaphore, #tpu.memory_space<semaphore_mem>>) src(%dma_wait3A_27 : memref<5120xi32, #tpu.memory_space<hbm>>) dst(%arg11 : memref<5120xi32, #tpu.memory_space<vmem>>)
      tpu.yield
    }) : () -> ()
    %scan3A_13 = arith.constant 0 : i32
    %scan3A_14 = arith.constant 0 : i32
    %scan3A_15 = arith.constant 40 : i32
    %scan3A_16 = arith.addi %scan3A_14, %scan3A_15 : i32
    %scan3A_17 = arith.constant 1 : i32
    scf.for %scan3A_26 = %scan3A_14 to %scan3A_16 step %scan3A_17  : i32 {
      %add3A_27 = arith.constant 40 : i32
      %add3A_28 = arith.addi %add3A_27, %scan3A_26 : i32
      %mul3A_29 = arith.constant 128 : i32
      %mul3A_30 = arith.muli %scan3A_26, %mul3A_29 : i32
      %add3A_31 = arith.constant 0 : i32
      %add3A_32 = arith.addi %mul3A_30, %add3A_31 : i32
      %get3A = arith.index_cast %add3A_32 : i32 to index
      %get3A_33 = tpu.vector_load %arg11[%get3A] {strides = array<i32>} : memref<5120xi32, #tpu.memory_space<vmem>>, vector<16xi32>,
      %get3A_34 = vector.shape_cast %get3A_33 : vector<16xi32> to vector<16xi32>
      %get3A_35 = arith.index_cast %add3A_32 : i32 to index
      %get3A_36 = tpu.vector_load %arg10[%get3A_35] {strides = array<i32>} : memref<5120xi32, #tpu.memory_space<vmem>>, vector<16xi32>,
      %get3A_37 = vector.shape_cast %get3A_36 : vector<16xi32> to vector<16xi32>
      %mul3A_38 = arith.constant 10000 : i32
      %mul3A_39 = vector.broadcast %mul3A_38 : i32 to vector<16xi32>
      %mul3A_40 = arith.muli %get3A_34, %mul3A_39 : vector<16xi32>
      %add3A_41 = arith.addi %mul3A_40, %get3A_37 : vector<16xi32>
      %swap3A = arith.index_cast %add3A_28 : i32 to index
      %swap3A_42 = arith.constant 0 : index
      %swap3A_43 = tpu.vector_load %arg9[%swap3A, %swap3A_42] {strides = array<i32>} : memref<80x128xi32, #tpu.memory_space<vmem>>, vector<1x16xi32>,
      %swap3A_44 = vector.shape_cast %swap3A_43 : vector<1x16xi32> to vector<16xi32>
      %swap3A_45 = vector.shape_cast %add3A_41 : vector<16xi32> to vector<1x16xi32>
      tpu.vector_store %arg9[%swap3A, %swap3A_42], %swap3A_45 {strides = array<i32>} : memref<80x128xi32, #tpu.memory_space<vmem>>, vector<1x16xi32>,
      %mul3A_46 = arith.constant 128 : i32
      %mul3A_47 = arith.muli %scan3A_26, %mul3A_46 : i32
      %add3A_48 = arith.constant 16 : i32
      %add3A_49 = arith.addi %mul3A_47, %add3A_48 : i32
      %get3A_50 = arith.index_cast %add3A_49 : i32 to index
      %get3A_51 = tpu.vector_load %arg11[%get3A_50] {strides = array<i32>} : memref<5120xi32, #tpu.memory_space<vmem>>, vector<16xi32>,
      %get3A_52 = vector.shape_cast %get3A_51 : vector<16xi32> to vector<16xi32>
      %get3A_53 = arith.index_cast %add3A_49 : i32 to index
      %get3A_54 = tpu.vector_load %arg10[%get3A_53] {strides = array<i32>} : memref<5120xi32, #tpu.memory_space<vmem>>, vector<16xi32>,
      %get3A_55 = vector.shape_cast %get3A_54 : vector<16xi32> to vector<16xi32>
      %mul3A_56 = arith.constant 10000 : i32
      %mul3A_57 = vector.broadcast %mul3A_56 : i32 to vector<16xi32>
      %mul3A_58 = arith.muli %get3A_52, %mul3A_57 : vector<16xi32>
      %add3A_59 = arith.addi %mul3A_58, %get3A_55 : vector<16xi32>
      %swap3A_60 = arith.index_cast %add3A_28 : i32 to index
      %swap3A_61 = arith.constant 16 : index
      %swap3A_62 = tpu.vector_load %arg9[%swap3A_60, %swap3A_61] {strides = array<i32>} : memref<80x128xi32, #tpu.memory_space<vmem>>, vector<1x16xi32>,
      %swap3A_63 = vector.shape_cast %swap3A_62 : vector<1x16xi32> to vector<16xi32>
      %swap3A_64 = vector.shape_cast %add3A_59 : vector<16xi32> to vector<1x16xi32>
      tpu.vector_store %arg9[%swap3A_60, %swap3A_61], %swap3A_64 {strides = array<i32>} : memref<80x128xi32, #tpu.memory_space<vmem>>, vector<1x16xi32>,
      %mul3A_65 = arith.constant 128 : i32
      %mul3A_66 = arith.muli %scan3A_26, %mul3A_65 : i32
      %add3A_67 = arith.constant 32 : i32
      %add3A_68 = arith.addi %mul3A_66, %add3A_67 : i32
      %get3A_69 = arith.index_cast %add3A_68 : i32 to index
      %get3A_70 = tpu.vector_load %arg11[%get3A_69] {strides = array<i32>} : memref<5120xi32, #tpu.memory_space<vmem>>, vector<16xi32>,
      %get3A_71 = vector.shape_cast %get3A_70 : vector<16xi32> to vector<16xi32>
      %get3A_72 = arith.index_cast %add3A_68 : i32 to index
      %get3A_73 = tpu.vector_load %arg10[%get3A_72] {strides = array<i32>} : memref<5120xi32, #tpu.memory_space<vmem>>, vector<16xi32>,
      %get3A_74 = vector.shape_cast %get3A_73 : vector<16xi32> to vector<16xi32>
      %mul3A_75 = arith.constant 10000 : i32
      %mul3A_76 = vector.broadcast %mul3A_75 : i32 to vector<16xi32>
      %mul3A_77 = arith.muli %get3A_71, %mul3A_76 : vector<16xi32>
      %add3A_78 = arith.addi %mul3A_77, %get3A_74 : vector<16xi32>
      %swap3A_79 = arith.index_cast %add3A_28 : i32 to index
      %swap3A_80 = arith.constant 32 : index
      %swap3A_81 = tpu.vector_load %arg9[%swap3A_79, %swap3A_80] {strides = array<i32>} : memref<80x128xi32, #tpu.memory_space<vmem>>, vector<1x16xi32>,
      %swap3A_82 = vector.shape_cast %swap3A_81 : vector<1x16xi32> to vector<16xi32>
      %swap3A_83 = vector.shape_cast %add3A_78 : vector<16xi32> to vector<1x16xi32>
      tpu.vector_store %arg9[%swap3A_79, %swap3A_80], %swap3A_83 {strides = array<i32>} : memref<80x128xi32, #tpu.memory_space<vmem>>, vector<1x16xi32>,
      %mul3A_84 = arith.constant 128 : i32
      %mul3A_85 = arith.muli %scan3A_26, %mul3A_84 : i32
      %add3A_86 = arith.constant 48 : i32
      %add3A_87 = arith.addi %mul3A_85, %add3A_86 : i32
      %get3A_88 = arith.index_cast %add3A_87 : i32 to index
      %get3A_89 = tpu.vector_load %arg11[%get3A_88] {strides = array<i32>} : memref<5120xi32, #tpu.memory_space<vmem>>, vector<16xi32>,
      %get3A_90 = vector.shape_cast %get3A_89 : vector<16xi32> to vector<16xi32>
      %get3A_91 = arith.index_cast %add3A_87 : i32 to index
      %get3A_92 = tpu.vector_load %arg10[%get3A_91] {strides = array<i32>} : memref<5120xi32, #tpu.memory_space<vmem>>, vector<16xi32>,
      %get3A_93 = vector.shape_cast %get3A_92 : vector<16xi32> to vector<16xi32>
      %mul3A_94 = arith.constant 10000 : i32
      %mul3A_95 = vector.broadcast %mul3A_94 : i32 to vector<16xi32>
      %mul3A_96 = arith.muli %get3A_90, %mul3A_95 : vector<16xi32>
      %add3A_97 = arith.addi %mul3A_96, %get3A_93 : vector<16xi32>
      %swap3A_98 = arith.index_cast %add3A_28 : i32 to index
      %swap3A_99 = arith.constant 48 : index
      %swap3A_100 = tpu.vector_load %arg9[%swap3A_98, %swap3A_99] {strides = array<i32>} : memref<80x128xi32, #tpu.memory_space<vmem>>, vector<1x16xi32>,
      %swap3A_101 = vector.shape_cast %swap3A_100 : vector<1x16xi32> to vector<16xi32>
      %swap3A_102 = vector.shape_cast %add3A_97 : vector<16xi32> to vector<1x16xi32>
      tpu.vector_store %arg9[%swap3A_98, %swap3A_99], %swap3A_102 {strides = array<i32>} : memref<80x128xi32, #tpu.memory_space<vmem>>, vector<1x16xi32>,
      %mul3A_103 = arith.constant 128 : i32
      %mul3A_104 = arith.muli %scan3A_26, %mul3A_103 : i32
      %add3A_105 = arith.constant 64 : i32
      %add3A_106 = arith.addi %mul3A_104, %add3A_105 : i32
      %get3A_107 = arith.index_cast %add3A_106 : i32 to index
      %get3A_108 = tpu.vector_load %arg11[%get3A_107] {strides = array<i32>} : memref<5120xi32, #tpu.memory_space<vmem>>, vector<16xi32>,
      %get3A_109 = vector.shape_cast %get3A_108 : vector<16xi32> to vector<16xi32>
      %get3A_110 = arith.index_cast %add3A_106 : i32 to index
      %get3A_111 = tpu.vector_load %arg10[%get3A_110] {strides = array<i32>} : memref<5120xi32, #tpu.memory_space<vmem>>, vector<16xi32>,
      %get3A_112 = vector.shape_cast %get3A_111 : vector<16xi32> to vector<16xi32>
      %mul3A_113 = arith.constant 10000 : i32
      %mul3A_114 = vector.broadcast %mul3A_113 : i32 to vector<16xi32>
      %mul3A_115 = arith.muli %get3A_109, %mul3A_114 : vector<16xi32>
      %add3A_116 = arith.addi %mul3A_115, %get3A_112 : vector<16xi32>
      %swap3A_117 = arith.index_cast %add3A_28 : i32 to index
      %swap3A_118 = arith.constant 64 : index
      %swap3A_119 = tpu.vector_load %arg9[%swap3A_117, %swap3A_118] {strides = array<i32>} : memref<80x128xi32, #tpu.memory_space<vmem>>, vector<1x16xi32>,
      %swap3A_120 = vector.shape_cast %swap3A_119 : vector<1x16xi32> to vector<16xi32>
      %swap3A_121 = vector.shape_cast %add3A_116 : vector<16xi32> to vector<1x16xi32>
      tpu.vector_store %arg9[%swap3A_117, %swap3A_118], %swap3A_121 {strides = array<i32>} : memref<80x128xi32, #tpu.memory_space<vmem>>, vector<1x16xi32>,
      %mul3A_122 = arith.constant 128 : i32
      %mul3A_123 = arith.muli %scan3A_26, %mul3A_122 : i32
      %add3A_124 = arith.constant 80 : i32
      %add3A_125 = arith.addi %mul3A_123, %add3A_124 : i32
      %get3A_126 = arith.index_cast %add3A_125 : i32 to index
      %get3A_127 = tpu.vector_load %arg11[%get3A_126] {strides = array<i32>} : memref<5120xi32, #tpu.memory_space<vmem>>, vector<16xi32>,
      %get3A_128 = vector.shape_cast %get3A_127 : vector<16xi32> to vector<16xi32>
      %get3A_129 = arith.index_cast %add3A_125 : i32 to index
      %get3A_130 = tpu.vector_load %arg10[%get3A_129] {strides = array<i32>} : memref<5120xi32, #tpu.memory_space<vmem>>, vector<16xi32>,
      %get3A_131 = vector.shape_cast %get3A_130 : vector<16xi32> to vector<16xi32>
      %mul3A_132 = arith.constant 10000 : i32
      %mul3A_133 = vector.broadcast %mul3A_132 : i32 to vector<16xi32>
      %mul3A_134 = arith.muli %get3A_128, %mul3A_133 : vector<16xi32>
      %add3A_135 = arith.addi %mul3A_134, %get3A_131 : vector<16xi32>
      %swap3A_136 = arith.index_cast %add3A_28 : i32 to index
      %swap3A_137 = arith.constant 80 : index
      %swap3A_138 = tpu.vector_load %arg9[%swap3A_136, %swap3A_137] {strides = array<i32>} : memref<80x128xi32, #tpu.memory_space<vmem>>, vector<1x16xi32>,
      %swap3A_139 = vector.shape_cast %swap3A_138 : vector<1x16xi32> to vector<16xi32>
      %swap3A_140 = vector.shape_cast %add3A_135 : vector<16xi32> to vector<1x16xi32>
      tpu.vector_store %arg9[%swap3A_136, %swap3A_137], %swap3A_140 {strides = array<i32>} : memref<80x128xi32, #tpu.memory_space<vmem>>, vector<1x16xi32>,
      %mul3A_141 = arith.constant 128 : i32
      %mul3A_142 = arith.muli %scan3A_26, %mul3A_141 : i32
      %add3A_143 = arith.constant 96 : i32
      %add3A_144 = arith.addi %mul3A_142, %add3A_143 : i32
      %get3A_145 = arith.index_cast %add3A_144 : i32 to index
      %get3A_146 = tpu.vector_load %arg11[%get3A_145] {strides = array<i32>} : memref<5120xi32, #tpu.memory_space<vmem>>, vector<16xi32>,
      %get3A_147 = vector.shape_cast %get3A_146 : vector<16xi32> to vector<16xi32>
      %get3A_148 = arith.index_cast %add3A_144 : i32 to index
      %get3A_149 = tpu.vector_load %arg10[%get3A_148] {strides = array<i32>} : memref<5120xi32, #tpu.memory_space<vmem>>, vector<16xi32>,
      %get3A_150 = vector.shape_cast %get3A_149 : vector<16xi32> to vector<16xi32>
      %mul3A_151 = arith.constant 10000 : i32
      %mul3A_152 = vector.broadcast %mul3A_151 : i32 to vector<16xi32>
      %mul3A_153 = arith.muli %get3A_147, %mul3A_152 : vector<16xi32>
      %add3A_154 = arith.addi %mul3A_153, %get3A_150 : vector<16xi32>
      %swap3A_155 = arith.index_cast %add3A_28 : i32 to index
      %swap3A_156 = arith.constant 96 : index
      %swap3A_157 = tpu.vector_load %arg9[%swap3A_155, %swap3A_156] {strides = array<i32>} : memref<80x128xi32, #tpu.memory_space<vmem>>, vector<1x16xi32>,
      %swap3A_158 = vector.shape_cast %swap3A_157 : vector<1x16xi32> to vector<16xi32>
      %swap3A_159 = vector.shape_cast %add3A_154 : vector<16xi32> to vector<1x16xi32>
      tpu.vector_store %arg9[%swap3A_155, %swap3A_156], %swap3A_159 {strides = array<i32>} : memref<80x128xi32, #tpu.memory_space<vmem>>, vector<1x16xi32>,
      %mul3A_160 = arith.constant 128 : i32
      %mul3A_161 = arith.muli %scan3A_26, %mul3A_160 : i32
      %add3A_162 = arith.constant 112 : i32
      %add3A_163 = arith.addi %mul3A_161, %add3A_162 : i32
      %get3A_164 = arith.index_cast %add3A_163 : i32 to index
      %get3A_165 = tpu.vector_load %arg11[%get3A_164] {strides = array<i32>} : memref<5120xi32, #tpu.memory_space<vmem>>, vector<16xi32>,
      %get3A_166 = vector.shape_cast %get3A_165 : vector<16xi32> to vector<16xi32>
      %get3A_167 = arith.index_cast %add3A_163 : i32 to index
      %get3A_168 = tpu.vector_load %arg10[%get3A_167] {strides = array<i32>} : memref<5120xi32, #tpu.memory_space<vmem>>, vector<16xi32>,
      %get3A_169 = vector.shape_cast %get3A_168 : vector<16xi32> to vector<16xi32>
      %mul3A_170 = arith.constant 10000 : i32
      %mul3A_171 = vector.broadcast %mul3A_170 : i32 to vector<16xi32>
      %mul3A_172 = arith.muli %get3A_166, %mul3A_171 : vector<16xi32>
      %add3A_173 = arith.addi %mul3A_172, %get3A_169 : vector<16xi32>
      %swap3A_174 = arith.index_cast %add3A_28 : i32 to index
      %swap3A_175 = arith.constant 112 : index
      %swap3A_176 = tpu.vector_load %arg9[%swap3A_174, %swap3A_175] {strides = array<i32>} : memref<80x128xi32, #tpu.memory_space<vmem>>, vector<1x16xi32>,
      %swap3A_177 = vector.shape_cast %swap3A_176 : vector<1x16xi32> to vector<16xi32>
      %swap3A_178 = vector.shape_cast %add3A_173 : vector<16xi32> to vector<1x16xi32>
      tpu.vector_store %arg9[%swap3A_174, %swap3A_175], %swap3A_178 {strides = array<i32>} : memref<80x128xi32, #tpu.memory_space<vmem>>, vector<1x16xi32>,
    }
    %scan3A_18 = arith.constant 40 : i32
    %eq3A = arith.constant 0 : i32
    %eq3A_19 = arith.cmpi eq, %arg0, %eq3A : i32
    %convert_element_type3A = arith.extui %eq3A_19 : i1 to i32
    %cond3A = arith.constant 0 : i32
    %cond3A_20 = arith.cmpi ne, %convert_element_type3A, %cond3A : i32
    scf.if %cond3A_20 {
      %scan3A_26 = arith.constant 0 : i32
      %scan3A_27 = arith.constant 0 : i32
      %scan3A_28 = arith.constant 8 : i32
      %scan3A_29 = arith.addi %scan3A_27, %scan3A_28 : i32
      %scan3A_30 = arith.constant 1 : i32
      scf.for %scan3A_155 = %scan3A_27 to %scan3A_29 step %scan3A_30  : i32 {
        %mul3A_156 = arith.constant 5120 : i32
        %mul3A_157 = arith.muli %arg1, %mul3A_156 : i32
        %mul3A_158 = arith.constant 640 : i32
        %mul3A_159 = arith.muli %scan3A_155, %mul3A_158 : i32
        %add3A_160 = arith.addi %mul3A_157, %mul3A_159 : i32
        "tpu.region"() ({
          %run_scoped3A = tpu.sem_alloc : memref<!tpu.dma_semaphore, #tpu.memory_space<semaphore_mem>>
          %dma_start3A_161 = arith.constant 0 : i32
          %dma_start3A_162 = tpu.memref_slice %arg15[%add3A_160, %dma_start3A_161] : memref<81920x32xbf16, #tpu.memory_space<vmem_shared>> -> memref<640x32xbf16, #tpu.memory_space<vmem_shared>>
          %dma_start3A_163 = arith.constant 0 : i32
          %dma_start3A_164 = tpu.memref_slice %arg15[%add3A_160, %dma_start3A_163] : memref<81920x32xbf16, #tpu.memory_space<vmem_shared>> -> memref<640x32xbf16, #tpu.memory_space<vmem_shared>>
          tpu.enqueue_dma source(%arg14 : memref<640x32xbf16, #tpu.memory_space<vmem>>) target(%dma_start3A_164 : memref<640x32xbf16, #tpu.memory_space<vmem_shared>>) target_semaphore(%run_scoped3A : memref<!tpu.dma_semaphore, #tpu.memory_space<semaphore_mem>>)
          %dma_wait3A = arith.constant 0 : i32
          %dma_wait3A_165 = tpu.memref_slice %arg15[%add3A_160, %dma_wait3A] : memref<81920x32xbf16, #tpu.memory_space<vmem_shared>> -> memref<640x32xbf16, #tpu.memory_space<vmem_shared>>
          %dma_wait3A_166 = arith.constant 0 : i32
          %dma_wait3A_167 = tpu.memref_slice %arg15[%add3A_160, %dma_wait3A_166] : memref<81920x32xbf16, #tpu.memory_space<vmem_shared>> -> memref<640x32xbf16, #tpu.memory_space<vmem_shared>>
          tpu.wait_dma2 semaphore(%run_scoped3A : memref<!tpu.dma_semaphore, #tpu.memory_space<semaphore_mem>>) src(%arg14 : memref<640x32xbf16, #tpu.memory_space<vmem>>) dst(%dma_wait3A_167 : memref<640x32xbf16, #tpu.memory_space<vmem_shared>>)
          tpu.yield
        }) : () -> ()
      }
      %scan3A_31 = arith.constant 8 : i32
      %barrier3A = arith.constant 0 : index
      tpu.barrier barrier_id(%barrier3A)
      %dma_start3A = arith.constant 0 : i32
      %dma_start3A_32 = arith.constant 0 : i32
      %dma_start3A_33 = tpu.memref_slice %arg8[%dma_start3A_32] : memref<10240xi32, #tpu.memory_space<vmem>> -> memref<128xi32, #tpu.memory_space<vmem>>
      %dma_start3A_34 = arith.constant 0 : i32
      %dma_start3A_35 = arith.constant 0 : i32
      %dma_start3A_36 = tpu.memref_slice %arg2[%dma_start3A, %dma_start3A_34, %dma_start3A_35] : memref<4x10000x32xbf16, #tpu.memory_space<hbm>> -> memref<1x10000x32xbf16, #tpu.memory_space<hbm>>
      %dma_start3A_37 = tpu.memref_squeeze %dma_start3A_36 : memref<1x10000x32xbf16, #tpu.memory_space<hbm>> -> memref<10000x32xbf16, #tpu.memory_space<hbm>>
      %dma_start3A_38 = arith.constant 0 : i32
      %dma_start3A_39 = arith.constant 0 : i32
      %dma_start3A_40 = tpu.memref_slice %dma_start3A_37[%dma_start3A_38, %dma_start3A_39] : memref<10000x32xbf16, #tpu.memory_space<hbm>> -> memref<10000x32xbf16, #tpu.memory_space<hbm>>
      tpu.enqueue_indirect_dma source(%dma_start3A_40 : memref<10000x32xbf16, #tpu.memory_space<hbm>>) target(%arg12 : memref<128x32xbf16, #tpu.memory_space<vmem>>) offsets(%dma_start3A_33 : memref<128xi32, #tpu.memory_space<vmem>>) semaphore(%arg18 : memref<!tpu.dma_semaphore, #tpu.memory_space<semaphore_mem>>)
      %scan3A_41 = arith.constant 0 : i32
      %scan3A_42 = arith.constant 0 : i32
      %scan3A_43 = arith.constant 0 : i32
      %scan3A_44 = arith.constant 40 : i32
      %scan3A_45 = arith.addi %scan3A_43, %scan3A_44 : i32
      %scan3A_46 = arith.constant 1 : i32
      scf.for %scan3A_155 = %scan3A_43 to %scan3A_45 step %scan3A_46  : i32 {
        %mul3A_156 = arith.constant 2 : i32
        %mul3A_157 = arith.muli %mul3A_156, %scan3A_155 : i32
        %add3A_158 = arith.constant 1 : i32
        %add3A_159 = arith.addi %mul3A_157, %add3A_158 : i32
        %mul3A_160 = arith.constant 128 : i32
        %mul3A_161 = arith.muli %mul3A_157, %mul3A_160 : i32
        %dma_wait3A = tpu.memref_slice %arg8[%mul3A_161] : memref<10240xi32, #tpu.memory_space<vmem>> -> memref<128xi32, #tpu.memory_space<vmem>>
        %dma_wait3A_162 = arith.constant 0 : i32
        %dma_wait3A_163 = arith.constant 0 : i32
        %dma_wait3A_164 = tpu.memref_slice %arg2[%scan3A_42, %dma_wait3A_162, %dma_wait3A_163] : memref<4x10000x32xbf16, #tpu.memory_space<hbm>> -> memref<1x10000x32xbf16, #tpu.memory_space<hbm>>
        %dma_wait3A_165 = tpu.memref_squeeze %dma_wait3A_164 : memref<1x10000x32xbf16, #tpu.memory_space<hbm>> -> memref<10000x32xbf16, #tpu.memory_space<hbm>>
        %dma_wait3A_166 = arith.constant 0 : i32
        %dma_wait3A_167 = arith.constant 0 : i32
        %dma_wait3A_168 = tpu.memref_slice %dma_wait3A_165[%dma_wait3A_166, %dma_wait3A_167] : memref<10000x32xbf16, #tpu.memory_space<hbm>> -> memref<10000x32xbf16, #tpu.memory_space<hbm>>
        tpu.wait_indirect_dma semaphore(%arg18 : memref<!tpu.dma_semaphore, #tpu.memory_space<semaphore_mem>>) src(%dma_wait3A_168 : memref<10000x32xbf16, #tpu.memory_space<hbm>>) dst(%arg12 : memref<128x32xbf16, #tpu.memory_space<vmem>>)
        %mul3A_169 = arith.constant 128 : i32
        %mul3A_170 = arith.muli %add3A_159, %mul3A_169 : i32
        %dma_start3A_171 = tpu.memref_slice %arg8[%mul3A_170] : memref<10240xi32, #tpu.memory_space<vmem>> -> memref<128xi32, #tpu.memory_space<vmem>>
        %dma_start3A_172 = arith.constant 0 : i32
        %dma_start3A_173 = arith.constant 0 : i32
        %dma_start3A_174 = tpu.memref_slice %arg2[%scan3A_42, %dma_start3A_172, %dma_start3A_173] : memref<4x10000x32xbf16, #tpu.memory_space<hbm>> -> memref<1x10000x32xbf16, #tpu.memory_space<hbm>>
        %dma_start3A_175 = tpu.memref_squeeze %dma_start3A_174 : memref<1x10000x32xbf16, #tpu.memory_space<hbm>> -> memref<10000x32xbf16, #tpu.memory_space<hbm>>
        %dma_start3A_176 = arith.constant 0 : i32
        %dma_start3A_177 = arith.constant 0 : i32
        %dma_start3A_178 = tpu.memref_slice %dma_start3A_175[%dma_start3A_176, %dma_start3A_177] : memref<10000x32xbf16, #tpu.memory_space<hbm>> -> memref<10000x32xbf16, #tpu.memory_space<hbm>>
        tpu.enqueue_indirect_dma source(%dma_start3A_178 : memref<10000x32xbf16, #tpu.memory_space<hbm>>) target(%arg13 : memref<128x32xbf16, #tpu.memory_space<vmem>>) offsets(%dma_start3A_171 : memref<128xi32, #tpu.memory_space<vmem>>) semaphore(%arg19 : memref<!tpu.dma_semaphore, #tpu.memory_space<semaphore_mem>>)
        "tpu.region"() ({
          %run_scoped3A = tpu.sem_alloc : memref<!tpu.dma_semaphore, #tpu.memory_space<semaphore_mem>>
          %dma_start3A_196 = arith.constant 0 : i32
          %dma_start3A_197 = tpu.memref_slice %arg9[%mul3A_157, %dma_start3A_196] : memref<80x128xi32, #tpu.memory_space<vmem>> -> memref<1x128xi32, #tpu.memory_space<vmem>>
          %dma_start3A_198 = tpu.memref_squeeze %dma_start3A_197 : memref<1x128xi32, #tpu.memory_space<vmem>> -> memref<128xi32, #tpu.memory_space<vmem>>
          %dma_start3A_199 = arith.constant 0 : i32
          %dma_start3A_200 = arith.constant 0 : i32
          %dma_start3A_201 = tpu.memref_slice %arg15[%dma_start3A_199, %dma_start3A_200] : memref<81920x32xbf16, #tpu.memory_space<vmem_shared>> -> memref<81920x32xbf16, #tpu.memory_space<vmem_shared>>
          tpu.enqueue_indirect_dma source(%arg12 : memref<128x32xbf16, #tpu.memory_space<vmem>>) target(%dma_start3A_201 : memref<81920x32xbf16, #tpu.memory_space<vmem_shared>>) offsets(%dma_start3A_198 : memref<128xi32, #tpu.memory_space<vmem>>) semaphore(%run_scoped3A : memref<!tpu.dma_semaphore, #tpu.memory_space<semaphore_mem>>) {add = true}
          %dma_wait3A_202 = arith.constant 0 : i32
          %dma_wait3A_203 = tpu.memref_slice %arg9[%mul3A_157, %dma_wait3A_202] : memref<80x128xi32, #tpu.memory_space<vmem>> -> memref<1x128xi32, #tpu.memory_space<vmem>>
          %dma_wait3A_204 = tpu.memref_squeeze %dma_wait3A_203 : memref<1x128xi32, #tpu.memory_space<vmem>> -> memref<128xi32, #tpu.memory_space<vmem>>
          %dma_wait3A_205 = arith.constant 0 : i32
          %dma_wait3A_206 = arith.constant 0 : i32
          %dma_wait3A_207 = tpu.memref_slice %arg15[%dma_wait3A_205, %dma_wait3A_206] : memref<81920x32xbf16, #tpu.memory_space<vmem_shared>> -> memref<81920x32xbf16, #tpu.memory_space<vmem_shared>>
          tpu.wait_indirect_dma semaphore(%run_scoped3A : memref<!tpu.dma_semaphore, #tpu.memory_space<semaphore_mem>>) src(%arg12 : memref<128x32xbf16, #tpu.memory_space<vmem>>) dst(%dma_wait3A_207 : memref<81920x32xbf16, #tpu.memory_space<vmem_shared>>)
          tpu.yield
        }) : () -> ()
        %mul3A_179 = arith.constant 128 : i32
        %mul3A_180 = arith.muli %add3A_159, %mul3A_179 : i32
        %dma_wait3A_181 = tpu.memref_slice %arg8[%mul3A_180] : memref<10240xi32, #tpu.memory_space<vmem>> -> memref<128xi32, #tpu.memory_space<vmem>>
        %dma_wait3A_182 = arith.constant 0 : i32
        %dma_wait3A_183 = arith.constant 0 : i32
        %dma_wait3A_184 = tpu.memref_slice %arg2[%scan3A_42, %dma_wait3A_182, %dma_wait3A_183] : memref<4x10000x32xbf16, #tpu.memory_space<hbm>> -> memref<1x10000x32xbf16, #tpu.memory_space<hbm>>
        %dma_wait3A_185 = tpu.memref_squeeze %dma_wait3A_184 : memref<1x10000x32xbf16, #tpu.memory_space<hbm>> -> memref<10000x32xbf16, #tpu.memory_space<hbm>>
        %dma_wait3A_186 = arith.constant 0 : i32
        %dma_wait3A_187 = arith.constant 0 : i32
        %dma_wait3A_188 = tpu.memref_slice %dma_wait3A_185[%dma_wait3A_186, %dma_wait3A_187] : memref<10000x32xbf16, #tpu.memory_space<hbm>> -> memref<10000x32xbf16, #tpu.memory_space<hbm>>
        tpu.wait_indirect_dma semaphore(%arg19 : memref<!tpu.dma_semaphore, #tpu.memory_space<semaphore_mem>>) src(%dma_wait3A_188 : memref<10000x32xbf16, #tpu.memory_space<hbm>>) dst(%arg13 : memref<128x32xbf16, #tpu.memory_space<vmem>>)
        %add3A_189 = arith.constant 1 : i32
        %add3A_190 = arith.addi %scan3A_155, %add3A_189 : i32
        %lt3A_191 = arith.constant 40 : i32
        %lt3A_192 = arith.cmpi slt, %add3A_190, %lt3A_191 : i32
        %convert_element_type3A_193 = arith.extui %lt3A_192 : i1 to i32
        %cond3A_194 = arith.constant 0 : i32
        %cond3A_195 = arith.cmpi ne, %convert_element_type3A_193, %cond3A_194 : i32
        scf.if %cond3A_195 {
          %add3A_196 = arith.constant 2 : i32
          %add3A_197 = arith.addi %mul3A_157, %add3A_196 : i32
          %mul3A_198 = arith.constant 128 : i32
          %mul3A_199 = arith.muli %add3A_197, %mul3A_198 : i32
          %dma_start3A_200 = tpu.memref_slice %arg8[%mul3A_199] : memref<10240xi32, #tpu.memory_space<vmem>> -> memref<128xi32, #tpu.memory_space<vmem>>
          %dma_start3A_201 = arith.constant 0 : i32
          %dma_start3A_202 = arith.constant 0 : i32
          %dma_start3A_203 = tpu.memref_slice %arg2[%scan3A_42, %dma_start3A_201, %dma_start3A_202] : memref<4x10000x32xbf16, #tpu.memory_space<hbm>> -> memref<1x10000x32xbf16, #tpu.memory_space<hbm>>
          %dma_start3A_204 = tpu.memref_squeeze %dma_start3A_203 : memref<1x10000x32xbf16, #tpu.memory_space<hbm>> -> memref<10000x32xbf16, #tpu.memory_space<hbm>>
          %dma_start3A_205 = arith.constant 0 : i32
          %dma_start3A_206 = arith.constant 0 : i32
          %dma_start3A_207 = tpu.memref_slice %dma_start3A_204[%dma_start3A_205, %dma_start3A_206] : memref<10000x32xbf16, #tpu.memory_space<hbm>> -> memref<10000x32xbf16, #tpu.memory_space<hbm>>
          tpu.enqueue_indirect_dma source(%dma_start3A_207 : memref<10000x32xbf16, #tpu.memory_space<hbm>>) target(%arg12 : memref<128x32xbf16, #tpu.memory_space<vmem>>) offsets(%dma_start3A_200 : memref<128xi32, #tpu.memory_space<vmem>>) semaphore(%arg18 : memref<!tpu.dma_semaphore, #tpu.memory_space<semaphore_mem>>)
        } else {
        }
        "tpu.region"() ({
          %run_scoped3A = tpu.sem_alloc : memref<!tpu.dma_semaphore, #tpu.memory_space<semaphore_mem>>
          %dma_start3A_196 = arith.constant 0 : i32
          %dma_start3A_197 = tpu.memref_slice %arg9[%add3A_159, %dma_start3A_196] : memref<80x128xi32, #tpu.memory_space<vmem>> -> memref<1x128xi32, #tpu.memory_space<vmem>>
          %dma_start3A_198 = tpu.memref_squeeze %dma_start3A_197 : memref<1x128xi32, #tpu.memory_space<vmem>> -> memref<128xi32, #tpu.memory_space<vmem>>
          %dma_start3A_199 = arith.constant 0 : i32
          %dma_start3A_200 = arith.constant 0 : i32
          %dma_start3A_201 = tpu.memref_slice %arg15[%dma_start3A_199, %dma_start3A_200] : memref<81920x32xbf16, #tpu.memory_space<vmem_shared>> -> memref<81920x32xbf16, #tpu.memory_space<vmem_shared>>
          tpu.enqueue_indirect_dma source(%arg13 : memref<128x32xbf16, #tpu.memory_space<vmem>>) target(%dma_start3A_201 : memref<81920x32xbf16, #tpu.memory_space<vmem_shared>>) offsets(%dma_start3A_198 : memref<128xi32, #tpu.memory_space<vmem>>) semaphore(%run_scoped3A : memref<!tpu.dma_semaphore, #tpu.memory_space<semaphore_mem>>) {add = true}
          %dma_wait3A_202 = arith.constant 0 : i32
          %dma_wait3A_203 = tpu.memref_slice %arg9[%add3A_159, %dma_wait3A_202] : memref<80x128xi32, #tpu.memory_space<vmem>> -> memref<1x128xi32, #tpu.memory_space<vmem>>
          %dma_wait3A_204 = tpu.memref_squeeze %dma_wait3A_203 : memref<1x128xi32, #tpu.memory_space<vmem>> -> memref<128xi32, #tpu.memory_space<vmem>>
          %dma_wait3A_205 = arith.constant 0 : i32
          %dma_wait3A_206 = arith.constant 0 : i32
          %dma_wait3A_207 = tpu.memref_slice %arg15[%dma_wait3A_205, %dma_wait3A_206] : memref<81920x32xbf16, #tpu.memory_space<vmem_shared>> -> memref<81920x32xbf16, #tpu.memory_space<vmem_shared>>
          tpu.wait_indirect_dma semaphore(%run_scoped3A : memref<!tpu.dma_semaphore, #tpu.memory_space<semaphore_mem>>) src(%arg13 : memref<128x32xbf16, #tpu.memory_space<vmem>>) dst(%dma_wait3A_207 : memref<81920x32xbf16, #tpu.memory_space<vmem_shared>>)
          tpu.yield
        }) : () -> ()
      }
      %scan3A_47 = arith.constant 40 : i32
      %barrier3A_48 = arith.constant 0 : index
      tpu.barrier barrier_id(%barrier3A_48)
      %jit3A = arith.constant 2 : i32
      %div3A = arith.divsi %arg1, %jit3A : i32
      %sign3A = arith.constant 0 : i32
      %sign3A_49 = arith.cmpi sgt, %arg1, %sign3A : i32
      %sign3A_50 = arith.extui %sign3A_49 : i1 to i32
      %sign3A_51 = arith.constant 0 : i32
      %sign3A_52 = arith.cmpi slt, %arg1, %sign3A_51 : i32
      %sign3A_53 = arith.extui %sign3A_52 : i1 to i32
      %sign3A_54 = arith.subi %sign3A_50, %sign3A_53 : i32
      %sign3A_55 = arith.constant 0 : i32
      %sign3A_56 = arith.cmpi sgt, %jit3A, %sign3A_55 : i32
      %sign3A_57 = arith.extui %sign3A_56 : i1 to i32
      %sign3A_58 = arith.constant 0 : i32
      %sign3A_59 = arith.cmpi slt, %jit3A, %sign3A_58 : i32
      %sign3A_60 = arith.extui %sign3A_59 : i1 to i32
      %sign3A_61 = arith.subi %sign3A_57, %sign3A_60 : i32
      %ne3A = arith.cmpi ne, %sign3A_54, %sign3A_61 : i32
      %rem3A = arith.remsi %arg1, %jit3A : i32
      %ne3A_62 = arith.constant 0 : i32
      %ne3A_63 = arith.cmpi ne, %rem3A, %ne3A_62 : i32
      %and3A = arith.andi %ne3A, %ne3A_63 : i1
      %sub3A = arith.constant 1 : i32
      %sub3A_64 = arith.subi %div3A, %sub3A : i32
      %select_n3A = arith.select %and3A, %sub3A_64, %div3A : i32
      %jit3A_65 = arith.constant 2 : i32
      %eq3A_66 = arith.constant 0 : i32
      %eq3A_67 = arith.cmpi eq, %jit3A_65, %eq3A_66 : i32
      %jit3A_68 = arith.constant 1 : i32
      %select_n3A_69 = arith.select %eq3A_67, %jit3A_68, %jit3A_65 : i32
      %rem3A_70 = arith.remsi %arg1, %select_n3A_69 : i32
      %ne3A_71 = arith.constant 0 : i32
      %ne3A_72 = arith.cmpi ne, %rem3A_70, %ne3A_71 : i32
      %lt3A = arith.constant 0 : i32
      %lt3A_73 = arith.cmpi slt, %rem3A_70, %lt3A : i32
      %lt3A_74 = arith.constant 0 : i32
      %lt3A_75 = arith.cmpi slt, %select_n3A_69, %lt3A_74 : i32
      %ne3A_76 = arith.xori %lt3A_73, %lt3A_75 : i1
      %and3A_77 = arith.andi %ne3A_76, %ne3A_72 : i1
      %add3A_78 = arith.addi %rem3A_70, %select_n3A_69 : i32
      %select_n3A_79 = arith.select %and3A_77, %add3A_78, %rem3A_70 : i32
      %mul3A_80 = arith.constant 5000 : i32
      %mul3A_81 = arith.muli %select_n3A_79, %mul3A_80 : i32
      %mul3A_82 = arith.constant 5000 : i32
      %mul3A_83 = arith.muli %arg1, %mul3A_82 : i32
      "tpu.region"() ({
        %run_scoped3A = tpu.sem_alloc : memref<!tpu.dma_semaphore, #tpu.memory_space<semaphore_mem>>
        %dma_start3A_155 = arith.constant 0 : i32
        %dma_start3A_156 = tpu.memref_slice %arg7[%select_n3A, %mul3A_81, %dma_start3A_155] : memref<8x10000x128xbf16, #tpu.memory_space<hbm>> -> memref<1x5000x32xbf16, #tpu.memory_space<hbm>>
        %dma_start3A_157 = tpu.memref_squeeze %dma_start3A_156 : memref<1x5000x32xbf16, #tpu.memory_space<hbm>> -> memref<5000x32xbf16, #tpu.memory_space<hbm>>
        %dma_start3A_158 = arith.constant 0 : i32
        %dma_start3A_159 = tpu.memref_slice %arg15[%mul3A_83, %dma_start3A_158] : memref<81920x32xbf16, #tpu.memory_space<vmem_shared>> -> memref<5000x32xbf16, #tpu.memory_space<vmem_shared>>
        tpu.enqueue_dma source(%dma_start3A_159 : memref<5000x32xbf16, #tpu.memory_space<vmem_shared>>) target(%dma_start3A_157 : memref<5000x32xbf16, #tpu.memory_space<hbm>>) target_semaphore(%run_scoped3A : memref<!tpu.dma_semaphore, #tpu.memory_space<semaphore_mem>>)
        %dma_wait3A = arith.constant 0 : i32
        %dma_wait3A_160 = tpu.memref_slice %arg7[%select_n3A, %mul3A_81, %dma_wait3A] : memref<8x10000x128xbf16, #tpu.memory_space<hbm>> -> memref<1x5000x32xbf16, #tpu.memory_space<hbm>>
        %dma_wait3A_161 = tpu.memref_squeeze %dma_wait3A_160 : memref<1x5000x32xbf16, #tpu.memory_space<hbm>> -> memref<5000x32xbf16, #tpu.memory_space<hbm>>
        %dma_wait3A_162 = arith.constant 0 : i32
        %dma_wait3A_163 = tpu.memref_slice %arg15[%mul3A_83, %dma_wait3A_162] : memref<81920x32xbf16, #tpu.memory_space<vmem_shared>> -> memref<5000x32xbf16, #tpu.memory_space<vmem_shared>>
        tpu.wait_dma2 semaphore(%run_scoped3A : memref<!tpu.dma_semaphore, #tpu.memory_space<semaphore_mem>>) src(%dma_wait3A_163 : memref<5000x32xbf16, #tpu.memory_space<vmem_shared>>) dst(%dma_wait3A_161 : memref<5000x32xbf16, #tpu.memory_space<hbm>>)
        tpu.yield
      }) : () -> ()
      %barrier3A_84 = arith.constant 0 : index
      tpu.barrier barrier_id(%barrier3A_84)
      %scan3A_85 = arith.constant 0 : i32
      %scan3A_86 = arith.constant 0 : i32
      %scan3A_87 = arith.constant 8 : i32
      %scan3A_88 = arith.addi %scan3A_86, %scan3A_87 : i32
      %scan3A_89 = arith.constant 1 : i32
      scf.for %scan3A_155 = %scan3A_86 to %scan3A_88 step %scan3A_89  : i32 {
        %mul3A_156 = arith.constant 5120 : i32
        %mul3A_157 = arith.muli %arg1, %mul3A_156 : i32
        %mul3A_158 = arith.constant 640 : i32
        %mul3A_159 = arith.muli %scan3A_155, %mul3A_158 : i32
        %add3A_160 = arith.addi %mul3A_157, %mul3A_159 : i32
        "tpu.region"() ({
          %run_scoped3A = tpu.sem_alloc : memref<!tpu.dma_semaphore, #tpu.memory_space<semaphore_mem>>
          %dma_start3A_161 = arith.constant 0 : i32
          %dma_start3A_162 = tpu.memref_slice %arg15[%add3A_160, %dma_start3A_161] : memref<81920x32xbf16, #tpu.memory_space<vmem_shared>> -> memref<640x32xbf16, #tpu.memory_space<vmem_shared>>
          %dma_start3A_163 = arith.constant 0 : i32
          %dma_start3A_164 = tpu.memref_slice %arg15[%add3A_160, %dma_start3A_163] : memref<81920x32xbf16, #tpu.memory_space<vmem_shared>> -> memref<640x32xbf16, #tpu.memory_space<vmem_shared>>
          tpu.enqueue_dma source(%arg14 : memref<640x32xbf16, #tpu.memory_space<vmem>>) target(%dma_start3A_164 : memref<640x32xbf16, #tpu.memory_space<vmem_shared>>) target_semaphore(%run_scoped3A : memref<!tpu.dma_semaphore, #tpu.memory_space<semaphore_mem>>)
          %dma_wait3A = arith.constant 0 : i32
          %dma_wait3A_165 = tpu.memref_slice %arg15[%add3A_160, %dma_wait3A] : memref<81920x32xbf16, #tpu.memory_space<vmem_shared>> -> memref<640x32xbf16, #tpu.memory_space<vmem_shared>>
          %dma_wait3A_166 = arith.constant 0 : i32
          %dma_wait3A_167 = tpu.memref_slice %arg15[%add3A_160, %dma_wait3A_166] : memref<81920x32xbf16, #tpu.memory_space<vmem_shared>> -> memref<640x32xbf16, #tpu.memory_space<vmem_shared>>
          tpu.wait_dma2 semaphore(%run_scoped3A : memref<!tpu.dma_semaphore, #tpu.memory_space<semaphore_mem>>) src(%arg14 : memref<640x32xbf16, #tpu.memory_space<vmem>>) dst(%dma_wait3A_167 : memref<640x32xbf16, #tpu.memory_space<vmem_shared>>)
          tpu.yield
        }) : () -> ()
      }
      %scan3A_90 = arith.constant 8 : i32
      %barrier3A_91 = arith.constant 0 : index
      tpu.barrier barrier_id(%barrier3A_91)
      %dma_start3A_92 = arith.constant 1 : i32
      %dma_start3A_93 = arith.constant 0 : i32
      %dma_start3A_94 = tpu.memref_slice %arg8[%dma_start3A_93] : memref<10240xi32, #tpu.memory_space<vmem>> -> memref<128xi32, #tpu.memory_space<vmem>>
      %dma_start3A_95 = arith.constant 0 : i32
      %dma_start3A_96 = arith.constant 0 : i32
      %dma_start3A_97 = tpu.memref_slice %arg2[%dma_start3A_92, %dma_start3A_95, %dma_start3A_96] : memref<4x10000x32xbf16, #tpu.memory_space<hbm>> -> memref<1x10000x32xbf16, #tpu.memory_space<hbm>>
      %dma_start3A_98 = tpu.memref_squeeze %dma_start3A_97 : memref<1x10000x32xbf16, #tpu.memory_space<hbm>> -> memref<10000x32xbf16, #tpu.memory_space<hbm>>
      %dma_start3A_99 = arith.constant 0 : i32
      %dma_start3A_100 = arith.constant 0 : i32
      %dma_start3A_101 = tpu.memref_slice %dma_start3A_98[%dma_start3A_99, %dma_start3A_100] : memref<10000x32xbf16, #tpu.memory_space<hbm>> -> memref<10000x32xbf16, #tpu.memory_space<hbm>>
      tpu.enqueue_indirect_dma source(%dma_start3A_101 : memref<10000x32xbf16, #tpu.memory_space<hbm>>) target(%arg12 : memref<128x32xbf16, #tpu.memory_space<vmem>>) offsets(%dma_start3A_94 : memref<128xi32, #tpu.memory_space<vmem>>) semaphore(%arg18 : memref<!tpu.dma_semaphore, #tpu.memory_space<semaphore_mem>>)
      %scan3A_102 = arith.constant 0 : i32
      %scan3A_103 = arith.constant 1 : i32
      %scan3A_104 = arith.constant 0 : i32
      %scan3A_105 = arith.constant 40 : i32
      %scan3A_106 = arith.addi %scan3A_104, %scan3A_105 : i32
      %scan3A_107 = arith.constant 1 : i32
      scf.for %scan3A_155 = %scan3A_104 to %scan3A_106 step %scan3A_107  : i32 {
        %mul3A_156 = arith.constant 2 : i32
        %mul3A_157 = arith.muli %mul3A_156, %scan3A_155 : i32
        %add3A_158 = arith.constant 1 : i32
        %add3A_159 = arith.addi %mul3A_157, %add3A_158 : i32
        %mul3A_160 = arith.constant 128 : i32
        %mul3A_161 = arith.muli %mul3A_157, %mul3A_160 : i32
        %dma_wait3A = tpu.memref_slice %arg8[%mul3A_161] : memref<10240xi32, #tpu.memory_space<vmem>> -> memref<128xi32, #tpu.memory_space<vmem>>
        %dma_wait3A_162 = arith.constant 0 : i32
        %dma_wait3A_163 = arith.constant 0 : i32
        %dma_wait3A_164 = tpu.memref_slice %arg2[%scan3A_103, %dma_wait3A_162, %dma_wait3A_163] : memref<4x10000x32xbf16, #tpu.memory_space<hbm>> -> memref<1x10000x32xbf16, #tpu.memory_space<hbm>>
        %dma_wait3A_165 = tpu.memref_squeeze %dma_wait3A_164 : memref<1x10000x32xbf16, #tpu.memory_space<hbm>> -> memref<10000x32xbf16, #tpu.memory_space<hbm>>
        %dma_wait3A_166 = arith.constant 0 : i32
        %dma_wait3A_167 = arith.constant 0 : i32
        %dma_wait3A_168 = tpu.memref_slice %dma_wait3A_165[%dma_wait3A_166, %dma_wait3A_167] : memref<10000x32xbf16, #tpu.memory_space<hbm>> -> memref<10000x32xbf16, #tpu.memory_space<hbm>>
        tpu.wait_indirect_dma semaphore(%arg18 : memref<!tpu.dma_semaphore, #tpu.memory_space<semaphore_mem>>) src(%dma_wait3A_168 : memref<10000x32xbf16, #tpu.memory_space<hbm>>) dst(%arg12 : memref<128x32xbf16, #tpu.memory_space<vmem>>)
        %mul3A_169 = arith.constant 128 : i32
        %mul3A_170 = arith.muli %add3A_159, %mul3A_169 : i32
        %dma_start3A_171 = tpu.memref_slice %arg8[%mul3A_170] : memref<10240xi32, #tpu.memory_space<vmem>> -> memref<128xi32, #tpu.memory_space<vmem>>
        %dma_start3A_172 = arith.constant 0 : i32
        %dma_start3A_173 = arith.constant 0 : i32
        %dma_start3A_174 = tpu.memref_slice %arg2[%scan3A_103, %dma_start3A_172, %dma_start3A_173] : memref<4x10000x32xbf16, #tpu.memory_space<hbm>> -> memref<1x10000x32xbf16, #tpu.memory_space<hbm>>
        %dma_start3A_175 = tpu.memref_squeeze %dma_start3A_174 : memref<1x10000x32xbf16, #tpu.memory_space<hbm>> -> memref<10000x32xbf16, #tpu.memory_space<hbm>>
        %dma_start3A_176 = arith.constant 0 : i32
        %dma_start3A_177 = arith.constant 0 : i32
        %dma_start3A_178 = tpu.memref_slice %dma_start3A_175[%dma_start3A_176, %dma_start3A_177] : memref<10000x32xbf16, #tpu.memory_space<hbm>> -> memref<10000x32xbf16, #tpu.memory_space<hbm>>
        tpu.enqueue_indirect_dma source(%dma_start3A_178 : memref<10000x32xbf16, #tpu.memory_space<hbm>>) target(%arg13 : memref<128x32xbf16, #tpu.memory_space<vmem>>) offsets(%dma_start3A_171 : memref<128xi32, #tpu.memory_space<vmem>>) semaphore(%arg19 : memref<!tpu.dma_semaphore, #tpu.memory_space<semaphore_mem>>)
        "tpu.region"() ({
          %run_scoped3A = tpu.sem_alloc : memref<!tpu.dma_semaphore, #tpu.memory_space<semaphore_mem>>
          %dma_start3A_196 = arith.constant 0 : i32
          %dma_start3A_197 = tpu.memref_slice %arg9[%mul3A_157, %dma_start3A_196] : memref<80x128xi32, #tpu.memory_space<vmem>> -> memref<1x128xi32, #tpu.memory_space<vmem>>
          %dma_start3A_198 = tpu.memref_squeeze %dma_start3A_197 : memref<1x128xi32, #tpu.memory_space<vmem>> -> memref<128xi32, #tpu.memory_space<vmem>>
          %dma_start3A_199 = arith.constant 0 : i32
          %dma_start3A_200 = arith.constant 0 : i32
          %dma_start3A_201 = tpu.memref_slice %arg15[%dma_start3A_199, %dma_start3A_200] : memref<81920x32xbf16, #tpu.memory_space<vmem_shared>> -> memref<81920x32xbf16, #tpu.memory_space<vmem_shared>>
          tpu.enqueue_indirect_dma source(%arg12 : memref<128x32xbf16, #tpu.memory_space<vmem>>) target(%dma_start3A_201 : memref<81920x32xbf16, #tpu.memory_space<vmem_shared>>) offsets(%dma_start3A_198 : memref<128xi32, #tpu.memory_space<vmem>>) semaphore(%run_scoped3A : memref<!tpu.dma_semaphore, #tpu.memory_space<semaphore_mem>>) {add = true}
          %dma_wait3A_202 = arith.constant 0 : i32
          %dma_wait3A_203 = tpu.memref_slice %arg9[%mul3A_157, %dma_wait3A_202] : memref<80x128xi32, #tpu.memory_space<vmem>> -> memref<1x128xi32, #tpu.memory_space<vmem>>
          %dma_wait3A_204 = tpu.memref_squeeze %dma_wait3A_203 : memref<1x128xi32, #tpu.memory_space<vmem>> -> memref<128xi32, #tpu.memory_space<vmem>>
          %dma_wait3A_205 = arith.constant 0 : i32
          %dma_wait3A_206 = arith.constant 0 : i32
          %dma_wait3A_207 = tpu.memref_slice %arg15[%dma_wait3A_205, %dma_wait3A_206] : memref<81920x32xbf16, #tpu.memory_space<vmem_shared>> -> memref<81920x32xbf16, #tpu.memory_space<vmem_shared>>
          tpu.wait_indirect_dma semaphore(%run_scoped3A : memref<!tpu.dma_semaphore, #tpu.memory_space<semaphore_mem>>) src(%arg12 : memref<128x32xbf16, #tpu.memory_space<vmem>>) dst(%dma_wait3A_207 : memref<81920x32xbf16, #tpu.memory_space<vmem_shared>>)
          tpu.yield
        }) : () -> ()
        %mul3A_179 = arith.constant 128 : i32
        %mul3A_180 = arith.muli %add3A_159, %mul3A_179 : i32
        %dma_wait3A_181 = tpu.memref_slice %arg8[%mul3A_180] : memref<10240xi32, #tpu.memory_space<vmem>> -> memref<128xi32, #tpu.memory_space<vmem>>
        %dma_wait3A_182 = arith.constant 0 : i32
        %dma_wait3A_183 = arith.constant 0 : i32
        %dma_wait3A_184 = tpu.memref_slice %arg2[%scan3A_103, %dma_wait3A_182, %dma_wait3A_183] : memref<4x10000x32xbf16, #tpu.memory_space<hbm>> -> memref<1x10000x32xbf16, #tpu.memory_space<hbm>>
        %dma_wait3A_185 = tpu.memref_squeeze %dma_wait3A_184 : memref<1x10000x32xbf16, #tpu.memory_space<hbm>> -> memref<10000x32xbf16, #tpu.memory_space<hbm>>
        %dma_wait3A_186 = arith.constant 0 : i32
        %dma_wait3A_187 = arith.constant 0 : i32
        %dma_wait3A_188 = tpu.memref_slice %dma_wait3A_185[%dma_wait3A_186, %dma_wait3A_187] : memref<10000x32xbf16, #tpu.memory_space<hbm>> -> memref<10000x32xbf16, #tpu.memory_space<hbm>>
        tpu.wait_indirect_dma semaphore(%arg19 : memref<!tpu.dma_semaphore, #tpu.memory_space<semaphore_mem>>) src(%dma_wait3A_188 : memref<10000x32xbf16, #tpu.memory_space<hbm>>) dst(%arg13 : memref<128x32xbf16, #tpu.memory_space<vmem>>)
        %add3A_189 = arith.constant 1 : i32
        %add3A_190 = arith.addi %scan3A_155, %add3A_189 : i32
        %lt3A_191 = arith.constant 40 : i32
        %lt3A_192 = arith.cmpi slt, %add3A_190, %lt3A_191 : i32
        %convert_element_type3A_193 = arith.extui %lt3A_192 : i1 to i32
        %cond3A_194 = arith.constant 0 : i32
        %cond3A_195 = arith.cmpi ne, %convert_element_type3A_193, %cond3A_194 : i32
        scf.if %cond3A_195 {
          %add3A_196 = arith.constant 2 : i32
          %add3A_197 = arith.addi %mul3A_157, %add3A_196 : i32
          %mul3A_198 = arith.constant 128 : i32
          %mul3A_199 = arith.muli %add3A_197, %mul3A_198 : i32
          %dma_start3A_200 = tpu.memref_slice %arg8[%mul3A_199] : memref<10240xi32, #tpu.memory_space<vmem>> -> memref<128xi32, #tpu.memory_space<vmem>>
          %dma_start3A_201 = arith.constant 0 : i32
          %dma_start3A_202 = arith.constant 0 : i32
          %dma_start3A_203 = tpu.memref_slice %arg2[%scan3A_103, %dma_start3A_201, %dma_start3A_202] : memref<4x10000x32xbf16, #tpu.memory_space<hbm>> -> memref<1x10000x32xbf16, #tpu.memory_space<hbm>>
          %dma_start3A_204 = tpu.memref_squeeze %dma_start3A_203 : memref<1x10000x32xbf16, #tpu.memory_space<hbm>> -> memref<10000x32xbf16, #tpu.memory_space<hbm>>
          %dma_start3A_205 = arith.constant 0 : i32
          %dma_start3A_206 = arith.constant 0 : i32
          %dma_start3A_207 = tpu.memref_slice %dma_start3A_204[%dma_start3A_205, %dma_start3A_206] : memref<10000x32xbf16, #tpu.memory_space<hbm>> -> memref<10000x32xbf16, #tpu.memory_space<hbm>>
          tpu.enqueue_indirect_dma source(%dma_start3A_207 : memref<10000x32xbf16, #tpu.memory_space<hbm>>) target(%arg12 : memref<128x32xbf16, #tpu.memory_space<vmem>>) offsets(%dma_start3A_200 : memref<128xi32, #tpu.memory_space<vmem>>) semaphore(%arg18 : memref<!tpu.dma_semaphore, #tpu.memory_space<semaphore_mem>>)
        } else {
        }
        "tpu.region"() ({
          %run_scoped3A = tpu.sem_alloc : memref<!tpu.dma_semaphore, #tpu.memory_space<semaphore_mem>>
          %dma_start3A_196 = arith.constant 0 : i32
          %dma_start3A_197 = tpu.memref_slice %arg9[%add3A_159, %dma_start3A_196] : memref<80x128xi32, #tpu.memory_space<vmem>> -> memref<1x128xi32, #tpu.memory_space<vmem>>
          %dma_start3A_198 = tpu.memref_squeeze %dma_start3A_197 : memref<1x128xi32, #tpu.memory_space<vmem>> -> memref<128xi32, #tpu.memory_space<vmem>>
          %dma_start3A_199 = arith.constant 0 : i32
          %dma_start3A_200 = arith.constant 0 : i32
          %dma_start3A_201 = tpu.memref_slice %arg15[%dma_start3A_199, %dma_start3A_200] : memref<81920x32xbf16, #tpu.memory_space<vmem_shared>> -> memref<81920x32xbf16, #tpu.memory_space<vmem_shared>>
          tpu.enqueue_indirect_dma source(%arg13 : memref<128x32xbf16, #tpu.memory_space<vmem>>) target(%dma_start3A_201 : memref<81920x32xbf16, #tpu.memory_space<vmem_shared>>) offsets(%dma_start3A_198 : memref<128xi32, #tpu.memory_space<vmem>>) semaphore(%run_scoped3A : memref<!tpu.dma_semaphore, #tpu.memory_space<semaphore_mem>>) {add = true}
          %dma_wait3A_202 = arith.constant 0 : i32
          %dma_wait3A_203 = tpu.memref_slice %arg9[%add3A_159, %dma_wait3A_202] : memref<80x128xi32, #tpu.memory_space<vmem>> -> memref<1x128xi32, #tpu.memory_space<vmem>>
          %dma_wait3A_204 = tpu.memref_squeeze %dma_wait3A_203 : memref<1x128xi32, #tpu.memory_space<vmem>> -> memref<128xi32, #tpu.memory_space<vmem>>
          %dma_wait3A_205 = arith.constant 0 : i32
          %dma_wait3A_206 = arith.constant 0 : i32
          %dma_wait3A_207 = tpu.memref_slice %arg15[%dma_wait3A_205, %dma_wait3A_206] : memref<81920x32xbf16, #tpu.memory_space<vmem_shared>> -> memref<81920x32xbf16, #tpu.memory_space<vmem_shared>>
          tpu.wait_indirect_dma semaphore(%run_scoped3A : memref<!tpu.dma_semaphore, #tpu.memory_space<semaphore_mem>>) src(%arg13 : memref<128x32xbf16, #tpu.memory_space<vmem>>) dst(%dma_wait3A_207 : memref<81920x32xbf16, #tpu.memory_space<vmem_shared>>)
          tpu.yield
        }) : () -> ()
      }
      %scan3A_108 = arith.constant 40 : i32
      %barrier3A_109 = arith.constant 0 : index
      tpu.barrier barrier_id(%barrier3A_109)
      %jit3A_110 = arith.constant 2 : i32
      %div3A_111 = arith.divsi %arg1, %jit3A_110 : i32
      %sign3A_112 = arith.constant 0 : i32
      %sign3A_113 = arith.cmpi sgt, %arg1, %sign3A_112 : i32
      %sign3A_114 = arith.extui %sign3A_113 : i1 to i32
      %sign3A_115 = arith.constant 0 : i32
      %sign3A_116 = arith.cmpi slt, %arg1, %sign3A_115 : i32
      %sign3A_117 = arith.extui %sign3A_116 : i1 to i32
      %sign3A_118 = arith.subi %sign3A_114, %sign3A_117 : i32
      %sign3A_119 = arith.constant 0 : i32
      %sign3A_120 = arith.cmpi sgt, %jit3A_110, %sign3A_119 : i32
      %sign3A_121 = arith.extui %sign3A_120 : i1 to i32
      %sign3A_122 = arith.constant 0 : i32
      %sign3A_123 = arith.cmpi slt, %jit3A_110, %sign3A_122 : i32
      %sign3A_124 = arith.extui %sign3A_123 : i1 to i32
      %sign3A_125 = arith.subi %sign3A_121, %sign3A_124 : i32
      %ne3A_126 = arith.cmpi ne, %sign3A_118, %sign3A_125 : i32
      %rem3A_127 = arith.remsi %arg1, %jit3A_110 : i32
      %ne3A_128 = arith.constant 0 : i32
      %ne3A_129 = arith.cmpi ne, %rem3A_127, %ne3A_128 : i32
      %and3A_130 = arith.andi %ne3A_126, %ne3A_129 : i1
      %sub3A_131 = arith.constant 1 : i32
      %sub3A_132 = arith.subi %div3A_111, %sub3A_131 : i32
      %select_n3A_133 = arith.select %and3A_130, %sub3A_132, %div3A_111 : i32
      %jit3A_134 = arith.constant 2 : i32
      %eq3A_135 = arith.constant 0 : i32
      %eq3A_136 = arith.cmpi eq, %jit3A_134, %eq3A_135 : i32
      %jit3A_137 = arith.constant 1 : i32
      %select_n3A_138 = arith.select %eq3A_136, %jit3A_137, %jit3A_134 : i32
      %rem3A_139 = arith.remsi %arg1, %select_n3A_138 : i32
      %ne3A_140 = arith.constant 0 : i32
      %ne3A_141 = arith.cmpi ne, %rem3A_139, %ne3A_140 : i32
      %lt3A_142 = arith.constant 0 : i32
      %lt3A_143 = arith.cmpi slt, %rem3A_139, %lt3A_142 : i32
      %lt3A_144 = arith.constant 0 : i32
      %lt3A_145 = arith.cmpi slt, %select_n3A_138, %lt3A_144 : i32
      %ne3A_146 = arith.xori %lt3A_143, %lt3A_145 : i1
      %and3A_147 = arith.andi %ne3A_146, %ne3A_141 : i1
      %add3A_148 = arith.addi %rem3A_139, %select_n3A_138 : i32
      %select_n3A_149 = arith.select %and3A_147, %add3A_148, %rem3A_139 : i32
      %mul3A_150 = arith.constant 5000 : i32
      %mul3A_151 = arith.muli %select_n3A_149, %mul3A_150 : i32
      %mul3A_152 = arith.constant 5000 : i32
      %mul3A_153 = arith.muli %arg1, %mul3A_152 : i32
      "tpu.region"() ({
        %run_scoped3A = tpu.sem_alloc : memref<!tpu.dma_semaphore, #tpu.memory_space<semaphore_mem>>
        %dma_start3A_155 = arith.constant 32 : i32
        %dma_start3A_156 = tpu.memref_slice %arg7[%select_n3A_133, %mul3A_151, %dma_start3A_155] : memref<8x10000x128xbf16, #tpu.memory_space<hbm>> -> memref<1x5000x32xbf16, #tpu.memory_space<hbm>>
        %dma_start3A_157 = tpu.memref_squeeze %dma_start3A_156 : memref<1x5000x32xbf16, #tpu.memory_space<hbm>> -> memref<5000x32xbf16, #tpu.memory_space<hbm>>
        %dma_start3A_158 = arith.constant 0 : i32
        %dma_start3A_159 = tpu.memref_slice %arg15[%mul3A_153, %dma_start3A_158] : memref<81920x32xbf16, #tpu.memory_space<vmem_shared>> -> memref<5000x32xbf16, #tpu.memory_space<vmem_shared>>
        tpu.enqueue_dma source(%dma_start3A_159 : memref<5000x32xbf16, #tpu.memory_space<vmem_shared>>) target(%dma_start3A_157 : memref<5000x32xbf16, #tpu.memory_space<hbm>>) target_semaphore(%run_scoped3A : memref<!tpu.dma_semaphore, #tpu.memory_space<semaphore_mem>>)
        %dma_wait3A = arith.constant 32 : i32
        %dma_wait3A_160 = tpu.memref_slice %arg7[%select_n3A_133, %mul3A_151, %dma_wait3A] : memref<8x10000x128xbf16, #tpu.memory_space<hbm>> -> memref<1x5000x32xbf16, #tpu.memory_space<hbm>>
        %dma_wait3A_161 = tpu.memref_squeeze %dma_wait3A_160 : memref<1x5000x32xbf16, #tpu.memory_space<hbm>> -> memref<5000x32xbf16, #tpu.memory_space<hbm>>
        %dma_wait3A_162 = arith.constant 0 : i32
        %dma_wait3A_163 = tpu.memref_slice %arg15[%mul3A_153, %dma_wait3A_162] : memref<81920x32xbf16, #tpu.memory_space<vmem_shared>> -> memref<5000x32xbf16, #tpu.memory_space<vmem_shared>>
        tpu.wait_dma2 semaphore(%run_scoped3A : memref<!tpu.dma_semaphore, #tpu.memory_space<semaphore_mem>>) src(%dma_wait3A_163 : memref<5000x32xbf16, #tpu.memory_space<vmem_shared>>) dst(%dma_wait3A_161 : memref<5000x32xbf16, #tpu.memory_space<hbm>>)
        tpu.yield
      }) : () -> ()
      %barrier3A_154 = arith.constant 0 : index
      tpu.barrier barrier_id(%barrier3A_154)
    } else {
    }
    %eq3A_21 = arith.constant 1 : i32
    %eq3A_22 = arith.cmpi eq, %arg0, %eq3A_21 : i32
    %convert_element_type3A_23 = arith.extui %eq3A_22 : i1 to i32
    %cond3A_24 = arith.constant 0 : i32
    %cond3A_25 = arith.cmpi ne, %convert_element_type3A_23, %cond3A_24 : i32
    scf.if %cond3A_25 {
      %scan3A_26 = arith.constant 0 : i32
      %scan3A_27 = arith.constant 0 : i32
      %scan3A_28 = arith.constant 8 : i32
      %scan3A_29 = arith.addi %scan3A_27, %scan3A_28 : i32
      %scan3A_30 = arith.constant 1 : i32
      scf.for %scan3A_155 = %scan3A_27 to %scan3A_29 step %scan3A_30  : i32 {
        %mul3A_156 = arith.constant 5120 : i32
        %mul3A_157 = arith.muli %arg1, %mul3A_156 : i32
        %mul3A_158 = arith.constant 640 : i32
        %mul3A_159 = arith.muli %scan3A_155, %mul3A_158 : i32
        %add3A_160 = arith.addi %mul3A_157, %mul3A_159 : i32
        "tpu.region"() ({
          %run_scoped3A = tpu.sem_alloc : memref<!tpu.dma_semaphore, #tpu.memory_space<semaphore_mem>>
          %dma_start3A_161 = arith.constant 0 : i32
          %dma_start3A_162 = tpu.memref_slice %arg15[%add3A_160, %dma_start3A_161] : memref<81920x32xbf16, #tpu.memory_space<vmem_shared>> -> memref<640x32xbf16, #tpu.memory_space<vmem_shared>>
          %dma_start3A_163 = arith.constant 0 : i32
          %dma_start3A_164 = tpu.memref_slice %arg15[%add3A_160, %dma_start3A_163] : memref<81920x32xbf16, #tpu.memory_space<vmem_shared>> -> memref<640x32xbf16, #tpu.memory_space<vmem_shared>>
          tpu.enqueue_dma source(%arg14 : memref<640x32xbf16, #tpu.memory_space<vmem>>) target(%dma_start3A_164 : memref<640x32xbf16, #tpu.memory_space<vmem_shared>>) target_semaphore(%run_scoped3A : memref<!tpu.dma_semaphore, #tpu.memory_space<semaphore_mem>>)
          %dma_wait3A = arith.constant 0 : i32
          %dma_wait3A_165 = tpu.memref_slice %arg15[%add3A_160, %dma_wait3A] : memref<81920x32xbf16, #tpu.memory_space<vmem_shared>> -> memref<640x32xbf16, #tpu.memory_space<vmem_shared>>
          %dma_wait3A_166 = arith.constant 0 : i32
          %dma_wait3A_167 = tpu.memref_slice %arg15[%add3A_160, %dma_wait3A_166] : memref<81920x32xbf16, #tpu.memory_space<vmem_shared>> -> memref<640x32xbf16, #tpu.memory_space<vmem_shared>>
          tpu.wait_dma2 semaphore(%run_scoped3A : memref<!tpu.dma_semaphore, #tpu.memory_space<semaphore_mem>>) src(%arg14 : memref<640x32xbf16, #tpu.memory_space<vmem>>) dst(%dma_wait3A_167 : memref<640x32xbf16, #tpu.memory_space<vmem_shared>>)
          tpu.yield
        }) : () -> ()
      }
      %scan3A_31 = arith.constant 8 : i32
      %barrier3A = arith.constant 0 : index
      tpu.barrier barrier_id(%barrier3A)
      %dma_start3A = arith.constant 2 : i32
      %dma_start3A_32 = arith.constant 0 : i32
      %dma_start3A_33 = tpu.memref_slice %arg8[%dma_start3A_32] : memref<10240xi32, #tpu.memory_space<vmem>> -> memref<128xi32, #tpu.memory_space<vmem>>
      %dma_start3A_34 = arith.constant 0 : i32
      %dma_start3A_35 = arith.constant 0 : i32
      %dma_start3A_36 = tpu.memref_slice %arg2[%dma_start3A, %dma_start3A_34, %dma_start3A_35] : memref<4x10000x32xbf16, #tpu.memory_space<hbm>> -> memref<1x10000x32xbf16, #tpu.memory_space<hbm>>
      %dma_start3A_37 = tpu.memref_squeeze %dma_start3A_36 : memref<1x10000x32xbf16, #tpu.memory_space<hbm>> -> memref<10000x32xbf16, #tpu.memory_space<hbm>>
      %dma_start3A_38 = arith.constant 0 : i32
      %dma_start3A_39 = arith.constant 0 : i32
      %dma_start3A_40 = tpu.memref_slice %dma_start3A_37[%dma_start3A_38, %dma_start3A_39] : memref<10000x32xbf16, #tpu.memory_space<hbm>> -> memref<10000x32xbf16, #tpu.memory_space<hbm>>
      tpu.enqueue_indirect_dma source(%dma_start3A_40 : memref<10000x32xbf16, #tpu.memory_space<hbm>>) target(%arg12 : memref<128x32xbf16, #tpu.memory_space<vmem>>) offsets(%dma_start3A_33 : memref<128xi32, #tpu.memory_space<vmem>>) semaphore(%arg18 : memref<!tpu.dma_semaphore, #tpu.memory_space<semaphore_mem>>)
      %scan3A_41 = arith.constant 0 : i32
      %scan3A_42 = arith.constant 2 : i32
      %scan3A_43 = arith.constant 0 : i32
      %scan3A_44 = arith.constant 40 : i32
      %scan3A_45 = arith.addi %scan3A_43, %scan3A_44 : i32
      %scan3A_46 = arith.constant 1 : i32
      scf.for %scan3A_155 = %scan3A_43 to %scan3A_45 step %scan3A_46  : i32 {
        %mul3A_156 = arith.constant 2 : i32
        %mul3A_157 = arith.muli %mul3A_156, %scan3A_155 : i32
        %add3A_158 = arith.constant 1 : i32
        %add3A_159 = arith.addi %mul3A_157, %add3A_158 : i32
        %mul3A_160 = arith.constant 128 : i32
        %mul3A_161 = arith.muli %mul3A_157, %mul3A_160 : i32
        %dma_wait3A = tpu.memref_slice %arg8[%mul3A_161] : memref<10240xi32, #tpu.memory_space<vmem>> -> memref<128xi32, #tpu.memory_space<vmem>>
        %dma_wait3A_162 = arith.constant 0 : i32
        %dma_wait3A_163 = arith.constant 0 : i32
        %dma_wait3A_164 = tpu.memref_slice %arg2[%scan3A_42, %dma_wait3A_162, %dma_wait3A_163] : memref<4x10000x32xbf16, #tpu.memory_space<hbm>> -> memref<1x10000x32xbf16, #tpu.memory_space<hbm>>
        %dma_wait3A_165 = tpu.memref_squeeze %dma_wait3A_164 : memref<1x10000x32xbf16, #tpu.memory_space<hbm>> -> memref<10000x32xbf16, #tpu.memory_space<hbm>>
        %dma_wait3A_166 = arith.constant 0 : i32
        %dma_wait3A_167 = arith.constant 0 : i32
        %dma_wait3A_168 = tpu.memref_slice %dma_wait3A_165[%dma_wait3A_166, %dma_wait3A_167] : memref<10000x32xbf16, #tpu.memory_space<hbm>> -> memref<10000x32xbf16, #tpu.memory_space<hbm>>
        tpu.wait_indirect_dma semaphore(%arg18 : memref<!tpu.dma_semaphore, #tpu.memory_space<semaphore_mem>>) src(%dma_wait3A_168 : memref<10000x32xbf16, #tpu.memory_space<hbm>>) dst(%arg12 : memref<128x32xbf16, #tpu.memory_space<vmem>>)
        %mul3A_169 = arith.constant 128 : i32
        %mul3A_170 = arith.muli %add3A_159, %mul3A_169 : i32
        %dma_start3A_171 = tpu.memref_slice %arg8[%mul3A_170] : memref<10240xi32, #tpu.memory_space<vmem>> -> memref<128xi32, #tpu.memory_space<vmem>>
        %dma_start3A_172 = arith.constant 0 : i32
        %dma_start3A_173 = arith.constant 0 : i32
        %dma_start3A_174 = tpu.memref_slice %arg2[%scan3A_42, %dma_start3A_172, %dma_start3A_173] : memref<4x10000x32xbf16, #tpu.memory_space<hbm>> -> memref<1x10000x32xbf16, #tpu.memory_space<hbm>>
        %dma_start3A_175 = tpu.memref_squeeze %dma_start3A_174 : memref<1x10000x32xbf16, #tpu.memory_space<hbm>> -> memref<10000x32xbf16, #tpu.memory_space<hbm>>
        %dma_start3A_176 = arith.constant 0 : i32
        %dma_start3A_177 = arith.constant 0 : i32
        %dma_start3A_178 = tpu.memref_slice %dma_start3A_175[%dma_start3A_176, %dma_start3A_177] : memref<10000x32xbf16, #tpu.memory_space<hbm>> -> memref<10000x32xbf16, #tpu.memory_space<hbm>>
        tpu.enqueue_indirect_dma source(%dma_start3A_178 : memref<10000x32xbf16, #tpu.memory_space<hbm>>) target(%arg13 : memref<128x32xbf16, #tpu.memory_space<vmem>>) offsets(%dma_start3A_171 : memref<128xi32, #tpu.memory_space<vmem>>) semaphore(%arg19 : memref<!tpu.dma_semaphore, #tpu.memory_space<semaphore_mem>>)
        "tpu.region"() ({
          %run_scoped3A = tpu.sem_alloc : memref<!tpu.dma_semaphore, #tpu.memory_space<semaphore_mem>>
          %dma_start3A_196 = arith.constant 0 : i32
          %dma_start3A_197 = tpu.memref_slice %arg9[%mul3A_157, %dma_start3A_196] : memref<80x128xi32, #tpu.memory_space<vmem>> -> memref<1x128xi32, #tpu.memory_space<vmem>>
          %dma_start3A_198 = tpu.memref_squeeze %dma_start3A_197 : memref<1x128xi32, #tpu.memory_space<vmem>> -> memref<128xi32, #tpu.memory_space<vmem>>
          %dma_start3A_199 = arith.constant 0 : i32
          %dma_start3A_200 = arith.constant 0 : i32
          %dma_start3A_201 = tpu.memref_slice %arg15[%dma_start3A_199, %dma_start3A_200] : memref<81920x32xbf16, #tpu.memory_space<vmem_shared>> -> memref<81920x32xbf16, #tpu.memory_space<vmem_shared>>
          tpu.enqueue_indirect_dma source(%arg12 : memref<128x32xbf16, #tpu.memory_space<vmem>>) target(%dma_start3A_201 : memref<81920x32xbf16, #tpu.memory_space<vmem_shared>>) offsets(%dma_start3A_198 : memref<128xi32, #tpu.memory_space<vmem>>) semaphore(%run_scoped3A : memref<!tpu.dma_semaphore, #tpu.memory_space<semaphore_mem>>) {add = true}
          %dma_wait3A_202 = arith.constant 0 : i32
          %dma_wait3A_203 = tpu.memref_slice %arg9[%mul3A_157, %dma_wait3A_202] : memref<80x128xi32, #tpu.memory_space<vmem>> -> memref<1x128xi32, #tpu.memory_space<vmem>>
          %dma_wait3A_204 = tpu.memref_squeeze %dma_wait3A_203 : memref<1x128xi32, #tpu.memory_space<vmem>> -> memref<128xi32, #tpu.memory_space<vmem>>
          %dma_wait3A_205 = arith.constant 0 : i32
          %dma_wait3A_206 = arith.constant 0 : i32
          %dma_wait3A_207 = tpu.memref_slice %arg15[%dma_wait3A_205, %dma_wait3A_206] : memref<81920x32xbf16, #tpu.memory_space<vmem_shared>> -> memref<81920x32xbf16, #tpu.memory_space<vmem_shared>>
          tpu.wait_indirect_dma semaphore(%run_scoped3A : memref<!tpu.dma_semaphore, #tpu.memory_space<semaphore_mem>>) src(%arg12 : memref<128x32xbf16, #tpu.memory_space<vmem>>) dst(%dma_wait3A_207 : memref<81920x32xbf16, #tpu.memory_space<vmem_shared>>)
          tpu.yield
        }) : () -> ()
        %mul3A_179 = arith.constant 128 : i32
        %mul3A_180 = arith.muli %add3A_159, %mul3A_179 : i32
        %dma_wait3A_181 = tpu.memref_slice %arg8[%mul3A_180] : memref<10240xi32, #tpu.memory_space<vmem>> -> memref<128xi32, #tpu.memory_space<vmem>>
        %dma_wait3A_182 = arith.constant 0 : i32
        %dma_wait3A_183 = arith.constant 0 : i32
        %dma_wait3A_184 = tpu.memref_slice %arg2[%scan3A_42, %dma_wait3A_182, %dma_wait3A_183] : memref<4x10000x32xbf16, #tpu.memory_space<hbm>> -> memref<1x10000x32xbf16, #tpu.memory_space<hbm>>
        %dma_wait3A_185 = tpu.memref_squeeze %dma_wait3A_184 : memref<1x10000x32xbf16, #tpu.memory_space<hbm>> -> memref<10000x32xbf16, #tpu.memory_space<hbm>>
        %dma_wait3A_186 = arith.constant 0 : i32
        %dma_wait3A_187 = arith.constant 0 : i32
        %dma_wait3A_188 = tpu.memref_slice %dma_wait3A_185[%dma_wait3A_186, %dma_wait3A_187] : memref<10000x32xbf16, #tpu.memory_space<hbm>> -> memref<10000x32xbf16, #tpu.memory_space<hbm>>
        tpu.wait_indirect_dma semaphore(%arg19 : memref<!tpu.dma_semaphore, #tpu.memory_space<semaphore_mem>>) src(%dma_wait3A_188 : memref<10000x32xbf16, #tpu.memory_space<hbm>>) dst(%arg13 : memref<128x32xbf16, #tpu.memory_space<vmem>>)
        %add3A_189 = arith.constant 1 : i32
        %add3A_190 = arith.addi %scan3A_155, %add3A_189 : i32
        %lt3A_191 = arith.constant 40 : i32
        %lt3A_192 = arith.cmpi slt, %add3A_190, %lt3A_191 : i32
        %convert_element_type3A_193 = arith.extui %lt3A_192 : i1 to i32
        %cond3A_194 = arith.constant 0 : i32
        %cond3A_195 = arith.cmpi ne, %convert_element_type3A_193, %cond3A_194 : i32
        scf.if %cond3A_195 {
          %add3A_196 = arith.constant 2 : i32
          %add3A_197 = arith.addi %mul3A_157, %add3A_196 : i32
          %mul3A_198 = arith.constant 128 : i32
          %mul3A_199 = arith.muli %add3A_197, %mul3A_198 : i32
          %dma_start3A_200 = tpu.memref_slice %arg8[%mul3A_199] : memref<10240xi32, #tpu.memory_space<vmem>> -> memref<128xi32, #tpu.memory_space<vmem>>
          %dma_start3A_201 = arith.constant 0 : i32
          %dma_start3A_202 = arith.constant 0 : i32
          %dma_start3A_203 = tpu.memref_slice %arg2[%scan3A_42, %dma_start3A_201, %dma_start3A_202] : memref<4x10000x32xbf16, #tpu.memory_space<hbm>> -> memref<1x10000x32xbf16, #tpu.memory_space<hbm>>
          %dma_start3A_204 = tpu.memref_squeeze %dma_start3A_203 : memref<1x10000x32xbf16, #tpu.memory_space<hbm>> -> memref<10000x32xbf16, #tpu.memory_space<hbm>>
          %dma_start3A_205 = arith.constant 0 : i32
          %dma_start3A_206 = arith.constant 0 : i32
          %dma_start3A_207 = tpu.memref_slice %dma_start3A_204[%dma_start3A_205, %dma_start3A_206] : memref<10000x32xbf16, #tpu.memory_space<hbm>> -> memref<10000x32xbf16, #tpu.memory_space<hbm>>
          tpu.enqueue_indirect_dma source(%dma_start3A_207 : memref<10000x32xbf16, #tpu.memory_space<hbm>>) target(%arg12 : memref<128x32xbf16, #tpu.memory_space<vmem>>) offsets(%dma_start3A_200 : memref<128xi32, #tpu.memory_space<vmem>>) semaphore(%arg18 : memref<!tpu.dma_semaphore, #tpu.memory_space<semaphore_mem>>)
        } else {
        }
        "tpu.region"() ({
          %run_scoped3A = tpu.sem_alloc : memref<!tpu.dma_semaphore, #tpu.memory_space<semaphore_mem>>
          %dma_start3A_196 = arith.constant 0 : i32
          %dma_start3A_197 = tpu.memref_slice %arg9[%add3A_159, %dma_start3A_196] : memref<80x128xi32, #tpu.memory_space<vmem>> -> memref<1x128xi32, #tpu.memory_space<vmem>>
          %dma_start3A_198 = tpu.memref_squeeze %dma_start3A_197 : memref<1x128xi32, #tpu.memory_space<vmem>> -> memref<128xi32, #tpu.memory_space<vmem>>
          %dma_start3A_199 = arith.constant 0 : i32
          %dma_start3A_200 = arith.constant 0 : i32
          %dma_start3A_201 = tpu.memref_slice %arg15[%dma_start3A_199, %dma_start3A_200] : memref<81920x32xbf16, #tpu.memory_space<vmem_shared>> -> memref<81920x32xbf16, #tpu.memory_space<vmem_shared>>
          tpu.enqueue_indirect_dma source(%arg13 : memref<128x32xbf16, #tpu.memory_space<vmem>>) target(%dma_start3A_201 : memref<81920x32xbf16, #tpu.memory_space<vmem_shared>>) offsets(%dma_start3A_198 : memref<128xi32, #tpu.memory_space<vmem>>) semaphore(%run_scoped3A : memref<!tpu.dma_semaphore, #tpu.memory_space<semaphore_mem>>) {add = true}
          %dma_wait3A_202 = arith.constant 0 : i32
          %dma_wait3A_203 = tpu.memref_slice %arg9[%add3A_159, %dma_wait3A_202] : memref<80x128xi32, #tpu.memory_space<vmem>> -> memref<1x128xi32, #tpu.memory_space<vmem>>
          %dma_wait3A_204 = tpu.memref_squeeze %dma_wait3A_203 : memref<1x128xi32, #tpu.memory_space<vmem>> -> memref<128xi32, #tpu.memory_space<vmem>>
          %dma_wait3A_205 = arith.constant 0 : i32
          %dma_wait3A_206 = arith.constant 0 : i32
          %dma_wait3A_207 = tpu.memref_slice %arg15[%dma_wait3A_205, %dma_wait3A_206] : memref<81920x32xbf16, #tpu.memory_space<vmem_shared>> -> memref<81920x32xbf16, #tpu.memory_space<vmem_shared>>
          tpu.wait_indirect_dma semaphore(%run_scoped3A : memref<!tpu.dma_semaphore, #tpu.memory_space<semaphore_mem>>) src(%arg13 : memref<128x32xbf16, #tpu.memory_space<vmem>>) dst(%dma_wait3A_207 : memref<81920x32xbf16, #tpu.memory_space<vmem_shared>>)
          tpu.yield
        }) : () -> ()
      }
      %scan3A_47 = arith.constant 40 : i32
      %barrier3A_48 = arith.constant 0 : index
      tpu.barrier barrier_id(%barrier3A_48)
      %jit3A = arith.constant 2 : i32
      %div3A = arith.divsi %arg1, %jit3A : i32
      %sign3A = arith.constant 0 : i32
      %sign3A_49 = arith.cmpi sgt, %arg1, %sign3A : i32
      %sign3A_50 = arith.extui %sign3A_49 : i1 to i32
      %sign3A_51 = arith.constant 0 : i32
      %sign3A_52 = arith.cmpi slt, %arg1, %sign3A_51 : i32
      %sign3A_53 = arith.extui %sign3A_52 : i1 to i32
      %sign3A_54 = arith.subi %sign3A_50, %sign3A_53 : i32
      %sign3A_55 = arith.constant 0 : i32
      %sign3A_56 = arith.cmpi sgt, %jit3A, %sign3A_55 : i32
      %sign3A_57 = arith.extui %sign3A_56 : i1 to i32
      %sign3A_58 = arith.constant 0 : i32
      %sign3A_59 = arith.cmpi slt, %jit3A, %sign3A_58 : i32
      %sign3A_60 = arith.extui %sign3A_59 : i1 to i32
      %sign3A_61 = arith.subi %sign3A_57, %sign3A_60 : i32
      %ne3A = arith.cmpi ne, %sign3A_54, %sign3A_61 : i32
      %rem3A = arith.remsi %arg1, %jit3A : i32
      %ne3A_62 = arith.constant 0 : i32
      %ne3A_63 = arith.cmpi ne, %rem3A, %ne3A_62 : i32
      %and3A = arith.andi %ne3A, %ne3A_63 : i1
      %sub3A = arith.constant 1 : i32
      %sub3A_64 = arith.subi %div3A, %sub3A : i32
      %select_n3A = arith.select %and3A, %sub3A_64, %div3A : i32
      %jit3A_65 = arith.constant 2 : i32
      %eq3A_66 = arith.constant 0 : i32
      %eq3A_67 = arith.cmpi eq, %jit3A_65, %eq3A_66 : i32
      %jit3A_68 = arith.constant 1 : i32
      %select_n3A_69 = arith.select %eq3A_67, %jit3A_68, %jit3A_65 : i32
      %rem3A_70 = arith.remsi %arg1, %select_n3A_69 : i32
      %ne3A_71 = arith.constant 0 : i32
      %ne3A_72 = arith.cmpi ne, %rem3A_70, %ne3A_71 : i32
      %lt3A = arith.constant 0 : i32
      %lt3A_73 = arith.cmpi slt, %rem3A_70, %lt3A : i32
      %lt3A_74 = arith.constant 0 : i32
      %lt3A_75 = arith.cmpi slt, %select_n3A_69, %lt3A_74 : i32
      %ne3A_76 = arith.xori %lt3A_73, %lt3A_75 : i1
      %and3A_77 = arith.andi %ne3A_76, %ne3A_72 : i1
      %add3A_78 = arith.addi %rem3A_70, %select_n3A_69 : i32
      %select_n3A_79 = arith.select %and3A_77, %add3A_78, %rem3A_70 : i32
      %mul3A_80 = arith.constant 5000 : i32
      %mul3A_81 = arith.muli %select_n3A_79, %mul3A_80 : i32
      %mul3A_82 = arith.constant 5000 : i32
      %mul3A_83 = arith.muli %arg1, %mul3A_82 : i32
      "tpu.region"() ({
        %run_scoped3A = tpu.sem_alloc : memref<!tpu.dma_semaphore, #tpu.memory_space<semaphore_mem>>
        %dma_start3A_155 = arith.constant 64 : i32
        %dma_start3A_156 = tpu.memref_slice %arg7[%select_n3A, %mul3A_81, %dma_start3A_155] : memref<8x10000x128xbf16, #tpu.memory_space<hbm>> -> memref<1x5000x32xbf16, #tpu.memory_space<hbm>>
        %dma_start3A_157 = tpu.memref_squeeze %dma_start3A_156 : memref<1x5000x32xbf16, #tpu.memory_space<hbm>> -> memref<5000x32xbf16, #tpu.memory_space<hbm>>
        %dma_start3A_158 = arith.constant 0 : i32
        %dma_start3A_159 = tpu.memref_slice %arg15[%mul3A_83, %dma_start3A_158] : memref<81920x32xbf16, #tpu.memory_space<vmem_shared>> -> memref<5000x32xbf16, #tpu.memory_space<vmem_shared>>
        tpu.enqueue_dma source(%dma_start3A_159 : memref<5000x32xbf16, #tpu.memory_space<vmem_shared>>) target(%dma_start3A_157 : memref<5000x32xbf16, #tpu.memory_space<hbm>>) target_semaphore(%run_scoped3A : memref<!tpu.dma_semaphore, #tpu.memory_space<semaphore_mem>>)
        %dma_wait3A = arith.constant 64 : i32
        %dma_wait3A_160 = tpu.memref_slice %arg7[%select_n3A, %mul3A_81, %dma_wait3A] : memref<8x10000x128xbf16, #tpu.memory_space<hbm>> -> memref<1x5000x32xbf16, #tpu.memory_space<hbm>>
        %dma_wait3A_161 = tpu.memref_squeeze %dma_wait3A_160 : memref<1x5000x32xbf16, #tpu.memory_space<hbm>> -> memref<5000x32xbf16, #tpu.memory_space<hbm>>
        %dma_wait3A_162 = arith.constant 0 : i32
        %dma_wait3A_163 = tpu.memref_slice %arg15[%mul3A_83, %dma_wait3A_162] : memref<81920x32xbf16, #tpu.memory_space<vmem_shared>> -> memref<5000x32xbf16, #tpu.memory_space<vmem_shared>>
        tpu.wait_dma2 semaphore(%run_scoped3A : memref<!tpu.dma_semaphore, #tpu.memory_space<semaphore_mem>>) src(%dma_wait3A_163 : memref<5000x32xbf16, #tpu.memory_space<vmem_shared>>) dst(%dma_wait3A_161 : memref<5000x32xbf16, #tpu.memory_space<hbm>>)
        tpu.yield
      }) : () -> ()
      %barrier3A_84 = arith.constant 0 : index
      tpu.barrier barrier_id(%barrier3A_84)
      %scan3A_85 = arith.constant 0 : i32
      %scan3A_86 = arith.constant 0 : i32
      %scan3A_87 = arith.constant 8 : i32
      %scan3A_88 = arith.addi %scan3A_86, %scan3A_87 : i32
      %scan3A_89 = arith.constant 1 : i32
      scf.for %scan3A_155 = %scan3A_86 to %scan3A_88 step %scan3A_89  : i32 {
        %mul3A_156 = arith.constant 5120 : i32
        %mul3A_157 = arith.muli %arg1, %mul3A_156 : i32
        %mul3A_158 = arith.constant 640 : i32
        %mul3A_159 = arith.muli %scan3A_155, %mul3A_158 : i32
        %add3A_160 = arith.addi %mul3A_157, %mul3A_159 : i32
        "tpu.region"() ({
          %run_scoped3A = tpu.sem_alloc : memref<!tpu.dma_semaphore, #tpu.memory_space<semaphore_mem>>
          %dma_start3A_161 = arith.constant 0 : i32
          %dma_start3A_162 = tpu.memref_slice %arg15[%add3A_160, %dma_start3A_161] : memref<81920x32xbf16, #tpu.memory_space<vmem_shared>> -> memref<640x32xbf16, #tpu.memory_space<vmem_shared>>
          %dma_start3A_163 = arith.constant 0 : i32
          %dma_start3A_164 = tpu.memref_slice %arg15[%add3A_160, %dma_start3A_163] : memref<81920x32xbf16, #tpu.memory_space<vmem_shared>> -> memref<640x32xbf16, #tpu.memory_space<vmem_shared>>
          tpu.enqueue_dma source(%arg14 : memref<640x32xbf16, #tpu.memory_space<vmem>>) target(%dma_start3A_164 : memref<640x32xbf16, #tpu.memory_space<vmem_shared>>) target_semaphore(%run_scoped3A : memref<!tpu.dma_semaphore, #tpu.memory_space<semaphore_mem>>)
          %dma_wait3A = arith.constant 0 : i32
          %dma_wait3A_165 = tpu.memref_slice %arg15[%add3A_160, %dma_wait3A] : memref<81920x32xbf16, #tpu.memory_space<vmem_shared>> -> memref<640x32xbf16, #tpu.memory_space<vmem_shared>>
          %dma_wait3A_166 = arith.constant 0 : i32
          %dma_wait3A_167 = tpu.memref_slice %arg15[%add3A_160, %dma_wait3A_166] : memref<81920x32xbf16, #tpu.memory_space<vmem_shared>> -> memref<640x32xbf16, #tpu.memory_space<vmem_shared>>
          tpu.wait_dma2 semaphore(%run_scoped3A : memref<!tpu.dma_semaphore, #tpu.memory_space<semaphore_mem>>) src(%arg14 : memref<640x32xbf16, #tpu.memory_space<vmem>>) dst(%dma_wait3A_167 : memref<640x32xbf16, #tpu.memory_space<vmem_shared>>)
          tpu.yield
        }) : () -> ()
      }
      %scan3A_90 = arith.constant 8 : i32
      %barrier3A_91 = arith.constant 0 : index
      tpu.barrier barrier_id(%barrier3A_91)
      %dma_start3A_92 = arith.constant 3 : i32
      %dma_start3A_93 = arith.constant 0 : i32
      %dma_start3A_94 = tpu.memref_slice %arg8[%dma_start3A_93] : memref<10240xi32, #tpu.memory_space<vmem>> -> memref<128xi32, #tpu.memory_space<vmem>>
      %dma_start3A_95 = arith.constant 0 : i32
      %dma_start3A_96 = arith.constant 0 : i32
      %dma_start3A_97 = tpu.memref_slice %arg2[%dma_start3A_92, %dma_start3A_95, %dma_start3A_96] : memref<4x10000x32xbf16, #tpu.memory_space<hbm>> -> memref<1x10000x32xbf16, #tpu.memory_space<hbm>>
      %dma_start3A_98 = tpu.memref_squeeze %dma_start3A_97 : memref<1x10000x32xbf16, #tpu.memory_space<hbm>> -> memref<10000x32xbf16, #tpu.memory_space<hbm>>
      %dma_start3A_99 = arith.constant 0 : i32
      %dma_start3A_100 = arith.constant 0 : i32
      %dma_start3A_101 = tpu.memref_slice %dma_start3A_98[%dma_start3A_99, %dma_start3A_100] : memref<10000x32xbf16, #tpu.memory_space<hbm>> -> memref<10000x32xbf16, #tpu.memory_space<hbm>>
      tpu.enqueue_indirect_dma source(%dma_start3A_101 : memref<10000x32xbf16, #tpu.memory_space<hbm>>) target(%arg12 : memref<128x32xbf16, #tpu.memory_space<vmem>>) offsets(%dma_start3A_94 : memref<128xi32, #tpu.memory_space<vmem>>) semaphore(%arg18 : memref<!tpu.dma_semaphore, #tpu.memory_space<semaphore_mem>>)
      %scan3A_102 = arith.constant 0 : i32
      %scan3A_103 = arith.constant 3 : i32
      %scan3A_104 = arith.constant 0 : i32
      %scan3A_105 = arith.constant 40 : i32
      %scan3A_106 = arith.addi %scan3A_104, %scan3A_105 : i32
      %scan3A_107 = arith.constant 1 : i32
      scf.for %scan3A_155 = %scan3A_104 to %scan3A_106 step %scan3A_107  : i32 {
        %mul3A_156 = arith.constant 2 : i32
        %mul3A_157 = arith.muli %mul3A_156, %scan3A_155 : i32
        %add3A_158 = arith.constant 1 : i32
        %add3A_159 = arith.addi %mul3A_157, %add3A_158 : i32
        %mul3A_160 = arith.constant 128 : i32
        %mul3A_161 = arith.muli %mul3A_157, %mul3A_160 : i32
        %dma_wait3A = tpu.memref_slice %arg8[%mul3A_161] : memref<10240xi32, #tpu.memory_space<vmem>> -> memref<128xi32, #tpu.memory_space<vmem>>
        %dma_wait3A_162 = arith.constant 0 : i32
        %dma_wait3A_163 = arith.constant 0 : i32
        %dma_wait3A_164 = tpu.memref_slice %arg2[%scan3A_103, %dma_wait3A_162, %dma_wait3A_163] : memref<4x10000x32xbf16, #tpu.memory_space<hbm>> -> memref<1x10000x32xbf16, #tpu.memory_space<hbm>>
        %dma_wait3A_165 = tpu.memref_squeeze %dma_wait3A_164 : memref<1x10000x32xbf16, #tpu.memory_space<hbm>> -> memref<10000x32xbf16, #tpu.memory_space<hbm>>
        %dma_wait3A_166 = arith.constant 0 : i32
        %dma_wait3A_167 = arith.constant 0 : i32
        %dma_wait3A_168 = tpu.memref_slice %dma_wait3A_165[%dma_wait3A_166, %dma_wait3A_167] : memref<10000x32xbf16, #tpu.memory_space<hbm>> -> memref<10000x32xbf16, #tpu.memory_space<hbm>>
        tpu.wait_indirect_dma semaphore(%arg18 : memref<!tpu.dma_semaphore, #tpu.memory_space<semaphore_mem>>) src(%dma_wait3A_168 : memref<10000x32xbf16, #tpu.memory_space<hbm>>) dst(%arg12 : memref<128x32xbf16, #tpu.memory_space<vmem>>)
        %mul3A_169 = arith.constant 128 : i32
        %mul3A_170 = arith.muli %add3A_159, %mul3A_169 : i32
        %dma_start3A_171 = tpu.memref_slice %arg8[%mul3A_170] : memref<10240xi32, #tpu.memory_space<vmem>> -> memref<128xi32, #tpu.memory_space<vmem>>
        %dma_start3A_172 = arith.constant 0 : i32
        %dma_start3A_173 = arith.constant 0 : i32
        %dma_start3A_174 = tpu.memref_slice %arg2[%scan3A_103, %dma_start3A_172, %dma_start3A_173] : memref<4x10000x32xbf16, #tpu.memory_space<hbm>> -> memref<1x10000x32xbf16, #tpu.memory_space<hbm>>
        %dma_start3A_175 = tpu.memref_squeeze %dma_start3A_174 : memref<1x10000x32xbf16, #tpu.memory_space<hbm>> -> memref<10000x32xbf16, #tpu.memory_space<hbm>>
        %dma_start3A_176 = arith.constant 0 : i32
        %dma_start3A_177 = arith.constant 0 : i32
        %dma_start3A_178 = tpu.memref_slice %dma_start3A_175[%dma_start3A_176, %dma_start3A_177] : memref<10000x32xbf16, #tpu.memory_space<hbm>> -> memref<10000x32xbf16, #tpu.memory_space<hbm>>
        tpu.enqueue_indirect_dma source(%dma_start3A_178 : memref<10000x32xbf16, #tpu.memory_space<hbm>>) target(%arg13 : memref<128x32xbf16, #tpu.memory_space<vmem>>) offsets(%dma_start3A_171 : memref<128xi32, #tpu.memory_space<vmem>>) semaphore(%arg19 : memref<!tpu.dma_semaphore, #tpu.memory_space<semaphore_mem>>)
        "tpu.region"() ({
          %run_scoped3A = tpu.sem_alloc : memref<!tpu.dma_semaphore, #tpu.memory_space<semaphore_mem>>
          %dma_start3A_196 = arith.constant 0 : i32
          %dma_start3A_197 = tpu.memref_slice %arg9[%mul3A_157, %dma_start3A_196] : memref<80x128xi32, #tpu.memory_space<vmem>> -> memref<1x128xi32, #tpu.memory_space<vmem>>
          %dma_start3A_198 = tpu.memref_squeeze %dma_start3A_197 : memref<1x128xi32, #tpu.memory_space<vmem>> -> memref<128xi32, #tpu.memory_space<vmem>>
          %dma_start3A_199 = arith.constant 0 : i32
          %dma_start3A_200 = arith.constant 0 : i32
          %dma_start3A_201 = tpu.memref_slice %arg15[%dma_start3A_199, %dma_start3A_200] : memref<81920x32xbf16, #tpu.memory_space<vmem_shared>> -> memref<81920x32xbf16, #tpu.memory_space<vmem_shared>>
          tpu.enqueue_indirect_dma source(%arg12 : memref<128x32xbf16, #tpu.memory_space<vmem>>) target(%dma_start3A_201 : memref<81920x32xbf16, #tpu.memory_space<vmem_shared>>) offsets(%dma_start3A_198 : memref<128xi32, #tpu.memory_space<vmem>>) semaphore(%run_scoped3A : memref<!tpu.dma_semaphore, #tpu.memory_space<semaphore_mem>>) {add = true}
          %dma_wait3A_202 = arith.constant 0 : i32
          %dma_wait3A_203 = tpu.memref_slice %arg9[%mul3A_157, %dma_wait3A_202] : memref<80x128xi32, #tpu.memory_space<vmem>> -> memref<1x128xi32, #tpu.memory_space<vmem>>
          %dma_wait3A_204 = tpu.memref_squeeze %dma_wait3A_203 : memref<1x128xi32, #tpu.memory_space<vmem>> -> memref<128xi32, #tpu.memory_space<vmem>>
          %dma_wait3A_205 = arith.constant 0 : i32
          %dma_wait3A_206 = arith.constant 0 : i32
          %dma_wait3A_207 = tpu.memref_slice %arg15[%dma_wait3A_205, %dma_wait3A_206] : memref<81920x32xbf16, #tpu.memory_space<vmem_shared>> -> memref<81920x32xbf16, #tpu.memory_space<vmem_shared>>
          tpu.wait_indirect_dma semaphore(%run_scoped3A : memref<!tpu.dma_semaphore, #tpu.memory_space<semaphore_mem>>) src(%arg12 : memref<128x32xbf16, #tpu.memory_space<vmem>>) dst(%dma_wait3A_207 : memref<81920x32xbf16, #tpu.memory_space<vmem_shared>>)
          tpu.yield
        }) : () -> ()
        %mul3A_179 = arith.constant 128 : i32
        %mul3A_180 = arith.muli %add3A_159, %mul3A_179 : i32
        %dma_wait3A_181 = tpu.memref_slice %arg8[%mul3A_180] : memref<10240xi32, #tpu.memory_space<vmem>> -> memref<128xi32, #tpu.memory_space<vmem>>
        %dma_wait3A_182 = arith.constant 0 : i32
        %dma_wait3A_183 = arith.constant 0 : i32
        %dma_wait3A_184 = tpu.memref_slice %arg2[%scan3A_103, %dma_wait3A_182, %dma_wait3A_183] : memref<4x10000x32xbf16, #tpu.memory_space<hbm>> -> memref<1x10000x32xbf16, #tpu.memory_space<hbm>>
        %dma_wait3A_185 = tpu.memref_squeeze %dma_wait3A_184 : memref<1x10000x32xbf16, #tpu.memory_space<hbm>> -> memref<10000x32xbf16, #tpu.memory_space<hbm>>
        %dma_wait3A_186 = arith.constant 0 : i32
        %dma_wait3A_187 = arith.constant 0 : i32
        %dma_wait3A_188 = tpu.memref_slice %dma_wait3A_185[%dma_wait3A_186, %dma_wait3A_187] : memref<10000x32xbf16, #tpu.memory_space<hbm>> -> memref<10000x32xbf16, #tpu.memory_space<hbm>>
        tpu.wait_indirect_dma semaphore(%arg19 : memref<!tpu.dma_semaphore, #tpu.memory_space<semaphore_mem>>) src(%dma_wait3A_188 : memref<10000x32xbf16, #tpu.memory_space<hbm>>) dst(%arg13 : memref<128x32xbf16, #tpu.memory_space<vmem>>)
        %add3A_189 = arith.constant 1 : i32
        %add3A_190 = arith.addi %scan3A_155, %add3A_189 : i32
        %lt3A_191 = arith.constant 40 : i32
        %lt3A_192 = arith.cmpi slt, %add3A_190, %lt3A_191 : i32
        %convert_element_type3A_193 = arith.extui %lt3A_192 : i1 to i32
        %cond3A_194 = arith.constant 0 : i32
        %cond3A_195 = arith.cmpi ne, %convert_element_type3A_193, %cond3A_194 : i32
        scf.if %cond3A_195 {
          %add3A_196 = arith.constant 2 : i32
          %add3A_197 = arith.addi %mul3A_157, %add3A_196 : i32
          %mul3A_198 = arith.constant 128 : i32
          %mul3A_199 = arith.muli %add3A_197, %mul3A_198 : i32
          %dma_start3A_200 = tpu.memref_slice %arg8[%mul3A_199] : memref<10240xi32, #tpu.memory_space<vmem>> -> memref<128xi32, #tpu.memory_space<vmem>>
          %dma_start3A_201 = arith.constant 0 : i32
          %dma_start3A_202 = arith.constant 0 : i32
          %dma_start3A_203 = tpu.memref_slice %arg2[%scan3A_103, %dma_start3A_201, %dma_start3A_202] : memref<4x10000x32xbf16, #tpu.memory_space<hbm>> -> memref<1x10000x32xbf16, #tpu.memory_space<hbm>>
          %dma_start3A_204 = tpu.memref_squeeze %dma_start3A_203 : memref<1x10000x32xbf16, #tpu.memory_space<hbm>> -> memref<10000x32xbf16, #tpu.memory_space<hbm>>
          %dma_start3A_205 = arith.constant 0 : i32
          %dma_start3A_206 = arith.constant 0 : i32
          %dma_start3A_207 = tpu.memref_slice %dma_start3A_204[%dma_start3A_205, %dma_start3A_206] : memref<10000x32xbf16, #tpu.memory_space<hbm>> -> memref<10000x32xbf16, #tpu.memory_space<hbm>>
          tpu.enqueue_indirect_dma source(%dma_start3A_207 : memref<10000x32xbf16, #tpu.memory_space<hbm>>) target(%arg12 : memref<128x32xbf16, #tpu.memory_space<vmem>>) offsets(%dma_start3A_200 : memref<128xi32, #tpu.memory_space<vmem>>) semaphore(%arg18 : memref<!tpu.dma_semaphore, #tpu.memory_space<semaphore_mem>>)
        } else {
        }
        "tpu.region"() ({
          %run_scoped3A = tpu.sem_alloc : memref<!tpu.dma_semaphore, #tpu.memory_space<semaphore_mem>>
          %dma_start3A_196 = arith.constant 0 : i32
          %dma_start3A_197 = tpu.memref_slice %arg9[%add3A_159, %dma_start3A_196] : memref<80x128xi32, #tpu.memory_space<vmem>> -> memref<1x128xi32, #tpu.memory_space<vmem>>
          %dma_start3A_198 = tpu.memref_squeeze %dma_start3A_197 : memref<1x128xi32, #tpu.memory_space<vmem>> -> memref<128xi32, #tpu.memory_space<vmem>>
          %dma_start3A_199 = arith.constant 0 : i32
          %dma_start3A_200 = arith.constant 0 : i32
          %dma_start3A_201 = tpu.memref_slice %arg15[%dma_start3A_199, %dma_start3A_200] : memref<81920x32xbf16, #tpu.memory_space<vmem_shared>> -> memref<81920x32xbf16, #tpu.memory_space<vmem_shared>>
          tpu.enqueue_indirect_dma source(%arg13 : memref<128x32xbf16, #tpu.memory_space<vmem>>) target(%dma_start3A_201 : memref<81920x32xbf16, #tpu.memory_space<vmem_shared>>) offsets(%dma_start3A_198 : memref<128xi32, #tpu.memory_space<vmem>>) semaphore(%run_scoped3A : memref<!tpu.dma_semaphore, #tpu.memory_space<semaphore_mem>>) {add = true}
          %dma_wait3A_202 = arith.constant 0 : i32
          %dma_wait3A_203 = tpu.memref_slice %arg9[%add3A_159, %dma_wait3A_202] : memref<80x128xi32, #tpu.memory_space<vmem>> -> memref<1x128xi32, #tpu.memory_space<vmem>>
          %dma_wait3A_204 = tpu.memref_squeeze %dma_wait3A_203 : memref<1x128xi32, #tpu.memory_space<vmem>> -> memref<128xi32, #tpu.memory_space<vmem>>
          %dma_wait3A_205 = arith.constant 0 : i32
          %dma_wait3A_206 = arith.constant 0 : i32
          %dma_wait3A_207 = tpu.memref_slice %arg15[%dma_wait3A_205, %dma_wait3A_206] : memref<81920x32xbf16, #tpu.memory_space<vmem_shared>> -> memref<81920x32xbf16, #tpu.memory_space<vmem_shared>>
          tpu.wait_indirect_dma semaphore(%run_scoped3A : memref<!tpu.dma_semaphore, #tpu.memory_space<semaphore_mem>>) src(%arg13 : memref<128x32xbf16, #tpu.memory_space<vmem>>) dst(%dma_wait3A_207 : memref<81920x32xbf16, #tpu.memory_space<vmem_shared>>)
          tpu.yield
        }) : () -> ()
      }
      %scan3A_108 = arith.constant 40 : i32
      %barrier3A_109 = arith.constant 0 : index
      tpu.barrier barrier_id(%barrier3A_109)
      %jit3A_110 = arith.constant 2 : i32
      %div3A_111 = arith.divsi %arg1, %jit3A_110 : i32
      %sign3A_112 = arith.constant 0 : i32
      %sign3A_113 = arith.cmpi sgt, %arg1, %sign3A_112 : i32
      %sign3A_114 = arith.extui %sign3A_113 : i1 to i32
      %sign3A_115 = arith.constant 0 : i32
      %sign3A_116 = arith.cmpi slt, %arg1, %sign3A_115 : i32
      %sign3A_117 = arith.extui %sign3A_116 : i1 to i32
      %sign3A_118 = arith.subi %sign3A_114, %sign3A_117 : i32
      %sign3A_119 = arith.constant 0 : i32
      %sign3A_120 = arith.cmpi sgt, %jit3A_110, %sign3A_119 : i32
      %sign3A_121 = arith.extui %sign3A_120 : i1 to i32
      %sign3A_122 = arith.constant 0 : i32
      %sign3A_123 = arith.cmpi slt, %jit3A_110, %sign3A_122 : i32
      %sign3A_124 = arith.extui %sign3A_123 : i1 to i32
      %sign3A_125 = arith.subi %sign3A_121, %sign3A_124 : i32
      %ne3A_126 = arith.cmpi ne, %sign3A_118, %sign3A_125 : i32
      %rem3A_127 = arith.remsi %arg1, %jit3A_110 : i32
      %ne3A_128 = arith.constant 0 : i32
      %ne3A_129 = arith.cmpi ne, %rem3A_127, %ne3A_128 : i32
      %and3A_130 = arith.andi %ne3A_126, %ne3A_129 : i1
      %sub3A_131 = arith.constant 1 : i32
      %sub3A_132 = arith.subi %div3A_111, %sub3A_131 : i32
      %select_n3A_133 = arith.select %and3A_130, %sub3A_132, %div3A_111 : i32
      %jit3A_134 = arith.constant 2 : i32
      %eq3A_135 = arith.constant 0 : i32
      %eq3A_136 = arith.cmpi eq, %jit3A_134, %eq3A_135 : i32
      %jit3A_137 = arith.constant 1 : i32
      %select_n3A_138 = arith.select %eq3A_136, %jit3A_137, %jit3A_134 : i32
      %rem3A_139 = arith.remsi %arg1, %select_n3A_138 : i32
      %ne3A_140 = arith.constant 0 : i32
      %ne3A_141 = arith.cmpi ne, %rem3A_139, %ne3A_140 : i32
      %lt3A_142 = arith.constant 0 : i32
      %lt3A_143 = arith.cmpi slt, %rem3A_139, %lt3A_142 : i32
      %lt3A_144 = arith.constant 0 : i32
      %lt3A_145 = arith.cmpi slt, %select_n3A_138, %lt3A_144 : i32
      %ne3A_146 = arith.xori %lt3A_143, %lt3A_145 : i1
      %and3A_147 = arith.andi %ne3A_146, %ne3A_141 : i1
      %add3A_148 = arith.addi %rem3A_139, %select_n3A_138 : i32
      %select_n3A_149 = arith.select %and3A_147, %add3A_148, %rem3A_139 : i32
      %mul3A_150 = arith.constant 5000 : i32
      %mul3A_151 = arith.muli %select_n3A_149, %mul3A_150 : i32
      %mul3A_152 = arith.constant 5000 : i32
      %mul3A_153 = arith.muli %arg1, %mul3A_152 : i32
      "tpu.region"() ({
        %run_scoped3A = tpu.sem_alloc : memref<!tpu.dma_semaphore, #tpu.memory_space<semaphore_mem>>
        %dma_start3A_155 = arith.constant 96 : i32
        %dma_start3A_156 = tpu.memref_slice %arg7[%select_n3A_133, %mul3A_151, %dma_start3A_155] : memref<8x10000x128xbf16, #tpu.memory_space<hbm>> -> memref<1x5000x32xbf16, #tpu.memory_space<hbm>>
        %dma_start3A_157 = tpu.memref_squeeze %dma_start3A_156 : memref<1x5000x32xbf16, #tpu.memory_space<hbm>> -> memref<5000x32xbf16, #tpu.memory_space<hbm>>
        %dma_start3A_158 = arith.constant 0 : i32
        %dma_start3A_159 = tpu.memref_slice %arg15[%mul3A_153, %dma_start3A_158] : memref<81920x32xbf16, #tpu.memory_space<vmem_shared>> -> memref<5000x32xbf16, #tpu.memory_space<vmem_shared>>
        tpu.enqueue_dma source(%dma_start3A_159 : memref<5000x32xbf16, #tpu.memory_space<vmem_shared>>) target(%dma_start3A_157 : memref<5000x32xbf16, #tpu.memory_space<hbm>>) target_semaphore(%run_scoped3A : memref<!tpu.dma_semaphore, #tpu.memory_space<semaphore_mem>>)
        %dma_wait3A = arith.constant 96 : i32
        %dma_wait3A_160 = tpu.memref_slice %arg7[%select_n3A_133, %mul3A_151, %dma_wait3A] : memref<8x10000x128xbf16, #tpu.memory_space<hbm>> -> memref<1x5000x32xbf16, #tpu.memory_space<hbm>>
        %dma_wait3A_161 = tpu.memref_squeeze %dma_wait3A_160 : memref<1x5000x32xbf16, #tpu.memory_space<hbm>> -> memref<5000x32xbf16, #tpu.memory_space<hbm>>
        %dma_wait3A_162 = arith.constant 0 : i32
        %dma_wait3A_163 = tpu.memref_slice %arg15[%mul3A_153, %dma_wait3A_162] : memref<81920x32xbf16, #tpu.memory_space<vmem_shared>> -> memref<5000x32xbf16, #tpu.memory_space<vmem_shared>>
        tpu.wait_dma2 semaphore(%run_scoped3A : memref<!tpu.dma_semaphore, #tpu.memory_space<semaphore_mem>>) src(%dma_wait3A_163 : memref<5000x32xbf16, #tpu.memory_space<vmem_shared>>) dst(%dma_wait3A_161 : memref<5000x32xbf16, #tpu.memory_space<hbm>>)
        tpu.yield
      }) : () -> ()
      %barrier3A_154 = arith.constant 0 : index
      tpu.barrier barrier_id(%barrier3A_154)
    } else {
    }
    return
  }
}

module attributes {stable_mosaic.version = 14 : i64} {
  func.func @_tc_body(%arg0: i32, %arg1: memref<1000x128xf32, #tpu.memory_space<vmem>>, %arg2: memref<8x1000x128xbf16, #tpu.memory_space<vmem>>, %arg3: memref<2x8x1000x16xf32, #tpu.memory_space<vmem>>, %arg4: memref<8x128x128xf32, #tpu.memory_space<vmem>>, %arg5: memref<128x128xf32, #tpu.memory_space<vmem>>, %arg6: memref<1x128xf32, #tpu.memory_space<vmem>>, %arg7: memref<1000x128xf32, #tpu.memory_space<vmem>>) attributes {dimension_semantics = [#tpu.dimension_semantics<arbitrary>], iteration_bounds = array<i64: 10>, scalar_prefetch = 0 : i64, scratch_operands = 0 : i64, tpu.core_type = #tpu.core_type<tc>, window_params = [{transform_indices = @transform_0, window_bounds = array<i64: 1000, 128>}, {transform_indices = @transform_1, window_bounds = array<i64: 8, 1000, 128>}, {transform_indices = @transform_2, window_bounds = array<i64: 2, 8, 1000, 16>}, {pipeline_mode = #tpu.pipeline_mode<synchronous>, transform_indices = @transform_3, window_bounds = array<i64: 8, 128, 128>}, {pipeline_mode = #tpu.pipeline_mode<synchronous>, transform_indices = @transform_4, window_bounds = array<i64: 128, 128>}, {pipeline_mode = #tpu.pipeline_mode<synchronous>, transform_indices = @transform_5, window_bounds = array<i64: 1, 128>}, {transform_indices = @transform_6, window_bounds = array<i64: 1000, 128>}]} {
    %get3A = arith.constant 0 : index
    %get3A_0 = arith.constant 0 : index
    %get3A_1 = vector.load %arg1[%get3A, %get3A_0] : memref<1000x128xf32, #tpu.memory_space<vmem>>, vector<1000x128xf32>
    %get3A_2 = arith.constant 0 : index
    %get3A_3 = arith.constant 0 : index
    %get3A_4 = vector.load %arg5[%get3A_2, %get3A_3] : memref<128x128xf32, #tpu.memory_space<vmem>>, vector<128x128xf32>
    %dot_general3A = arith.constant dense<0.000000e+00> : vector<1000x128xf32>
    %dot_general3A_5 = tpu.matmul %get3A_1, %get3A_4, %dot_general3A {dimension_numbers = #tpu.dot_dimension_numbers<[1], [0], [0], [1], [0, 0, 1, 1], [], []>, transpose_lhs_hint = false} : vector<1000x128xf32>, vector<128x128xf32>, vector<1000x128xf32> -> vector<1000x128xf32>
    %get3A_6 = arith.constant 0 : index
    %get3A_7 = arith.constant 0 : index
    %get3A_8 = vector.load %arg6[%get3A_6, %get3A_7] : memref<1x128xf32, #tpu.memory_space<vmem>>, vector<1x128xf32>
    %add3A = vector.broadcast %get3A_8 : vector<1x128xf32> to vector<1000x128xf32>
    %add3A_9 = arith.addf %dot_general3A_5, %add3A : vector<1000x128xf32>
    %get3A_10 = arith.constant 0 : index
    %get3A_11 = arith.constant 0 : index
    %get3A_12 = arith.constant 0 : index
    %get3A_13 = arith.constant 0 : index
    %get3A_14 = vector.load %arg3[%get3A_10, %get3A_11, %get3A_12, %get3A_13] : memref<2x8x1000x16xf32, #tpu.memory_space<vmem>>, vector<1x1x1000x16xf32>
    %get3A_15 = vector.shape_cast %get3A_14 : vector<1x1x1000x16xf32> to vector<1000x16xf32>
    %slice3A = vector.extract_strided_slice %get3A_15 {offsets = [0, 0], sizes = [1000, 1], strides = [1, 1]} : vector<1000x16xf32> to vector<1000x1xf32>
    %get3A_16 = arith.constant 1 : index
    %get3A_17 = arith.constant 0 : index
    %get3A_18 = arith.constant 0 : index
    %get3A_19 = arith.constant 0 : index
    %get3A_20 = vector.load %arg3[%get3A_16, %get3A_17, %get3A_18, %get3A_19] : memref<2x8x1000x16xf32, #tpu.memory_space<vmem>>, vector<1x1x1000x16xf32>
    %get3A_21 = vector.shape_cast %get3A_20 : vector<1x1x1000x16xf32> to vector<1000x16xf32>
    %slice3A_22 = vector.extract_strided_slice %get3A_21 {offsets = [0, 0], sizes = [1000, 1], strides = [1, 1]} : vector<1000x16xf32> to vector<1000x1xf32>
    %add3A_23 = arith.addf %slice3A, %slice3A_22 : vector<1000x1xf32>
    %max3A = arith.constant 1.000000e+00 : f32
    %max3A_24 = vector.broadcast %max3A : f32 to vector<1000x1xf32>
    %max3A_25 = arith.maximumf %add3A_23, %max3A_24 : vector<1000x1xf32>
    %div3A = arith.constant 1.000000e+00 : f32
    %div3A_26 = vector.broadcast %div3A : f32 to vector<1000x1xf32>
    %div3A_27 = arith.divf %div3A_26, %max3A_25 : vector<1000x1xf32>
    %get3A_28 = arith.constant 0 : index
    %get3A_29 = arith.constant 0 : index
    %get3A_30 = arith.constant 0 : index
    %get3A_31 = vector.load %arg2[%get3A_28, %get3A_29, %get3A_30] : memref<8x1000x128xbf16, #tpu.memory_space<vmem>>, vector<1x1000x128xbf16>
    %get3A_32 = vector.shape_cast %get3A_31 : vector<1x1000x128xbf16> to vector<1000x128xbf16>
    %convert_element_type3A = arith.extf %get3A_32 : vector<1000x128xbf16> to vector<1000x128xf32>
    %mul3A = vector.broadcast %div3A_27 : vector<1000x1xf32> to vector<1000x128xf32>
    %mul3A_33 = arith.mulf %convert_element_type3A, %mul3A : vector<1000x128xf32>
    %get3A_34 = arith.constant 0 : index
    %get3A_35 = arith.constant 0 : index
    %get3A_36 = arith.constant 0 : index
    %get3A_37 = vector.load %arg4[%get3A_34, %get3A_35, %get3A_36] : memref<8x128x128xf32, #tpu.memory_space<vmem>>, vector<1x128x128xf32>
    %get3A_38 = vector.shape_cast %get3A_37 : vector<1x128x128xf32> to vector<128x128xf32>
    %dot_general3A_39 = arith.constant dense<0.000000e+00> : vector<1000x128xf32>
    %dot_general3A_40 = tpu.matmul %mul3A_33, %get3A_38, %dot_general3A_39 {dimension_numbers = #tpu.dot_dimension_numbers<[1], [0], [0], [1], [0, 0, 1, 1], [], []>, transpose_lhs_hint = false} : vector<1000x128xf32>, vector<128x128xf32>, vector<1000x128xf32> -> vector<1000x128xf32>
    %add3A_41 = arith.addf %add3A_9, %dot_general3A_40 : vector<1000x128xf32>
    %get3A_42 = arith.constant 0 : index
    %get3A_43 = arith.constant 1 : index
    %get3A_44 = arith.constant 0 : index
    %get3A_45 = arith.constant 0 : index
    %get3A_46 = vector.load %arg3[%get3A_42, %get3A_43, %get3A_44, %get3A_45] : memref<2x8x1000x16xf32, #tpu.memory_space<vmem>>, vector<1x1x1000x16xf32>
    %get3A_47 = vector.shape_cast %get3A_46 : vector<1x1x1000x16xf32> to vector<1000x16xf32>
    %slice3A_48 = vector.extract_strided_slice %get3A_47 {offsets = [0, 0], sizes = [1000, 1], strides = [1, 1]} : vector<1000x16xf32> to vector<1000x1xf32>
    %get3A_49 = arith.constant 1 : index
    %get3A_50 = arith.constant 1 : index
    %get3A_51 = arith.constant 0 : index
    %get3A_52 = arith.constant 0 : index
    %get3A_53 = vector.load %arg3[%get3A_49, %get3A_50, %get3A_51, %get3A_52] : memref<2x8x1000x16xf32, #tpu.memory_space<vmem>>, vector<1x1x1000x16xf32>
    %get3A_54 = vector.shape_cast %get3A_53 : vector<1x1x1000x16xf32> to vector<1000x16xf32>
    %slice3A_55 = vector.extract_strided_slice %get3A_54 {offsets = [0, 0], sizes = [1000, 1], strides = [1, 1]} : vector<1000x16xf32> to vector<1000x1xf32>
    %add3A_56 = arith.addf %slice3A_48, %slice3A_55 : vector<1000x1xf32>
    %max3A_57 = arith.constant 1.000000e+00 : f32
    %max3A_58 = vector.broadcast %max3A_57 : f32 to vector<1000x1xf32>
    %max3A_59 = arith.maximumf %add3A_56, %max3A_58 : vector<1000x1xf32>
    %div3A_60 = arith.constant 1.000000e+00 : f32
    %div3A_61 = vector.broadcast %div3A_60 : f32 to vector<1000x1xf32>
    %div3A_62 = arith.divf %div3A_61, %max3A_59 : vector<1000x1xf32>
    %get3A_63 = arith.constant 1 : index
    %get3A_64 = arith.constant 0 : index
    %get3A_65 = arith.constant 0 : index
    %get3A_66 = vector.load %arg2[%get3A_63, %get3A_64, %get3A_65] : memref<8x1000x128xbf16, #tpu.memory_space<vmem>>, vector<1x1000x128xbf16>
    %get3A_67 = vector.shape_cast %get3A_66 : vector<1x1000x128xbf16> to vector<1000x128xbf16>
    %convert_element_type3A_68 = arith.extf %get3A_67 : vector<1000x128xbf16> to vector<1000x128xf32>
    %mul3A_69 = vector.broadcast %div3A_62 : vector<1000x1xf32> to vector<1000x128xf32>
    %mul3A_70 = arith.mulf %convert_element_type3A_68, %mul3A_69 : vector<1000x128xf32>
    %get3A_71 = arith.constant 1 : index
    %get3A_72 = arith.constant 0 : index
    %get3A_73 = arith.constant 0 : index
    %get3A_74 = vector.load %arg4[%get3A_71, %get3A_72, %get3A_73] : memref<8x128x128xf32, #tpu.memory_space<vmem>>, vector<1x128x128xf32>
    %get3A_75 = vector.shape_cast %get3A_74 : vector<1x128x128xf32> to vector<128x128xf32>
    %dot_general3A_76 = arith.constant dense<0.000000e+00> : vector<1000x128xf32>
    %dot_general3A_77 = tpu.matmul %mul3A_70, %get3A_75, %dot_general3A_76 {dimension_numbers = #tpu.dot_dimension_numbers<[1], [0], [0], [1], [0, 0, 1, 1], [], []>, transpose_lhs_hint = false} : vector<1000x128xf32>, vector<128x128xf32>, vector<1000x128xf32> -> vector<1000x128xf32>
    %add3A_78 = arith.addf %add3A_41, %dot_general3A_77 : vector<1000x128xf32>
    %get3A_79 = arith.constant 0 : index
    %get3A_80 = arith.constant 2 : index
    %get3A_81 = arith.constant 0 : index
    %get3A_82 = arith.constant 0 : index
    %get3A_83 = vector.load %arg3[%get3A_79, %get3A_80, %get3A_81, %get3A_82] : memref<2x8x1000x16xf32, #tpu.memory_space<vmem>>, vector<1x1x1000x16xf32>
    %get3A_84 = vector.shape_cast %get3A_83 : vector<1x1x1000x16xf32> to vector<1000x16xf32>
    %slice3A_85 = vector.extract_strided_slice %get3A_84 {offsets = [0, 0], sizes = [1000, 1], strides = [1, 1]} : vector<1000x16xf32> to vector<1000x1xf32>
    %get3A_86 = arith.constant 1 : index
    %get3A_87 = arith.constant 2 : index
    %get3A_88 = arith.constant 0 : index
    %get3A_89 = arith.constant 0 : index
    %get3A_90 = vector.load %arg3[%get3A_86, %get3A_87, %get3A_88, %get3A_89] : memref<2x8x1000x16xf32, #tpu.memory_space<vmem>>, vector<1x1x1000x16xf32>
    %get3A_91 = vector.shape_cast %get3A_90 : vector<1x1x1000x16xf32> to vector<1000x16xf32>
    %slice3A_92 = vector.extract_strided_slice %get3A_91 {offsets = [0, 0], sizes = [1000, 1], strides = [1, 1]} : vector<1000x16xf32> to vector<1000x1xf32>
    %add3A_93 = arith.addf %slice3A_85, %slice3A_92 : vector<1000x1xf32>
    %max3A_94 = arith.constant 1.000000e+00 : f32
    %max3A_95 = vector.broadcast %max3A_94 : f32 to vector<1000x1xf32>
    %max3A_96 = arith.maximumf %add3A_93, %max3A_95 : vector<1000x1xf32>
    %div3A_97 = arith.constant 1.000000e+00 : f32
    %div3A_98 = vector.broadcast %div3A_97 : f32 to vector<1000x1xf32>
    %div3A_99 = arith.divf %div3A_98, %max3A_96 : vector<1000x1xf32>
    %get3A_100 = arith.constant 2 : index
    %get3A_101 = arith.constant 0 : index
    %get3A_102 = arith.constant 0 : index
    %get3A_103 = vector.load %arg2[%get3A_100, %get3A_101, %get3A_102] : memref<8x1000x128xbf16, #tpu.memory_space<vmem>>, vector<1x1000x128xbf16>
    %get3A_104 = vector.shape_cast %get3A_103 : vector<1x1000x128xbf16> to vector<1000x128xbf16>
    %convert_element_type3A_105 = arith.extf %get3A_104 : vector<1000x128xbf16> to vector<1000x128xf32>
    %mul3A_106 = vector.broadcast %div3A_99 : vector<1000x1xf32> to vector<1000x128xf32>
    %mul3A_107 = arith.mulf %convert_element_type3A_105, %mul3A_106 : vector<1000x128xf32>
    %get3A_108 = arith.constant 2 : index
    %get3A_109 = arith.constant 0 : index
    %get3A_110 = arith.constant 0 : index
    %get3A_111 = vector.load %arg4[%get3A_108, %get3A_109, %get3A_110] : memref<8x128x128xf32, #tpu.memory_space<vmem>>, vector<1x128x128xf32>
    %get3A_112 = vector.shape_cast %get3A_111 : vector<1x128x128xf32> to vector<128x128xf32>
    %dot_general3A_113 = arith.constant dense<0.000000e+00> : vector<1000x128xf32>
    %dot_general3A_114 = tpu.matmul %mul3A_107, %get3A_112, %dot_general3A_113 {dimension_numbers = #tpu.dot_dimension_numbers<[1], [0], [0], [1], [0, 0, 1, 1], [], []>, transpose_lhs_hint = false} : vector<1000x128xf32>, vector<128x128xf32>, vector<1000x128xf32> -> vector<1000x128xf32>
    %add3A_115 = arith.addf %add3A_78, %dot_general3A_114 : vector<1000x128xf32>
    %get3A_116 = arith.constant 0 : index
    %get3A_117 = arith.constant 3 : index
    %get3A_118 = arith.constant 0 : index
    %get3A_119 = arith.constant 0 : index
    %get3A_120 = vector.load %arg3[%get3A_116, %get3A_117, %get3A_118, %get3A_119] : memref<2x8x1000x16xf32, #tpu.memory_space<vmem>>, vector<1x1x1000x16xf32>
    %get3A_121 = vector.shape_cast %get3A_120 : vector<1x1x1000x16xf32> to vector<1000x16xf32>
    %slice3A_122 = vector.extract_strided_slice %get3A_121 {offsets = [0, 0], sizes = [1000, 1], strides = [1, 1]} : vector<1000x16xf32> to vector<1000x1xf32>
    %get3A_123 = arith.constant 1 : index
    %get3A_124 = arith.constant 3 : index
    %get3A_125 = arith.constant 0 : index
    %get3A_126 = arith.constant 0 : index
    %get3A_127 = vector.load %arg3[%get3A_123, %get3A_124, %get3A_125, %get3A_126] : memref<2x8x1000x16xf32, #tpu.memory_space<vmem>>, vector<1x1x1000x16xf32>
    %get3A_128 = vector.shape_cast %get3A_127 : vector<1x1x1000x16xf32> to vector<1000x16xf32>
    %slice3A_129 = vector.extract_strided_slice %get3A_128 {offsets = [0, 0], sizes = [1000, 1], strides = [1, 1]} : vector<1000x16xf32> to vector<1000x1xf32>
    %add3A_130 = arith.addf %slice3A_122, %slice3A_129 : vector<1000x1xf32>
    %max3A_131 = arith.constant 1.000000e+00 : f32
    %max3A_132 = vector.broadcast %max3A_131 : f32 to vector<1000x1xf32>
    %max3A_133 = arith.maximumf %add3A_130, %max3A_132 : vector<1000x1xf32>
    %div3A_134 = arith.constant 1.000000e+00 : f32
    %div3A_135 = vector.broadcast %div3A_134 : f32 to vector<1000x1xf32>
    %div3A_136 = arith.divf %div3A_135, %max3A_133 : vector<1000x1xf32>
    %get3A_137 = arith.constant 3 : index
    %get3A_138 = arith.constant 0 : index
    %get3A_139 = arith.constant 0 : index
    %get3A_140 = vector.load %arg2[%get3A_137, %get3A_138, %get3A_139] : memref<8x1000x128xbf16, #tpu.memory_space<vmem>>, vector<1x1000x128xbf16>
    %get3A_141 = vector.shape_cast %get3A_140 : vector<1x1000x128xbf16> to vector<1000x128xbf16>
    %convert_element_type3A_142 = arith.extf %get3A_141 : vector<1000x128xbf16> to vector<1000x128xf32>
    %mul3A_143 = vector.broadcast %div3A_136 : vector<1000x1xf32> to vector<1000x128xf32>
    %mul3A_144 = arith.mulf %convert_element_type3A_142, %mul3A_143 : vector<1000x128xf32>
    %get3A_145 = arith.constant 3 : index
    %get3A_146 = arith.constant 0 : index
    %get3A_147 = arith.constant 0 : index
    %get3A_148 = vector.load %arg4[%get3A_145, %get3A_146, %get3A_147] : memref<8x128x128xf32, #tpu.memory_space<vmem>>, vector<1x128x128xf32>
    %get3A_149 = vector.shape_cast %get3A_148 : vector<1x128x128xf32> to vector<128x128xf32>
    %dot_general3A_150 = arith.constant dense<0.000000e+00> : vector<1000x128xf32>
    %dot_general3A_151 = tpu.matmul %mul3A_144, %get3A_149, %dot_general3A_150 {dimension_numbers = #tpu.dot_dimension_numbers<[1], [0], [0], [1], [0, 0, 1, 1], [], []>, transpose_lhs_hint = false} : vector<1000x128xf32>, vector<128x128xf32>, vector<1000x128xf32> -> vector<1000x128xf32>
    %add3A_152 = arith.addf %add3A_115, %dot_general3A_151 : vector<1000x128xf32>
    %get3A_153 = arith.constant 0 : index
    %get3A_154 = arith.constant 4 : index
    %get3A_155 = arith.constant 0 : index
    %get3A_156 = arith.constant 0 : index
    %get3A_157 = vector.load %arg3[%get3A_153, %get3A_154, %get3A_155, %get3A_156] : memref<2x8x1000x16xf32, #tpu.memory_space<vmem>>, vector<1x1x1000x16xf32>
    %get3A_158 = vector.shape_cast %get3A_157 : vector<1x1x1000x16xf32> to vector<1000x16xf32>
    %slice3A_159 = vector.extract_strided_slice %get3A_158 {offsets = [0, 0], sizes = [1000, 1], strides = [1, 1]} : vector<1000x16xf32> to vector<1000x1xf32>
    %get3A_160 = arith.constant 1 : index
    %get3A_161 = arith.constant 4 : index
    %get3A_162 = arith.constant 0 : index
    %get3A_163 = arith.constant 0 : index
    %get3A_164 = vector.load %arg3[%get3A_160, %get3A_161, %get3A_162, %get3A_163] : memref<2x8x1000x16xf32, #tpu.memory_space<vmem>>, vector<1x1x1000x16xf32>
    %get3A_165 = vector.shape_cast %get3A_164 : vector<1x1x1000x16xf32> to vector<1000x16xf32>
    %slice3A_166 = vector.extract_strided_slice %get3A_165 {offsets = [0, 0], sizes = [1000, 1], strides = [1, 1]} : vector<1000x16xf32> to vector<1000x1xf32>
    %add3A_167 = arith.addf %slice3A_159, %slice3A_166 : vector<1000x1xf32>
    %max3A_168 = arith.constant 1.000000e+00 : f32
    %max3A_169 = vector.broadcast %max3A_168 : f32 to vector<1000x1xf32>
    %max3A_170 = arith.maximumf %add3A_167, %max3A_169 : vector<1000x1xf32>
    %div3A_171 = arith.constant 1.000000e+00 : f32
    %div3A_172 = vector.broadcast %div3A_171 : f32 to vector<1000x1xf32>
    %div3A_173 = arith.divf %div3A_172, %max3A_170 : vector<1000x1xf32>
    %get3A_174 = arith.constant 4 : index
    %get3A_175 = arith.constant 0 : index
    %get3A_176 = arith.constant 0 : index
    %get3A_177 = vector.load %arg2[%get3A_174, %get3A_175, %get3A_176] : memref<8x1000x128xbf16, #tpu.memory_space<vmem>>, vector<1x1000x128xbf16>
    %get3A_178 = vector.shape_cast %get3A_177 : vector<1x1000x128xbf16> to vector<1000x128xbf16>
    %convert_element_type3A_179 = arith.extf %get3A_178 : vector<1000x128xbf16> to vector<1000x128xf32>
    %mul3A_180 = vector.broadcast %div3A_173 : vector<1000x1xf32> to vector<1000x128xf32>
    %mul3A_181 = arith.mulf %convert_element_type3A_179, %mul3A_180 : vector<1000x128xf32>
    %get3A_182 = arith.constant 4 : index
    %get3A_183 = arith.constant 0 : index
    %get3A_184 = arith.constant 0 : index
    %get3A_185 = vector.load %arg4[%get3A_182, %get3A_183, %get3A_184] : memref<8x128x128xf32, #tpu.memory_space<vmem>>, vector<1x128x128xf32>
    %get3A_186 = vector.shape_cast %get3A_185 : vector<1x128x128xf32> to vector<128x128xf32>
    %dot_general3A_187 = arith.constant dense<0.000000e+00> : vector<1000x128xf32>
    %dot_general3A_188 = tpu.matmul %mul3A_181, %get3A_186, %dot_general3A_187 {dimension_numbers = #tpu.dot_dimension_numbers<[1], [0], [0], [1], [0, 0, 1, 1], [], []>, transpose_lhs_hint = false} : vector<1000x128xf32>, vector<128x128xf32>, vector<1000x128xf32> -> vector<1000x128xf32>
    %add3A_189 = arith.addf %add3A_152, %dot_general3A_188 : vector<1000x128xf32>
    %get3A_190 = arith.constant 0 : index
    %get3A_191 = arith.constant 5 : index
    %get3A_192 = arith.constant 0 : index
    %get3A_193 = arith.constant 0 : index
    %get3A_194 = vector.load %arg3[%get3A_190, %get3A_191, %get3A_192, %get3A_193] : memref<2x8x1000x16xf32, #tpu.memory_space<vmem>>, vector<1x1x1000x16xf32>
    %get3A_195 = vector.shape_cast %get3A_194 : vector<1x1x1000x16xf32> to vector<1000x16xf32>
    %slice3A_196 = vector.extract_strided_slice %get3A_195 {offsets = [0, 0], sizes = [1000, 1], strides = [1, 1]} : vector<1000x16xf32> to vector<1000x1xf32>
    %get3A_197 = arith.constant 1 : index
    %get3A_198 = arith.constant 5 : index
    %get3A_199 = arith.constant 0 : index
    %get3A_200 = arith.constant 0 : index
    %get3A_201 = vector.load %arg3[%get3A_197, %get3A_198, %get3A_199, %get3A_200] : memref<2x8x1000x16xf32, #tpu.memory_space<vmem>>, vector<1x1x1000x16xf32>
    %get3A_202 = vector.shape_cast %get3A_201 : vector<1x1x1000x16xf32> to vector<1000x16xf32>
    %slice3A_203 = vector.extract_strided_slice %get3A_202 {offsets = [0, 0], sizes = [1000, 1], strides = [1, 1]} : vector<1000x16xf32> to vector<1000x1xf32>
    %add3A_204 = arith.addf %slice3A_196, %slice3A_203 : vector<1000x1xf32>
    %max3A_205 = arith.constant 1.000000e+00 : f32
    %max3A_206 = vector.broadcast %max3A_205 : f32 to vector<1000x1xf32>
    %max3A_207 = arith.maximumf %add3A_204, %max3A_206 : vector<1000x1xf32>
    %div3A_208 = arith.constant 1.000000e+00 : f32
    %div3A_209 = vector.broadcast %div3A_208 : f32 to vector<1000x1xf32>
    %div3A_210 = arith.divf %div3A_209, %max3A_207 : vector<1000x1xf32>
    %get3A_211 = arith.constant 5 : index
    %get3A_212 = arith.constant 0 : index
    %get3A_213 = arith.constant 0 : index
    %get3A_214 = vector.load %arg2[%get3A_211, %get3A_212, %get3A_213] : memref<8x1000x128xbf16, #tpu.memory_space<vmem>>, vector<1x1000x128xbf16>
    %get3A_215 = vector.shape_cast %get3A_214 : vector<1x1000x128xbf16> to vector<1000x128xbf16>
    %convert_element_type3A_216 = arith.extf %get3A_215 : vector<1000x128xbf16> to vector<1000x128xf32>
    %mul3A_217 = vector.broadcast %div3A_210 : vector<1000x1xf32> to vector<1000x128xf32>
    %mul3A_218 = arith.mulf %convert_element_type3A_216, %mul3A_217 : vector<1000x128xf32>
    %get3A_219 = arith.constant 5 : index
    %get3A_220 = arith.constant 0 : index
    %get3A_221 = arith.constant 0 : index
    %get3A_222 = vector.load %arg4[%get3A_219, %get3A_220, %get3A_221] : memref<8x128x128xf32, #tpu.memory_space<vmem>>, vector<1x128x128xf32>
    %get3A_223 = vector.shape_cast %get3A_222 : vector<1x128x128xf32> to vector<128x128xf32>
    %dot_general3A_224 = arith.constant dense<0.000000e+00> : vector<1000x128xf32>
    %dot_general3A_225 = tpu.matmul %mul3A_218, %get3A_223, %dot_general3A_224 {dimension_numbers = #tpu.dot_dimension_numbers<[1], [0], [0], [1], [0, 0, 1, 1], [], []>, transpose_lhs_hint = false} : vector<1000x128xf32>, vector<128x128xf32>, vector<1000x128xf32> -> vector<1000x128xf32>
    %add3A_226 = arith.addf %add3A_189, %dot_general3A_225 : vector<1000x128xf32>
    %get3A_227 = arith.constant 0 : index
    %get3A_228 = arith.constant 6 : index
    %get3A_229 = arith.constant 0 : index
    %get3A_230 = arith.constant 0 : index
    %get3A_231 = vector.load %arg3[%get3A_227, %get3A_228, %get3A_229, %get3A_230] : memref<2x8x1000x16xf32, #tpu.memory_space<vmem>>, vector<1x1x1000x16xf32>
    %get3A_232 = vector.shape_cast %get3A_231 : vector<1x1x1000x16xf32> to vector<1000x16xf32>
    %slice3A_233 = vector.extract_strided_slice %get3A_232 {offsets = [0, 0], sizes = [1000, 1], strides = [1, 1]} : vector<1000x16xf32> to vector<1000x1xf32>
    %get3A_234 = arith.constant 1 : index
    %get3A_235 = arith.constant 6 : index
    %get3A_236 = arith.constant 0 : index
    %get3A_237 = arith.constant 0 : index
    %get3A_238 = vector.load %arg3[%get3A_234, %get3A_235, %get3A_236, %get3A_237] : memref<2x8x1000x16xf32, #tpu.memory_space<vmem>>, vector<1x1x1000x16xf32>
    %get3A_239 = vector.shape_cast %get3A_238 : vector<1x1x1000x16xf32> to vector<1000x16xf32>
    %slice3A_240 = vector.extract_strided_slice %get3A_239 {offsets = [0, 0], sizes = [1000, 1], strides = [1, 1]} : vector<1000x16xf32> to vector<1000x1xf32>
    %add3A_241 = arith.addf %slice3A_233, %slice3A_240 : vector<1000x1xf32>
    %max3A_242 = arith.constant 1.000000e+00 : f32
    %max3A_243 = vector.broadcast %max3A_242 : f32 to vector<1000x1xf32>
    %max3A_244 = arith.maximumf %add3A_241, %max3A_243 : vector<1000x1xf32>
    %div3A_245 = arith.constant 1.000000e+00 : f32
    %div3A_246 = vector.broadcast %div3A_245 : f32 to vector<1000x1xf32>
    %div3A_247 = arith.divf %div3A_246, %max3A_244 : vector<1000x1xf32>
    %get3A_248 = arith.constant 6 : index
    %get3A_249 = arith.constant 0 : index
    %get3A_250 = arith.constant 0 : index
    %get3A_251 = vector.load %arg2[%get3A_248, %get3A_249, %get3A_250] : memref<8x1000x128xbf16, #tpu.memory_space<vmem>>, vector<1x1000x128xbf16>
    %get3A_252 = vector.shape_cast %get3A_251 : vector<1x1000x128xbf16> to vector<1000x128xbf16>
    %convert_element_type3A_253 = arith.extf %get3A_252 : vector<1000x128xbf16> to vector<1000x128xf32>
    %mul3A_254 = vector.broadcast %div3A_247 : vector<1000x1xf32> to vector<1000x128xf32>
    %mul3A_255 = arith.mulf %convert_element_type3A_253, %mul3A_254 : vector<1000x128xf32>
    %get3A_256 = arith.constant 6 : index
    %get3A_257 = arith.constant 0 : index
    %get3A_258 = arith.constant 0 : index
    %get3A_259 = vector.load %arg4[%get3A_256, %get3A_257, %get3A_258] : memref<8x128x128xf32, #tpu.memory_space<vmem>>, vector<1x128x128xf32>
    %get3A_260 = vector.shape_cast %get3A_259 : vector<1x128x128xf32> to vector<128x128xf32>
    %dot_general3A_261 = arith.constant dense<0.000000e+00> : vector<1000x128xf32>
    %dot_general3A_262 = tpu.matmul %mul3A_255, %get3A_260, %dot_general3A_261 {dimension_numbers = #tpu.dot_dimension_numbers<[1], [0], [0], [1], [0, 0, 1, 1], [], []>, transpose_lhs_hint = false} : vector<1000x128xf32>, vector<128x128xf32>, vector<1000x128xf32> -> vector<1000x128xf32>
    %add3A_263 = arith.addf %add3A_226, %dot_general3A_262 : vector<1000x128xf32>
    %get3A_264 = arith.constant 0 : index
    %get3A_265 = arith.constant 7 : index
    %get3A_266 = arith.constant 0 : index
    %get3A_267 = arith.constant 0 : index
    %get3A_268 = vector.load %arg3[%get3A_264, %get3A_265, %get3A_266, %get3A_267] : memref<2x8x1000x16xf32, #tpu.memory_space<vmem>>, vector<1x1x1000x16xf32>
    %get3A_269 = vector.shape_cast %get3A_268 : vector<1x1x1000x16xf32> to vector<1000x16xf32>
    %slice3A_270 = vector.extract_strided_slice %get3A_269 {offsets = [0, 0], sizes = [1000, 1], strides = [1, 1]} : vector<1000x16xf32> to vector<1000x1xf32>
    %get3A_271 = arith.constant 1 : index
    %get3A_272 = arith.constant 7 : index
    %get3A_273 = arith.constant 0 : index
    %get3A_274 = arith.constant 0 : index
    %get3A_275 = vector.load %arg3[%get3A_271, %get3A_272, %get3A_273, %get3A_274] : memref<2x8x1000x16xf32, #tpu.memory_space<vmem>>, vector<1x1x1000x16xf32>
    %get3A_276 = vector.shape_cast %get3A_275 : vector<1x1x1000x16xf32> to vector<1000x16xf32>
    %slice3A_277 = vector.extract_strided_slice %get3A_276 {offsets = [0, 0], sizes = [1000, 1], strides = [1, 1]} : vector<1000x16xf32> to vector<1000x1xf32>
    %add3A_278 = arith.addf %slice3A_270, %slice3A_277 : vector<1000x1xf32>
    %max3A_279 = arith.constant 1.000000e+00 : f32
    %max3A_280 = vector.broadcast %max3A_279 : f32 to vector<1000x1xf32>
    %max3A_281 = arith.maximumf %add3A_278, %max3A_280 : vector<1000x1xf32>
    %div3A_282 = arith.constant 1.000000e+00 : f32
    %div3A_283 = vector.broadcast %div3A_282 : f32 to vector<1000x1xf32>
    %div3A_284 = arith.divf %div3A_283, %max3A_281 : vector<1000x1xf32>
    %get3A_285 = arith.constant 7 : index
    %get3A_286 = arith.constant 0 : index
    %get3A_287 = arith.constant 0 : index
    %get3A_288 = vector.load %arg2[%get3A_285, %get3A_286, %get3A_287] : memref<8x1000x128xbf16, #tpu.memory_space<vmem>>, vector<1x1000x128xbf16>
    %get3A_289 = vector.shape_cast %get3A_288 : vector<1x1000x128xbf16> to vector<1000x128xbf16>
    %convert_element_type3A_290 = arith.extf %get3A_289 : vector<1000x128xbf16> to vector<1000x128xf32>
    %mul3A_291 = vector.broadcast %div3A_284 : vector<1000x1xf32> to vector<1000x128xf32>
    %mul3A_292 = arith.mulf %convert_element_type3A_290, %mul3A_291 : vector<1000x128xf32>
    %get3A_293 = arith.constant 7 : index
    %get3A_294 = arith.constant 0 : index
    %get3A_295 = arith.constant 0 : index
    %get3A_296 = vector.load %arg4[%get3A_293, %get3A_294, %get3A_295] : memref<8x128x128xf32, #tpu.memory_space<vmem>>, vector<1x128x128xf32>
    %get3A_297 = vector.shape_cast %get3A_296 : vector<1x128x128xf32> to vector<128x128xf32>
    %dot_general3A_298 = arith.constant dense<0.000000e+00> : vector<1000x128xf32>
    %dot_general3A_299 = tpu.matmul %mul3A_292, %get3A_297, %dot_general3A_298 {dimension_numbers = #tpu.dot_dimension_numbers<[1], [0], [0], [1], [0, 0, 1, 1], [], []>, transpose_lhs_hint = false} : vector<1000x128xf32>, vector<128x128xf32>, vector<1000x128xf32> -> vector<1000x128xf32>
    %add3A_300 = arith.addf %add3A_263, %dot_general3A_299 : vector<1000x128xf32>
    %max3A_301 = arith.constant 0.000000e+00 : f32
    %max3A_302 = vector.broadcast %max3A_301 : f32 to vector<1000x128xf32>
    %max3A_303 = arith.maximumf %add3A_300, %max3A_302 : vector<1000x128xf32>
    %swap3A = arith.constant 0 : index
    %swap3A_304 = arith.constant 0 : index
    %swap3A_305 = vector.load %arg7[%swap3A, %swap3A_304] : memref<1000x128xf32, #tpu.memory_space<vmem>>, vector<1000x128xf32>
    tpu.vector_store %arg7[%swap3A, %swap3A_304], %max3A_303 {strides = array<i32>} : memref<1000x128xf32, #tpu.memory_space<vmem>>, vector<1000x128xf32>,
    return
  }
  func.func @transform_0(%arg0: i32) -> (i32, i32) {
    %c0_i32 = arith.constant 0 : i32
    %c0_i32_0 = arith.constant 0 : i32
    return %arg0, %c0_i32 : i32, i32
  }
  func.func @transform_1(%arg0: i32) -> (i32, i32, i32) {
    %c0_i32 = arith.constant 0 : i32
    %c0_i32_0 = arith.constant 0 : i32
    %c0_i32_1 = arith.constant 0 : i32
    return %c0_i32, %arg0, %c0_i32_0 : i32, i32, i32
  }
  func.func @transform_2(%arg0: i32) -> (i32, i32, i32, i32) {
    %c0_i32 = arith.constant 0 : i32
    %c0_i32_0 = arith.constant 0 : i32
    %c0_i32_1 = arith.constant 0 : i32
    %c0_i32_2 = arith.constant 0 : i32
    return %c0_i32, %c0_i32_0, %arg0, %c0_i32_1 : i32, i32, i32, i32
  }
  func.func @transform_3(%arg0: i32) -> (i32, i32, i32) {
    %c0_i32 = arith.constant 0 : i32
    %c0_i32_0 = arith.constant 0 : i32
    %c0_i32_1 = arith.constant 0 : i32
    %c0_i32_2 = arith.constant 0 : i32
    return %c0_i32, %c0_i32_0, %c0_i32_1 : i32, i32, i32
  }
  func.func @transform_4(%arg0: i32) -> (i32, i32) {
    %c0_i32 = arith.constant 0 : i32
    %c0_i32_0 = arith.constant 0 : i32
    %c0_i32_1 = arith.constant 0 : i32
    return %c0_i32, %c0_i32_0 : i32, i32
  }
  func.func @transform_5(%arg0: i32) -> (i32, i32) {
    %c0_i32 = arith.constant 0 : i32
    %c0_i32_0 = arith.constant 0 : i32
    %c0_i32_1 = arith.constant 0 : i32
    return %c0_i32, %c0_i32_0 : i32, i32
  }
  func.func @transform_6(%arg0: i32) -> (i32, i32) {
    %c0_i32 = arith.constant 0 : i32
    %c0_i32_0 = arith.constant 0 : i32
    return %arg0, %c0_i32 : i32, i32
  }
}

module attributes {stable_mosaic.version = 14 : i64} {
  func.func @_tc_body(%arg0: i32, %arg1: memref<1000x128xf32, #tpu.memory_space<vmem>>, %arg2: memref<8x1000x128xbf16, #tpu.memory_space<vmem>>, %arg3: memref<2x8x1000x16xf32, #tpu.memory_space<vmem>>, %arg4: memref<8x128x128xf32, #tpu.memory_space<vmem>>, %arg5: memref<128x128xf32, #tpu.memory_space<vmem>>, %arg6: memref<1x128xf32, #tpu.memory_space<vmem>>, %arg7: memref<1000x128xf32, #tpu.memory_space<vmem>>) attributes {dimension_semantics = [#tpu.dimension_semantics<arbitrary>], iteration_bounds = array<i64: 10>, scalar_prefetch = 0 : i64, scratch_operands = 0 : i64, tpu.core_type = #tpu.core_type<tc>, window_params = [{transform_indices = @transform_0, window_bounds = array<i64: 1000, 128>}, {transform_indices = @transform_1, window_bounds = array<i64: 8, 1000, 128>}, {transform_indices = @transform_2, window_bounds = array<i64: 2, 8, 1000, 16>}, {pipeline_mode = #tpu.pipeline_mode<synchronous>, transform_indices = @transform_3, window_bounds = array<i64: 8, 128, 128>}, {pipeline_mode = #tpu.pipeline_mode<synchronous>, transform_indices = @transform_4, window_bounds = array<i64: 128, 128>}, {pipeline_mode = #tpu.pipeline_mode<synchronous>, transform_indices = @transform_5, window_bounds = array<i64: 1, 128>}, {transform_indices = @transform_6, window_bounds = array<i64: 1000, 128>}]} {
    %get3A = arith.constant 0 : index
    %get3A_0 = arith.constant 0 : index
    %get3A_1 = vector.load %arg1[%get3A, %get3A_0] : memref<1000x128xf32, #tpu.memory_space<vmem>>, vector<1000x128xf32>
    %get3A_2 = arith.constant 0 : index
    %get3A_3 = arith.constant 0 : index
    %get3A_4 = vector.load %arg5[%get3A_2, %get3A_3] : memref<128x128xf32, #tpu.memory_space<vmem>>, vector<128x128xf32>
    %dot_general3A = arith.constant dense<0.000000e+00> : vector<1000x128xf32>
    %dot_general3A_5 = tpu.matmul %get3A_1, %get3A_4, %dot_general3A {dimension_numbers = #tpu.dot_dimension_numbers<[1], [0], [0], [1], [0, 0, 1, 1], [], []>, transpose_lhs_hint = false} : vector<1000x128xf32>, vector<128x128xf32>, vector<1000x128xf32> -> vector<1000x128xf32>
    %get3A_6 = arith.constant 0 : index
    %get3A_7 = arith.constant 0 : index
    %get3A_8 = vector.load %arg6[%get3A_6, %get3A_7] : memref<1x128xf32, #tpu.memory_space<vmem>>, vector<1x128xf32>
    %add3A = vector.broadcast %get3A_8 : vector<1x128xf32> to vector<1000x128xf32>
    %add3A_9 = arith.addf %dot_general3A_5, %add3A : vector<1000x128xf32>
    %get3A_10 = arith.constant 0 : index
    %get3A_11 = arith.constant 0 : index
    %get3A_12 = arith.constant 0 : index
    %get3A_13 = arith.constant 0 : index
    %get3A_14 = vector.load %arg3[%get3A_10, %get3A_11, %get3A_12, %get3A_13] : memref<2x8x1000x16xf32, #tpu.memory_space<vmem>>, vector<1x1x1000x16xf32>
    %get3A_15 = vector.shape_cast %get3A_14 : vector<1x1x1000x16xf32> to vector<1000x16xf32>
    %slice3A = vector.extract_strided_slice %get3A_15 {offsets = [0, 0], sizes = [1000, 1], strides = [1, 1]} : vector<1000x16xf32> to vector<1000x1xf32>
    %get3A_16 = arith.constant 1 : index
    %get3A_17 = arith.constant 0 : index
    %get3A_18 = arith.constant 0 : index
    %get3A_19 = arith.constant 0 : index
    %get3A_20 = vector.load %arg3[%get3A_16, %get3A_17, %get3A_18, %get3A_19] : memref<2x8x1000x16xf32, #tpu.memory_space<vmem>>, vector<1x1x1000x16xf32>
    %get3A_21 = vector.shape_cast %get3A_20 : vector<1x1x1000x16xf32> to vector<1000x16xf32>
    %slice3A_22 = vector.extract_strided_slice %get3A_21 {offsets = [0, 0], sizes = [1000, 1], strides = [1, 1]} : vector<1000x16xf32> to vector<1000x1xf32>
    %add3A_23 = arith.addf %slice3A, %slice3A_22 : vector<1000x1xf32>
    %max3A = arith.constant 1.000000e+00 : f32
    %max3A_24 = vector.broadcast %max3A : f32 to vector<1000x1xf32>
    %max3A_25 = arith.maximumf %add3A_23, %max3A_24 : vector<1000x1xf32>
    %div3A = arith.constant 1.000000e+00 : f32
    %div3A_26 = vector.broadcast %div3A : f32 to vector<1000x1xf32>
    %div3A_27 = arith.divf %div3A_26, %max3A_25 : vector<1000x1xf32>
    %get3A_28 = arith.constant 0 : index
    %get3A_29 = arith.constant 0 : index
    %get3A_30 = arith.constant 0 : index
    %get3A_31 = vector.load %arg2[%get3A_28, %get3A_29, %get3A_30] : memref<8x1000x128xbf16, #tpu.memory_space<vmem>>, vector<1x1000x128xbf16>
    %get3A_32 = vector.shape_cast %get3A_31 : vector<1x1000x128xbf16> to vector<1000x128xbf16>
    %convert_element_type3A = arith.extf %get3A_32 : vector<1000x128xbf16> to vector<1000x128xf32>
    %mul3A = vector.broadcast %div3A_27 : vector<1000x1xf32> to vector<1000x128xf32>
    %mul3A_33 = arith.mulf %convert_element_type3A, %mul3A : vector<1000x128xf32>
    %get3A_34 = arith.constant 0 : index
    %get3A_35 = arith.constant 0 : index
    %get3A_36 = arith.constant 0 : index
    %get3A_37 = vector.load %arg4[%get3A_34, %get3A_35, %get3A_36] : memref<8x128x128xf32, #tpu.memory_space<vmem>>, vector<1x128x128xf32>
    %get3A_38 = vector.shape_cast %get3A_37 : vector<1x128x128xf32> to vector<128x128xf32>
    %dot_general3A_39 = arith.constant dense<0.000000e+00> : vector<1000x128xf32>
    %dot_general3A_40 = tpu.matmul %mul3A_33, %get3A_38, %dot_general3A_39 {dimension_numbers = #tpu.dot_dimension_numbers<[1], [0], [0], [1], [0, 0, 1, 1], [], []>, transpose_lhs_hint = false} : vector<1000x128xf32>, vector<128x128xf32>, vector<1000x128xf32> -> vector<1000x128xf32>
    %add3A_41 = arith.addf %add3A_9, %dot_general3A_40 : vector<1000x128xf32>
    %get3A_42 = arith.constant 0 : index
    %get3A_43 = arith.constant 1 : index
    %get3A_44 = arith.constant 0 : index
    %get3A_45 = arith.constant 0 : index
    %get3A_46 = vector.load %arg3[%get3A_42, %get3A_43, %get3A_44, %get3A_45] : memref<2x8x1000x16xf32, #tpu.memory_space<vmem>>, vector<1x1x1000x16xf32>
    %get3A_47 = vector.shape_cast %get3A_46 : vector<1x1x1000x16xf32> to vector<1000x16xf32>
    %slice3A_48 = vector.extract_strided_slice %get3A_47 {offsets = [0, 0], sizes = [1000, 1], strides = [1, 1]} : vector<1000x16xf32> to vector<1000x1xf32>
    %get3A_49 = arith.constant 1 : index
    %get3A_50 = arith.constant 1 : index
    %get3A_51 = arith.constant 0 : index
    %get3A_52 = arith.constant 0 : index
    %get3A_53 = vector.load %arg3[%get3A_49, %get3A_50, %get3A_51, %get3A_52] : memref<2x8x1000x16xf32, #tpu.memory_space<vmem>>, vector<1x1x1000x16xf32>
    %get3A_54 = vector.shape_cast %get3A_53 : vector<1x1x1000x16xf32> to vector<1000x16xf32>
    %slice3A_55 = vector.extract_strided_slice %get3A_54 {offsets = [0, 0], sizes = [1000, 1], strides = [1, 1]} : vector<1000x16xf32> to vector<1000x1xf32>
    %add3A_56 = arith.addf %slice3A_48, %slice3A_55 : vector<1000x1xf32>
    %max3A_57 = arith.constant 1.000000e+00 : f32
    %max3A_58 = vector.broadcast %max3A_57 : f32 to vector<1000x1xf32>
    %max3A_59 = arith.maximumf %add3A_56, %max3A_58 : vector<1000x1xf32>
    %div3A_60 = arith.constant 1.000000e+00 : f32
    %div3A_61 = vector.broadcast %div3A_60 : f32 to vector<1000x1xf32>
    %div3A_62 = arith.divf %div3A_61, %max3A_59 : vector<1000x1xf32>
    %get3A_63 = arith.constant 1 : index
    %get3A_64 = arith.constant 0 : index
    %get3A_65 = arith.constant 0 : index
    %get3A_66 = vector.load %arg2[%get3A_63, %get3A_64, %get3A_65] : memref<8x1000x128xbf16, #tpu.memory_space<vmem>>, vector<1x1000x128xbf16>
    %get3A_67 = vector.shape_cast %get3A_66 : vector<1x1000x128xbf16> to vector<1000x128xbf16>
    %convert_element_type3A_68 = arith.extf %get3A_67 : vector<1000x128xbf16> to vector<1000x128xf32>
    %mul3A_69 = vector.broadcast %div3A_62 : vector<1000x1xf32> to vector<1000x128xf32>
    %mul3A_70 = arith.mulf %convert_element_type3A_68, %mul3A_69 : vector<1000x128xf32>
    %get3A_71 = arith.constant 1 : index
    %get3A_72 = arith.constant 0 : index
    %get3A_73 = arith.constant 0 : index
    %get3A_74 = vector.load %arg4[%get3A_71, %get3A_72, %get3A_73] : memref<8x128x128xf32, #tpu.memory_space<vmem>>, vector<1x128x128xf32>
    %get3A_75 = vector.shape_cast %get3A_74 : vector<1x128x128xf32> to vector<128x128xf32>
    %dot_general3A_76 = arith.constant dense<0.000000e+00> : vector<1000x128xf32>
    %dot_general3A_77 = tpu.matmul %mul3A_70, %get3A_75, %dot_general3A_76 {dimension_numbers = #tpu.dot_dimension_numbers<[1], [0], [0], [1], [0, 0, 1, 1], [], []>, transpose_lhs_hint = false} : vector<1000x128xf32>, vector<128x128xf32>, vector<1000x128xf32> -> vector<1000x128xf32>
    %add3A_78 = arith.addf %add3A_41, %dot_general3A_77 : vector<1000x128xf32>
    %get3A_79 = arith.constant 0 : index
    %get3A_80 = arith.constant 2 : index
    %get3A_81 = arith.constant 0 : index
    %get3A_82 = arith.constant 0 : index
    %get3A_83 = vector.load %arg3[%get3A_79, %get3A_80, %get3A_81, %get3A_82] : memref<2x8x1000x16xf32, #tpu.memory_space<vmem>>, vector<1x1x1000x16xf32>
    %get3A_84 = vector.shape_cast %get3A_83 : vector<1x1x1000x16xf32> to vector<1000x16xf32>
    %slice3A_85 = vector.extract_strided_slice %get3A_84 {offsets = [0, 0], sizes = [1000, 1], strides = [1, 1]} : vector<1000x16xf32> to vector<1000x1xf32>
    %get3A_86 = arith.constant 1 : index
    %get3A_87 = arith.constant 2 : index
    %get3A_88 = arith.constant 0 : index
    %get3A_89 = arith.constant 0 : index
    %get3A_90 = vector.load %arg3[%get3A_86, %get3A_87, %get3A_88, %get3A_89] : memref<2x8x1000x16xf32, #tpu.memory_space<vmem>>, vector<1x1x1000x16xf32>
    %get3A_91 = vector.shape_cast %get3A_90 : vector<1x1x1000x16xf32> to vector<1000x16xf32>
    %slice3A_92 = vector.extract_strided_slice %get3A_91 {offsets = [0, 0], sizes = [1000, 1], strides = [1, 1]} : vector<1000x16xf32> to vector<1000x1xf32>
    %add3A_93 = arith.addf %slice3A_85, %slice3A_92 : vector<1000x1xf32>
    %max3A_94 = arith.constant 1.000000e+00 : f32
    %max3A_95 = vector.broadcast %max3A_94 : f32 to vector<1000x1xf32>
    %max3A_96 = arith.maximumf %add3A_93, %max3A_95 : vector<1000x1xf32>
    %div3A_97 = arith.constant 1.000000e+00 : f32
    %div3A_98 = vector.broadcast %div3A_97 : f32 to vector<1000x1xf32>
    %div3A_99 = arith.divf %div3A_98, %max3A_96 : vector<1000x1xf32>
    %get3A_100 = arith.constant 2 : index
    %get3A_101 = arith.constant 0 : index
    %get3A_102 = arith.constant 0 : index
    %get3A_103 = vector.load %arg2[%get3A_100, %get3A_101, %get3A_102] : memref<8x1000x128xbf16, #tpu.memory_space<vmem>>, vector<1x1000x128xbf16>
    %get3A_104 = vector.shape_cast %get3A_103 : vector<1x1000x128xbf16> to vector<1000x128xbf16>
    %convert_element_type3A_105 = arith.extf %get3A_104 : vector<1000x128xbf16> to vector<1000x128xf32>
    %mul3A_106 = vector.broadcast %div3A_99 : vector<1000x1xf32> to vector<1000x128xf32>
    %mul3A_107 = arith.mulf %convert_element_type3A_105, %mul3A_106 : vector<1000x128xf32>
    %get3A_108 = arith.constant 2 : index
    %get3A_109 = arith.constant 0 : index
    %get3A_110 = arith.constant 0 : index
    %get3A_111 = vector.load %arg4[%get3A_108, %get3A_109, %get3A_110] : memref<8x128x128xf32, #tpu.memory_space<vmem>>, vector<1x128x128xf32>
    %get3A_112 = vector.shape_cast %get3A_111 : vector<1x128x128xf32> to vector<128x128xf32>
    %dot_general3A_113 = arith.constant dense<0.000000e+00> : vector<1000x128xf32>
    %dot_general3A_114 = tpu.matmul %mul3A_107, %get3A_112, %dot_general3A_113 {dimension_numbers = #tpu.dot_dimension_numbers<[1], [0], [0], [1], [0, 0, 1, 1], [], []>, transpose_lhs_hint = false} : vector<1000x128xf32>, vector<128x128xf32>, vector<1000x128xf32> -> vector<1000x128xf32>
    %add3A_115 = arith.addf %add3A_78, %dot_general3A_114 : vector<1000x128xf32>
    %get3A_116 = arith.constant 0 : index
    %get3A_117 = arith.constant 3 : index
    %get3A_118 = arith.constant 0 : index
    %get3A_119 = arith.constant 0 : index
    %get3A_120 = vector.load %arg3[%get3A_116, %get3A_117, %get3A_118, %get3A_119] : memref<2x8x1000x16xf32, #tpu.memory_space<vmem>>, vector<1x1x1000x16xf32>
    %get3A_121 = vector.shape_cast %get3A_120 : vector<1x1x1000x16xf32> to vector<1000x16xf32>
    %slice3A_122 = vector.extract_strided_slice %get3A_121 {offsets = [0, 0], sizes = [1000, 1], strides = [1, 1]} : vector<1000x16xf32> to vector<1000x1xf32>
    %get3A_123 = arith.constant 1 : index
    %get3A_124 = arith.constant 3 : index
    %get3A_125 = arith.constant 0 : index
    %get3A_126 = arith.constant 0 : index
    %get3A_127 = vector.load %arg3[%get3A_123, %get3A_124, %get3A_125, %get3A_126] : memref<2x8x1000x16xf32, #tpu.memory_space<vmem>>, vector<1x1x1000x16xf32>
    %get3A_128 = vector.shape_cast %get3A_127 : vector<1x1x1000x16xf32> to vector<1000x16xf32>
    %slice3A_129 = vector.extract_strided_slice %get3A_128 {offsets = [0, 0], sizes = [1000, 1], strides = [1, 1]} : vector<1000x16xf32> to vector<1000x1xf32>
    %add3A_130 = arith.addf %slice3A_122, %slice3A_129 : vector<1000x1xf32>
    %max3A_131 = arith.constant 1.000000e+00 : f32
    %max3A_132 = vector.broadcast %max3A_131 : f32 to vector<1000x1xf32>
    %max3A_133 = arith.maximumf %add3A_130, %max3A_132 : vector<1000x1xf32>
    %div3A_134 = arith.constant 1.000000e+00 : f32
    %div3A_135 = vector.broadcast %div3A_134 : f32 to vector<1000x1xf32>
    %div3A_136 = arith.divf %div3A_135, %max3A_133 : vector<1000x1xf32>
    %get3A_137 = arith.constant 3 : index
    %get3A_138 = arith.constant 0 : index
    %get3A_139 = arith.constant 0 : index
    %get3A_140 = vector.load %arg2[%get3A_137, %get3A_138, %get3A_139] : memref<8x1000x128xbf16, #tpu.memory_space<vmem>>, vector<1x1000x128xbf16>
    %get3A_141 = vector.shape_cast %get3A_140 : vector<1x1000x128xbf16> to vector<1000x128xbf16>
    %convert_element_type3A_142 = arith.extf %get3A_141 : vector<1000x128xbf16> to vector<1000x128xf32>
    %mul3A_143 = vector.broadcast %div3A_136 : vector<1000x1xf32> to vector<1000x128xf32>
    %mul3A_144 = arith.mulf %convert_element_type3A_142, %mul3A_143 : vector<1000x128xf32>
    %get3A_145 = arith.constant 3 : index
    %get3A_146 = arith.constant 0 : index
    %get3A_147 = arith.constant 0 : index
    %get3A_148 = vector.load %arg4[%get3A_145, %get3A_146, %get3A_147] : memref<8x128x128xf32, #tpu.memory_space<vmem>>, vector<1x128x128xf32>
    %get3A_149 = vector.shape_cast %get3A_148 : vector<1x128x128xf32> to vector<128x128xf32>
    %dot_general3A_150 = arith.constant dense<0.000000e+00> : vector<1000x128xf32>
    %dot_general3A_151 = tpu.matmul %mul3A_144, %get3A_149, %dot_general3A_150 {dimension_numbers = #tpu.dot_dimension_numbers<[1], [0], [0], [1], [0, 0, 1, 1], [], []>, transpose_lhs_hint = false} : vector<1000x128xf32>, vector<128x128xf32>, vector<1000x128xf32> -> vector<1000x128xf32>
    %add3A_152 = arith.addf %add3A_115, %dot_general3A_151 : vector<1000x128xf32>
    %get3A_153 = arith.constant 0 : index
    %get3A_154 = arith.constant 4 : index
    %get3A_155 = arith.constant 0 : index
    %get3A_156 = arith.constant 0 : index
    %get3A_157 = vector.load %arg3[%get3A_153, %get3A_154, %get3A_155, %get3A_156] : memref<2x8x1000x16xf32, #tpu.memory_space<vmem>>, vector<1x1x1000x16xf32>
    %get3A_158 = vector.shape_cast %get3A_157 : vector<1x1x1000x16xf32> to vector<1000x16xf32>
    %slice3A_159 = vector.extract_strided_slice %get3A_158 {offsets = [0, 0], sizes = [1000, 1], strides = [1, 1]} : vector<1000x16xf32> to vector<1000x1xf32>
    %get3A_160 = arith.constant 1 : index
    %get3A_161 = arith.constant 4 : index
    %get3A_162 = arith.constant 0 : index
    %get3A_163 = arith.constant 0 : index
    %get3A_164 = vector.load %arg3[%get3A_160, %get3A_161, %get3A_162, %get3A_163] : memref<2x8x1000x16xf32, #tpu.memory_space<vmem>>, vector<1x1x1000x16xf32>
    %get3A_165 = vector.shape_cast %get3A_164 : vector<1x1x1000x16xf32> to vector<1000x16xf32>
    %slice3A_166 = vector.extract_strided_slice %get3A_165 {offsets = [0, 0], sizes = [1000, 1], strides = [1, 1]} : vector<1000x16xf32> to vector<1000x1xf32>
    %add3A_167 = arith.addf %slice3A_159, %slice3A_166 : vector<1000x1xf32>
    %max3A_168 = arith.constant 1.000000e+00 : f32
    %max3A_169 = vector.broadcast %max3A_168 : f32 to vector<1000x1xf32>
    %max3A_170 = arith.maximumf %add3A_167, %max3A_169 : vector<1000x1xf32>
    %div3A_171 = arith.constant 1.000000e+00 : f32
    %div3A_172 = vector.broadcast %div3A_171 : f32 to vector<1000x1xf32>
    %div3A_173 = arith.divf %div3A_172, %max3A_170 : vector<1000x1xf32>
    %get3A_174 = arith.constant 4 : index
    %get3A_175 = arith.constant 0 : index
    %get3A_176 = arith.constant 0 : index
    %get3A_177 = vector.load %arg2[%get3A_174, %get3A_175, %get3A_176] : memref<8x1000x128xbf16, #tpu.memory_space<vmem>>, vector<1x1000x128xbf16>
    %get3A_178 = vector.shape_cast %get3A_177 : vector<1x1000x128xbf16> to vector<1000x128xbf16>
    %convert_element_type3A_179 = arith.extf %get3A_178 : vector<1000x128xbf16> to vector<1000x128xf32>
    %mul3A_180 = vector.broadcast %div3A_173 : vector<1000x1xf32> to vector<1000x128xf32>
    %mul3A_181 = arith.mulf %convert_element_type3A_179, %mul3A_180 : vector<1000x128xf32>
    %get3A_182 = arith.constant 4 : index
    %get3A_183 = arith.constant 0 : index
    %get3A_184 = arith.constant 0 : index
    %get3A_185 = vector.load %arg4[%get3A_182, %get3A_183, %get3A_184] : memref<8x128x128xf32, #tpu.memory_space<vmem>>, vector<1x128x128xf32>
    %get3A_186 = vector.shape_cast %get3A_185 : vector<1x128x128xf32> to vector<128x128xf32>
    %dot_general3A_187 = arith.constant dense<0.000000e+00> : vector<1000x128xf32>
    %dot_general3A_188 = tpu.matmul %mul3A_181, %get3A_186, %dot_general3A_187 {dimension_numbers = #tpu.dot_dimension_numbers<[1], [0], [0], [1], [0, 0, 1, 1], [], []>, transpose_lhs_hint = false} : vector<1000x128xf32>, vector<128x128xf32>, vector<1000x128xf32> -> vector<1000x128xf32>
    %add3A_189 = arith.addf %add3A_152, %dot_general3A_188 : vector<1000x128xf32>
    %get3A_190 = arith.constant 0 : index
    %get3A_191 = arith.constant 5 : index
    %get3A_192 = arith.constant 0 : index
    %get3A_193 = arith.constant 0 : index
    %get3A_194 = vector.load %arg3[%get3A_190, %get3A_191, %get3A_192, %get3A_193] : memref<2x8x1000x16xf32, #tpu.memory_space<vmem>>, vector<1x1x1000x16xf32>
    %get3A_195 = vector.shape_cast %get3A_194 : vector<1x1x1000x16xf32> to vector<1000x16xf32>
    %slice3A_196 = vector.extract_strided_slice %get3A_195 {offsets = [0, 0], sizes = [1000, 1], strides = [1, 1]} : vector<1000x16xf32> to vector<1000x1xf32>
    %get3A_197 = arith.constant 1 : index
    %get3A_198 = arith.constant 5 : index
    %get3A_199 = arith.constant 0 : index
    %get3A_200 = arith.constant 0 : index
    %get3A_201 = vector.load %arg3[%get3A_197, %get3A_198, %get3A_199, %get3A_200] : memref<2x8x1000x16xf32, #tpu.memory_space<vmem>>, vector<1x1x1000x16xf32>
    %get3A_202 = vector.shape_cast %get3A_201 : vector<1x1x1000x16xf32> to vector<1000x16xf32>
    %slice3A_203 = vector.extract_strided_slice %get3A_202 {offsets = [0, 0], sizes = [1000, 1], strides = [1, 1]} : vector<1000x16xf32> to vector<1000x1xf32>
    %add3A_204 = arith.addf %slice3A_196, %slice3A_203 : vector<1000x1xf32>
    %max3A_205 = arith.constant 1.000000e+00 : f32
    %max3A_206 = vector.broadcast %max3A_205 : f32 to vector<1000x1xf32>
    %max3A_207 = arith.maximumf %add3A_204, %max3A_206 : vector<1000x1xf32>
    %div3A_208 = arith.constant 1.000000e+00 : f32
    %div3A_209 = vector.broadcast %div3A_208 : f32 to vector<1000x1xf32>
    %div3A_210 = arith.divf %div3A_209, %max3A_207 : vector<1000x1xf32>
    %get3A_211 = arith.constant 5 : index
    %get3A_212 = arith.constant 0 : index
    %get3A_213 = arith.constant 0 : index
    %get3A_214 = vector.load %arg2[%get3A_211, %get3A_212, %get3A_213] : memref<8x1000x128xbf16, #tpu.memory_space<vmem>>, vector<1x1000x128xbf16>
    %get3A_215 = vector.shape_cast %get3A_214 : vector<1x1000x128xbf16> to vector<1000x128xbf16>
    %convert_element_type3A_216 = arith.extf %get3A_215 : vector<1000x128xbf16> to vector<1000x128xf32>
    %mul3A_217 = vector.broadcast %div3A_210 : vector<1000x1xf32> to vector<1000x128xf32>
    %mul3A_218 = arith.mulf %convert_element_type3A_216, %mul3A_217 : vector<1000x128xf32>
    %get3A_219 = arith.constant 5 : index
    %get3A_220 = arith.constant 0 : index
    %get3A_221 = arith.constant 0 : index
    %get3A_222 = vector.load %arg4[%get3A_219, %get3A_220, %get3A_221] : memref<8x128x128xf32, #tpu.memory_space<vmem>>, vector<1x128x128xf32>
    %get3A_223 = vector.shape_cast %get3A_222 : vector<1x128x128xf32> to vector<128x128xf32>
    %dot_general3A_224 = arith.constant dense<0.000000e+00> : vector<1000x128xf32>
    %dot_general3A_225 = tpu.matmul %mul3A_218, %get3A_223, %dot_general3A_224 {dimension_numbers = #tpu.dot_dimension_numbers<[1], [0], [0], [1], [0, 0, 1, 1], [], []>, transpose_lhs_hint = false} : vector<1000x128xf32>, vector<128x128xf32>, vector<1000x128xf32> -> vector<1000x128xf32>
    %add3A_226 = arith.addf %add3A_189, %dot_general3A_225 : vector<1000x128xf32>
    %get3A_227 = arith.constant 0 : index
    %get3A_228 = arith.constant 6 : index
    %get3A_229 = arith.constant 0 : index
    %get3A_230 = arith.constant 0 : index
    %get3A_231 = vector.load %arg3[%get3A_227, %get3A_228, %get3A_229, %get3A_230] : memref<2x8x1000x16xf32, #tpu.memory_space<vmem>>, vector<1x1x1000x16xf32>
    %get3A_232 = vector.shape_cast %get3A_231 : vector<1x1x1000x16xf32> to vector<1000x16xf32>
    %slice3A_233 = vector.extract_strided_slice %get3A_232 {offsets = [0, 0], sizes = [1000, 1], strides = [1, 1]} : vector<1000x16xf32> to vector<1000x1xf32>
    %get3A_234 = arith.constant 1 : index
    %get3A_235 = arith.constant 6 : index
    %get3A_236 = arith.constant 0 : index
    %get3A_237 = arith.constant 0 : index
    %get3A_238 = vector.load %arg3[%get3A_234, %get3A_235, %get3A_236, %get3A_237] : memref<2x8x1000x16xf32, #tpu.memory_space<vmem>>, vector<1x1x1000x16xf32>
    %get3A_239 = vector.shape_cast %get3A_238 : vector<1x1x1000x16xf32> to vector<1000x16xf32>
    %slice3A_240 = vector.extract_strided_slice %get3A_239 {offsets = [0, 0], sizes = [1000, 1], strides = [1, 1]} : vector<1000x16xf32> to vector<1000x1xf32>
    %add3A_241 = arith.addf %slice3A_233, %slice3A_240 : vector<1000x1xf32>
    %max3A_242 = arith.constant 1.000000e+00 : f32
    %max3A_243 = vector.broadcast %max3A_242 : f32 to vector<1000x1xf32>
    %max3A_244 = arith.maximumf %add3A_241, %max3A_243 : vector<1000x1xf32>
    %div3A_245 = arith.constant 1.000000e+00 : f32
    %div3A_246 = vector.broadcast %div3A_245 : f32 to vector<1000x1xf32>
    %div3A_247 = arith.divf %div3A_246, %max3A_244 : vector<1000x1xf32>
    %get3A_248 = arith.constant 6 : index
    %get3A_249 = arith.constant 0 : index
    %get3A_250 = arith.constant 0 : index
    %get3A_251 = vector.load %arg2[%get3A_248, %get3A_249, %get3A_250] : memref<8x1000x128xbf16, #tpu.memory_space<vmem>>, vector<1x1000x128xbf16>
    %get3A_252 = vector.shape_cast %get3A_251 : vector<1x1000x128xbf16> to vector<1000x128xbf16>
    %convert_element_type3A_253 = arith.extf %get3A_252 : vector<1000x128xbf16> to vector<1000x128xf32>
    %mul3A_254 = vector.broadcast %div3A_247 : vector<1000x1xf32> to vector<1000x128xf32>
    %mul3A_255 = arith.mulf %convert_element_type3A_253, %mul3A_254 : vector<1000x128xf32>
    %get3A_256 = arith.constant 6 : index
    %get3A_257 = arith.constant 0 : index
    %get3A_258 = arith.constant 0 : index
    %get3A_259 = vector.load %arg4[%get3A_256, %get3A_257, %get3A_258] : memref<8x128x128xf32, #tpu.memory_space<vmem>>, vector<1x128x128xf32>
    %get3A_260 = vector.shape_cast %get3A_259 : vector<1x128x128xf32> to vector<128x128xf32>
    %dot_general3A_261 = arith.constant dense<0.000000e+00> : vector<1000x128xf32>
    %dot_general3A_262 = tpu.matmul %mul3A_255, %get3A_260, %dot_general3A_261 {dimension_numbers = #tpu.dot_dimension_numbers<[1], [0], [0], [1], [0, 0, 1, 1], [], []>, transpose_lhs_hint = false} : vector<1000x128xf32>, vector<128x128xf32>, vector<1000x128xf32> -> vector<1000x128xf32>
    %add3A_263 = arith.addf %add3A_226, %dot_general3A_262 : vector<1000x128xf32>
    %get3A_264 = arith.constant 0 : index
    %get3A_265 = arith.constant 7 : index
    %get3A_266 = arith.constant 0 : index
    %get3A_267 = arith.constant 0 : index
    %get3A_268 = vector.load %arg3[%get3A_264, %get3A_265, %get3A_266, %get3A_267] : memref<2x8x1000x16xf32, #tpu.memory_space<vmem>>, vector<1x1x1000x16xf32>
    %get3A_269 = vector.shape_cast %get3A_268 : vector<1x1x1000x16xf32> to vector<1000x16xf32>
    %slice3A_270 = vector.extract_strided_slice %get3A_269 {offsets = [0, 0], sizes = [1000, 1], strides = [1, 1]} : vector<1000x16xf32> to vector<1000x1xf32>
    %get3A_271 = arith.constant 1 : index
    %get3A_272 = arith.constant 7 : index
    %get3A_273 = arith.constant 0 : index
    %get3A_274 = arith.constant 0 : index
    %get3A_275 = vector.load %arg3[%get3A_271, %get3A_272, %get3A_273, %get3A_274] : memref<2x8x1000x16xf32, #tpu.memory_space<vmem>>, vector<1x1x1000x16xf32>
    %get3A_276 = vector.shape_cast %get3A_275 : vector<1x1x1000x16xf32> to vector<1000x16xf32>
    %slice3A_277 = vector.extract_strided_slice %get3A_276 {offsets = [0, 0], sizes = [1000, 1], strides = [1, 1]} : vector<1000x16xf32> to vector<1000x1xf32>
    %add3A_278 = arith.addf %slice3A_270, %slice3A_277 : vector<1000x1xf32>
    %max3A_279 = arith.constant 1.000000e+00 : f32
    %max3A_280 = vector.broadcast %max3A_279 : f32 to vector<1000x1xf32>
    %max3A_281 = arith.maximumf %add3A_278, %max3A_280 : vector<1000x1xf32>
    %div3A_282 = arith.constant 1.000000e+00 : f32
    %div3A_283 = vector.broadcast %div3A_282 : f32 to vector<1000x1xf32>
    %div3A_284 = arith.divf %div3A_283, %max3A_281 : vector<1000x1xf32>
    %get3A_285 = arith.constant 7 : index
    %get3A_286 = arith.constant 0 : index
    %get3A_287 = arith.constant 0 : index
    %get3A_288 = vector.load %arg2[%get3A_285, %get3A_286, %get3A_287] : memref<8x1000x128xbf16, #tpu.memory_space<vmem>>, vector<1x1000x128xbf16>
    %get3A_289 = vector.shape_cast %get3A_288 : vector<1x1000x128xbf16> to vector<1000x128xbf16>
    %convert_element_type3A_290 = arith.extf %get3A_289 : vector<1000x128xbf16> to vector<1000x128xf32>
    %mul3A_291 = vector.broadcast %div3A_284 : vector<1000x1xf32> to vector<1000x128xf32>
    %mul3A_292 = arith.mulf %convert_element_type3A_290, %mul3A_291 : vector<1000x128xf32>
    %get3A_293 = arith.constant 7 : index
    %get3A_294 = arith.constant 0 : index
    %get3A_295 = arith.constant 0 : index
    %get3A_296 = vector.load %arg4[%get3A_293, %get3A_294, %get3A_295] : memref<8x128x128xf32, #tpu.memory_space<vmem>>, vector<1x128x128xf32>
    %get3A_297 = vector.shape_cast %get3A_296 : vector<1x128x128xf32> to vector<128x128xf32>
    %dot_general3A_298 = arith.constant dense<0.000000e+00> : vector<1000x128xf32>
    %dot_general3A_299 = tpu.matmul %mul3A_292, %get3A_297, %dot_general3A_298 {dimension_numbers = #tpu.dot_dimension_numbers<[1], [0], [0], [1], [0, 0, 1, 1], [], []>, transpose_lhs_hint = false} : vector<1000x128xf32>, vector<128x128xf32>, vector<1000x128xf32> -> vector<1000x128xf32>
    %add3A_300 = arith.addf %add3A_263, %dot_general3A_299 : vector<1000x128xf32>
    %swap3A = arith.constant 0 : index
    %swap3A_301 = arith.constant 0 : index
    %swap3A_302 = vector.load %arg7[%swap3A, %swap3A_301] : memref<1000x128xf32, #tpu.memory_space<vmem>>, vector<1000x128xf32>
    tpu.vector_store %arg7[%swap3A, %swap3A_301], %add3A_300 {strides = array<i32>} : memref<1000x128xf32, #tpu.memory_space<vmem>>, vector<1000x128xf32>,
    return
  }
  func.func @transform_0(%arg0: i32) -> (i32, i32) {
    %c0_i32 = arith.constant 0 : i32
    %c0_i32_0 = arith.constant 0 : i32
    return %arg0, %c0_i32 : i32, i32
  }
  func.func @transform_1(%arg0: i32) -> (i32, i32, i32) {
    %c0_i32 = arith.constant 0 : i32
    %c0_i32_0 = arith.constant 0 : i32
    %c0_i32_1 = arith.constant 0 : i32
    return %c0_i32, %arg0, %c0_i32_0 : i32, i32, i32
  }
  func.func @transform_2(%arg0: i32) -> (i32, i32, i32, i32) {
    %c0_i32 = arith.constant 0 : i32
    %c0_i32_0 = arith.constant 0 : i32
    %c0_i32_1 = arith.constant 0 : i32
    %c0_i32_2 = arith.constant 0 : i32
    return %c0_i32, %c0_i32_0, %arg0, %c0_i32_1 : i32, i32, i32, i32
  }
  func.func @transform_3(%arg0: i32) -> (i32, i32, i32) {
    %c0_i32 = arith.constant 0 : i32
    %c0_i32_0 = arith.constant 0 : i32
    %c0_i32_1 = arith.constant 0 : i32
    %c0_i32_2 = arith.constant 0 : i32
    return %c0_i32, %c0_i32_0, %c0_i32_1 : i32, i32, i32
  }
  func.func @transform_4(%arg0: i32) -> (i32, i32) {
    %c0_i32 = arith.constant 0 : i32
    %c0_i32_0 = arith.constant 0 : i32
    %c0_i32_1 = arith.constant 0 : i32
    return %c0_i32, %c0_i32_0 : i32, i32
  }
  func.func @transform_5(%arg0: i32) -> (i32, i32) {
    %c0_i32 = arith.constant 0 : i32
    %c0_i32_0 = arith.constant 0 : i32
    %c0_i32_1 = arith.constant 0 : i32
    return %c0_i32, %c0_i32_0 : i32, i32
  }
  func.func @transform_6(%arg0: i32) -> (i32, i32) {
    %c0_i32 = arith.constant 0 : i32
    %c0_i32_0 = arith.constant 0 : i32
    return %arg0, %c0_i32 : i32, i32
  }
}

</mosaic_0001>

<sc_bundles>
// kernel: kernel.10.cloned.1.call-start
scs
__scs_entry_jumppad:
0x0: {  	(pc) =	sbr.rel $0x88, $3  }
0x1: {  	(tag) =	ssettag $0x0;
	lr =	simm.s32 $0x1  }
0x2: {  	[smem:$0x3F98] =	sst lr;
	_ =	strace $0xD0000000  }
0x3: {  	_ = 	snop  }
0x4: {  	_ = 	snop  }
0x5: {  	_ = 	snop  }
0x6: {  	_ = 	snop  }
0x7: {  	_ = 	snop  }
__scs_overlays_trampoline_lowered:
0x8: {  	[smem:$0x3FA7] =	sst s0  }
0x9: {  	[smem:$0x3FA8] =	sst s1  }
0xa: {  	[smem:$0x3FA9] =	sst s2  }
0xb: {  	[smem:$0x3FAA] =	sst s3  }
0xc: {  	[smem:$0x3FAB] =	sst s4  }
0xd: {  	[smem:$0x3FAC] =	sst s5  }
0xe: {  	[smem:$0x3FAD] =	sst s6  }
0xf: {  	[smem:$0x3FAE] =	sst s7  }
0x10: {  	[smem:$0x3FAF] =	sst s8  }
0x11: {  	[smem:$0x3FB0] =	sst s9;
	s0 =	simm.s32 @!p0 $0x0  }
0x12: {  	s1 =	sld [smem:$0x3F96];
	s0 =	simm.s32 @p0 $0x1  }
0x13: {  	[smem:$0x3FB1] =	sst s0;
	s0 =	simm.s32 @!p1 $0x0  }
0x14: {  	s2 =	sld [smem:$0x3F95];
	s0 =	simm.s32 @p1 $0x1  }
0x15: {  	[smem:$0x3FB2] =	sst s0;
	s0 =	simm.s32 @!p2 $0x0  }
0x16: {  	s3 =	sld [smem:$0x3FDB];
	s0 =	simm.s32 @p2 $0x1  }
0x17: {  	s4 =	simm.s32 $0x1BF5;
	[smem:$0x3FB4] =	sst s0  }
0x18: {  	s0 =	sld [smem:$0x3F97];
	_ =	swait.ge [sflag:s4], $0x0  }
0x19: {  	s7 =	sld [smem:$0x3F98]  }
0x1a: {  	s8 =	sadd.s32 $0xFFFFE003, lr  }
0x1b: {  	s9 =	sadd.s32 $0xFFFFFEF7, lr;
	s5 =	simm.s32 $0xFFFFFFFF;
	p2 =	slt.u32 s8, $0xFFFFF086  }
0x1c: {  	p1 =	slt.u32 s9, $0xF7A;
	s5 =	simm.s32 @!p2 $0x0  }
0x1d: {  	s5 =	simm.s32 @p1 $0x1;
	p0 =	seq.s32 s7, s2  }
0x1e: {  	s7 =	smul.u32 @!p0 $0xF7A, s2;
	p2 =	seq.s32 @!p0 s5, $0x0  }
0x1f: {  	s9 =	smul.u32 $0xF7A, s1;
	s8 =	simm.s32 @!p0 $0x1BF5;
	p2 =	por !p2, p0  }
0x20: {  	[sflag:s8] =	ssyncset.s32 @!p0 $0xFFFFF086;
	s6 =	sadd.s32 @!p0 s3, s7;
	s7 =	simm.s32 @!p0 $0x108  }
0x21: {  	s3 =	sadd.s32 s3, s9;
	s6 =	sadd.s32 @!p0 $0x88, s6;
	s7 =	simm.s32 @p2 $0x1082  }
0x22: {  	[simem:s7], [sflag:s8] =	dma.local @!p0 [hbm:s6], $0xF7A  }
0x23: {  	s9 =	sor.u32 $0xD0000000, s2;
	s6 =	simm.s32 $0x108;
	_ =	swait.ge @!p0 [sflag:s8], $0x0  }
0x24: {  	s3 =	sadd.s32 $0x88, s3;
	s6 =	simm.s32 @!p1 $0x1082;
	[sflag:s4] =	ssyncset.s32 $0xFFFFF086  }
0x25: {  	[simem:s6], [sflag:s4] =	dma.local [hbm:s3], $0xF7A  }
0x26: {  	[smem:$0x3F98] =	sst s1;
	(tag) =	ssettag s2;
	_ =	strace s9  }
0x27: {  	s1 =	sld [smem:$0x3FA8]  }
0x28: {  	s2 =	sld [smem:$0x3FA9]  }
0x29: {  	s4 =	sld [smem:$0x3FAB]  }
0x2a: {  	p0 =	seq.s32 s5, $0x0;
	s5 =	sld [smem:$0x3FAC]  }
0x2b: {  	s6 =	sld [smem:$0x3FAD]  }
0x2c: {  	s7 =	sld [smem:$0x3FAE]  }
0x2d: {  	s3 =	simm.s32 $0x108;
	s8 =	sld [smem:$0x3FAF]  }
0x2e: {  	s3 =	simm.s32 @!p0 $0x1082;
	s9 =	sld [smem:$0x3FB0]  }
0x2f: {  	lr =	sadd.s32 s0, s3;
	s0 =	sld [smem:$0x3FA7]  }
0x30: {  	s3 =	sld [smem:$0x3FAA]  }
0x31: {  	[smem:$0x3FB3] =	sst s10  }
0x32: {  	s10 =	sld [smem:$0x3FB1];
	_ =	sdelay $0x3  }
0x33: {  	p0 =	seq.s32 s10, $0x1;
	s10 =	sld [smem:$0x3FB3];
	_ =	sdelay $0x3  }
0x34: {  	[smem:$0x3FB3] =	sst s10  }
0x35: {  	s10 =	sld [smem:$0x3FB2];
	_ =	sdelay $0x3  }
0x36: {  	p1 =	seq.s32 s10, $0x1;
	s10 =	sld [smem:$0x3FB3];
	_ =	sdelay $0x3  }
0x37: {  	[smem:$0x3FB3] =	sst s10  }
0x38: {  	s10 =	sld [smem:$0x3FB4]  }
0x39: {  	_ = 	snop;
	(pc) =	sbr.ind lr, $3  }
0x3a: {  	_ = 	snop  }
0x3b: {  	_ = 	snop  }
0x3c: {  	p2 =	seq.s32 s10, $0x1;
	s10 =	sld [smem:$0x3FB3]  }
0x3d: {  	_ =	shalt  }
0x3e: {  	_ =	shalt  }
0x3f: {  	_ =	shalt  }
0x40: {  	_ =	shalt  }
0x41: {  	_ =	shalt  }
0x42: {  	_ =	shalt  }
0x43: {  	_ =	shalt  }
0x44: {  	_ =	shalt  }
0x45: {  	_ =	shalt  }
0x46: {  	_ =	shalt  }
0x47: {  	_ =	shalt  }
0x48: {  	_ =	shalt  }
0x49: {  	_ =	shalt  }
0x4a: {  	_ =	shalt  }
0x4b: {  	_ =	shalt  }
0x4c: {  	_ =	shalt  }
0x4d: {  	_ =	shalt  }
0x4e: {  	_ =	shalt  }
0x4f: {  	_ =	shalt  }
0x50: {  	_ =	shalt  }
0x51: {  	_ =	shalt  }
0x52: {  	_ =	shalt  }
0x53: {  	_ =	shalt  }
0x54: {  	_ =	shalt  }
0x55: {  	_ =	shalt  }
0x56: {  	_ =	shalt  }
0x57: {  	_ =	shalt  }
0x58: {  	_ =	shalt  }
0x59: {  	_ =	shalt  }
0x5a: {  	_ =	shalt  }
0x5b: {  	_ =	shalt  }
0x5c: {  	_ =	shalt  }
0x5d: {  	_ =	shalt  }
0x5e: {  	_ =	shalt  }
0x5f: {  	_ =	shalt  }
0x60: {  	_ =	shalt  }
0x61: {  	_ =	shalt  }
0x62: {  	_ =	shalt  }
0x63: {  	_ =	shalt  }
0x64: {  	_ =	shalt  }
0x65: {  	_ =	shalt  }
0x66: {  	_ =	shalt  }
0x67: {  	_ =	shalt  }
0x68: {  	_ =	shalt  }
0x69: {  	_ =	shalt  }
0x6a: {  	_ =	shalt  }
0x6b: {  	_ =	shalt  }
0x6c: {  	_ =	shalt  }
0x6d: {  	_ =	shalt  }
0x6e: {  	_ =	shalt  }
0x6f: {  	_ =	shalt  }
0x70: {  	_ =	shalt  }
0x71: {  	_ =	shalt  }
0x72: {  	_ =	shalt  }
0x73: {  	_ =	shalt  }
0x74: {  	_ =	shalt  }
0x75: {  	_ =	shalt  }
0x76: {  	_ =	shalt  }
0x77: {  	_ =	shalt  }
0x78: {  	_ =	shalt  }
0x79: {  	_ =	shalt  }
0x7a: {  	_ =	shalt  }
0x7b: {  	_ =	shalt  }
0x7c: {  	_ =	shalt  }
0x7d: {  	_ =	shalt  }
0x7e: {  	_ =	shalt  }
0x7f: {  	_ =	shalt  }
0x80: {  	_ =	shalt  }
0x81: {  	_ =	shalt  }
0x82: {  	_ =	shalt  }
0x83: {  	_ =	shalt  }
0x84: {  	_ =	shalt  }
0x85: {  	_ =	shalt  }
0x86: {  	_ =	shalt  }
0x87: {  	_ =	shalt  }
.Lfunc_end0:
.L_simem_size_0:
called_computation.1_lowered:
.L_overlay_start_0:
0x88: {  	s2 =	sld [smem:$0x3FD9]  }
0x89: {  	s3 =	sld [smem:$0x3FFE];
	_ =	sdelay $0x1  }
0x8a: {  	s1 =	srdreg.scid  }
0x8b: {  	s0 =	sand.u32 $0x1, s1  }
0x8c: {  	s17 =	sshll.u32 s0, $0xA;
	s2 =	sadd.s32 s3, s2  }
0x8d: {  	s2 =	sadd.s32 s2, s17  }
0x8e: {  	[smem:$0x3FBF] =	sst s2  }
0x8f: {  	_ = 	snop  }
0x90: {  	s2 =	sld [smem:$0x3FD0];
	(tm) =	ssettm $0x1  }
0x91: {  	s18 =	sld [smem:$0x3FFB];
	_ =	sdelay $0x3  }
0x92: {  	_ =	strace s18  }
0x93: {  	s3 =	sld [smem:$0x3FFC];
	_ =	sdelay $0x3  }
0x94: {  	_ =	strace s3  }
0x95: {  	s3 =	sld [smem:$0x3FFD];
	_ =	sdelay $0x3  }
0x96: {  	_ =	strace s3  }
0x97: {  	_ =	strace $0x8FFFFFFF  }
0x98: {  	s19 =	sld [smem:$0x3FDB];
	_ =	sdelay $0x1  }
0x99: {  	s4 =	simm.s32 $_scs_section_size  }
0x9a: {  	s5 =	simm.s32 $_size__tile_overlayer_lowered;
	s6 =	simm.s32 $_tile_overlayer_lowered  }
0x9b: {  	s22 =	simm.s32 $0x1BFF;
	s21 =	sshll.u32 s6, $0x1;
	s3 =	sadd.s32 s4, s19  }
0x9c: {  	s7 =	simm.s32 $0x0;
	s20 =	sshll.u32 s5, $0x1;
	s5 =	sadd.s32 s21, s3  }
0x9d: {  	[timem:s7], [sflag:s22] =	dma.local [hbm:s5], s20  }
0x9e: {  	_ =	swait.ge [sflag:s22], s20  }
0x9f: {  	s4 =	ssub.s32 $0x0, s20;
	[sflag:s22] =	ssyncset.done $0x0  }
0xa0: {  	[sflag:s22] =	ssyncadd.s32 s4;
	_ =	sdelay $0x1  }
0xa1: {  	s23 =	simm.s32 $0x1B8B  }
0xa2: {  	_ =	swait.ge [sflag:s23], $0x1  }
0xa3: {  	[sflag:s23] =	ssyncset.done $0x0  }
0xa4: {  	s25 =	simm.s32 $0x1B8E;
	s24 =	sld [smem:$0x3FFE];
	[sflag:s23] =	ssyncadd.s32 $0xFFFFFFFF  }
0xa5: {  	s26 =	simm.s32 $execute0_lowered;
	[smem:$0x3FD2] =	sst s25  }
0xa6: {  	s5 =	sshll.u32 s26, $0x1;
	_ =	strace $0x80000046;
	[dreg:$0x1] =	wrdreg $0xFFFFFFFF  }
0xa7: {  	s28 =	simm.s32 $_size_execute0_lowered;
	s3 =	sadd.s32 s3, s5;
	[dreg:$0x0] =	wrdreg $0x0  }
0xa8: {  	s5 =	sshll.u32 s28, $0x1;
	[dreg:$0x2] =	wrdreg s3  }
0xa9: {  	[dreg:$0x3] =	wrdreg s5  }
0xaa: {  	[dreg:$0x4] =	wrdreg $0xC0  }
0xab: {  	_ =	task [dreg:s7], $0x5FFFF  }
0xac: {  	[dreg:$0x1] =	wrdreg $0xFFFFFFFF  }
0xad: {  	[dreg:$0x0] =	wrdreg $0x60  }
0xae: {  	[dreg:$0x2] =	wrdreg s2  }
0xaf: {  	[dreg:$0x3] =	wrdreg s24  }
0xb0: {  	[dreg:$0x4] =	wrdreg $0xB0000  }
0xb1: {  	[dreg:$0x5] =	wrdreg $0xA  }
0xb2: {  	_ =	task.clear_ibuf [dreg:s7], $0x6FFFF;
	_ =	strace $0x90000046  }
0xb3: {  	s29 =	simm.s32 $0xA;
	_ =	strace $0x80000048  }
0xb4: {  	_ =	swait.ge [sflag:s29], $0x1  }
0xb5: {  	[sflag:s29] =	ssyncadd.s32 $0xFFFFFFFF  }
0xb6: {  	_ =	strace $0x90000048  }
0xb7: {  	_ =	sfence  }
0xb8: {  	s30 =	sld [smem:$0x0];
	_ =	sdelay $0x2  }
0xb9: {  	s31 =	sshll.u32 s1, $0xD;
	s1 =	sshrl.u32 s1, $0x2  }
0xba: {  	s3 =	sand.u32 $0x4000, s31;
	s1 =	sadd.s32 s1, s30  }
0xbb: {  	s0 =	sor.u32 s3, s0;
	s1 =	sshll.u32 s1, $0x11  }
0xbc: {  	s0 =	sor.u32 s1, s0  }
0xbd: {  	s0 =	sadd.s32 $0x8F2B, s0  }
0xbe: {  	[sflag:s0] =	ssyncadd.remote.s32 $0x1  }
0xbf: {  	_ =	sfence.sel $0xFFFF  }
0xc0: {  	[dreg:$0x0] =	wrdreg $0xFFFFFFFF;
	(pc) =	sbr.abs _section_cstart, $3  }
0xc1: {  	[dreg:$0x1] =	wrdreg $0xFFFFFFFF  }
0xc2: {  	_ =	task.clear_ibuf [dreg:s7], $0x2FFFF;
	_ =	strace $0x9FFFFFFF  }
0xc3: {  	(tm) =	ssettm $0x7FFFFFFF  }
tec
execute0_lowered:
.L_overlay_start_1:
0x0: {  	(tag) =	ssettag $0x1  }
0x1: {  	s1 =	rddreg [dreg:$0x0]  }
0x2: {  	s0 =	rddreg [dreg:$0x1]  }
0x3: {  	s3 =	rddreg [dreg:$0x2];
	s4 =	simm.s32 $0x0;
	s14 =	stileid.u32  }
0x4: {  	s7 =	srdreg.scid;
	s30 =	simm.s32 $0x3;
	s31 =	simm.s32 $0x8800  }
0x5: {  	[smem:$0x7FF] =	sst s4;
	s2 =	smul.u32 $0x2800, s14;
	s5 =	sand.u32 $0x1, s14  }
0x6: {  	s6 =	sshrl.u32 s14, $0x1;
	s7 =	sand.u32 $0x1, s7;
	s9 =	sadd.s32 $0x2000, s0  }
0x7: {  	s10 =	sadd.s32 $0xC000, s0;
	s12 =	sadd.s32 $0x1A00, s0;
	s17 =	smul.u32 $0x4E200, s14  }
0x8: {  	s23 =	smul.u32 $0x50000, s14;
	s14 =	sadd.s32 $0x4E20, s1;
	_ =	strace $0x80000047  }
0x9: {  	p0 =	seq.s32 s5, $0x1;
	s24 =	smul.u32 $0x138800, s6;
	s6 =	simm.s32 $0x9C400  }
0xa: {  	s25 =	ssub.s32 $0x2, s7;
	[dreg:$0x5] =	wrdreg s12;
	s2 =	sshrl.u32 s2, $0x3  }
0xb: {  	s6 =	simm.s32 @!p0 $0x0;
	s11 =	sshrl.u32 s25, $0x1;
	p0 =	seq.s32 s7, $0x1  }
0xc: {  	s21 =	sshrl.u32 s17, $0x2;
	s17 =	simm.s32 $0x80;
	s7 =	simm.s32 $0x2780  }
0xd: {  	s8 =	sadd.s32 s2, s0;
	s5 =	sadd.s32 s6, s24;
	s6 =	ssub.s32 s25, s11  }
0xe: {  	s16 =	sadd.s32 $0x280, s2;
	s18 =	sadd.s32 s9, s2;
	s2 =	sadd.s32 s10, s2  }
0xf: {  	s13 =	sadd.s32 s21, s3;
	s24 =	sadd.s32 $0x11002, s0;
	[dreg:$0x7] =	wrdreg s18  }
0x10: {  	s11 =	simm.s32 $0x0;
	s5 =	sshrl.u32 s5, $0x4;
	[dreg:$0x8] =	wrdreg s2  }
0x11: {  	s15 =	sadd.s32 $0x7000, s8;
	s19 =	sadd.s32 s9, s16;
	[dreg:$0xc] =	wrdreg s24  }
0x12: {  	s20 =	sadd.s32 s10, s16;
	s16 =	sadd.s32 $0x9C40, s1;
	[dreg:$0x4] =	wrdreg s5  }
0x13: {  	s18 =	sadd.s32 $0xEA60, s1;
	s2 =	sshrl.u32 s23, $0x2;
	[dreg:$0x6] =	wrdreg s15  }
0x14: {  	s8 =	simm.s32 $0x4F00;
	s9 =	simm.s32 $0x4F80;
	[dreg:$0x9] =	wrdreg s19  }
0x15: {  	s10 =	simm.s32 $0x8;
	s26 =	sadd.s32 s5, s0;
	[dreg:$0xa] =	wrdreg s20  }
0x16: {  	s0 =	sadd.s32 $0x11006, s0;
	s21 =	sadd.s32 s2, s3;
	s15 =	simm.s32 $0x7800  }
0x17: {  	s19 =	simm.s32 $0x1;
	s2 =	simm.s32 $0x8000;
	s22 =	sadd.s32 $0x11000, s26  }
.Ltmp0:
0x18: {  	s25 =	sadd.s32 $0x11004, s26;
	[dreg:$0xe] =	wrdreg s0;
	(pc) =	sbr.rel .LBB2_1-.Ltmp0, $4  }
0x19: {  	s26 =	smax.u32 s6, $0x1;
	s23 =	sadd.s32 $0x5000, s21;
	[dreg:$0xb] =	wrdreg s22  }
0x1a: {  	s24 =	sadd.s32 $0x7800, s21;
	s28 =	sadd.s32 $0xF000, s21;
	[dreg:$0xd] =	wrdreg s25  }
0x1b: {  	s29 =	sadd.s32 $0x11800, s21;
	s6 =	simm.s32 $0x2;
	[dreg:$0xf] =	wrdreg s26  }
0x1c: {  	s22 =	sadd.s32 $0x2800, s21;
	s25 =	sadd.s32 $0xA000, s21;
	s26 =	sadd.s32 $0xC800, s21  }
.LBB2_10:
0x1d: {  	[sflag:s30] =	ssyncadd.s32 $0xFFFFF800  }
0x1e: {  	_ =	swait.ge [sflag:s19], $0x800  }
0x1f: {  	[sflag:s19] =	ssyncset.done $0x0  }
0x20: {  	s12 =	rddreg [dreg:$0xc];
	[sflag:s19] =	ssyncadd.s32 $0xFFFFF800  }
0x21: {  	[tilespmem:s2], [sflag:$0x2] =	stream.indirect.gather [hbm4b:s14+s17], $0x10, s7, s17, $0xb8;
	[tilespmem:$0x1F000] =	vst v63  }
.LBB2_16:
0x22: {  	[spmem:s3] =	stream.indirect.scatter.add.bf16 [tilespmem:s15], [sflag:$0x3], $0x10, s8, s17, $0xb8;
	[tilespmem:$0x1F000] =	vst v63  }
0x23: {  	_ =	swait.ge [sflag:s30], $0x800  }
0x24: {  	[sflag:s30] =	ssyncset.done $0x0  }
0x25: {  	[sflag:s30] =	ssyncadd.s32 $0xFFFFF800  }
0x26: {  	_ =	swait.ge [sflag:s6], $0x800  }
0x27: {  	[sflag:s6] =	ssyncset.done $0x0  }
0x28: {  	[sflag:s6] =	ssyncadd.s32 $0xFFFFF800  }
0x29: {  	[spmem:s3] =	stream.indirect.scatter.add.bf16 [tilespmem:s2], [sflag:$0x3], $0x10, s9, s17, $0xb8;
	[tilespmem:$0x1F000] =	vst v63  }
0x2a: {  	_ =	swait.ge [sflag:s30], $0x800  }
0x2b: {  	[sflag:s30] =	ssyncset.done $0x0  }
0x2c: {  	s5 =	rddreg [dreg:$0x4];
	[sflag:s30] =	ssyncadd.s32 $0xFFFFF800  }
0x2d: {  	s20 =	sshrl.u32 s13, $0x3;
	s5 =	sadd.s32 s5, s12;
	[bflag:$0x0] =	sbarrier.arrive $0xFFFF  }
0x2e: {  	[hbm:s5@s10], [sflag:s0] =	dma.strided [spmem:s20@s6], $0x2710, s19, $0x2   }
0x2f: {  	_ =	swait.ge [sflag:s30], $0x2710  }
0x30: {  	s11 =	sadd.s32 $0x1, s11;
	s20 =	rddreg [dreg:$0xf]  }
0x31: {  	p1 =	sne.s32 s11, s20  }
.Ltmp1:
0x32: {  	_ = 	snop;
	(pc) =	sbr.rel @!p1 .LBB2_17-.Ltmp1, $3  }
0x33: {  	[sflag:s30] =	ssyncset.done $0x0  }
0x34: {  	[sflag:s30] =	ssyncadd.s32 $0xFFFFD8F0  }
0x35: {  	[bflag:$0x0] =	sbarrier.arrive $0xFFFF;
	_ =	sdelay $0x1  }
.LBB2_1:
0x36: {  	s0 =	rddreg [dreg:$0x6]  }
0x37: {  	[tilespmem:s4], [sflag:$0x3] =	stream.linear.gather [hbm4b:s0+s4], $0x2800, $0x38;
	[tilespmem:$0x1F000] =	vst v63  }
0x38: {  	_ =	swait.ge [sflag:s30], $0x2800  }
0x39: {  	[sflag:s30] =	ssyncset.done $0x0  }
0x3a: {  	s12 =	rddreg [dreg:$0x5];
	[sflag:s30] =	ssyncadd.s32 $0xFFFFD800  }
0x3b: {  	[tilespmem:s31], [sflag:$0x3] =	stream.linear.gather [hbm4b:s12+s4], $0x2800, $0x38;
	[tilespmem:$0x1F000] =	vst v63  }
0x3c: {  	_ =	swait.ge [sflag:s30], $0x2800  }
0x3d: {  	[sflag:s30] =	ssyncset.done $0x0  }
0x3e: {  	s5 =	simm.s32 $0x5000;
	s20 =	rddreg [dreg:$0x7];
	[sflag:s30] =	ssyncadd.s32 $0xFFFFD800  }
0x3f: {  	[tilespmem:s5], [sflag:$0x3] =	stream.linear.gather [hbm4b:s20+s4], $0x1400, $0x38;
	[tilespmem:$0x1F000] =	vst v63  }
0x40: {  	_ =	swait.ge [sflag:s30], $0x1400  }
0x41: {  	[sflag:s30] =	ssyncset.done $0x0  }
0x42: {  	s20 =	simm.s32 $0x6400;
	s12 =	rddreg [dreg:$0x8];
	[sflag:s30] =	ssyncadd.s32 $0xFFFFEC00  }
0x43: {  	[tilespmem:s20], [sflag:$0x3] =	stream.linear.gather [hbm4b:s12+s4], $0x1400, $0x38;
	[tilespmem:$0x1F000] =	vst v63  }
0x44: {  	_ =	swait.ge [sflag:s30], $0x1400  }
0x45: {  	[sflag:s30] =	ssyncset.done $0x0  }
0x46: {  	s0 =	simm.s32 $0x0;
	[sflag:s30] =	ssyncadd.s32 $0xFFFFEC00  }
0x47: {  	v0 =	vld [tilespmem:s0+$0x6470]  }
0x48: {  	v1 =	vld [tilespmem:s0+$0x6400]  }
0x49: {  	v2 =	vld [tilespmem:s0+$0x5070]  }
0x4a: {  	v3 =	vld [tilespmem:s0+$0x6410]  }
0x4b: {  	v4 =	vld [tilespmem:s0+$0x6420]  }
0x4c: {  	v6 =	vld [tilespmem:s0+$0x6430]  }
0x4d: {  	v9 =	vld [tilespmem:s0+$0x6440];
	v0 =	vmul.u32 $0x2710, v0  }
0x4e: {  	v10 =	vld [tilespmem:s0+$0x6450]  }
0x4f: {  	v11 =	vld [tilespmem:s0+$0x6460];
	v0 =	vadd.s32 v2, v0  }
0x50: {  	[tilespmem:s0+$0x2870] =	vst v0;
	v0 =	vld [tilespmem:s0+$0x5000]  }
0x51: {  	v12 =	vld [tilespmem:s0+$0x5010]  }
0x52: {  	v7 =	vld [tilespmem:s0+$0x5020]  }
0x53: {  	v5 =	vld [tilespmem:s0+$0x5030];
	v1 =	vmul.u32 $0x2710, v1  }
0x54: {  	v13 =	vmul.u32 $0x2710, v3;
	v8 =	vmul.u32 $0x2710, v4;
	v2 =	vld [tilespmem:s0+$0x5040]  }
0x55: {  	v3 =	vld [tilespmem:s0+$0x5050];
	v6 =	vmul.u32 $0x2710, v6;
	v4 =	vmul.u32 $0x2710, v9;
	v0 =	vadd.s32 v0, v1  }
0x56: {  	s12 =	simm.s32 $0x80;
	s20 =	simm.s32 $0x400;
	v9 =	vld [tilespmem:s0+$0x5060];
	v1 =	vmul.u32 $0x2710, v10;
	v10 =	vadd.s32 v12, v13;
	[tilespmem:s0+$0x2800] =	vst v0;
	v0 =	vmul.u32 $0x2710, v11  }
.LBB2_2:
0x57: {  	p1 =	sne.s32 s20, $0x4E00;
	v11 =	vld [tilespmem:s12+$0x6470];
	[tilespmem:s0+$0x2810] =	vst v10;
	v7 =	vadd.s32 v7, v8  }
0x58: {  	v8 =	vld [tilespmem:s12+$0x6400];
	[tilespmem:s0+$0x2820] =	vst v7;
	v5 =	vadd.s32 v5, v6  }
0x59: {  	v6 =	vld [tilespmem:s12+$0x5070];
	[tilespmem:s0+$0x2830] =	vst v5;
	v2 =	vadd.s32 v2, v4  }
0x5a: {  	v4 =	vld [tilespmem:s12+$0x6410];
	[tilespmem:s0+$0x2840] =	vst v2;
	v1 =	vadd.s32 v3, v1  }
0x5b: {  	v2 =	vld [tilespmem:s12+$0x6420];
	[tilespmem:s0+$0x2850] =	vst v1;
	v0 =	vadd.s32 v9, v0  }
0x5c: {  	v1 =	vld [tilespmem:s12+$0x6430];
	v3 =	vmul.u32 $0x2710, v11;
	[tilespmem:s0+$0x2860] =	vst v0;
	s0 =	smov.u32 s12  }
0x5d: {  	v9 =	vmul.u32 $0x2710, v8;
	v0 =	vld [tilespmem:s0+$0x6440]  }
0x5e: {  	v10 =	vld [tilespmem:s0+$0x6450];
	v3 =	vadd.s32 v6, v3  }
0x5f: {  	v11 =	vmul.u32 $0x2710, v4;
	v12 =	vld [tilespmem:s0+$0x6460];
	[tilespmem:s0+$0x2870] =	vst v3  }
0x60: {  	v3 =	vld [tilespmem:s0+$0x5000];
	v8 =	vmul.u32 $0x2710, v2  }
0x61: {  	v13 =	vld [tilespmem:s0+$0x5010];
	v6 =	vmul.u32 $0x2710, v1  }
.Ltmp2:
0x62: {  	v7 =	vld [tilespmem:s0+$0x5020];
	v4 =	vmul.u32 $0x2710, v0;
	(pc) =	sbr.rel @p1 .LBB2_2-.Ltmp2, $4  }
0x63: {  	v5 =	vld [tilespmem:s0+$0x5030];
	v1 =	vmul.u32 $0x2710, v10  }
0x64: {  	v2 =	vld [tilespmem:s0+$0x5040];
	v0 =	vmul.u32 $0x2710, v12  }
0x65: {  	v9 =	vadd.s32 v3, v9;
	v3 =	vld [tilespmem:s0+$0x5050]  }
0x66: {  	s12 =	sshra.s32 s20, $0x2;
	s20 =	sadd.s32 $0x200, s20;
	[tilespmem:s0+$0x2800] =	vst v9;
	v10 =	vadd.s32 v13, v11;
	v9 =	vld [tilespmem:s0+$0x5060]  }
0x67: {  	v11 =	vld [tilespmem:s12+$0x6470];
	[tilespmem:s0+$0x2810] =	vst v10;
	v7 =	vadd.s32 v7, v8  }
0x68: {  	v8 =	vld [tilespmem:s12+$0x6400];
	[tilespmem:s0+$0x2820] =	vst v7;
	v5 =	vadd.s32 v5, v6  }
0x69: {  	v6 =	vld [tilespmem:s12+$0x5070];
	[tilespmem:s0+$0x2830] =	vst v5;
	v2 =	vadd.s32 v2, v4  }
0x6a: {  	v4 =	vld [tilespmem:s12+$0x6410];
	[tilespmem:s0+$0x2840] =	vst v2;
	v1 =	vadd.s32 v3, v1  }
0x6b: {  	v2 =	vld [tilespmem:s12+$0x6420];
	[tilespmem:s0+$0x2850] =	vst v1;
	v0 =	vadd.s32 v9, v0  }
0x6c: {  	v1 =	vld [tilespmem:s12+$0x6430];
	[tilespmem:s0+$0x2860] =	vst v0  }
0x6d: {  	v0 =	vmul.u32 $0x2710, v11;
	v3 =	vld [tilespmem:s12+$0x6440]  }
0x6e: {  	v5 =	vld [tilespmem:s12+$0x6450]  }
0x6f: {  	v7 =	vld [tilespmem:s12+$0x5010];
	v0 =	vadd.s32 v6, v0  }
0x70: {  	[tilespmem:s12+$0x2870] =	vst v0;
	v0 =	vld [tilespmem:s12+$0x5000]  }
0x71: {  	v9 =	vld [tilespmem:s12+$0x5020]  }
0x72: {  	v10 =	vld [tilespmem:s12+$0x5030]  }
0x73: {  	v8 =	vmul.u32 $0x2710, v8;
	v11 =	vld [tilespmem:s12+$0x5040]  }
0x74: {  	v6 =	vld [tilespmem:s12+$0x6460];
	v4 =	vmul.u32 $0x2710, v4  }
0x75: {  	v2 =	vmul.u32 $0x2710, v2;
	v0 =	vadd.s32 v0, v8;
	v8 =	vld [tilespmem:s12+$0x5050]  }
0x76: {  	[tilespmem:s12+$0x2800] =	vst v0;
	v0 =	vmul.u32 $0x2710, v1;
	v1 =	vadd.s32 v7, v4;
	v4 =	vld [tilespmem:s12+$0x5060]  }
0x77: {  	v3 =	vmul.u32 $0x2710, v3;
	[tilespmem:s12+$0x2810] =	vst v1;
	v1 =	vadd.s32 v9, v2  }
0x78: {  	v2 =	vmul.u32 $0x2710, v5;
	[tilespmem:s12+$0x2820] =	vst v1;
	v0 =	vadd.s32 v10, v0  }
0x79: {  	v1 =	vmul.u32 $0x2710, v6;
	[tilespmem:s12+$0x2830] =	vst v0;
	v0 =	vadd.s32 v11, v3  }
0x7a: {  	[tilespmem:s12+$0x2840] =	vst v0;
	v0 =	vadd.s32 v8, v2  }
0x7b: {  	[tilespmem:s12+$0x2850] =	vst v0;
	v0 =	vadd.s32 v4, v1  }
0x7c: {  	s5 =	rddreg [dreg:$0x9];
	s20 =	simm.s32 $0x5000;
	s0 =	simm.s32 $0x0;
	[tilespmem:s12+$0x2860] =	vst v0  }
0x7d: {  	[tilespmem:s20], [sflag:$0x3] =	stream.linear.gather [hbm4b:s5+s0], $0x1400, $0x38;
	[tilespmem:$0x1F000] =	vst v63  }
0x7e: {  	_ =	swait.ge [sflag:s30], $0x1400  }
0x7f: {  	[sflag:s30] =	ssyncset.done $0x0  }
0x80: {  	s20 =	simm.s32 $0x6400;
	s12 =	rddreg [dreg:$0xa];
	[sflag:s30] =	ssyncadd.s32 $0xFFFFEC00  }
0x81: {  	[tilespmem:s20], [sflag:$0x3] =	stream.linear.gather [hbm4b:s12+s0], $0x1400, $0x38;
	[tilespmem:$0x1F000] =	vst v63  }
0x82: {  	_ =	swait.ge [sflag:s30], $0x1400  }
0x83: {  	[sflag:s30] =	ssyncset.done $0x0  }
0x84: {  	s0 =	simm.s32 $0x0;
	[sflag:s30] =	ssyncadd.s32 $0xFFFFEC00  }
0x85: {  	v0 =	vld [tilespmem:s0+$0x6470]  }
0x86: {  	v1 =	vld [tilespmem:s0+$0x6400]  }
0x87: {  	v2 =	vld [tilespmem:s0+$0x5070]  }
0x88: {  	v3 =	vld [tilespmem:s0+$0x6410]  }
0x89: {  	v4 =	vld [tilespmem:s0+$0x6420]  }
0x8a: {  	v6 =	vld [tilespmem:s0+$0x6430]  }
0x8b: {  	v9 =	vld [tilespmem:s0+$0x6440];
	v0 =	vmul.u32 $0x2710, v0  }
0x8c: {  	v10 =	vld [tilespmem:s0+$0x6450]  }
0x8d: {  	v11 =	vld [tilespmem:s0+$0x6460];
	v0 =	vadd.s32 v2, v0  }
0x8e: {  	[tilespmem:s0+$0x3C70] =	vst v0;
	v0 =	vld [tilespmem:s0+$0x5000]  }
0x8f: {  	v12 =	vld [tilespmem:s0+$0x5010]  }
0x90: {  	v7 =	vld [tilespmem:s0+$0x5020]  }
0x91: {  	v5 =	vld [tilespmem:s0+$0x5030];
	v1 =	vmul.u32 $0x2710, v1  }
0x92: {  	v13 =	vmul.u32 $0x2710, v3;
	v8 =	vmul.u32 $0x2710, v4;
	v2 =	vld [tilespmem:s0+$0x5040]  }
0x93: {  	v3 =	vld [tilespmem:s0+$0x5050];
	v6 =	vmul.u32 $0x2710, v6;
	v4 =	vmul.u32 $0x2710, v9;
	v0 =	vadd.s32 v0, v1  }
0x94: {  	s12 =	simm.s32 $0x80;
	s20 =	simm.s32 $0x400;
	v9 =	vld [tilespmem:s0+$0x5060];
	v1 =	vmul.u32 $0x2710, v10;
	v10 =	vadd.s32 v12, v13;
	[tilespmem:s0+$0x3C00] =	vst v0;
	v0 =	vmul.u32 $0x2710, v11  }
.LBB2_4:
0x95: {  	p1 =	sne.s32 s20, $0x4E00;
	v11 =	vld [tilespmem:s12+$0x6470];
	[tilespmem:s0+$0x3C10] =	vst v10;
	v7 =	vadd.s32 v7, v8  }
0x96: {  	v8 =	vld [tilespmem:s12+$0x6400];
	[tilespmem:s0+$0x3C20] =	vst v7;
	v5 =	vadd.s32 v5, v6  }
0x97: {  	v6 =	vld [tilespmem:s12+$0x5070];
	[tilespmem:s0+$0x3C30] =	vst v5;
	v2 =	vadd.s32 v2, v4  }
0x98: {  	v4 =	vld [tilespmem:s12+$0x6410];
	[tilespmem:s0+$0x3C40] =	vst v2;
	v1 =	vadd.s32 v3, v1  }
0x99: {  	v2 =	vld [tilespmem:s12+$0x6420];
	[tilespmem:s0+$0x3C50] =	vst v1;
	v0 =	vadd.s32 v9, v0  }
0x9a: {  	v1 =	vld [tilespmem:s12+$0x6430];
	v3 =	vmul.u32 $0x2710, v11;
	[tilespmem:s0+$0x3C60] =	vst v0;
	s0 =	smov.u32 s12  }
0x9b: {  	v9 =	vmul.u32 $0x2710, v8;
	v0 =	vld [tilespmem:s0+$0x6440]  }
0x9c: {  	v10 =	vld [tilespmem:s0+$0x6450];
	v3 =	vadd.s32 v6, v3  }
0x9d: {  	v11 =	vmul.u32 $0x2710, v4;
	v12 =	vld [tilespmem:s0+$0x6460];
	[tilespmem:s0+$0x3C70] =	vst v3  }
0x9e: {  	v3 =	vld [tilespmem:s0+$0x5000];
	v8 =	vmul.u32 $0x2710, v2  }
0x9f: {  	v13 =	vld [tilespmem:s0+$0x5010];
	v6 =	vmul.u32 $0x2710, v1  }
.Ltmp3:
0xa0: {  	v7 =	vld [tilespmem:s0+$0x5020];
	v4 =	vmul.u32 $0x2710, v0;
	(pc) =	sbr.rel @p1 .LBB2_4-.Ltmp3, $4  }
0xa1: {  	v5 =	vld [tilespmem:s0+$0x5030];
	v1 =	vmul.u32 $0x2710, v10  }
0xa2: {  	v2 =	vld [tilespmem:s0+$0x5040];
	v0 =	vmul.u32 $0x2710, v12  }
0xa3: {  	v9 =	vadd.s32 v3, v9;
	v3 =	vld [tilespmem:s0+$0x5050]  }
0xa4: {  	s12 =	sshra.s32 s20, $0x2;
	s20 =	sadd.s32 $0x200, s20;
	[tilespmem:s0+$0x3C00] =	vst v9;
	v10 =	vadd.s32 v13, v11;
	v9 =	vld [tilespmem:s0+$0x5060]  }
0xa5: {  	v11 =	vld [tilespmem:s12+$0x6470];
	[tilespmem:s0+$0x3C10] =	vst v10;
	v7 =	vadd.s32 v7, v8  }
0xa6: {  	v45 =	vld [tilespmem:s12+$0x6400];
	[tilespmem:s0+$0x3C20] =	vst v7;
	v5 =	vadd.s32 v5, v6  }
0xa7: {  	v46 =	vld [tilespmem:s12+$0x5070];
	[tilespmem:s0+$0x3C30] =	vst v5;
	v2 =	vadd.s32 v2, v4  }
0xa8: {  	v47 =	vld [tilespmem:s12+$0x6410];
	[tilespmem:s0+$0x3C40] =	vst v2;
	v1 =	vadd.s32 v3, v1  }
0xa9: {  	v2 =	vld [tilespmem:s12+$0x6420];
	[tilespmem:s0+$0x3C50] =	vst v1;
	v0 =	vadd.s32 v9, v0  }
0xaa: {  	v1 =	vld [tilespmem:s12+$0x6430];
	[tilespmem:s0+$0x3C60] =	vst v0  }
0xab: {  	v49 =	vld [tilespmem:s12+$0x6440]  }
0xac: {  	v5 =	vld [tilespmem:s12+$0x6450]  }
0xad: {  	v50 =	vld [tilespmem:s12+$0x6460]  }
0xae: {  	v51 =	vld [tilespmem:s12+$0x5000]  }
0xaf: {  	v7 =	vld [tilespmem:s12+$0x5010]  }
0xb0: {  	v48 =	vmul.u32 $0x2710, v11;
	v52 =	vld [tilespmem:s12+$0x5020]  }
0xb1: {  	v8 =	vmul.u32 $0x2710, v45;
	v10 =	vld [tilespmem:s12+$0x5030]  }
0xb2: {  	v53 =	vld [tilespmem:s12+$0x5040];
	v0 =	vadd.s32 v46, v48;
	v4 =	vmul.u32 $0x2710, v47  }
0xb3: {  	v54 =	vld [tilespmem:s12+$0x5050];
	[tilespmem:s12+$0x3C70] =	vst v0;
	v2 =	vmul.u32 $0x2710, v2;
	v0 =	vadd.s32 v51, v8  }
0xb4: {  	v57 =	vld [tilespmem:s12+$0x5060];
	v55 =	vmul.u32 $0x2710, v1;
	v56 =	vadd.s32 v7, v4;
	[tilespmem:s12+$0x3C00] =	vst v0  }
0xb5: {  	v3 =	vmul.u32 $0x2710, v49;
	v58 =	vadd.s32 v52, v2;
	[tilespmem:s12+$0x3C10] =	vst v56  }
.Ltmp4:
0xb6: {  	v59 =	vmul.u32 $0x2710, v5;
	[tilespmem:s12+$0x3C20] =	vst v58;
	v0 =	vadd.s32 v10, v55;
	(pc) =	sbr.rel @!p0 .LBB2_6-.Ltmp4, $4  }
0xb7: {  	v60 =	vmul.u32 $0x2710, v50;
	[tilespmem:s12+$0x3C30] =	vst v0;
	v61 =	vadd.s32 v53, v3  }
0xb8: {  	v62 =	vadd.s32 v54, v59;
	[tilespmem:s12+$0x3C40] =	vst v61  }
0xb9: {  	v63 =	vadd.s32 v57, v60;
	[tilespmem:s12+$0x3C50] =	vst v62  }
0xba: {  	[tilespmem:s12+$0x3C60] =	vst v63  }
0xbb: {  	[spmem:s21] =	stream.linear.scatter [tilespmem:s31], [sflag:$0x3], $0x2800, $0x38;
	[tilespmem:$0x1F000] =	vst v63  }
0xbc: {  	_ =	swait.ge [sflag:s30], $0x2800  }
0xbd: {  	[sflag:s30] =	ssyncset.done $0x0  }
0xbe: {  	[sflag:s30] =	ssyncadd.s32 $0xFFFFD800  }
0xbf: {  	[spmem:s22] =	stream.linear.scatter [tilespmem:s31], [sflag:$0x3], $0x2800, $0x38;
	[tilespmem:$0x1F000] =	vst v63  }
0xc0: {  	_ =	swait.ge [sflag:s30], $0x2800  }
0xc1: {  	[sflag:s30] =	ssyncset.done $0x0  }
0xc2: {  	[sflag:s30] =	ssyncadd.s32 $0xFFFFD800  }
0xc3: {  	[spmem:s23] =	stream.linear.scatter [tilespmem:s31], [sflag:$0x3], $0x2800, $0x38;
	[tilespmem:$0x1F000] =	vst v63  }
0xc4: {  	_ =	swait.ge [sflag:s30], $0x2800  }
0xc5: {  	[sflag:s30] =	ssyncset.done $0x0  }
0xc6: {  	[sflag:s30] =	ssyncadd.s32 $0xFFFFD800  }
0xc7: {  	[spmem:s24] =	stream.linear.scatter [tilespmem:s31], [sflag:$0x3], $0x2800, $0x38;
	[tilespmem:$0x1F000] =	vst v63  }
0xc8: {  	_ =	swait.ge [sflag:s30], $0x2800  }
0xc9: {  	[sflag:s30] =	ssyncset.done $0x0  }
0xca: {  	[sflag:s30] =	ssyncadd.s32 $0xFFFFD800  }
0xcb: {  	[spmem:s25] =	stream.linear.scatter [tilespmem:s31], [sflag:$0x3], $0x2800, $0x38;
	[tilespmem:$0x1F000] =	vst v63  }
0xcc: {  	_ =	swait.ge [sflag:s30], $0x2800  }
0xcd: {  	[sflag:s30] =	ssyncset.done $0x0  }
0xce: {  	[sflag:s30] =	ssyncadd.s32 $0xFFFFD800  }
0xcf: {  	[spmem:s26] =	stream.linear.scatter [tilespmem:s31], [sflag:$0x3], $0x2800, $0x38;
	[tilespmem:$0x1F000] =	vst v63  }
0xd0: {  	_ =	swait.ge [sflag:s30], $0x2800  }
0xd1: {  	[sflag:s30] =	ssyncset.done $0x0  }
0xd2: {  	[sflag:s30] =	ssyncadd.s32 $0xFFFFD800  }
0xd3: {  	[spmem:s28] =	stream.linear.scatter [tilespmem:s31], [sflag:$0x3], $0x2800, $0x38;
	[tilespmem:$0x1F000] =	vst v63  }
0xd4: {  	_ =	swait.ge [sflag:s30], $0x2800  }
0xd5: {  	[sflag:s30] =	ssyncset.done $0x0  }
0xd6: {  	[sflag:s30] =	ssyncadd.s32 $0xFFFFD800  }
0xd7: {  	[spmem:s29] =	stream.linear.scatter [tilespmem:s31], [sflag:$0x3], $0x2800, $0x38;
	[tilespmem:$0x1F000] =	vst v63  }
0xd8: {  	_ =	swait.ge [sflag:s30], $0x2800  }
0xd9: {  	[sflag:s30] =	ssyncset.done $0x0  }
0xda: {  	[sflag:s30] =	ssyncadd.s32 $0xFFFFD800  }
0xdb: {  	s0 =	simm.s32 $0x0;
	[bflag:$0x0] =	sbarrier.arrive $0xFFFF  }
0xdc: {  	[tilespmem:s15], [sflag:$0x1] =	stream.indirect.gather [hbm4b:s16+s17], $0x10, s0, s17, $0xb8;
	[tilespmem:$0x1F000] =	vst v63  }
0xdd: {  	_ =	swait.ge [sflag:s19], $0x800  }
0xde: {  	[sflag:s19] =	ssyncset.done $0x0  }
0xdf: {  	s20 =	simm.s32 $0x80;
	[sflag:s19] =	ssyncadd.s32 $0xFFFFF800  }
0xe0: {  	[tilespmem:s2], [sflag:$0x2] =	stream.indirect.gather [hbm4b:s16+s17], $0x10, s20, s17, $0xb8;
	[tilespmem:$0x1F000] =	vst v63  }
0xe1: {  	s5 =	simm.s32 $0x2800  }
0xe2: {  	[spmem:s3] =	stream.indirect.scatter.add.bf16 [tilespmem:s15], [sflag:$0x3], $0x10, s5, s17, $0xb8;
	[tilespmem:$0x1F000] =	vst v63  }
0xe3: {  	_ =	swait.ge [sflag:s30], $0x800  }
0xe4: {  	[sflag:s30] =	ssyncset.done $0x0  }
0xe5: {  	[sflag:s30] =	ssyncadd.s32 $0xFFFFF800  }
0xe6: {  	_ =	swait.ge [sflag:s6], $0x800  }
0xe7: {  	[sflag:s6] =	ssyncset.done $0x0  }
0xe8: {  	s12 =	simm.s32 $0x100;
	[sflag:s6] =	ssyncadd.s32 $0xFFFFF800  }
0xe9: {  	[tilespmem:s15], [sflag:$0x1] =	stream.indirect.gather [hbm4b:s16+s17], $0x10, s12, s17, $0xb8;
	[tilespmem:$0x1F000] =	vst v63  }
0xea: {  	s20 =	simm.s32 $0x2880  }
0xeb: {  	[spmem:s3] =	stream.indirect.scatter.add.bf16 [tilespmem:s2], [sflag:$0x3], $0x10, s20, s17, $0xb8;
	[tilespmem:$0x1F000] =	vst v63  }
0xec: {  	_ =	swait.ge [sflag:s30], $0x800  }
0xed: {  	s0 =	simm.s32 $0x400;
	[sflag:s30] =	ssyncset.done $0x0  }
.LBB2_12:
0xee: {  	p1 =	sne.s32 s0, $0x9800  }
0xef: {  	[sflag:s30] =	ssyncadd.s32 $0xFFFFF800;
	s5 =	smov.u32 s0;
	s0 =	sadd.s32 $0x400, s0  }
0xf0: {  	_ = 	snop  }
0xf1: {  	_ =	swait.ge [sflag:s19], $0x800  }
0xf2: {  	s5 =	sshra.s32 s5, $0x2;
	[sflag:s19] =	ssyncset.done $0x0  }
0xf3: {  	s12 =	sadd.s32 $0x80, s5;
	[sflag:s19] =	ssyncadd.s32 $0xFFFFF800  }
0xf4: {  	[tilespmem:s2], [sflag:$0x2] =	stream.indirect.gather [hbm4b:s16+s17], $0x10, s12, s17, $0xb8;
	[tilespmem:$0x1F000] =	vst v63  }
0xf5: {  	s12 =	sadd.s32 $0x2800, s5  }
0xf6: {  	[spmem:s3] =	stream.indirect.scatter.add.bf16 [tilespmem:s15], [sflag:$0x3], $0x10, s12, s17, $0xb8;
	[tilespmem:$0x1F000] =	vst v63  }
0xf7: {  	_ =	swait.ge [sflag:s30], $0x800  }
0xf8: {  	[sflag:s30] =	ssyncset.done $0x0  }
0xf9: {  	[sflag:s30] =	ssyncadd.s32 $0xFFFFF800  }
0xfa: {  	_ =	swait.ge [sflag:s6], $0x800  }
0xfb: {  	[sflag:s6] =	ssyncset.done $0x0  }
0xfc: {  	s12 =	sadd.s32 $0x100, s5;
	[sflag:s6] =	ssyncadd.s32 $0xFFFFF800  }
0xfd: {  	[tilespmem:s15], [sflag:$0x1] =	stream.indirect.gather [hbm4b:s16+s17], $0x10, s12, s17, $0xb8;
	[tilespmem:$0x1F000] =	vst v63  }
.Ltmp5:
0xfe: {  	_ = 	snop;
	(pc) =	sbr.rel @p1 .LBB2_12-.Ltmp5, $4  }
0xff: {  	s5 =	sadd.s32 $0x2880, s5  }
0x100: {  	[spmem:s3] =	stream.indirect.scatter.add.bf16 [tilespmem:s2], [sflag:$0x3], $0x10, s5, s17, $0xb8;
	[tilespmem:$0x1F000] =	vst v63  }
0x101: {  	_ =	swait.ge [sflag:s30], $0x800  }
0x102: {  	[sflag:s30] =	ssyncset.done $0x0  }
0x103: {  	[sflag:s30] =	ssyncadd.s32 $0xFFFFF800  }
0x104: {  	_ =	swait.ge [sflag:s19], $0x800  }
0x105: {  	[sflag:s19] =	ssyncset.done $0x0  }
0x106: {  	[sflag:s19] =	ssyncadd.s32 $0xFFFFF800  }
0x107: {  	[tilespmem:s2], [sflag:$0x2] =	stream.indirect.gather [hbm4b:s16+s17], $0x10, s7, s17, $0xb8;
	[tilespmem:$0x1F000] =	vst v63  }
0x108: {  	_ = 	snop  }
0x109: {  	[spmem:s3] =	stream.indirect.scatter.add.bf16 [tilespmem:s15], [sflag:$0x3], $0x10, s8, s17, $0xb8;
	[tilespmem:$0x1F000] =	vst v63  }
0x10a: {  	_ =	swait.ge [sflag:s30], $0x800  }
0x10b: {  	[sflag:s30] =	ssyncset.done $0x0  }
0x10c: {  	[sflag:s30] =	ssyncadd.s32 $0xFFFFF800  }
0x10d: {  	_ =	swait.ge [sflag:s6], $0x800  }
0x10e: {  	[sflag:s6] =	ssyncset.done $0x0  }
0x10f: {  	[sflag:s6] =	ssyncadd.s32 $0xFFFFF800  }
0x110: {  	[spmem:s3] =	stream.indirect.scatter.add.bf16 [tilespmem:s2], [sflag:$0x3], $0x10, s9, s17, $0xb8;
	[tilespmem:$0x1F000] =	vst v63  }
0x111: {  	_ =	swait.ge [sflag:s30], $0x800  }
0x112: {  	[sflag:s30] =	ssyncset.done $0x0  }
0x113: {  	s0 =	stileid.u32;
	[sflag:s30] =	ssyncadd.s32 $0xFFFFF800  }
0x114: {  	s0 =	sshll.u32 s0, $0x6;
	[bflag:$0x0] =	sbarrier.arrive $0xFFFF  }
0x115: {  	s5 =	sshrl.u32 s13, $0x3;
	s0 =	sor.u32 $0x1C03, s0;
	s12 =	rddreg [dreg:$0xd]  }
0x116: {  	[hbm:s12@s10], [sflag:s0] =	dma.strided [spmem:s5@s6], $0x2710, s19, $0x2   }
0x117: {  	_ =	swait.ge [sflag:s30], $0x2710  }
0x118: {  	[sflag:s30] =	ssyncset.done $0x0  }
0x119: {  	[sflag:s30] =	ssyncadd.s32 $0xFFFFD8F0  }
0x11a: {  	[bflag:$0x0] =	sbarrier.arrive $0xFFFF  }
0x11b: {  	[spmem:s21] =	stream.linear.scatter [tilespmem:s31], [sflag:$0x3], $0x2800, $0x38;
	[tilespmem:$0x1F000] =	vst v63  }
0x11c: {  	_ =	swait.ge [sflag:s30], $0x2800  }
0x11d: {  	[sflag:s30] =	ssyncset.done $0x0  }
0x11e: {  	[sflag:s30] =	ssyncadd.s32 $0xFFFFD800  }
0x11f: {  	[spmem:s22] =	stream.linear.scatter [tilespmem:s31], [sflag:$0x3], $0x2800, $0x38;
	[tilespmem:$0x1F000] =	vst v63  }
0x120: {  	_ =	swait.ge [sflag:s30], $0x2800  }
0x121: {  	[sflag:s30] =	ssyncset.done $0x0  }
0x122: {  	[sflag:s30] =	ssyncadd.s32 $0xFFFFD800  }
0x123: {  	[spmem:s23] =	stream.linear.scatter [tilespmem:s31], [sflag:$0x3], $0x2800, $0x38;
	[tilespmem:$0x1F000] =	vst v63  }
0x124: {  	_ =	swait.ge [sflag:s30], $0x2800  }
0x125: {  	[sflag:s30] =	ssyncset.done $0x0  }
0x126: {  	[sflag:s30] =	ssyncadd.s32 $0xFFFFD800  }
0x127: {  	[spmem:s24] =	stream.linear.scatter [tilespmem:s31], [sflag:$0x3], $0x2800, $0x38;
	[tilespmem:$0x1F000] =	vst v63  }
0x128: {  	_ =	swait.ge [sflag:s30], $0x2800  }
0x129: {  	[sflag:s30] =	ssyncset.done $0x0  }
0x12a: {  	[sflag:s30] =	ssyncadd.s32 $0xFFFFD800  }
0x12b: {  	[spmem:s25] =	stream.linear.scatter [tilespmem:s31], [sflag:$0x3], $0x2800, $0x38;
	[tilespmem:$0x1F000] =	vst v63  }
0x12c: {  	_ =	swait.ge [sflag:s30], $0x2800  }
0x12d: {  	[sflag:s30] =	ssyncset.done $0x0  }
0x12e: {  	[sflag:s30] =	ssyncadd.s32 $0xFFFFD800  }
0x12f: {  	[spmem:s26] =	stream.linear.scatter [tilespmem:s31], [sflag:$0x3], $0x2800, $0x38;
	[tilespmem:$0x1F000] =	vst v63  }
0x130: {  	_ =	swait.ge [sflag:s30], $0x2800  }
0x131: {  	[sflag:s30] =	ssyncset.done $0x0  }
0x132: {  	[sflag:s30] =	ssyncadd.s32 $0xFFFFD800  }
0x133: {  	[spmem:s28] =	stream.linear.scatter [tilespmem:s31], [sflag:$0x3], $0x2800, $0x38;
	[tilespmem:$0x1F000] =	vst v63  }
0x134: {  	_ =	swait.ge [sflag:s30], $0x2800  }
0x135: {  	[sflag:s30] =	ssyncset.done $0x0  }
0x136: {  	[sflag:s30] =	ssyncadd.s32 $0xFFFFD800  }
0x137: {  	[spmem:s29] =	stream.linear.scatter [tilespmem:s31], [sflag:$0x3], $0x2800, $0x38;
	[tilespmem:$0x1F000] =	vst v63  }
0x138: {  	_ =	swait.ge [sflag:s30], $0x2800  }
0x139: {  	[sflag:s30] =	ssyncset.done $0x0  }
0x13a: {  	[sflag:s30] =	ssyncadd.s32 $0xFFFFD800  }
0x13b: {  	s20 =	simm.s32 $0x0;
	[bflag:$0x0] =	sbarrier.arrive $0xFFFF  }
0x13c: {  	[tilespmem:s15], [sflag:$0x1] =	stream.indirect.gather [hbm4b:s18+s17], $0x10, s20, s17, $0xb8;
	[tilespmem:$0x1F000] =	vst v63  }
0x13d: {  	_ =	swait.ge [sflag:s19], $0x800  }
0x13e: {  	[sflag:s19] =	ssyncset.done $0x0  }
0x13f: {  	s12 =	simm.s32 $0x80;
	[sflag:s19] =	ssyncadd.s32 $0xFFFFF800  }
0x140: {  	[tilespmem:s2], [sflag:$0x2] =	stream.indirect.gather [hbm4b:s18+s17], $0x10, s12, s17, $0xb8;
	[tilespmem:$0x1F000] =	vst v63  }
0x141: {  	s20 =	simm.s32 $0x2800  }
0x142: {  	[spmem:s3] =	stream.indirect.scatter.add.bf16 [tilespmem:s15], [sflag:$0x3], $0x10, s20, s17, $0xb8;
	[tilespmem:$0x1F000] =	vst v63  }
0x143: {  	_ =	swait.ge [sflag:s30], $0x800  }
0x144: {  	[sflag:s30] =	ssyncset.done $0x0  }
0x145: {  	[sflag:s30] =	ssyncadd.s32 $0xFFFFF800  }
0x146: {  	_ =	swait.ge [sflag:s6], $0x800  }
0x147: {  	[sflag:s6] =	ssyncset.done $0x0  }
0x148: {  	s12 =	simm.s32 $0x100;
	[sflag:s6] =	ssyncadd.s32 $0xFFFFF800  }
0x149: {  	[tilespmem:s15], [sflag:$0x1] =	stream.indirect.gather [hbm4b:s18+s17], $0x10, s12, s17, $0xb8;
	[tilespmem:$0x1F000] =	vst v63  }
0x14a: {  	s20 =	simm.s32 $0x2880  }
0x14b: {  	[spmem:s3] =	stream.indirect.scatter.add.bf16 [tilespmem:s2], [sflag:$0x3], $0x10, s20, s17, $0xb8;
	[tilespmem:$0x1F000] =	vst v63  }
0x14c: {  	_ =	swait.ge [sflag:s30], $0x800  }
0x14d: {  	s12 =	simm.s32 $0x400;
	[sflag:s30] =	ssyncset.done $0x0  }
.LBB2_14:
0x14e: {  	p1 =	sne.s32 s12, $0x9800  }
0x14f: {  	[sflag:s30] =	ssyncadd.s32 $0xFFFFF800;
	s5 =	smov.u32 s12;
	s12 =	sadd.s32 $0x400, s12  }
0x150: {  	_ = 	snop  }
0x151: {  	_ =	swait.ge [sflag:s19], $0x800  }
0x152: {  	s5 =	sshra.s32 s5, $0x2;
	[sflag:s19] =	ssyncset.done $0x0  }
0x153: {  	s20 =	sadd.s32 $0x80, s5;
	[sflag:s19] =	ssyncadd.s32 $0xFFFFF800  }
0x154: {  	[tilespmem:s2], [sflag:$0x2] =	stream.indirect.gather [hbm4b:s18+s17], $0x10, s20, s17, $0xb8;
	[tilespmem:$0x1F000] =	vst v63  }
0x155: {  	s20 =	sadd.s32 $0x2800, s5  }
0x156: {  	[spmem:s3] =	stream.indirect.scatter.add.bf16 [tilespmem:s15], [sflag:$0x3], $0x10, s20, s17, $0xb8;
	[tilespmem:$0x1F000] =	vst v63  }
0x157: {  	_ =	swait.ge [sflag:s30], $0x800  }
0x158: {  	[sflag:s30] =	ssyncset.done $0x0  }
0x159: {  	[sflag:s30] =	ssyncadd.s32 $0xFFFFF800  }
0x15a: {  	_ =	swait.ge [sflag:s6], $0x800  }
0x15b: {  	[sflag:s6] =	ssyncset.done $0x0  }
0x15c: {  	s20 =	sadd.s32 $0x100, s5;
	[sflag:s6] =	ssyncadd.s32 $0xFFFFF800  }
0x15d: {  	[tilespmem:s15], [sflag:$0x1] =	stream.indirect.gather [hbm4b:s18+s17], $0x10, s20, s17, $0xb8;
	[tilespmem:$0x1F000] =	vst v63  }
.Ltmp6:
0x15e: {  	_ = 	snop;
	(pc) =	sbr.rel @p1 .LBB2_14-.Ltmp6, $4  }
0x15f: {  	s5 =	sadd.s32 $0x2880, s5  }
0x160: {  	[spmem:s3] =	stream.indirect.scatter.add.bf16 [tilespmem:s2], [sflag:$0x3], $0x10, s5, s17, $0xb8;
	[tilespmem:$0x1F000] =	vst v63  }
0x161: {  	_ =	swait.ge [sflag:s30], $0x800  }
0x162: {  	[sflag:s30] =	ssyncset.done $0x0  }
.Ltmp7:
0x163: {  	[sflag:s30] =	ssyncadd.s32 $0xFFFFF800;
	(pc) =	sbr.rel .LBB2_16-.Ltmp7, $4  }
0x164: {  	_ =	swait.ge [sflag:s19], $0x800  }
0x165: {  	[sflag:s19] =	ssyncset.done $0x0  }
0x166: {  	s12 =	rddreg [dreg:$0xe];
	[sflag:s19] =	ssyncadd.s32 $0xFFFFF800  }
0x167: {  	[tilespmem:s2], [sflag:$0x2] =	stream.indirect.gather [hbm4b:s18+s17], $0x10, s7, s17, $0xb8;
	[tilespmem:$0x1F000] =	vst v63  }
.LBB2_6:
0x168: {  	[spmem:s21] =	stream.linear.scatter [tilespmem:s31], [sflag:$0x3], $0x2800, $0x38;
	[tilespmem:$0x1F000] =	vst v63  }
0x169: {  	_ =	swait.ge [sflag:s30], $0x2800  }
0x16a: {  	[sflag:s30] =	ssyncset.done $0x0  }
0x16b: {  	[sflag:s30] =	ssyncadd.s32 $0xFFFFD800  }
0x16c: {  	[spmem:s22] =	stream.linear.scatter [tilespmem:s31], [sflag:$0x3], $0x2800, $0x38;
	[tilespmem:$0x1F000] =	vst v63  }
0x16d: {  	_ =	swait.ge [sflag:s30], $0x2800  }
0x16e: {  	[sflag:s30] =	ssyncset.done $0x0  }
0x16f: {  	[sflag:s30] =	ssyncadd.s32 $0xFFFFD800  }
0x170: {  	[spmem:s23] =	stream.linear.scatter [tilespmem:s31], [sflag:$0x3], $0x2800, $0x38;
	[tilespmem:$0x1F000] =	vst v63  }
0x171: {  	_ =	swait.ge [sflag:s30], $0x2800  }
0x172: {  	[sflag:s30] =	ssyncset.done $0x0  }
0x173: {  	[sflag:s30] =	ssyncadd.s32 $0xFFFFD800  }
0x174: {  	[spmem:s24] =	stream.linear.scatter [tilespmem:s31], [sflag:$0x3], $0x2800, $0x38;
	[tilespmem:$0x1F000] =	vst v63  }
0x175: {  	_ =	swait.ge [sflag:s30], $0x2800  }
0x176: {  	[sflag:s30] =	ssyncset.done $0x0  }
0x177: {  	[sflag:s30] =	ssyncadd.s32 $0xFFFFD800  }
0x178: {  	[spmem:s25] =	stream.linear.scatter [tilespmem:s31], [sflag:$0x3], $0x2800, $0x38;
	[tilespmem:$0x1F000] =	vst v63  }
0x179: {  	_ =	swait.ge [sflag:s30], $0x2800  }
0x17a: {  	[sflag:s30] =	ssyncset.done $0x0  }
0x17b: {  	[sflag:s30] =	ssyncadd.s32 $0xFFFFD800  }
0x17c: {  	[spmem:s26] =	stream.linear.scatter [tilespmem:s31], [sflag:$0x3], $0x2800, $0x38;
	[tilespmem:$0x1F000] =	vst v63  }
0x17d: {  	_ =	swait.ge [sflag:s30], $0x2800  }
0x17e: {  	[sflag:s30] =	ssyncset.done $0x0  }
0x17f: {  	[sflag:s30] =	ssyncadd.s32 $0xFFFFD800  }
0x180: {  	[spmem:s28] =	stream.linear.scatter [tilespmem:s31], [sflag:$0x3], $0x2800, $0x38;
	[tilespmem:$0x1F000] =	vst v63  }
0x181: {  	_ =	swait.ge [sflag:s30], $0x2800  }
0x182: {  	[sflag:s30] =	ssyncset.done $0x0  }
0x183: {  	[sflag:s30] =	ssyncadd.s32 $0xFFFFD800  }
0x184: {  	[spmem:s29] =	stream.linear.scatter [tilespmem:s31], [sflag:$0x3], $0x2800, $0x38;
	[tilespmem:$0x1F000] =	vst v63  }
0x185: {  	_ =	swait.ge [sflag:s30], $0x2800  }
0x186: {  	[sflag:s30] =	ssyncset.done $0x0  }
0x187: {  	[sflag:s30] =	ssyncadd.s32 $0xFFFFD800  }
0x188: {  	s0 =	simm.s32 $0x0;
	[bflag:$0x0] =	sbarrier.arrive $0xFFFF  }
0x189: {  	[tilespmem:s15], [sflag:$0x1] =	stream.indirect.gather [hbm4b:s1+s17], $0x10, s0, s17, $0xb8;
	[tilespmem:$0x1F000] =	vst v63  }
0x18a: {  	_ =	swait.ge [sflag:s19], $0x800  }
0x18b: {  	[sflag:s19] =	ssyncset.done $0x0  }
0x18c: {  	s20 =	simm.s32 $0x80;
	[sflag:s19] =	ssyncadd.s32 $0xFFFFF800  }
0x18d: {  	[tilespmem:s2], [sflag:$0x2] =	stream.indirect.gather [hbm4b:s1+s17], $0x10, s20, s17, $0xb8;
	[tilespmem:$0x1F000] =	vst v63  }
0x18e: {  	s5 =	simm.s32 $0x2800  }
0x18f: {  	[spmem:s3] =	stream.indirect.scatter.add.bf16 [tilespmem:s15], [sflag:$0x3], $0x10, s5, s17, $0xb8;
	[tilespmem:$0x1F000] =	vst v63  }
0x190: {  	_ =	swait.ge [sflag:s30], $0x800  }
0x191: {  	[sflag:s30] =	ssyncset.done $0x0  }
0x192: {  	[sflag:s30] =	ssyncadd.s32 $0xFFFFF800  }
0x193: {  	_ =	swait.ge [sflag:s6], $0x800  }
0x194: {  	[sflag:s6] =	ssyncset.done $0x0  }
0x195: {  	s12 =	simm.s32 $0x100;
	[sflag:s6] =	ssyncadd.s32 $0xFFFFF800  }
0x196: {  	[tilespmem:s15], [sflag:$0x1] =	stream.indirect.gather [hbm4b:s1+s17], $0x10, s12, s17, $0xb8;
	[tilespmem:$0x1F000] =	vst v63  }
0x197: {  	s20 =	simm.s32 $0x2880  }
0x198: {  	[spmem:s3] =	stream.indirect.scatter.add.bf16 [tilespmem:s2], [sflag:$0x3], $0x10, s20, s17, $0xb8;
	[tilespmem:$0x1F000] =	vst v63  }
0x199: {  	_ =	swait.ge [sflag:s30], $0x800  }
0x19a: {  	s0 =	simm.s32 $0x400;
	[sflag:s30] =	ssyncset.done $0x0  }
.LBB2_7:
0x19b: {  	p1 =	sne.s32 s0, $0x9800  }
0x19c: {  	[sflag:s30] =	ssyncadd.s32 $0xFFFFF800;
	s12 =	smov.u32 s0;
	s0 =	sadd.s32 $0x400, s0  }
0x19d: {  	_ = 	snop  }
0x19e: {  	_ =	swait.ge [sflag:s19], $0x800  }
0x19f: {  	s12 =	sshra.s32 s12, $0x2;
	[sflag:s19] =	ssyncset.done $0x0  }
0x1a0: {  	s20 =	sadd.s32 $0x80, s12;
	[sflag:s19] =	ssyncadd.s32 $0xFFFFF800  }
0x1a1: {  	[tilespmem:s2], [sflag:$0x2] =	stream.indirect.gather [hbm4b:s1+s17], $0x10, s20, s17, $0xb8;
	[tilespmem:$0x1F000] =	vst v63  }
0x1a2: {  	s20 =	sadd.s32 $0x2800, s12  }
0x1a3: {  	[spmem:s3] =	stream.indirect.scatter.add.bf16 [tilespmem:s15], [sflag:$0x3], $0x10, s20, s17, $0xb8;
	[tilespmem:$0x1F000] =	vst v63  }
0x1a4: {  	_ =	swait.ge [sflag:s30], $0x800  }
0x1a5: {  	[sflag:s30] =	ssyncset.done $0x0  }
0x1a6: {  	[sflag:s30] =	ssyncadd.s32 $0xFFFFF800  }
0x1a7: {  	_ =	swait.ge [sflag:s6], $0x800  }
0x1a8: {  	[sflag:s6] =	ssyncset.done $0x0  }
0x1a9: {  	s20 =	sadd.s32 $0x100, s12;
	[sflag:s6] =	ssyncadd.s32 $0xFFFFF800  }
0x1aa: {  	[tilespmem:s15], [sflag:$0x1] =	stream.indirect.gather [hbm4b:s1+s17], $0x10, s20, s17, $0xb8;
	[tilespmem:$0x1F000] =	vst v63  }
.Ltmp8:
0x1ab: {  	_ = 	snop;
	(pc) =	sbr.rel @p1 .LBB2_7-.Ltmp8, $4  }
0x1ac: {  	s12 =	sadd.s32 $0x2880, s12  }
0x1ad: {  	[spmem:s3] =	stream.indirect.scatter.add.bf16 [tilespmem:s2], [sflag:$0x3], $0x10, s12, s17, $0xb8;
	[tilespmem:$0x1F000] =	vst v63  }
0x1ae: {  	_ =	swait.ge [sflag:s30], $0x800  }
0x1af: {  	[sflag:s30] =	ssyncset.done $0x0  }
0x1b0: {  	[sflag:s30] =	ssyncadd.s32 $0xFFFFF800  }
0x1b1: {  	_ =	swait.ge [sflag:s19], $0x800  }
0x1b2: {  	[sflag:s19] =	ssyncset.done $0x0  }
0x1b3: {  	[sflag:s19] =	ssyncadd.s32 $0xFFFFF800  }
0x1b4: {  	[tilespmem:s2], [sflag:$0x2] =	stream.indirect.gather [hbm4b:s1+s17], $0x10, s7, s17, $0xb8;
	[tilespmem:$0x1F000] =	vst v63  }
0x1b5: {  	_ = 	snop  }
0x1b6: {  	[spmem:s3] =	stream.indirect.scatter.add.bf16 [tilespmem:s15], [sflag:$0x3], $0x10, s8, s17, $0xb8;
	[tilespmem:$0x1F000] =	vst v63  }
0x1b7: {  	_ =	swait.ge [sflag:s30], $0x800  }
0x1b8: {  	[sflag:s30] =	ssyncset.done $0x0  }
0x1b9: {  	[sflag:s30] =	ssyncadd.s32 $0xFFFFF800  }
0x1ba: {  	_ =	swait.ge [sflag:s6], $0x800  }
0x1bb: {  	[sflag:s6] =	ssyncset.done $0x0  }
0x1bc: {  	[sflag:s6] =	ssyncadd.s32 $0xFFFFF800  }
0x1bd: {  	[spmem:s3] =	stream.indirect.scatter.add.bf16 [tilespmem:s2], [sflag:$0x3], $0x10, s9, s17, $0xb8;
	[tilespmem:$0x1F000] =	vst v63  }
0x1be: {  	_ =	swait.ge [sflag:s30], $0x800  }
0x1bf: {  	[sflag:s30] =	ssyncset.done $0x0  }
0x1c0: {  	s0 =	stileid.u32;
	[sflag:s30] =	ssyncadd.s32 $0xFFFFF800  }
0x1c1: {  	s0 =	sshll.u32 s0, $0x6;
	[bflag:$0x0] =	sbarrier.arrive $0xFFFF  }
0x1c2: {  	s12 =	sshrl.u32 s13, $0x3;
	s0 =	sor.u32 $0x1C03, s0;
	s5 =	rddreg [dreg:$0xb]  }
0x1c3: {  	[hbm:s5@s10], [sflag:s0] =	dma.strided [spmem:s12@s6], $0x2710, s19, $0x2   }
0x1c4: {  	_ =	swait.ge [sflag:s30], $0x2710  }
0x1c5: {  	[sflag:s30] =	ssyncset.done $0x0  }
0x1c6: {  	[sflag:s30] =	ssyncadd.s32 $0xFFFFD8F0  }
0x1c7: {  	[bflag:$0x0] =	sbarrier.arrive $0xFFFF  }
0x1c8: {  	[spmem:s21] =	stream.linear.scatter [tilespmem:s31], [sflag:$0x3], $0x2800, $0x38;
	[tilespmem:$0x1F000] =	vst v63  }
0x1c9: {  	_ =	swait.ge [sflag:s30], $0x2800  }
0x1ca: {  	[sflag:s30] =	ssyncset.done $0x0  }
0x1cb: {  	[sflag:s30] =	ssyncadd.s32 $0xFFFFD800  }
0x1cc: {  	[spmem:s22] =	stream.linear.scatter [tilespmem:s31], [sflag:$0x3], $0x2800, $0x38;
	[tilespmem:$0x1F000] =	vst v63  }
0x1cd: {  	_ =	swait.ge [sflag:s30], $0x2800  }
0x1ce: {  	[sflag:s30] =	ssyncset.done $0x0  }
0x1cf: {  	[sflag:s30] =	ssyncadd.s32 $0xFFFFD800  }
0x1d0: {  	[spmem:s23] =	stream.linear.scatter [tilespmem:s31], [sflag:$0x3], $0x2800, $0x38;
	[tilespmem:$0x1F000] =	vst v63  }
0x1d1: {  	_ =	swait.ge [sflag:s30], $0x2800  }
0x1d2: {  	[sflag:s30] =	ssyncset.done $0x0  }
0x1d3: {  	[sflag:s30] =	ssyncadd.s32 $0xFFFFD800  }
0x1d4: {  	[spmem:s24] =	stream.linear.scatter [tilespmem:s31], [sflag:$0x3], $0x2800, $0x38;
	[tilespmem:$0x1F000] =	vst v63  }
0x1d5: {  	_ =	swait.ge [sflag:s30], $0x2800  }
0x1d6: {  	[sflag:s30] =	ssyncset.done $0x0  }
0x1d7: {  	[sflag:s30] =	ssyncadd.s32 $0xFFFFD800  }
0x1d8: {  	[spmem:s25] =	stream.linear.scatter [tilespmem:s31], [sflag:$0x3], $0x2800, $0x38;
	[tilespmem:$0x1F000] =	vst v63  }
0x1d9: {  	_ =	swait.ge [sflag:s30], $0x2800  }
0x1da: {  	[sflag:s30] =	ssyncset.done $0x0  }
0x1db: {  	[sflag:s30] =	ssyncadd.s32 $0xFFFFD800  }
0x1dc: {  	[spmem:s26] =	stream.linear.scatter [tilespmem:s31], [sflag:$0x3], $0x2800, $0x38;
	[tilespmem:$0x1F000] =	vst v63  }
0x1dd: {  	_ =	swait.ge [sflag:s30], $0x2800  }
0x1de: {  	[sflag:s30] =	ssyncset.done $0x0  }
0x1df: {  	[sflag:s30] =	ssyncadd.s32 $0xFFFFD800  }
0x1e0: {  	[spmem:s28] =	stream.linear.scatter [tilespmem:s31], [sflag:$0x3], $0x2800, $0x38;
	[tilespmem:$0x1F000] =	vst v63  }
0x1e1: {  	_ =	swait.ge [sflag:s30], $0x2800  }
0x1e2: {  	[sflag:s30] =	ssyncset.done $0x0  }
0x1e3: {  	[sflag:s30] =	ssyncadd.s32 $0xFFFFD800  }
0x1e4: {  	[spmem:s29] =	stream.linear.scatter [tilespmem:s31], [sflag:$0x3], $0x2800, $0x38;
	[tilespmem:$0x1F000] =	vst v63  }
0x1e5: {  	_ =	swait.ge [sflag:s30], $0x2800  }
0x1e6: {  	[sflag:s30] =	ssyncset.done $0x0  }
0x1e7: {  	[sflag:s30] =	ssyncadd.s32 $0xFFFFD800  }
0x1e8: {  	s20 =	simm.s32 $0x0;
	[bflag:$0x0] =	sbarrier.arrive $0xFFFF  }
0x1e9: {  	[tilespmem:s15], [sflag:$0x1] =	stream.indirect.gather [hbm4b:s14+s17], $0x10, s20, s17, $0xb8;
	[tilespmem:$0x1F000] =	vst v63  }
0x1ea: {  	_ =	swait.ge [sflag:s19], $0x800  }
0x1eb: {  	[sflag:s19] =	ssyncset.done $0x0  }
0x1ec: {  	s5 =	simm.s32 $0x80;
	[sflag:s19] =	ssyncadd.s32 $0xFFFFF800  }
0x1ed: {  	[tilespmem:s2], [sflag:$0x2] =	stream.indirect.gather [hbm4b:s14+s17], $0x10, s5, s17, $0xb8;
	[tilespmem:$0x1F000] =	vst v63  }
0x1ee: {  	s20 =	simm.s32 $0x2800  }
0x1ef: {  	[spmem:s3] =	stream.indirect.scatter.add.bf16 [tilespmem:s15], [sflag:$0x3], $0x10, s20, s17, $0xb8;
	[tilespmem:$0x1F000] =	vst v63  }
0x1f0: {  	_ =	swait.ge [sflag:s30], $0x800  }
0x1f1: {  	[sflag:s30] =	ssyncset.done $0x0  }
0x1f2: {  	[sflag:s30] =	ssyncadd.s32 $0xFFFFF800  }
0x1f3: {  	_ =	swait.ge [sflag:s6], $0x800  }
0x1f4: {  	[sflag:s6] =	ssyncset.done $0x0  }
0x1f5: {  	s5 =	simm.s32 $0x100;
	[sflag:s6] =	ssyncadd.s32 $0xFFFFF800  }
0x1f6: {  	[tilespmem:s15], [sflag:$0x1] =	stream.indirect.gather [hbm4b:s14+s17], $0x10, s5, s17, $0xb8;
	[tilespmem:$0x1F000] =	vst v63  }
0x1f7: {  	s20 =	simm.s32 $0x2880  }
0x1f8: {  	[spmem:s3] =	stream.indirect.scatter.add.bf16 [tilespmem:s2], [sflag:$0x3], $0x10, s20, s17, $0xb8;
	[tilespmem:$0x1F000] =	vst v63  }
0x1f9: {  	_ =	swait.ge [sflag:s30], $0x800  }
0x1fa: {  	s12 =	simm.s32 $0x400;
	[sflag:s30] =	ssyncset.done $0x0  }
.LBB2_9:
0x1fb: {  	p1 =	sne.s32 s12, $0x9800  }
0x1fc: {  	[sflag:s30] =	ssyncadd.s32 $0xFFFFF800;
	s20 =	smov.u32 s12;
	s12 =	sadd.s32 $0x400, s12  }
0x1fd: {  	_ = 	snop  }
0x1fe: {  	_ =	swait.ge [sflag:s19], $0x800  }
0x1ff: {  	s20 =	sshra.s32 s20, $0x2;
	[sflag:s19] =	ssyncset.done $0x0  }
0x200: {  	s5 =	sadd.s32 $0x80, s20;
	[sflag:s19] =	ssyncadd.s32 $0xFFFFF800  }
0x201: {  	[tilespmem:s2], [sflag:$0x2] =	stream.indirect.gather [hbm4b:s14+s17], $0x10, s5, s17, $0xb8;
	[tilespmem:$0x1F000] =	vst v63  }
0x202: {  	s5 =	sadd.s32 $0x2800, s20  }
0x203: {  	[spmem:s3] =	stream.indirect.scatter.add.bf16 [tilespmem:s15], [sflag:$0x3], $0x10, s5, s17, $0xb8;
	[tilespmem:$0x1F000] =	vst v63  }
0x204: {  	_ =	swait.ge [sflag:s30], $0x800  }
0x205: {  	[sflag:s30] =	ssyncset.done $0x0  }
0x206: {  	[sflag:s30] =	ssyncadd.s32 $0xFFFFF800  }
0x207: {  	_ =	swait.ge [sflag:s6], $0x800  }
0x208: {  	[sflag:s6] =	ssyncset.done $0x0  }
0x209: {  	s5 =	sadd.s32 $0x100, s20;
	[sflag:s6] =	ssyncadd.s32 $0xFFFFF800  }
0x20a: {  	[tilespmem:s15], [sflag:$0x1] =	stream.indirect.gather [hbm4b:s14+s17], $0x10, s5, s17, $0xb8;
	[tilespmem:$0x1F000] =	vst v63  }
.Ltmp9:
0x20b: {  	_ = 	snop;
	(pc) =	sbr.rel @p1 .LBB2_9-.Ltmp9, $4  }
0x20c: {  	s5 =	sadd.s32 $0x2880, s20  }
0x20d: {  	[spmem:s3] =	stream.indirect.scatter.add.bf16 [tilespmem:s2], [sflag:$0x3], $0x10, s5, s17, $0xb8;
	[tilespmem:$0x1F000] =	vst v63  }
0x20e: {  	_ =	swait.ge [sflag:s30], $0x800  }
0x20f: {  	[sflag:s30] =	ssyncset.done $0x0  }
.Ltmp10:
0x210: {  	_ = 	snop;
	(pc) =	sbr.rel .LBB2_10-.Ltmp10, $1  }
0x211: {  	_ =	sdelay $0x3  }
.LBB2_17:
0x212: {  	_ =	sfence.sel $0x180000  }
0x213: {  	[bflag:$0x0] =	sbarrier.arrive $0xFFFF  }
0x214: {  	_ =	strace $0x90000047  }
0x215: {  	s0 =	stileid.u32;
	[bflag:$0x2] =	sbarrier.arrive $0xFFFF  }
0x216: {  	p0 =	sne.s32 s0, $0x0;
	s0 =	rddreg [dreg:$0x3]  }
0x217: {  	s0 =	sadd.s32 @!p0 $0x100000, s0  }
0x218: {  	[sflag:s0] =	ssyncadd.tile.s32 @!p0 $0x1;
	_ =	shalt  }
.Lfunc_end2:
_tile_overlayer_lowered:
.L_overlay_start_2:
0x219: {  	(tag) =	ssettag $0x2  }
0x21a: {  	s0 =	rddreg [dreg:$0x0];
	s2 =	stileid.u32  }
0x21b: {  	s1 =	rddreg [dreg:$0x1];
	p0 =	sne.s32 s2, $0x0  }
0x21c: {  	s3 =	rddreg [dreg:$0x2];
	[bflag:$0x3] =	sbarrier.arrive $0xFFFF;
	s2 =	simm.s32 @!p0 $0x1C03  }
0x21d: {  	[timem:s3], [sflag:s2] =	dma.local @!p0 [hbm:s0], s1  }
0x21e: {  	s0 =	simm.s32 @!p0 $0x3  }
0x21f: {  	_ =	swait.ge @!p0 [sflag:s0], s1  }
0x220: {  	s1 =	ssub.s32 @!p0 $0x0, s1;
	[sflag:s0] =	ssyncset.done @!p0 $0x0  }
0x221: {  	[sflag:s0] =	ssyncadd.s32 @!p0 s1  }
0x222: {  	[bflag:$0x3] =	sbarrier.arrive $0xFFFF  }
0x223: {  	_ =	shalt  }

// kernel: kernel.13.cloned.1.call-start
scs
__scs_entry_jumppad:
0x0: {  	(pc) =	sbr.rel $0x88, $3  }
0x1: {  	(tag) =	ssettag $0x0;
	lr =	simm.s32 $0x1  }
0x2: {  	[smem:$0x3F98] =	sst lr;
	_ =	strace $0xD0000000  }
0x3: {  	_ = 	snop  }
0x4: {  	_ = 	snop  }
0x5: {  	_ = 	snop  }
0x6: {  	_ = 	snop  }
0x7: {  	_ = 	snop  }
__scs_overlays_trampoline_lowered:
0x8: {  	[smem:$0x3FA7] =	sst s0  }
0x9: {  	[smem:$0x3FA8] =	sst s1  }
0xa: {  	[smem:$0x3FA9] =	sst s2  }
0xb: {  	[smem:$0x3FAA] =	sst s3  }
0xc: {  	[smem:$0x3FAB] =	sst s4  }
0xd: {  	[smem:$0x3FAC] =	sst s5  }
0xe: {  	[smem:$0x3FAD] =	sst s6  }
0xf: {  	[smem:$0x3FAE] =	sst s7  }
0x10: {  	[smem:$0x3FAF] =	sst s8  }
0x11: {  	[smem:$0x3FB0] =	sst s9;
	s0 =	simm.s32 @!p0 $0x0  }
0x12: {  	s1 =	sld [smem:$0x3F96];
	s0 =	simm.s32 @p0 $0x1  }
0x13: {  	[smem:$0x3FB1] =	sst s0;
	s0 =	simm.s32 @!p1 $0x0  }
0x14: {  	s2 =	sld [smem:$0x3F95];
	s0 =	simm.s32 @p1 $0x1  }
0x15: {  	[smem:$0x3FB2] =	sst s0;
	s0 =	simm.s32 @!p2 $0x0  }
0x16: {  	s3 =	sld [smem:$0x3FDB];
	s0 =	simm.s32 @p2 $0x1  }
0x17: {  	s4 =	simm.s32 $0x1BF5;
	[smem:$0x3FB4] =	sst s0  }
0x18: {  	s0 =	sld [smem:$0x3F97];
	_ =	swait.ge [sflag:s4], $0x0  }
0x19: {  	s7 =	sld [smem:$0x3F98]  }
0x1a: {  	s8 =	sadd.s32 $0xFFFFE003, lr  }
0x1b: {  	s9 =	sadd.s32 $0xFFFFFEF7, lr;
	s5 =	simm.s32 $0xFFFFFFFF;
	p2 =	slt.u32 s8, $0xFFFFF086  }
0x1c: {  	p1 =	slt.u32 s9, $0xF7A;
	s5 =	simm.s32 @!p2 $0x0  }
0x1d: {  	s5 =	simm.s32 @p1 $0x1;
	p0 =	seq.s32 s7, s2  }
0x1e: {  	s7 =	smul.u32 @!p0 $0xF7A, s2;
	p2 =	seq.s32 @!p0 s5, $0x0  }
0x1f: {  	s9 =	smul.u32 $0xF7A, s1;
	s8 =	simm.s32 @!p0 $0x1BF5;
	p2 =	por !p2, p0  }
0x20: {  	[sflag:s8] =	ssyncset.s32 @!p0 $0xFFFFF086;
	s6 =	sadd.s32 @!p0 s3, s7;
	s7 =	simm.s32 @!p0 $0x108  }
0x21: {  	s3 =	sadd.s32 s3, s9;
	s6 =	sadd.s32 @!p0 $0x88, s6;
	s7 =	simm.s32 @p2 $0x1082  }
0x22: {  	[simem:s7], [sflag:s8] =	dma.local @!p0 [hbm:s6], $0xF7A  }
0x23: {  	s9 =	sor.u32 $0xD0000000, s2;
	s6 =	simm.s32 $0x108;
	_ =	swait.ge @!p0 [sflag:s8], $0x0  }
0x24: {  	s3 =	sadd.s32 $0x88, s3;
	s6 =	simm.s32 @!p1 $0x1082;
	[sflag:s4] =	ssyncset.s32 $0xFFFFF086  }
0x25: {  	[simem:s6], [sflag:s4] =	dma.local [hbm:s3], $0xF7A  }
0x26: {  	[smem:$0x3F98] =	sst s1;
	(tag) =	ssettag s2;
	_ =	strace s9  }
0x27: {  	s1 =	sld [smem:$0x3FA8]  }
0x28: {  	s2 =	sld [smem:$0x3FA9]  }
0x29: {  	s4 =	sld [smem:$0x3FAB]  }
0x2a: {  	p0 =	seq.s32 s5, $0x0;
	s5 =	sld [smem:$0x3FAC]  }
0x2b: {  	s6 =	sld [smem:$0x3FAD]  }
0x2c: {  	s7 =	sld [smem:$0x3FAE]  }
0x2d: {  	s3 =	simm.s32 $0x108;
	s8 =	sld [smem:$0x3FAF]  }
0x2e: {  	s3 =	simm.s32 @!p0 $0x1082;
	s9 =	sld [smem:$0x3FB0]  }
0x2f: {  	lr =	sadd.s32 s0, s3;
	s0 =	sld [smem:$0x3FA7]  }
0x30: {  	s3 =	sld [smem:$0x3FAA]  }
0x31: {  	[smem:$0x3FB3] =	sst s10  }
0x32: {  	s10 =	sld [smem:$0x3FB1];
	_ =	sdelay $0x3  }
0x33: {  	p0 =	seq.s32 s10, $0x1;
	s10 =	sld [smem:$0x3FB3];
	_ =	sdelay $0x3  }
0x34: {  	[smem:$0x3FB3] =	sst s10  }
0x35: {  	s10 =	sld [smem:$0x3FB2];
	_ =	sdelay $0x3  }
0x36: {  	p1 =	seq.s32 s10, $0x1;
	s10 =	sld [smem:$0x3FB3];
	_ =	sdelay $0x3  }
0x37: {  	[smem:$0x3FB3] =	sst s10  }
0x38: {  	s10 =	sld [smem:$0x3FB4]  }
0x39: {  	_ = 	snop;
	(pc) =	sbr.ind lr, $3  }
0x3a: {  	_ = 	snop  }
0x3b: {  	_ = 	snop  }
0x3c: {  	p2 =	seq.s32 s10, $0x1;
	s10 =	sld [smem:$0x3FB3]  }
0x3d: {  	_ =	shalt  }
0x3e: {  	_ =	shalt  }
0x3f: {  	_ =	shalt  }
0x40: {  	_ =	shalt  }
0x41: {  	_ =	shalt  }
0x42: {  	_ =	shalt  }
0x43: {  	_ =	shalt  }
0x44: {  	_ =	shalt  }
0x45: {  	_ =	shalt  }
0x46: {  	_ =	shalt  }
0x47: {  	_ =	shalt  }
0x48: {  	_ =	shalt  }
0x49: {  	_ =	shalt  }
0x4a: {  	_ =	shalt  }
0x4b: {  	_ =	shalt  }
0x4c: {  	_ =	shalt  }
0x4d: {  	_ =	shalt  }
0x4e: {  	_ =	shalt  }
0x4f: {  	_ =	shalt  }
0x50: {  	_ =	shalt  }
0x51: {  	_ =	shalt  }
0x52: {  	_ =	shalt  }
0x53: {  	_ =	shalt  }
0x54: {  	_ =	shalt  }
0x55: {  	_ =	shalt  }
0x56: {  	_ =	shalt  }
0x57: {  	_ =	shalt  }
0x58: {  	_ =	shalt  }
0x59: {  	_ =	shalt  }
0x5a: {  	_ =	shalt  }
0x5b: {  	_ =	shalt  }
0x5c: {  	_ =	shalt  }
0x5d: {  	_ =	shalt  }
0x5e: {  	_ =	shalt  }
0x5f: {  	_ =	shalt  }
0x60: {  	_ =	shalt  }
0x61: {  	_ =	shalt  }
0x62: {  	_ =	shalt  }
0x63: {  	_ =	shalt  }
0x64: {  	_ =	shalt  }
0x65: {  	_ =	shalt  }
0x66: {  	_ =	shalt  }
0x67: {  	_ =	shalt  }
0x68: {  	_ =	shalt  }
0x69: {  	_ =	shalt  }
0x6a: {  	_ =	shalt  }
0x6b: {  	_ =	shalt  }
0x6c: {  	_ =	shalt  }
0x6d: {  	_ =	shalt  }
0x6e: {  	_ =	shalt  }
0x6f: {  	_ =	shalt  }
0x70: {  	_ =	shalt  }
0x71: {  	_ =	shalt  }
0x72: {  	_ =	shalt  }
0x73: {  	_ =	shalt  }
0x74: {  	_ =	shalt  }
0x75: {  	_ =	shalt  }
0x76: {  	_ =	shalt  }
0x77: {  	_ =	shalt  }
0x78: {  	_ =	shalt  }
0x79: {  	_ =	shalt  }
0x7a: {  	_ =	shalt  }
0x7b: {  	_ =	shalt  }
0x7c: {  	_ =	shalt  }
0x7d: {  	_ =	shalt  }
0x7e: {  	_ =	shalt  }
0x7f: {  	_ =	shalt  }
0x80: {  	_ =	shalt  }
0x81: {  	_ =	shalt  }
0x82: {  	_ =	shalt  }
0x83: {  	_ =	shalt  }
0x84: {  	_ =	shalt  }
0x85: {  	_ =	shalt  }
0x86: {  	_ =	shalt  }
0x87: {  	_ =	shalt  }
.Lfunc_end0:
.L_simem_size_0:
called_computation.2_lowered:
.L_overlay_start_0:
0x88: {  	s2 =	sld [smem:$0x3FD9]  }
0x89: {  	s3 =	sld [smem:$0x3FFE];
	_ =	sdelay $0x1  }
0x8a: {  	s1 =	srdreg.scid  }
0x8b: {  	s0 =	sand.u32 $0x1, s1  }
0x8c: {  	s17 =	sshll.u32 s0, $0xA;
	s2 =	sadd.s32 s3, s2  }
0x8d: {  	s2 =	sadd.s32 s2, s17  }
0x8e: {  	[smem:$0x3FBF] =	sst s2  }
0x8f: {  	_ = 	snop  }
0x90: {  	s2 =	sld [smem:$0x3FD0];
	(tm) =	ssettm $0x1  }
0x91: {  	s18 =	sld [smem:$0x3FFB];
	_ =	sdelay $0x3  }
0x92: {  	_ =	strace s18  }
0x93: {  	s3 =	sld [smem:$0x3FFC];
	_ =	sdelay $0x3  }
0x94: {  	_ =	strace s3  }
0x95: {  	s3 =	sld [smem:$0x3FFD];
	_ =	sdelay $0x3  }
0x96: {  	_ =	strace s3  }
0x97: {  	_ =	strace $0x8FFFFFFF  }
0x98: {  	s19 =	sld [smem:$0x3FDB];
	_ =	sdelay $0x1  }
0x99: {  	s4 =	simm.s32 $_scs_section_size  }
0x9a: {  	s5 =	simm.s32 $_size__tile_overlayer_lowered;
	s6 =	simm.s32 $_tile_overlayer_lowered  }
0x9b: {  	s22 =	simm.s32 $0x1BFF;
	s21 =	sshll.u32 s6, $0x1;
	s3 =	sadd.s32 s4, s19  }
0x9c: {  	s7 =	simm.s32 $0x0;
	s20 =	sshll.u32 s5, $0x1;
	s5 =	sadd.s32 s21, s3  }
0x9d: {  	[timem:s7], [sflag:s22] =	dma.local [hbm:s5], s20  }
0x9e: {  	_ =	swait.ge [sflag:s22], s20  }
0x9f: {  	s4 =	ssub.s32 $0x0, s20;
	[sflag:s22] =	ssyncset.done $0x0  }
0xa0: {  	[sflag:s22] =	ssyncadd.s32 s4;
	_ =	sdelay $0x1  }
0xa1: {  	s23 =	simm.s32 $0x1B8B  }
0xa2: {  	_ =	swait.ge [sflag:s23], $0x1  }
0xa3: {  	[sflag:s23] =	ssyncset.done $0x0  }
0xa4: {  	s25 =	simm.s32 $0x1B8E;
	s24 =	sld [smem:$0x3FFE];
	[sflag:s23] =	ssyncadd.s32 $0xFFFFFFFF  }
0xa5: {  	s26 =	simm.s32 $execute0_lowered;
	[smem:$0x3FD2] =	sst s25  }
0xa6: {  	s5 =	sshll.u32 s26, $0x1;
	_ =	strace $0x8000004C;
	[dreg:$0x1] =	wrdreg $0xFFFFFFFF  }
0xa7: {  	s28 =	simm.s32 $_size_execute0_lowered;
	s3 =	sadd.s32 s3, s5;
	[dreg:$0x0] =	wrdreg $0x0  }
0xa8: {  	s5 =	sshll.u32 s28, $0x1;
	[dreg:$0x2] =	wrdreg s3  }
0xa9: {  	[dreg:$0x3] =	wrdreg s5  }
0xaa: {  	[dreg:$0x4] =	wrdreg $0xC0  }
0xab: {  	_ =	task [dreg:s7], $0x5FFFF  }
0xac: {  	[dreg:$0x1] =	wrdreg $0xFFFFFFFF  }
0xad: {  	[dreg:$0x0] =	wrdreg $0x60  }
0xae: {  	[dreg:$0x2] =	wrdreg s2  }
0xaf: {  	[dreg:$0x3] =	wrdreg s24  }
0xb0: {  	[dreg:$0x4] =	wrdreg $0xB0000  }
0xb1: {  	[dreg:$0x5] =	wrdreg $0x9  }
0xb2: {  	_ =	task.clear_ibuf [dreg:s7], $0x6FFFF;
	_ =	strace $0x9000004C  }
0xb3: {  	s29 =	simm.s32 $0x9;
	_ =	strace $0x8000004E  }
0xb4: {  	_ =	swait.ge [sflag:s29], $0x1  }
0xb5: {  	[sflag:s29] =	ssyncadd.s32 $0xFFFFFFFF  }
0xb6: {  	_ =	strace $0x9000004E  }
0xb7: {  	_ =	sfence  }
0xb8: {  	s30 =	sld [smem:$0x0];
	_ =	sdelay $0x2  }
0xb9: {  	s31 =	sshll.u32 s1, $0xD;
	s1 =	sshrl.u32 s1, $0x2  }
0xba: {  	s3 =	sand.u32 $0x4000, s31;
	s1 =	sadd.s32 s1, s30  }
0xbb: {  	s0 =	sor.u32 s3, s0;
	s1 =	sshll.u32 s1, $0x11  }
0xbc: {  	s0 =	sor.u32 s1, s0  }
0xbd: {  	s0 =	sadd.s32 $0x8F2B, s0  }
0xbe: {  	[sflag:s0] =	ssyncadd.remote.s32 $0x1  }
0xbf: {  	_ =	sfence.sel $0xFFFF  }
0xc0: {  	[dreg:$0x0] =	wrdreg $0xFFFFFFFF;
	(pc) =	sbr.abs _section_cstart, $3  }
0xc1: {  	[dreg:$0x1] =	wrdreg $0xFFFFFFFF  }
0xc2: {  	_ =	task.clear_ibuf [dreg:s7], $0x2FFFF;
	_ =	strace $0x9FFFFFFF  }
0xc3: {  	(tm) =	ssettm $0x7FFFFFFF  }
tec
execute0_lowered:
.L_overlay_start_1:
0x0: {  	(tag) =	ssettag $0x1  }
0x1: {  	s1 =	rddreg [dreg:$0x0]  }
0x2: {  	s0 =	rddreg [dreg:$0x1]  }
0x3: {  	s3 =	rddreg [dreg:$0x2];
	s4 =	simm.s32 $0x0;
	s14 =	stileid.u32  }
0x4: {  	s7 =	srdreg.scid;
	s30 =	simm.s32 $0x3;
	s31 =	simm.s32 $0x8800  }
0x5: {  	[smem:$0x7FF] =	sst s4;
	s2 =	smul.u32 $0x2800, s14;
	s5 =	sand.u32 $0x1, s14  }
0x6: {  	s6 =	sshrl.u32 s14, $0x1;
	s7 =	sand.u32 $0x1, s7;
	s9 =	sadd.s32 $0x2000, s0  }
0x7: {  	s10 =	sadd.s32 $0xC000, s0;
	s12 =	sadd.s32 $0x1A00, s0;
	s17 =	smul.u32 $0x4E200, s14  }
0x8: {  	s23 =	smul.u32 $0x50000, s14;
	s14 =	sadd.s32 $0x4E20, s1;
	_ =	strace $0x8000004D  }
0x9: {  	p0 =	seq.s32 s5, $0x1;
	s24 =	smul.u32 $0x138800, s6;
	s6 =	simm.s32 $0x9C400  }
0xa: {  	s25 =	ssub.s32 $0x2, s7;
	[dreg:$0x5] =	wrdreg s12;
	s2 =	sshrl.u32 s2, $0x3  }
0xb: {  	s6 =	simm.s32 @!p0 $0x0;
	s11 =	sshrl.u32 s25, $0x1;
	p0 =	seq.s32 s7, $0x1  }
0xc: {  	s21 =	sshrl.u32 s17, $0x2;
	s17 =	simm.s32 $0x80;
	s7 =	simm.s32 $0x2780  }
0xd: {  	s8 =	sadd.s32 s2, s0;
	s5 =	sadd.s32 s6, s24;
	s6 =	ssub.s32 s25, s11  }
0xe: {  	s16 =	sadd.s32 $0x280, s2;
	s18 =	sadd.s32 s9, s2;
	s2 =	sadd.s32 s10, s2  }
0xf: {  	s13 =	sadd.s32 s21, s3;
	s24 =	sadd.s32 $0x11002, s0;
	[dreg:$0x7] =	wrdreg s18  }
0x10: {  	s11 =	simm.s32 $0x0;
	s5 =	sshrl.u32 s5, $0x4;
	[dreg:$0x8] =	wrdreg s2  }
0x11: {  	s15 =	sadd.s32 $0x7000, s8;
	s19 =	sadd.s32 s9, s16;
	[dreg:$0xc] =	wrdreg s24  }
0x12: {  	s20 =	sadd.s32 s10, s16;
	s16 =	sadd.s32 $0x9C40, s1;
	[dreg:$0x4] =	wrdreg s5  }
0x13: {  	s18 =	sadd.s32 $0xEA60, s1;
	s2 =	sshrl.u32 s23, $0x2;
	[dreg:$0x6] =	wrdreg s15  }
0x14: {  	s8 =	simm.s32 $0x4F00;
	s9 =	simm.s32 $0x4F80;
	[dreg:$0x9] =	wrdreg s19  }
0x15: {  	s10 =	simm.s32 $0x8;
	s26 =	sadd.s32 s5, s0;
	[dreg:$0xa] =	wrdreg s20  }
0x16: {  	s0 =	sadd.s32 $0x11006, s0;
	s21 =	sadd.s32 s2, s3;
	s15 =	simm.s32 $0x7800  }
0x17: {  	s19 =	simm.s32 $0x1;
	s2 =	simm.s32 $0x8000;
	s22 =	sadd.s32 $0x11000, s26  }
.Ltmp0:
0x18: {  	s25 =	sadd.s32 $0x11004, s26;
	[dreg:$0xe] =	wrdreg s0;
	(pc) =	sbr.rel .LBB2_1-.Ltmp0, $4  }
0x19: {  	s26 =	smax.u32 s6, $0x1;
	s23 =	sadd.s32 $0x5000, s21;
	[dreg:$0xb] =	wrdreg s22  }
0x1a: {  	s24 =	sadd.s32 $0x7800, s21;
	s28 =	sadd.s32 $0xF000, s21;
	[dreg:$0xd] =	wrdreg s25  }
0x1b: {  	s29 =	sadd.s32 $0x11800, s21;
	s6 =	simm.s32 $0x2;
	[dreg:$0xf] =	wrdreg s26  }
0x1c: {  	s22 =	sadd.s32 $0x2800, s21;
	s25 =	sadd.s32 $0xA000, s21;
	s26 =	sadd.s32 $0xC800, s21  }
.LBB2_10:
0x1d: {  	[sflag:s30] =	ssyncadd.s32 $0xFFFFF800  }
0x1e: {  	_ =	swait.ge [sflag:s19], $0x800  }
0x1f: {  	[sflag:s19] =	ssyncset.done $0x0  }
0x20: {  	s12 =	rddreg [dreg:$0xc];
	[sflag:s19] =	ssyncadd.s32 $0xFFFFF800  }
0x21: {  	[tilespmem:s2], [sflag:$0x2] =	stream.indirect.gather [hbm4b:s14+s17], $0x10, s7, s17, $0xb8;
	[tilespmem:$0x1F000] =	vst v63  }
.LBB2_16:
0x22: {  	[spmem:s3] =	stream.indirect.scatter.add.bf16 [tilespmem:s15], [sflag:$0x3], $0x10, s8, s17, $0xb8;
	[tilespmem:$0x1F000] =	vst v63  }
0x23: {  	_ =	swait.ge [sflag:s30], $0x800  }
0x24: {  	[sflag:s30] =	ssyncset.done $0x0  }
0x25: {  	[sflag:s30] =	ssyncadd.s32 $0xFFFFF800  }
0x26: {  	_ =	swait.ge [sflag:s6], $0x800  }
0x27: {  	[sflag:s6] =	ssyncset.done $0x0  }
0x28: {  	[sflag:s6] =	ssyncadd.s32 $0xFFFFF800  }
0x29: {  	[spmem:s3] =	stream.indirect.scatter.add.bf16 [tilespmem:s2], [sflag:$0x3], $0x10, s9, s17, $0xb8;
	[tilespmem:$0x1F000] =	vst v63  }
0x2a: {  	_ =	swait.ge [sflag:s30], $0x800  }
0x2b: {  	[sflag:s30] =	ssyncset.done $0x0  }
0x2c: {  	s5 =	rddreg [dreg:$0x4];
	[sflag:s30] =	ssyncadd.s32 $0xFFFFF800  }
0x2d: {  	s20 =	sshrl.u32 s13, $0x3;
	s5 =	sadd.s32 s5, s12;
	[bflag:$0x0] =	sbarrier.arrive $0xFFFF  }
0x2e: {  	[hbm:s5@s10], [sflag:s0] =	dma.strided [spmem:s20@s6], $0x2710, s19, $0x2   }
0x2f: {  	_ =	swait.ge [sflag:s30], $0x2710  }
0x30: {  	s11 =	sadd.s32 $0x1, s11;
	s20 =	rddreg [dreg:$0xf]  }
0x31: {  	p1 =	sne.s32 s11, s20  }
.Ltmp1:
0x32: {  	_ = 	snop;
	(pc) =	sbr.rel @!p1 .LBB2_17-.Ltmp1, $3  }
0x33: {  	[sflag:s30] =	ssyncset.done $0x0  }
0x34: {  	[sflag:s30] =	ssyncadd.s32 $0xFFFFD8F0  }
0x35: {  	[bflag:$0x0] =	sbarrier.arrive $0xFFFF;
	_ =	sdelay $0x1  }
.LBB2_1:
0x36: {  	s0 =	rddreg [dreg:$0x6]  }
0x37: {  	[tilespmem:s4], [sflag:$0x3] =	stream.linear.gather [hbm4b:s0+s4], $0x2800, $0x38;
	[tilespmem:$0x1F000] =	vst v63  }
0x38: {  	_ =	swait.ge [sflag:s30], $0x2800  }
0x39: {  	[sflag:s30] =	ssyncset.done $0x0  }
0x3a: {  	s12 =	rddreg [dreg:$0x5];
	[sflag:s30] =	ssyncadd.s32 $0xFFFFD800  }
0x3b: {  	[tilespmem:s31], [sflag:$0x3] =	stream.linear.gather [hbm4b:s12+s4], $0x2800, $0x38;
	[tilespmem:$0x1F000] =	vst v63  }
0x3c: {  	_ =	swait.ge [sflag:s30], $0x2800  }
0x3d: {  	[sflag:s30] =	ssyncset.done $0x0  }
0x3e: {  	s5 =	simm.s32 $0x5000;
	s20 =	rddreg [dreg:$0x7];
	[sflag:s30] =	ssyncadd.s32 $0xFFFFD800  }
0x3f: {  	[tilespmem:s5], [sflag:$0x3] =	stream.linear.gather [hbm4b:s20+s4], $0x1400, $0x38;
	[tilespmem:$0x1F000] =	vst v63  }
0x40: {  	_ =	swait.ge [sflag:s30], $0x1400  }
0x41: {  	[sflag:s30] =	ssyncset.done $0x0  }
0x42: {  	s20 =	simm.s32 $0x6400;
	s12 =	rddreg [dreg:$0x8];
	[sflag:s30] =	ssyncadd.s32 $0xFFFFEC00  }
0x43: {  	[tilespmem:s20], [sflag:$0x3] =	stream.linear.gather [hbm4b:s12+s4], $0x1400, $0x38;
	[tilespmem:$0x1F000] =	vst v63  }
0x44: {  	_ =	swait.ge [sflag:s30], $0x1400  }
0x45: {  	[sflag:s30] =	ssyncset.done $0x0  }
0x46: {  	s0 =	simm.s32 $0x0;
	[sflag:s30] =	ssyncadd.s32 $0xFFFFEC00  }
0x47: {  	v0 =	vld [tilespmem:s0+$0x6470]  }
0x48: {  	v1 =	vld [tilespmem:s0+$0x6400]  }
0x49: {  	v2 =	vld [tilespmem:s0+$0x5070]  }
0x4a: {  	v3 =	vld [tilespmem:s0+$0x6410]  }
0x4b: {  	v4 =	vld [tilespmem:s0+$0x6420]  }
0x4c: {  	v6 =	vld [tilespmem:s0+$0x6430]  }
0x4d: {  	v9 =	vld [tilespmem:s0+$0x6440];
	v0 =	vmul.u32 $0x2710, v0  }
0x4e: {  	v10 =	vld [tilespmem:s0+$0x6450]  }
0x4f: {  	v11 =	vld [tilespmem:s0+$0x6460];
	v0 =	vadd.s32 v2, v0  }
0x50: {  	[tilespmem:s0+$0x2870] =	vst v0;
	v0 =	vld [tilespmem:s0+$0x5000]  }
0x51: {  	v12 =	vld [tilespmem:s0+$0x5010]  }
0x52: {  	v7 =	vld [tilespmem:s0+$0x5020]  }
0x53: {  	v5 =	vld [tilespmem:s0+$0x5030];
	v1 =	vmul.u32 $0x2710, v1  }
0x54: {  	v13 =	vmul.u32 $0x2710, v3;
	v8 =	vmul.u32 $0x2710, v4;
	v2 =	vld [tilespmem:s0+$0x5040]  }
0x55: {  	v3 =	vld [tilespmem:s0+$0x5050];
	v6 =	vmul.u32 $0x2710, v6;
	v4 =	vmul.u32 $0x2710, v9;
	v0 =	vadd.s32 v0, v1  }
0x56: {  	s12 =	simm.s32 $0x80;
	s20 =	simm.s32 $0x400;
	v9 =	vld [tilespmem:s0+$0x5060];
	v1 =	vmul.u32 $0x2710, v10;
	v10 =	vadd.s32 v12, v13;
	[tilespmem:s0+$0x2800] =	vst v0;
	v0 =	vmul.u32 $0x2710, v11  }
.LBB2_2:
0x57: {  	p1 =	sne.s32 s20, $0x4E00;
	v11 =	vld [tilespmem:s12+$0x6470];
	[tilespmem:s0+$0x2810] =	vst v10;
	v7 =	vadd.s32 v7, v8  }
0x58: {  	v8 =	vld [tilespmem:s12+$0x6400];
	[tilespmem:s0+$0x2820] =	vst v7;
	v5 =	vadd.s32 v5, v6  }
0x59: {  	v6 =	vld [tilespmem:s12+$0x5070];
	[tilespmem:s0+$0x2830] =	vst v5;
	v2 =	vadd.s32 v2, v4  }
0x5a: {  	v4 =	vld [tilespmem:s12+$0x6410];
	[tilespmem:s0+$0x2840] =	vst v2;
	v1 =	vadd.s32 v3, v1  }
0x5b: {  	v2 =	vld [tilespmem:s12+$0x6420];
	[tilespmem:s0+$0x2850] =	vst v1;
	v0 =	vadd.s32 v9, v0  }
0x5c: {  	v1 =	vld [tilespmem:s12+$0x6430];
	v3 =	vmul.u32 $0x2710, v11;
	[tilespmem:s0+$0x2860] =	vst v0;
	s0 =	smov.u32 s12  }
0x5d: {  	v9 =	vmul.u32 $0x2710, v8;
	v0 =	vld [tilespmem:s0+$0x6440]  }
0x5e: {  	v10 =	vld [tilespmem:s0+$0x6450];
	v3 =	vadd.s32 v6, v3  }
0x5f: {  	v11 =	vmul.u32 $0x2710, v4;
	v12 =	vld [tilespmem:s0+$0x6460];
	[tilespmem:s0+$0x2870] =	vst v3  }
0x60: {  	v3 =	vld [tilespmem:s0+$0x5000];
	v8 =	vmul.u32 $0x2710, v2  }
0x61: {  	v13 =	vld [tilespmem:s0+$0x5010];
	v6 =	vmul.u32 $0x2710, v1  }
.Ltmp2:
0x62: {  	v7 =	vld [tilespmem:s0+$0x5020];
	v4 =	vmul.u32 $0x2710, v0;
	(pc) =	sbr.rel @p1 .LBB2_2-.Ltmp2, $4  }
0x63: {  	v5 =	vld [tilespmem:s0+$0x5030];
	v1 =	vmul.u32 $0x2710, v10  }
0x64: {  	v2 =	vld [tilespmem:s0+$0x5040];
	v0 =	vmul.u32 $0x2710, v12  }
0x65: {  	v9 =	vadd.s32 v3, v9;
	v3 =	vld [tilespmem:s0+$0x5050]  }
0x66: {  	s12 =	sshra.s32 s20, $0x2;
	s20 =	sadd.s32 $0x200, s20;
	[tilespmem:s0+$0x2800] =	vst v9;
	v10 =	vadd.s32 v13, v11;
	v9 =	vld [tilespmem:s0+$0x5060]  }
0x67: {  	v11 =	vld [tilespmem:s12+$0x6470];
	[tilespmem:s0+$0x2810] =	vst v10;
	v7 =	vadd.s32 v7, v8  }
0x68: {  	v8 =	vld [tilespmem:s12+$0x6400];
	[tilespmem:s0+$0x2820] =	vst v7;
	v5 =	vadd.s32 v5, v6  }
0x69: {  	v6 =	vld [tilespmem:s12+$0x5070];
	[tilespmem:s0+$0x2830] =	vst v5;
	v2 =	vadd.s32 v2, v4  }
0x6a: {  	v4 =	vld [tilespmem:s12+$0x6410];
	[tilespmem:s0+$0x2840] =	vst v2;
	v1 =	vadd.s32 v3, v1  }
0x6b: {  	v2 =	vld [tilespmem:s12+$0x6420];
	[tilespmem:s0+$0x2850] =	vst v1;
	v0 =	vadd.s32 v9, v0  }
0x6c: {  	v1 =	vld [tilespmem:s12+$0x6430];
	[tilespmem:s0+$0x2860] =	vst v0  }
0x6d: {  	v0 =	vmul.u32 $0x2710, v11;
	v3 =	vld [tilespmem:s12+$0x6440]  }
0x6e: {  	v5 =	vld [tilespmem:s12+$0x6450]  }
0x6f: {  	v7 =	vld [tilespmem:s12+$0x5010];
	v0 =	vadd.s32 v6, v0  }
0x70: {  	[tilespmem:s12+$0x2870] =	vst v0;
	v0 =	vld [tilespmem:s12+$0x5000]  }
0x71: {  	v9 =	vld [tilespmem:s12+$0x5020]  }
0x72: {  	v10 =	vld [tilespmem:s12+$0x5030]  }
0x73: {  	v8 =	vmul.u32 $0x2710, v8;
	v11 =	vld [tilespmem:s12+$0x5040]  }
0x74: {  	v6 =	vld [tilespmem:s12+$0x6460];
	v4 =	vmul.u32 $0x2710, v4  }
0x75: {  	v2 =	vmul.u32 $0x2710, v2;
	v0 =	vadd.s32 v0, v8;
	v8 =	vld [tilespmem:s12+$0x5050]  }
0x76: {  	[tilespmem:s12+$0x2800] =	vst v0;
	v0 =	vmul.u32 $0x2710, v1;
	v1 =	vadd.s32 v7, v4;
	v4 =	vld [tilespmem:s12+$0x5060]  }
0x77: {  	v3 =	vmul.u32 $0x2710, v3;
	[tilespmem:s12+$0x2810] =	vst v1;
	v1 =	vadd.s32 v9, v2  }
0x78: {  	v2 =	vmul.u32 $0x2710, v5;
	[tilespmem:s12+$0x2820] =	vst v1;
	v0 =	vadd.s32 v10, v0  }
0x79: {  	v1 =	vmul.u32 $0x2710, v6;
	[tilespmem:s12+$0x2830] =	vst v0;
	v0 =	vadd.s32 v11, v3  }
0x7a: {  	[tilespmem:s12+$0x2840] =	vst v0;
	v0 =	vadd.s32 v8, v2  }
0x7b: {  	[tilespmem:s12+$0x2850] =	vst v0;
	v0 =	vadd.s32 v4, v1  }
0x7c: {  	s5 =	rddreg [dreg:$0x9];
	s20 =	simm.s32 $0x5000;
	s0 =	simm.s32 $0x0;
	[tilespmem:s12+$0x2860] =	vst v0  }
0x7d: {  	[tilespmem:s20], [sflag:$0x3] =	stream.linear.gather [hbm4b:s5+s0], $0x1400, $0x38;
	[tilespmem:$0x1F000] =	vst v63  }
0x7e: {  	_ =	swait.ge [sflag:s30], $0x1400  }
0x7f: {  	[sflag:s30] =	ssyncset.done $0x0  }
0x80: {  	s20 =	simm.s32 $0x6400;
	s12 =	rddreg [dreg:$0xa];
	[sflag:s30] =	ssyncadd.s32 $0xFFFFEC00  }
0x81: {  	[tilespmem:s20], [sflag:$0x3] =	stream.linear.gather [hbm4b:s12+s0], $0x1400, $0x38;
	[tilespmem:$0x1F000] =	vst v63  }
0x82: {  	_ =	swait.ge [sflag:s30], $0x1400  }
0x83: {  	[sflag:s30] =	ssyncset.done $0x0  }
0x84: {  	s0 =	simm.s32 $0x0;
	[sflag:s30] =	ssyncadd.s32 $0xFFFFEC00  }
0x85: {  	v0 =	vld [tilespmem:s0+$0x6470]  }
0x86: {  	v1 =	vld [tilespmem:s0+$0x6400]  }
0x87: {  	v2 =	vld [tilespmem:s0+$0x5070]  }
0x88: {  	v3 =	vld [tilespmem:s0+$0x6410]  }
0x89: {  	v4 =	vld [tilespmem:s0+$0x6420]  }
0x8a: {  	v6 =	vld [tilespmem:s0+$0x6430]  }
0x8b: {  	v9 =	vld [tilespmem:s0+$0x6440];
	v0 =	vmul.u32 $0x2710, v0  }
0x8c: {  	v10 =	vld [tilespmem:s0+$0x6450]  }
0x8d: {  	v11 =	vld [tilespmem:s0+$0x6460];
	v0 =	vadd.s32 v2, v0  }
0x8e: {  	[tilespmem:s0+$0x3C70] =	vst v0;
	v0 =	vld [tilespmem:s0+$0x5000]  }
0x8f: {  	v12 =	vld [tilespmem:s0+$0x5010]  }
0x90: {  	v7 =	vld [tilespmem:s0+$0x5020]  }
0x91: {  	v5 =	vld [tilespmem:s0+$0x5030];
	v1 =	vmul.u32 $0x2710, v1  }
0x92: {  	v13 =	vmul.u32 $0x2710, v3;
	v8 =	vmul.u32 $0x2710, v4;
	v2 =	vld [tilespmem:s0+$0x5040]  }
0x93: {  	v3 =	vld [tilespmem:s0+$0x5050];
	v6 =	vmul.u32 $0x2710, v6;
	v4 =	vmul.u32 $0x2710, v9;
	v0 =	vadd.s32 v0, v1  }
0x94: {  	s12 =	simm.s32 $0x80;
	s20 =	simm.s32 $0x400;
	v9 =	vld [tilespmem:s0+$0x5060];
	v1 =	vmul.u32 $0x2710, v10;
	v10 =	vadd.s32 v12, v13;
	[tilespmem:s0+$0x3C00] =	vst v0;
	v0 =	vmul.u32 $0x2710, v11  }
.LBB2_4:
0x95: {  	p1 =	sne.s32 s20, $0x4E00;
	v11 =	vld [tilespmem:s12+$0x6470];
	[tilespmem:s0+$0x3C10] =	vst v10;
	v7 =	vadd.s32 v7, v8  }
0x96: {  	v8 =	vld [tilespmem:s12+$0x6400];
	[tilespmem:s0+$0x3C20] =	vst v7;
	v5 =	vadd.s32 v5, v6  }
0x97: {  	v6 =	vld [tilespmem:s12+$0x5070];
	[tilespmem:s0+$0x3C30] =	vst v5;
	v2 =	vadd.s32 v2, v4  }
0x98: {  	v4 =	vld [tilespmem:s12+$0x6410];
	[tilespmem:s0+$0x3C40] =	vst v2;
	v1 =	vadd.s32 v3, v1  }
0x99: {  	v2 =	vld [tilespmem:s12+$0x6420];
	[tilespmem:s0+$0x3C50] =	vst v1;
	v0 =	vadd.s32 v9, v0  }
0x9a: {  	v1 =	vld [tilespmem:s12+$0x6430];
	v3 =	vmul.u32 $0x2710, v11;
	[tilespmem:s0+$0x3C60] =	vst v0;
	s0 =	smov.u32 s12  }
0x9b: {  	v9 =	vmul.u32 $0x2710, v8;
	v0 =	vld [tilespmem:s0+$0x6440]  }
0x9c: {  	v10 =	vld [tilespmem:s0+$0x6450];
	v3 =	vadd.s32 v6, v3  }
0x9d: {  	v11 =	vmul.u32 $0x2710, v4;
	v12 =	vld [tilespmem:s0+$0x6460];
	[tilespmem:s0+$0x3C70] =	vst v3  }
0x9e: {  	v3 =	vld [tilespmem:s0+$0x5000];
	v8 =	vmul.u32 $0x2710, v2  }
0x9f: {  	v13 =	vld [tilespmem:s0+$0x5010];
	v6 =	vmul.u32 $0x2710, v1  }
.Ltmp3:
0xa0: {  	v7 =	vld [tilespmem:s0+$0x5020];
	v4 =	vmul.u32 $0x2710, v0;
	(pc) =	sbr.rel @p1 .LBB2_4-.Ltmp3, $4  }
0xa1: {  	v5 =	vld [tilespmem:s0+$0x5030];
	v1 =	vmul.u32 $0x2710, v10  }
0xa2: {  	v2 =	vld [tilespmem:s0+$0x5040];
	v0 =	vmul.u32 $0x2710, v12  }
0xa3: {  	v9 =	vadd.s32 v3, v9;
	v3 =	vld [tilespmem:s0+$0x5050]  }
0xa4: {  	s12 =	sshra.s32 s20, $0x2;
	s20 =	sadd.s32 $0x200, s20;
	[tilespmem:s0+$0x3C00] =	vst v9;
	v10 =	vadd.s32 v13, v11;
	v9 =	vld [tilespmem:s0+$0x5060]  }
0xa5: {  	v11 =	vld [tilespmem:s12+$0x6470];
	[tilespmem:s0+$0x3C10] =	vst v10;
	v7 =	vadd.s32 v7, v8  }
0xa6: {  	v45 =	vld [tilespmem:s12+$0x6400];
	[tilespmem:s0+$0x3C20] =	vst v7;
	v5 =	vadd.s32 v5, v6  }
0xa7: {  	v46 =	vld [tilespmem:s12+$0x5070];
	[tilespmem:s0+$0x3C30] =	vst v5;
	v2 =	vadd.s32 v2, v4  }
0xa8: {  	v47 =	vld [tilespmem:s12+$0x6410];
	[tilespmem:s0+$0x3C40] =	vst v2;
	v1 =	vadd.s32 v3, v1  }
0xa9: {  	v2 =	vld [tilespmem:s12+$0x6420];
	[tilespmem:s0+$0x3C50] =	vst v1;
	v0 =	vadd.s32 v9, v0  }
0xaa: {  	v1 =	vld [tilespmem:s12+$0x6430];
	[tilespmem:s0+$0x3C60] =	vst v0  }
0xab: {  	v49 =	vld [tilespmem:s12+$0x6440]  }
0xac: {  	v5 =	vld [tilespmem:s12+$0x6450]  }
0xad: {  	v50 =	vld [tilespmem:s12+$0x6460]  }
0xae: {  	v51 =	vld [tilespmem:s12+$0x5000]  }
0xaf: {  	v7 =	vld [tilespmem:s12+$0x5010]  }
0xb0: {  	v48 =	vmul.u32 $0x2710, v11;
	v52 =	vld [tilespmem:s12+$0x5020]  }
0xb1: {  	v8 =	vmul.u32 $0x2710, v45;
	v10 =	vld [tilespmem:s12+$0x5030]  }
0xb2: {  	v53 =	vld [tilespmem:s12+$0x5040];
	v0 =	vadd.s32 v46, v48;
	v4 =	vmul.u32 $0x2710, v47  }
0xb3: {  	v54 =	vld [tilespmem:s12+$0x5050];
	[tilespmem:s12+$0x3C70] =	vst v0;
	v2 =	vmul.u32 $0x2710, v2;
	v0 =	vadd.s32 v51, v8  }
0xb4: {  	v57 =	vld [tilespmem:s12+$0x5060];
	v55 =	vmul.u32 $0x2710, v1;
	v56 =	vadd.s32 v7, v4;
	[tilespmem:s12+$0x3C00] =	vst v0  }
0xb5: {  	v3 =	vmul.u32 $0x2710, v49;
	v58 =	vadd.s32 v52, v2;
	[tilespmem:s12+$0x3C10] =	vst v56  }
.Ltmp4:
0xb6: {  	v59 =	vmul.u32 $0x2710, v5;
	[tilespmem:s12+$0x3C20] =	vst v58;
	v0 =	vadd.s32 v10, v55;
	(pc) =	sbr.rel @!p0 .LBB2_6-.Ltmp4, $4  }
0xb7: {  	v60 =	vmul.u32 $0x2710, v50;
	[tilespmem:s12+$0x3C30] =	vst v0;
	v61 =	vadd.s32 v53, v3  }
0xb8: {  	v62 =	vadd.s32 v54, v59;
	[tilespmem:s12+$0x3C40] =	vst v61  }
0xb9: {  	v63 =	vadd.s32 v57, v60;
	[tilespmem:s12+$0x3C50] =	vst v62  }
0xba: {  	[tilespmem:s12+$0x3C60] =	vst v63  }
0xbb: {  	[spmem:s21] =	stream.linear.scatter [tilespmem:s31], [sflag:$0x3], $0x2800, $0x38;
	[tilespmem:$0x1F000] =	vst v63  }
0xbc: {  	_ =	swait.ge [sflag:s30], $0x2800  }
0xbd: {  	[sflag:s30] =	ssyncset.done $0x0  }
0xbe: {  	[sflag:s30] =	ssyncadd.s32 $0xFFFFD800  }
0xbf: {  	[spmem:s22] =	stream.linear.scatter [tilespmem:s31], [sflag:$0x3], $0x2800, $0x38;
	[tilespmem:$0x1F000] =	vst v63  }
0xc0: {  	_ =	swait.ge [sflag:s30], $0x2800  }
0xc1: {  	[sflag:s30] =	ssyncset.done $0x0  }
0xc2: {  	[sflag:s30] =	ssyncadd.s32 $0xFFFFD800  }
0xc3: {  	[spmem:s23] =	stream.linear.scatter [tilespmem:s31], [sflag:$0x3], $0x2800, $0x38;
	[tilespmem:$0x1F000] =	vst v63  }
0xc4: {  	_ =	swait.ge [sflag:s30], $0x2800  }
0xc5: {  	[sflag:s30] =	ssyncset.done $0x0  }
0xc6: {  	[sflag:s30] =	ssyncadd.s32 $0xFFFFD800  }
0xc7: {  	[spmem:s24] =	stream.linear.scatter [tilespmem:s31], [sflag:$0x3], $0x2800, $0x38;
	[tilespmem:$0x1F000] =	vst v63  }
0xc8: {  	_ =	swait.ge [sflag:s30], $0x2800  }
0xc9: {  	[sflag:s30] =	ssyncset.done $0x0  }
0xca: {  	[sflag:s30] =	ssyncadd.s32 $0xFFFFD800  }
0xcb: {  	[spmem:s25] =	stream.linear.scatter [tilespmem:s31], [sflag:$0x3], $0x2800, $0x38;
	[tilespmem:$0x1F000] =	vst v63  }
0xcc: {  	_ =	swait.ge [sflag:s30], $0x2800  }
0xcd: {  	[sflag:s30] =	ssyncset.done $0x0  }
0xce: {  	[sflag:s30] =	ssyncadd.s32 $0xFFFFD800  }
0xcf: {  	[spmem:s26] =	stream.linear.scatter [tilespmem:s31], [sflag:$0x3], $0x2800, $0x38;
	[tilespmem:$0x1F000] =	vst v63  }
0xd0: {  	_ =	swait.ge [sflag:s30], $0x2800  }
0xd1: {  	[sflag:s30] =	ssyncset.done $0x0  }
0xd2: {  	[sflag:s30] =	ssyncadd.s32 $0xFFFFD800  }
0xd3: {  	[spmem:s28] =	stream.linear.scatter [tilespmem:s31], [sflag:$0x3], $0x2800, $0x38;
	[tilespmem:$0x1F000] =	vst v63  }
0xd4: {  	_ =	swait.ge [sflag:s30], $0x2800  }
0xd5: {  	[sflag:s30] =	ssyncset.done $0x0  }
0xd6: {  	[sflag:s30] =	ssyncadd.s32 $0xFFFFD800  }
0xd7: {  	[spmem:s29] =	stream.linear.scatter [tilespmem:s31], [sflag:$0x3], $0x2800, $0x38;
	[tilespmem:$0x1F000] =	vst v63  }
0xd8: {  	_ =	swait.ge [sflag:s30], $0x2800  }
0xd9: {  	[sflag:s30] =	ssyncset.done $0x0  }
0xda: {  	[sflag:s30] =	ssyncadd.s32 $0xFFFFD800  }
0xdb: {  	s0 =	simm.s32 $0x0;
	[bflag:$0x0] =	sbarrier.arrive $0xFFFF  }
0xdc: {  	[tilespmem:s15], [sflag:$0x1] =	stream.indirect.gather [hbm4b:s16+s17], $0x10, s0, s17, $0xb8;
	[tilespmem:$0x1F000] =	vst v63  }
0xdd: {  	_ =	swait.ge [sflag:s19], $0x800  }
0xde: {  	[sflag:s19] =	ssyncset.done $0x0  }
0xdf: {  	s20 =	simm.s32 $0x80;
	[sflag:s19] =	ssyncadd.s32 $0xFFFFF800  }
0xe0: {  	[tilespmem:s2], [sflag:$0x2] =	stream.indirect.gather [hbm4b:s16+s17], $0x10, s20, s17, $0xb8;
	[tilespmem:$0x1F000] =	vst v63  }
0xe1: {  	s5 =	simm.s32 $0x2800  }
0xe2: {  	[spmem:s3] =	stream.indirect.scatter.add.bf16 [tilespmem:s15], [sflag:$0x3], $0x10, s5, s17, $0xb8;
	[tilespmem:$0x1F000] =	vst v63  }
0xe3: {  	_ =	swait.ge [sflag:s30], $0x800  }
0xe4: {  	[sflag:s30] =	ssyncset.done $0x0  }
0xe5: {  	[sflag:s30] =	ssyncadd.s32 $0xFFFFF800  }
0xe6: {  	_ =	swait.ge [sflag:s6], $0x800  }
0xe7: {  	[sflag:s6] =	ssyncset.done $0x0  }
0xe8: {  	s12 =	simm.s32 $0x100;
	[sflag:s6] =	ssyncadd.s32 $0xFFFFF800  }
0xe9: {  	[tilespmem:s15], [sflag:$0x1] =	stream.indirect.gather [hbm4b:s16+s17], $0x10, s12, s17, $0xb8;
	[tilespmem:$0x1F000] =	vst v63  }
0xea: {  	s20 =	simm.s32 $0x2880  }
0xeb: {  	[spmem:s3] =	stream.indirect.scatter.add.bf16 [tilespmem:s2], [sflag:$0x3], $0x10, s20, s17, $0xb8;
	[tilespmem:$0x1F000] =	vst v63  }
0xec: {  	_ =	swait.ge [sflag:s30], $0x800  }
0xed: {  	s0 =	simm.s32 $0x400;
	[sflag:s30] =	ssyncset.done $0x0  }
.LBB2_12:
0xee: {  	p1 =	sne.s32 s0, $0x9800  }
0xef: {  	[sflag:s30] =	ssyncadd.s32 $0xFFFFF800;
	s5 =	smov.u32 s0;
	s0 =	sadd.s32 $0x400, s0  }
0xf0: {  	_ = 	snop  }
0xf1: {  	_ =	swait.ge [sflag:s19], $0x800  }
0xf2: {  	s5 =	sshra.s32 s5, $0x2;
	[sflag:s19] =	ssyncset.done $0x0  }
0xf3: {  	s12 =	sadd.s32 $0x80, s5;
	[sflag:s19] =	ssyncadd.s32 $0xFFFFF800  }
0xf4: {  	[tilespmem:s2], [sflag:$0x2] =	stream.indirect.gather [hbm4b:s16+s17], $0x10, s12, s17, $0xb8;
	[tilespmem:$0x1F000] =	vst v63  }
0xf5: {  	s12 =	sadd.s32 $0x2800, s5  }
0xf6: {  	[spmem:s3] =	stream.indirect.scatter.add.bf16 [tilespmem:s15], [sflag:$0x3], $0x10, s12, s17, $0xb8;
	[tilespmem:$0x1F000] =	vst v63  }
0xf7: {  	_ =	swait.ge [sflag:s30], $0x800  }
0xf8: {  	[sflag:s30] =	ssyncset.done $0x0  }
0xf9: {  	[sflag:s30] =	ssyncadd.s32 $0xFFFFF800  }
0xfa: {  	_ =	swait.ge [sflag:s6], $0x800  }
0xfb: {  	[sflag:s6] =	ssyncset.done $0x0  }
0xfc: {  	s12 =	sadd.s32 $0x100, s5;
	[sflag:s6] =	ssyncadd.s32 $0xFFFFF800  }
0xfd: {  	[tilespmem:s15], [sflag:$0x1] =	stream.indirect.gather [hbm4b:s16+s17], $0x10, s12, s17, $0xb8;
	[tilespmem:$0x1F000] =	vst v63  }
.Ltmp5:
0xfe: {  	_ = 	snop;
	(pc) =	sbr.rel @p1 .LBB2_12-.Ltmp5, $4  }
0xff: {  	s5 =	sadd.s32 $0x2880, s5  }
0x100: {  	[spmem:s3] =	stream.indirect.scatter.add.bf16 [tilespmem:s2], [sflag:$0x3], $0x10, s5, s17, $0xb8;
	[tilespmem:$0x1F000] =	vst v63  }
0x101: {  	_ =	swait.ge [sflag:s30], $0x800  }
0x102: {  	[sflag:s30] =	ssyncset.done $0x0  }
0x103: {  	[sflag:s30] =	ssyncadd.s32 $0xFFFFF800  }
0x104: {  	_ =	swait.ge [sflag:s19], $0x800  }
0x105: {  	[sflag:s19] =	ssyncset.done $0x0  }
0x106: {  	[sflag:s19] =	ssyncadd.s32 $0xFFFFF800  }
0x107: {  	[tilespmem:s2], [sflag:$0x2] =	stream.indirect.gather [hbm4b:s16+s17], $0x10, s7, s17, $0xb8;
	[tilespmem:$0x1F000] =	vst v63  }
0x108: {  	_ = 	snop  }
0x109: {  	[spmem:s3] =	stream.indirect.scatter.add.bf16 [tilespmem:s15], [sflag:$0x3], $0x10, s8, s17, $0xb8;
	[tilespmem:$0x1F000] =	vst v63  }
0x10a: {  	_ =	swait.ge [sflag:s30], $0x800  }
0x10b: {  	[sflag:s30] =	ssyncset.done $0x0  }
0x10c: {  	[sflag:s30] =	ssyncadd.s32 $0xFFFFF800  }
0x10d: {  	_ =	swait.ge [sflag:s6], $0x800  }
0x10e: {  	[sflag:s6] =	ssyncset.done $0x0  }
0x10f: {  	[sflag:s6] =	ssyncadd.s32 $0xFFFFF800  }
0x110: {  	[spmem:s3] =	stream.indirect.scatter.add.bf16 [tilespmem:s2], [sflag:$0x3], $0x10, s9, s17, $0xb8;
	[tilespmem:$0x1F000] =	vst v63  }
0x111: {  	_ =	swait.ge [sflag:s30], $0x800  }
0x112: {  	[sflag:s30] =	ssyncset.done $0x0  }
0x113: {  	s0 =	stileid.u32;
	[sflag:s30] =	ssyncadd.s32 $0xFFFFF800  }
0x114: {  	s0 =	sshll.u32 s0, $0x6;
	[bflag:$0x0] =	sbarrier.arrive $0xFFFF  }
0x115: {  	s5 =	sshrl.u32 s13, $0x3;
	s0 =	sor.u32 $0x1C03, s0;
	s12 =	rddreg [dreg:$0xd]  }
0x116: {  	[hbm:s12@s10], [sflag:s0] =	dma.strided [spmem:s5@s6], $0x2710, s19, $0x2   }
0x117: {  	_ =	swait.ge [sflag:s30], $0x2710  }
0x118: {  	[sflag:s30] =	ssyncset.done $0x0  }
0x119: {  	[sflag:s30] =	ssyncadd.s32 $0xFFFFD8F0  }
0x11a: {  	[bflag:$0x0] =	sbarrier.arrive $0xFFFF  }
0x11b: {  	[spmem:s21] =	stream.linear.scatter [tilespmem:s31], [sflag:$0x3], $0x2800, $0x38;
	[tilespmem:$0x1F000] =	vst v63  }
0x11c: {  	_ =	swait.ge [sflag:s30], $0x2800  }
0x11d: {  	[sflag:s30] =	ssyncset.done $0x0  }
0x11e: {  	[sflag:s30] =	ssyncadd.s32 $0xFFFFD800  }
0x11f: {  	[spmem:s22] =	stream.linear.scatter [tilespmem:s31], [sflag:$0x3], $0x2800, $0x38;
	[tilespmem:$0x1F000] =	vst v63  }
0x120: {  	_ =	swait.ge [sflag:s30], $0x2800  }
0x121: {  	[sflag:s30] =	ssyncset.done $0x0  }
0x122: {  	[sflag:s30] =	ssyncadd.s32 $0xFFFFD800  }
0x123: {  	[spmem:s23] =	stream.linear.scatter [tilespmem:s31], [sflag:$0x3], $0x2800, $0x38;
	[tilespmem:$0x1F000] =	vst v63  }
0x124: {  	_ =	swait.ge [sflag:s30], $0x2800  }
0x125: {  	[sflag:s30] =	ssyncset.done $0x0  }
0x126: {  	[sflag:s30] =	ssyncadd.s32 $0xFFFFD800  }
0x127: {  	[spmem:s24] =	stream.linear.scatter [tilespmem:s31], [sflag:$0x3], $0x2800, $0x38;
	[tilespmem:$0x1F000] =	vst v63  }
0x128: {  	_ =	swait.ge [sflag:s30], $0x2800  }
0x129: {  	[sflag:s30] =	ssyncset.done $0x0  }
0x12a: {  	[sflag:s30] =	ssyncadd.s32 $0xFFFFD800  }
0x12b: {  	[spmem:s25] =	stream.linear.scatter [tilespmem:s31], [sflag:$0x3], $0x2800, $0x38;
	[tilespmem:$0x1F000] =	vst v63  }
0x12c: {  	_ =	swait.ge [sflag:s30], $0x2800  }
0x12d: {  	[sflag:s30] =	ssyncset.done $0x0  }
0x12e: {  	[sflag:s30] =	ssyncadd.s32 $0xFFFFD800  }
0x12f: {  	[spmem:s26] =	stream.linear.scatter [tilespmem:s31], [sflag:$0x3], $0x2800, $0x38;
	[tilespmem:$0x1F000] =	vst v63  }
0x130: {  	_ =	swait.ge [sflag:s30], $0x2800  }
0x131: {  	[sflag:s30] =	ssyncset.done $0x0  }
0x132: {  	[sflag:s30] =	ssyncadd.s32 $0xFFFFD800  }
0x133: {  	[spmem:s28] =	stream.linear.scatter [tilespmem:s31], [sflag:$0x3], $0x2800, $0x38;
	[tilespmem:$0x1F000] =	vst v63  }
0x134: {  	_ =	swait.ge [sflag:s30], $0x2800  }
0x135: {  	[sflag:s30] =	ssyncset.done $0x0  }
0x136: {  	[sflag:s30] =	ssyncadd.s32 $0xFFFFD800  }
0x137: {  	[spmem:s29] =	stream.linear.scatter [tilespmem:s31], [sflag:$0x3], $0x2800, $0x38;
	[tilespmem:$0x1F000] =	vst v63  }
0x138: {  	_ =	swait.ge [sflag:s30], $0x2800  }
0x139: {  	[sflag:s30] =	ssyncset.done $0x0  }
0x13a: {  	[sflag:s30] =	ssyncadd.s32 $0xFFFFD800  }
0x13b: {  	s20 =	simm.s32 $0x0;
	[bflag:$0x0] =	sbarrier.arrive $0xFFFF  }
0x13c: {  	[tilespmem:s15], [sflag:$0x1] =	stream.indirect.gather [hbm4b:s18+s17], $0x10, s20, s17, $0xb8;
	[tilespmem:$0x1F000] =	vst v63  }
0x13d: {  	_ =	swait.ge [sflag:s19], $0x800  }
0x13e: {  	[sflag:s19] =	ssyncset.done $0x0  }
0x13f: {  	s12 =	simm.s32 $0x80;
	[sflag:s19] =	ssyncadd.s32 $0xFFFFF800  }
0x140: {  	[tilespmem:s2], [sflag:$0x2] =	stream.indirect.gather [hbm4b:s18+s17], $0x10, s12, s17, $0xb8;
	[tilespmem:$0x1F000] =	vst v63  }
0x141: {  	s20 =	simm.s32 $0x2800  }
0x142: {  	[spmem:s3] =	stream.indirect.scatter.add.bf16 [tilespmem:s15], [sflag:$0x3], $0x10, s20, s17, $0xb8;
	[tilespmem:$0x1F000] =	vst v63  }
0x143: {  	_ =	swait.ge [sflag:s30], $0x800  }
0x144: {  	[sflag:s30] =	ssyncset.done $0x0  }
0x145: {  	[sflag:s30] =	ssyncadd.s32 $0xFFFFF800  }
0x146: {  	_ =	swait.ge [sflag:s6], $0x800  }
0x147: {  	[sflag:s6] =	ssyncset.done $0x0  }
0x148: {  	s12 =	simm.s32 $0x100;
	[sflag:s6] =	ssyncadd.s32 $0xFFFFF800  }
0x149: {  	[tilespmem:s15], [sflag:$0x1] =	stream.indirect.gather [hbm4b:s18+s17], $0x10, s12, s17, $0xb8;
	[tilespmem:$0x1F000] =	vst v63  }
0x14a: {  	s20 =	simm.s32 $0x2880  }
0x14b: {  	[spmem:s3] =	stream.indirect.scatter.add.bf16 [tilespmem:s2], [sflag:$0x3], $0x10, s20, s17, $0xb8;
	[tilespmem:$0x1F000] =	vst v63  }
0x14c: {  	_ =	swait.ge [sflag:s30], $0x800  }
0x14d: {  	s12 =	simm.s32 $0x400;
	[sflag:s30] =	ssyncset.done $0x0  }
.LBB2_14:
0x14e: {  	p1 =	sne.s32 s12, $0x9800  }
0x14f: {  	[sflag:s30] =	ssyncadd.s32 $0xFFFFF800;
	s5 =	smov.u32 s12;
	s12 =	sadd.s32 $0x400, s12  }
0x150: {  	_ = 	snop  }
0x151: {  	_ =	swait.ge [sflag:s19], $0x800  }
0x152: {  	s5 =	sshra.s32 s5, $0x2;
	[sflag:s19] =	ssyncset.done $0x0  }
0x153: {  	s20 =	sadd.s32 $0x80, s5;
	[sflag:s19] =	ssyncadd.s32 $0xFFFFF800  }
0x154: {  	[tilespmem:s2], [sflag:$0x2] =	stream.indirect.gather [hbm4b:s18+s17], $0x10, s20, s17, $0xb8;
	[tilespmem:$0x1F000] =	vst v63  }
0x155: {  	s20 =	sadd.s32 $0x2800, s5  }
0x156: {  	[spmem:s3] =	stream.indirect.scatter.add.bf16 [tilespmem:s15], [sflag:$0x3], $0x10, s20, s17, $0xb8;
	[tilespmem:$0x1F000] =	vst v63  }
0x157: {  	_ =	swait.ge [sflag:s30], $0x800  }
0x158: {  	[sflag:s30] =	ssyncset.done $0x0  }
0x159: {  	[sflag:s30] =	ssyncadd.s32 $0xFFFFF800  }
0x15a: {  	_ =	swait.ge [sflag:s6], $0x800  }
0x15b: {  	[sflag:s6] =	ssyncset.done $0x0  }
0x15c: {  	s20 =	sadd.s32 $0x100, s5;
	[sflag:s6] =	ssyncadd.s32 $0xFFFFF800  }
0x15d: {  	[tilespmem:s15], [sflag:$0x1] =	stream.indirect.gather [hbm4b:s18+s17], $0x10, s20, s17, $0xb8;
	[tilespmem:$0x1F000] =	vst v63  }
.Ltmp6:
0x15e: {  	_ = 	snop;
	(pc) =	sbr.rel @p1 .LBB2_14-.Ltmp6, $4  }
0x15f: {  	s5 =	sadd.s32 $0x2880, s5  }
0x160: {  	[spmem:s3] =	stream.indirect.scatter.add.bf16 [tilespmem:s2], [sflag:$0x3], $0x10, s5, s17, $0xb8;
	[tilespmem:$0x1F000] =	vst v63  }
0x161: {  	_ =	swait.ge [sflag:s30], $0x800  }
0x162: {  	[sflag:s30] =	ssyncset.done $0x0  }
.Ltmp7:
0x163: {  	[sflag:s30] =	ssyncadd.s32 $0xFFFFF800;
	(pc) =	sbr.rel .LBB2_16-.Ltmp7, $4  }
0x164: {  	_ =	swait.ge [sflag:s19], $0x800  }
0x165: {  	[sflag:s19] =	ssyncset.done $0x0  }
0x166: {  	s12 =	rddreg [dreg:$0xe];
	[sflag:s19] =	ssyncadd.s32 $0xFFFFF800  }
0x167: {  	[tilespmem:s2], [sflag:$0x2] =	stream.indirect.gather [hbm4b:s18+s17], $0x10, s7, s17, $0xb8;
	[tilespmem:$0x1F000] =	vst v63  }
.LBB2_6:
0x168: {  	[spmem:s21] =	stream.linear.scatter [tilespmem:s31], [sflag:$0x3], $0x2800, $0x38;
	[tilespmem:$0x1F000] =	vst v63  }
0x169: {  	_ =	swait.ge [sflag:s30], $0x2800  }
0x16a: {  	[sflag:s30] =	ssyncset.done $0x0  }
0x16b: {  	[sflag:s30] =	ssyncadd.s32 $0xFFFFD800  }
0x16c: {  	[spmem:s22] =	stream.linear.scatter [tilespmem:s31], [sflag:$0x3], $0x2800, $0x38;
	[tilespmem:$0x1F000] =	vst v63  }
0x16d: {  	_ =	swait.ge [sflag:s30], $0x2800  }
0x16e: {  	[sflag:s30] =	ssyncset.done $0x0  }
0x16f: {  	[sflag:s30] =	ssyncadd.s32 $0xFFFFD800  }
0x170: {  	[spmem:s23] =	stream.linear.scatter [tilespmem:s31], [sflag:$0x3], $0x2800, $0x38;
	[tilespmem:$0x1F000] =	vst v63  }
0x171: {  	_ =	swait.ge [sflag:s30], $0x2800  }
0x172: {  	[sflag:s30] =	ssyncset.done $0x0  }
0x173: {  	[sflag:s30] =	ssyncadd.s32 $0xFFFFD800  }
0x174: {  	[spmem:s24] =	stream.linear.scatter [tilespmem:s31], [sflag:$0x3], $0x2800, $0x38;
	[tilespmem:$0x1F000] =	vst v63  }
0x175: {  	_ =	swait.ge [sflag:s30], $0x2800  }
0x176: {  	[sflag:s30] =	ssyncset.done $0x0  }
0x177: {  	[sflag:s30] =	ssyncadd.s32 $0xFFFFD800  }
0x178: {  	[spmem:s25] =	stream.linear.scatter [tilespmem:s31], [sflag:$0x3], $0x2800, $0x38;
	[tilespmem:$0x1F000] =	vst v63  }
0x179: {  	_ =	swait.ge [sflag:s30], $0x2800  }
0x17a: {  	[sflag:s30] =	ssyncset.done $0x0  }
0x17b: {  	[sflag:s30] =	ssyncadd.s32 $0xFFFFD800  }
0x17c: {  	[spmem:s26] =	stream.linear.scatter [tilespmem:s31], [sflag:$0x3], $0x2800, $0x38;
	[tilespmem:$0x1F000] =	vst v63  }
0x17d: {  	_ =	swait.ge [sflag:s30], $0x2800  }
0x17e: {  	[sflag:s30] =	ssyncset.done $0x0  }
0x17f: {  	[sflag:s30] =	ssyncadd.s32 $0xFFFFD800  }
0x180: {  	[spmem:s28] =	stream.linear.scatter [tilespmem:s31], [sflag:$0x3], $0x2800, $0x38;
	[tilespmem:$0x1F000] =	vst v63  }
0x181: {  	_ =	swait.ge [sflag:s30], $0x2800  }
0x182: {  	[sflag:s30] =	ssyncset.done $0x0  }
0x183: {  	[sflag:s30] =	ssyncadd.s32 $0xFFFFD800  }
0x184: {  	[spmem:s29] =	stream.linear.scatter [tilespmem:s31], [sflag:$0x3], $0x2800, $0x38;
	[tilespmem:$0x1F000] =	vst v63  }
0x185: {  	_ =	swait.ge [sflag:s30], $0x2800  }
0x186: {  	[sflag:s30] =	ssyncset.done $0x0  }
0x187: {  	[sflag:s30] =	ssyncadd.s32 $0xFFFFD800  }
0x188: {  	s0 =	simm.s32 $0x0;
	[bflag:$0x0] =	sbarrier.arrive $0xFFFF  }
0x189: {  	[tilespmem:s15], [sflag:$0x1] =	stream.indirect.gather [hbm4b:s1+s17], $0x10, s0, s17, $0xb8;
	[tilespmem:$0x1F000] =	vst v63  }
0x18a: {  	_ =	swait.ge [sflag:s19], $0x800  }
0x18b: {  	[sflag:s19] =	ssyncset.done $0x0  }
0x18c: {  	s20 =	simm.s32 $0x80;
	[sflag:s19] =	ssyncadd.s32 $0xFFFFF800  }
0x18d: {  	[tilespmem:s2], [sflag:$0x2] =	stream.indirect.gather [hbm4b:s1+s17], $0x10, s20, s17, $0xb8;
	[tilespmem:$0x1F000] =	vst v63  }
0x18e: {  	s5 =	simm.s32 $0x2800  }
0x18f: {  	[spmem:s3] =	stream.indirect.scatter.add.bf16 [tilespmem:s15], [sflag:$0x3], $0x10, s5, s17, $0xb8;
	[tilespmem:$0x1F000] =	vst v63  }
0x190: {  	_ =	swait.ge [sflag:s30], $0x800  }
0x191: {  	[sflag:s30] =	ssyncset.done $0x0  }
0x192: {  	[sflag:s30] =	ssyncadd.s32 $0xFFFFF800  }
0x193: {  	_ =	swait.ge [sflag:s6], $0x800  }
0x194: {  	[sflag:s6] =	ssyncset.done $0x0  }
0x195: {  	s12 =	simm.s32 $0x100;
	[sflag:s6] =	ssyncadd.s32 $0xFFFFF800  }
0x196: {  	[tilespmem:s15], [sflag:$0x1] =	stream.indirect.gather [hbm4b:s1+s17], $0x10, s12, s17, $0xb8;
	[tilespmem:$0x1F000] =	vst v63  }
0x197: {  	s20 =	simm.s32 $0x2880  }
0x198: {  	[spmem:s3] =	stream.indirect.scatter.add.bf16 [tilespmem:s2], [sflag:$0x3], $0x10, s20, s17, $0xb8;
	[tilespmem:$0x1F000] =	vst v63  }
0x199: {  	_ =	swait.ge [sflag:s30], $0x800  }
0x19a: {  	s0 =	simm.s32 $0x400;
	[sflag:s30] =	ssyncset.done $0x0  }
.LBB2_7:
0x19b: {  	p1 =	sne.s32 s0, $0x9800  }
0x19c: {  	[sflag:s30] =	ssyncadd.s32 $0xFFFFF800;
	s12 =	smov.u32 s0;
	s0 =	sadd.s32 $0x400, s0  }
0x19d: {  	_ = 	snop  }
0x19e: {  	_ =	swait.ge [sflag:s19], $0x800  }
0x19f: {  	s12 =	sshra.s32 s12, $0x2;
	[sflag:s19] =	ssyncset.done $0x0  }
0x1a0: {  	s20 =	sadd.s32 $0x80, s12;
	[sflag:s19] =	ssyncadd.s32 $0xFFFFF800  }
0x1a1: {  	[tilespmem:s2], [sflag:$0x2] =	stream.indirect.gather [hbm4b:s1+s17], $0x10, s20, s17, $0xb8;
	[tilespmem:$0x1F000] =	vst v63  }
0x1a2: {  	s20 =	sadd.s32 $0x2800, s12  }
0x1a3: {  	[spmem:s3] =	stream.indirect.scatter.add.bf16 [tilespmem:s15], [sflag:$0x3], $0x10, s20, s17, $0xb8;
	[tilespmem:$0x1F000] =	vst v63  }
0x1a4: {  	_ =	swait.ge [sflag:s30], $0x800  }
0x1a5: {  	[sflag:s30] =	ssyncset.done $0x0  }
0x1a6: {  	[sflag:s30] =	ssyncadd.s32 $0xFFFFF800  }
0x1a7: {  	_ =	swait.ge [sflag:s6], $0x800  }
0x1a8: {  	[sflag:s6] =	ssyncset.done $0x0  }
0x1a9: {  	s20 =	sadd.s32 $0x100, s12;
	[sflag:s6] =	ssyncadd.s32 $0xFFFFF800  }
0x1aa: {  	[tilespmem:s15], [sflag:$0x1] =	stream.indirect.gather [hbm4b:s1+s17], $0x10, s20, s17, $0xb8;
	[tilespmem:$0x1F000] =	vst v63  }
.Ltmp8:
0x1ab: {  	_ = 	snop;
	(pc) =	sbr.rel @p1 .LBB2_7-.Ltmp8, $4  }
0x1ac: {  	s12 =	sadd.s32 $0x2880, s12  }
0x1ad: {  	[spmem:s3] =	stream.indirect.scatter.add.bf16 [tilespmem:s2], [sflag:$0x3], $0x10, s12, s17, $0xb8;
	[tilespmem:$0x1F000] =	vst v63  }
0x1ae: {  	_ =	swait.ge [sflag:s30], $0x800  }
0x1af: {  	[sflag:s30] =	ssyncset.done $0x0  }
0x1b0: {  	[sflag:s30] =	ssyncadd.s32 $0xFFFFF800  }
0x1b1: {  	_ =	swait.ge [sflag:s19], $0x800  }
0x1b2: {  	[sflag:s19] =	ssyncset.done $0x0  }
0x1b3: {  	[sflag:s19] =	ssyncadd.s32 $0xFFFFF800  }
0x1b4: {  	[tilespmem:s2], [sflag:$0x2] =	stream.indirect.gather [hbm4b:s1+s17], $0x10, s7, s17, $0xb8;
	[tilespmem:$0x1F000] =	vst v63  }
0x1b5: {  	_ = 	snop  }
0x1b6: {  	[spmem:s3] =	stream.indirect.scatter.add.bf16 [tilespmem:s15], [sflag:$0x3], $0x10, s8, s17, $0xb8;
	[tilespmem:$0x1F000] =	vst v63  }
0x1b7: {  	_ =	swait.ge [sflag:s30], $0x800  }
0x1b8: {  	[sflag:s30] =	ssyncset.done $0x0  }
0x1b9: {  	[sflag:s30] =	ssyncadd.s32 $0xFFFFF800  }
0x1ba: {  	_ =	swait.ge [sflag:s6], $0x800  }
0x1bb: {  	[sflag:s6] =	ssyncset.done $0x0  }
0x1bc: {  	[sflag:s6] =	ssyncadd.s32 $0xFFFFF800  }
0x1bd: {  	[spmem:s3] =	stream.indirect.scatter.add.bf16 [tilespmem:s2], [sflag:$0x3], $0x10, s9, s17, $0xb8;
	[tilespmem:$0x1F000] =	vst v63  }
0x1be: {  	_ =	swait.ge [sflag:s30], $0x800  }
0x1bf: {  	[sflag:s30] =	ssyncset.done $0x0  }
0x1c0: {  	s0 =	stileid.u32;
	[sflag:s30] =	ssyncadd.s32 $0xFFFFF800  }
0x1c1: {  	s0 =	sshll.u32 s0, $0x6;
	[bflag:$0x0] =	sbarrier.arrive $0xFFFF  }
0x1c2: {  	s12 =	sshrl.u32 s13, $0x3;
	s0 =	sor.u32 $0x1C03, s0;
	s5 =	rddreg [dreg:$0xb]  }
0x1c3: {  	[hbm:s5@s10], [sflag:s0] =	dma.strided [spmem:s12@s6], $0x2710, s19, $0x2   }
0x1c4: {  	_ =	swait.ge [sflag:s30], $0x2710  }
0x1c5: {  	[sflag:s30] =	ssyncset.done $0x0  }
0x1c6: {  	[sflag:s30] =	ssyncadd.s32 $0xFFFFD8F0  }
0x1c7: {  	[bflag:$0x0] =	sbarrier.arrive $0xFFFF  }
0x1c8: {  	[spmem:s21] =	stream.linear.scatter [tilespmem:s31], [sflag:$0x3], $0x2800, $0x38;
	[tilespmem:$0x1F000] =	vst v63  }
0x1c9: {  	_ =	swait.ge [sflag:s30], $0x2800  }
0x1ca: {  	[sflag:s30] =	ssyncset.done $0x0  }
0x1cb: {  	[sflag:s30] =	ssyncadd.s32 $0xFFFFD800  }
0x1cc: {  	[spmem:s22] =	stream.linear.scatter [tilespmem:s31], [sflag:$0x3], $0x2800, $0x38;
	[tilespmem:$0x1F000] =	vst v63  }
0x1cd: {  	_ =	swait.ge [sflag:s30], $0x2800  }
0x1ce: {  	[sflag:s30] =	ssyncset.done $0x0  }
0x1cf: {  	[sflag:s30] =	ssyncadd.s32 $0xFFFFD800  }
0x1d0: {  	[spmem:s23] =	stream.linear.scatter [tilespmem:s31], [sflag:$0x3], $0x2800, $0x38;
	[tilespmem:$0x1F000] =	vst v63  }
0x1d1: {  	_ =	swait.ge [sflag:s30], $0x2800  }
0x1d2: {  	[sflag:s30] =	ssyncset.done $0x0  }
0x1d3: {  	[sflag:s30] =	ssyncadd.s32 $0xFFFFD800  }
0x1d4: {  	[spmem:s24] =	stream.linear.scatter [tilespmem:s31], [sflag:$0x3], $0x2800, $0x38;
	[tilespmem:$0x1F000] =	vst v63  }
0x1d5: {  	_ =	swait.ge [sflag:s30], $0x2800  }
0x1d6: {  	[sflag:s30] =	ssyncset.done $0x0  }
0x1d7: {  	[sflag:s30] =	ssyncadd.s32 $0xFFFFD800  }
0x1d8: {  	[spmem:s25] =	stream.linear.scatter [tilespmem:s31], [sflag:$0x3], $0x2800, $0x38;
	[tilespmem:$0x1F000] =	vst v63  }
0x1d9: {  	_ =	swait.ge [sflag:s30], $0x2800  }
0x1da: {  	[sflag:s30] =	ssyncset.done $0x0  }
0x1db: {  	[sflag:s30] =	ssyncadd.s32 $0xFFFFD800  }
0x1dc: {  	[spmem:s26] =	stream.linear.scatter [tilespmem:s31], [sflag:$0x3], $0x2800, $0x38;
	[tilespmem:$0x1F000] =	vst v63  }
0x1dd: {  	_ =	swait.ge [sflag:s30], $0x2800  }
0x1de: {  	[sflag:s30] =	ssyncset.done $0x0  }
0x1df: {  	[sflag:s30] =	ssyncadd.s32 $0xFFFFD800  }
0x1e0: {  	[spmem:s28] =	stream.linear.scatter [tilespmem:s31], [sflag:$0x3], $0x2800, $0x38;
	[tilespmem:$0x1F000] =	vst v63  }
0x1e1: {  	_ =	swait.ge [sflag:s30], $0x2800  }
0x1e2: {  	[sflag:s30] =	ssyncset.done $0x0  }
0x1e3: {  	[sflag:s30] =	ssyncadd.s32 $0xFFFFD800  }
0x1e4: {  	[spmem:s29] =	stream.linear.scatter [tilespmem:s31], [sflag:$0x3], $0x2800, $0x38;
	[tilespmem:$0x1F000] =	vst v63  }
0x1e5: {  	_ =	swait.ge [sflag:s30], $0x2800  }
0x1e6: {  	[sflag:s30] =	ssyncset.done $0x0  }
0x1e7: {  	[sflag:s30] =	ssyncadd.s32 $0xFFFFD800  }
0x1e8: {  	s20 =	simm.s32 $0x0;
	[bflag:$0x0] =	sbarrier.arrive $0xFFFF  }
0x1e9: {  	[tilespmem:s15], [sflag:$0x1] =	stream.indirect.gather [hbm4b:s14+s17], $0x10, s20, s17, $0xb8;
	[tilespmem:$0x1F000] =	vst v63  }
0x1ea: {  	_ =	swait.ge [sflag:s19], $0x800  }
0x1eb: {  	[sflag:s19] =	ssyncset.done $0x0  }
0x1ec: {  	s5 =	simm.s32 $0x80;
	[sflag:s19] =	ssyncadd.s32 $0xFFFFF800  }
0x1ed: {  	[tilespmem:s2], [sflag:$0x2] =	stream.indirect.gather [hbm4b:s14+s17], $0x10, s5, s17, $0xb8;
	[tilespmem:$0x1F000] =	vst v63  }
0x1ee: {  	s20 =	simm.s32 $0x2800  }
0x1ef: {  	[spmem:s3] =	stream.indirect.scatter.add.bf16 [tilespmem:s15], [sflag:$0x3], $0x10, s20, s17, $0xb8;
	[tilespmem:$0x1F000] =	vst v63  }
0x1f0: {  	_ =	swait.ge [sflag:s30], $0x800  }
0x1f1: {  	[sflag:s30] =	ssyncset.done $0x0  }
0x1f2: {  	[sflag:s30] =	ssyncadd.s32 $0xFFFFF800  }
0x1f3: {  	_ =	swait.ge [sflag:s6], $0x800  }
0x1f4: {  	[sflag:s6] =	ssyncset.done $0x0  }
0x1f5: {  	s5 =	simm.s32 $0x100;
	[sflag:s6] =	ssyncadd.s32 $0xFFFFF800  }
0x1f6: {  	[tilespmem:s15], [sflag:$0x1] =	stream.indirect.gather [hbm4b:s14+s17], $0x10, s5, s17, $0xb8;
	[tilespmem:$0x1F000] =	vst v63  }
0x1f7: {  	s20 =	simm.s32 $0x2880  }
0x1f8: {  	[spmem:s3] =	stream.indirect.scatter.add.bf16 [tilespmem:s2], [sflag:$0x3], $0x10, s20, s17, $0xb8;
	[tilespmem:$0x1F000] =	vst v63  }
0x1f9: {  	_ =	swait.ge [sflag:s30], $0x800  }
0x1fa: {  	s12 =	simm.s32 $0x400;
	[sflag:s30] =	ssyncset.done $0x0  }
.LBB2_9:
0x1fb: {  	p1 =	sne.s32 s12, $0x9800  }
0x1fc: {  	[sflag:s30] =	ssyncadd.s32 $0xFFFFF800;
	s20 =	smov.u32 s12;
	s12 =	sadd.s32 $0x400, s12  }
0x1fd: {  	_ = 	snop  }
0x1fe: {  	_ =	swait.ge [sflag:s19], $0x800  }
0x1ff: {  	s20 =	sshra.s32 s20, $0x2;
	[sflag:s19] =	ssyncset.done $0x0  }
0x200: {  	s5 =	sadd.s32 $0x80, s20;
	[sflag:s19] =	ssyncadd.s32 $0xFFFFF800  }
0x201: {  	[tilespmem:s2], [sflag:$0x2] =	stream.indirect.gather [hbm4b:s14+s17], $0x10, s5, s17, $0xb8;
	[tilespmem:$0x1F000] =	vst v63  }
0x202: {  	s5 =	sadd.s32 $0x2800, s20  }
0x203: {  	[spmem:s3] =	stream.indirect.scatter.add.bf16 [tilespmem:s15], [sflag:$0x3], $0x10, s5, s17, $0xb8;
	[tilespmem:$0x1F000] =	vst v63  }
0x204: {  	_ =	swait.ge [sflag:s30], $0x800  }
0x205: {  	[sflag:s30] =	ssyncset.done $0x0  }
0x206: {  	[sflag:s30] =	ssyncadd.s32 $0xFFFFF800  }
0x207: {  	_ =	swait.ge [sflag:s6], $0x800  }
0x208: {  	[sflag:s6] =	ssyncset.done $0x0  }
0x209: {  	s5 =	sadd.s32 $0x100, s20;
	[sflag:s6] =	ssyncadd.s32 $0xFFFFF800  }
0x20a: {  	[tilespmem:s15], [sflag:$0x1] =	stream.indirect.gather [hbm4b:s14+s17], $0x10, s5, s17, $0xb8;
	[tilespmem:$0x1F000] =	vst v63  }
.Ltmp9:
0x20b: {  	_ = 	snop;
	(pc) =	sbr.rel @p1 .LBB2_9-.Ltmp9, $4  }
0x20c: {  	s5 =	sadd.s32 $0x2880, s20  }
0x20d: {  	[spmem:s3] =	stream.indirect.scatter.add.bf16 [tilespmem:s2], [sflag:$0x3], $0x10, s5, s17, $0xb8;
	[tilespmem:$0x1F000] =	vst v63  }
0x20e: {  	_ =	swait.ge [sflag:s30], $0x800  }
0x20f: {  	[sflag:s30] =	ssyncset.done $0x0  }
.Ltmp10:
0x210: {  	_ = 	snop;
	(pc) =	sbr.rel .LBB2_10-.Ltmp10, $1  }
0x211: {  	_ =	sdelay $0x3  }
.LBB2_17:
0x212: {  	_ =	sfence.sel $0x180000  }
0x213: {  	[bflag:$0x0] =	sbarrier.arrive $0xFFFF  }
0x214: {  	_ =	strace $0x9000004D  }
0x215: {  	s0 =	stileid.u32;
	[bflag:$0x2] =	sbarrier.arrive $0xFFFF  }
0x216: {  	p0 =	sne.s32 s0, $0x0;
	s0 =	rddreg [dreg:$0x3]  }
0x217: {  	s0 =	sadd.s32 @!p0 $0x100000, s0  }
0x218: {  	[sflag:s0] =	ssyncadd.tile.s32 @!p0 $0x1;
	_ =	shalt  }
.Lfunc_end2:
_tile_overlayer_lowered:
.L_overlay_start_2:
0x219: {  	(tag) =	ssettag $0x2  }
0x21a: {  	s0 =	rddreg [dreg:$0x0];
	s2 =	stileid.u32  }
0x21b: {  	s1 =	rddreg [dreg:$0x1];
	p0 =	sne.s32 s2, $0x0  }
0x21c: {  	s3 =	rddreg [dreg:$0x2];
	[bflag:$0x3] =	sbarrier.arrive $0xFFFF;
	s2 =	simm.s32 @!p0 $0x1C03  }
0x21d: {  	[timem:s3], [sflag:s2] =	dma.local @!p0 [hbm:s0], s1  }
0x21e: {  	s0 =	simm.s32 @!p0 $0x3  }
0x21f: {  	_ =	swait.ge @!p0 [sflag:s0], s1  }
0x220: {  	s1 =	ssub.s32 @!p0 $0x0, s1;
	[sflag:s0] =	ssyncset.done @!p0 $0x0  }
0x221: {  	[sflag:s0] =	ssyncadd.s32 @!p0 s1  }
0x222: {  	[bflag:$0x3] =	sbarrier.arrive $0xFFFF  }
0x223: {  	_ =	shalt  }

// kernel: kernel.7.cloned.1.call-start
scs
__scs_entry_jumppad:
0x0: {  	(pc) =	sbr.rel $0x88, $3  }
0x1: {  	(tag) =	ssettag $0x0;
	lr =	simm.s32 $0x1  }
0x2: {  	[smem:$0x3F98] =	sst lr;
	_ =	strace $0xD0000000  }
0x3: {  	_ = 	snop  }
0x4: {  	_ = 	snop  }
0x5: {  	_ = 	snop  }
0x6: {  	_ = 	snop  }
0x7: {  	_ = 	snop  }
__scs_overlays_trampoline_lowered:
0x8: {  	[smem:$0x3FA7] =	sst s0  }
0x9: {  	[smem:$0x3FA8] =	sst s1  }
0xa: {  	[smem:$0x3FA9] =	sst s2  }
0xb: {  	[smem:$0x3FAA] =	sst s3  }
0xc: {  	[smem:$0x3FAB] =	sst s4  }
0xd: {  	[smem:$0x3FAC] =	sst s5  }
0xe: {  	[smem:$0x3FAD] =	sst s6  }
0xf: {  	[smem:$0x3FAE] =	sst s7  }
0x10: {  	[smem:$0x3FAF] =	sst s8  }
0x11: {  	[smem:$0x3FB0] =	sst s9;
	s0 =	simm.s32 @!p0 $0x0  }
0x12: {  	s1 =	sld [smem:$0x3F96];
	s0 =	simm.s32 @p0 $0x1  }
0x13: {  	[smem:$0x3FB1] =	sst s0;
	s0 =	simm.s32 @!p1 $0x0  }
0x14: {  	s2 =	sld [smem:$0x3F95];
	s0 =	simm.s32 @p1 $0x1  }
0x15: {  	[smem:$0x3FB2] =	sst s0;
	s0 =	simm.s32 @!p2 $0x0  }
0x16: {  	s3 =	sld [smem:$0x3FDB];
	s0 =	simm.s32 @p2 $0x1  }
0x17: {  	s4 =	simm.s32 $0x1BF5;
	[smem:$0x3FB4] =	sst s0  }
0x18: {  	s0 =	sld [smem:$0x3F97];
	_ =	swait.ge [sflag:s4], $0x0  }
0x19: {  	s7 =	sld [smem:$0x3F98]  }
0x1a: {  	s8 =	sadd.s32 $0xFFFFE003, lr  }
0x1b: {  	s9 =	sadd.s32 $0xFFFFFEF7, lr;
	s5 =	simm.s32 $0xFFFFFFFF;
	p2 =	slt.u32 s8, $0xFFFFF086  }
0x1c: {  	p1 =	slt.u32 s9, $0xF7A;
	s5 =	simm.s32 @!p2 $0x0  }
0x1d: {  	s5 =	simm.s32 @p1 $0x1;
	p0 =	seq.s32 s7, s2  }
0x1e: {  	s7 =	smul.u32 @!p0 $0xF7A, s2;
	p2 =	seq.s32 @!p0 s5, $0x0  }
0x1f: {  	s9 =	smul.u32 $0xF7A, s1;
	s8 =	simm.s32 @!p0 $0x1BF5;
	p2 =	por !p2, p0  }
0x20: {  	[sflag:s8] =	ssyncset.s32 @!p0 $0xFFFFF086;
	s6 =	sadd.s32 @!p0 s3, s7;
	s7 =	simm.s32 @!p0 $0x108  }
0x21: {  	s3 =	sadd.s32 s3, s9;
	s6 =	sadd.s32 @!p0 $0x88, s6;
	s7 =	simm.s32 @p2 $0x1082  }
0x22: {  	[simem:s7], [sflag:s8] =	dma.local @!p0 [hbm:s6], $0xF7A  }
0x23: {  	s9 =	sor.u32 $0xD0000000, s2;
	s6 =	simm.s32 $0x108;
	_ =	swait.ge @!p0 [sflag:s8], $0x0  }
0x24: {  	s3 =	sadd.s32 $0x88, s3;
	s6 =	simm.s32 @!p1 $0x1082;
	[sflag:s4] =	ssyncset.s32 $0xFFFFF086  }
0x25: {  	[simem:s6], [sflag:s4] =	dma.local [hbm:s3], $0xF7A  }
0x26: {  	[smem:$0x3F98] =	sst s1;
	(tag) =	ssettag s2;
	_ =	strace s9  }
0x27: {  	s1 =	sld [smem:$0x3FA8]  }
0x28: {  	s2 =	sld [smem:$0x3FA9]  }
0x29: {  	s4 =	sld [smem:$0x3FAB]  }
0x2a: {  	p0 =	seq.s32 s5, $0x0;
	s5 =	sld [smem:$0x3FAC]  }
0x2b: {  	s6 =	sld [smem:$0x3FAD]  }
0x2c: {  	s7 =	sld [smem:$0x3FAE]  }
0x2d: {  	s3 =	simm.s32 $0x108;
	s8 =	sld [smem:$0x3FAF]  }
0x2e: {  	s3 =	simm.s32 @!p0 $0x1082;
	s9 =	sld [smem:$0x3FB0]  }
0x2f: {  	lr =	sadd.s32 s0, s3;
	s0 =	sld [smem:$0x3FA7]  }
0x30: {  	s3 =	sld [smem:$0x3FAA]  }
0x31: {  	[smem:$0x3FB3] =	sst s10  }
0x32: {  	s10 =	sld [smem:$0x3FB1];
	_ =	sdelay $0x3  }
0x33: {  	p0 =	seq.s32 s10, $0x1;
	s10 =	sld [smem:$0x3FB3];
	_ =	sdelay $0x3  }
0x34: {  	[smem:$0x3FB3] =	sst s10  }
0x35: {  	s10 =	sld [smem:$0x3FB2];
	_ =	sdelay $0x3  }
0x36: {  	p1 =	seq.s32 s10, $0x1;
	s10 =	sld [smem:$0x3FB3];
	_ =	sdelay $0x3  }
0x37: {  	[smem:$0x3FB3] =	sst s10  }
0x38: {  	s10 =	sld [smem:$0x3FB4]  }
0x39: {  	_ = 	snop;
	(pc) =	sbr.ind lr, $3  }
0x3a: {  	_ = 	snop  }
0x3b: {  	_ = 	snop  }
0x3c: {  	p2 =	seq.s32 s10, $0x1;
	s10 =	sld [smem:$0x3FB3]  }
0x3d: {  	_ =	shalt  }
0x3e: {  	_ =	shalt  }
0x3f: {  	_ =	shalt  }
0x40: {  	_ =	shalt  }
0x41: {  	_ =	shalt  }
0x42: {  	_ =	shalt  }
0x43: {  	_ =	shalt  }
0x44: {  	_ =	shalt  }
0x45: {  	_ =	shalt  }
0x46: {  	_ =	shalt  }
0x47: {  	_ =	shalt  }
0x48: {  	_ =	shalt  }
0x49: {  	_ =	shalt  }
0x4a: {  	_ =	shalt  }
0x4b: {  	_ =	shalt  }
0x4c: {  	_ =	shalt  }
0x4d: {  	_ =	shalt  }
0x4e: {  	_ =	shalt  }
0x4f: {  	_ =	shalt  }
0x50: {  	_ =	shalt  }
0x51: {  	_ =	shalt  }
0x52: {  	_ =	shalt  }
0x53: {  	_ =	shalt  }
0x54: {  	_ =	shalt  }
0x55: {  	_ =	shalt  }
0x56: {  	_ =	shalt  }
0x57: {  	_ =	shalt  }
0x58: {  	_ =	shalt  }
0x59: {  	_ =	shalt  }
0x5a: {  	_ =	shalt  }
0x5b: {  	_ =	shalt  }
0x5c: {  	_ =	shalt  }
0x5d: {  	_ =	shalt  }
0x5e: {  	_ =	shalt  }
0x5f: {  	_ =	shalt  }
0x60: {  	_ =	shalt  }
0x61: {  	_ =	shalt  }
0x62: {  	_ =	shalt  }
0x63: {  	_ =	shalt  }
0x64: {  	_ =	shalt  }
0x65: {  	_ =	shalt  }
0x66: {  	_ =	shalt  }
0x67: {  	_ =	shalt  }
0x68: {  	_ =	shalt  }
0x69: {  	_ =	shalt  }
0x6a: {  	_ =	shalt  }
0x6b: {  	_ =	shalt  }
0x6c: {  	_ =	shalt  }
0x6d: {  	_ =	shalt  }
0x6e: {  	_ =	shalt  }
0x6f: {  	_ =	shalt  }
0x70: {  	_ =	shalt  }
0x71: {  	_ =	shalt  }
0x72: {  	_ =	shalt  }
0x73: {  	_ =	shalt  }
0x74: {  	_ =	shalt  }
0x75: {  	_ =	shalt  }
0x76: {  	_ =	shalt  }
0x77: {  	_ =	shalt  }
0x78: {  	_ =	shalt  }
0x79: {  	_ =	shalt  }
0x7a: {  	_ =	shalt  }
0x7b: {  	_ =	shalt  }
0x7c: {  	_ =	shalt  }
0x7d: {  	_ =	shalt  }
0x7e: {  	_ =	shalt  }
0x7f: {  	_ =	shalt  }
0x80: {  	_ =	shalt  }
0x81: {  	_ =	shalt  }
0x82: {  	_ =	shalt  }
0x83: {  	_ =	shalt  }
0x84: {  	_ =	shalt  }
0x85: {  	_ =	shalt  }
0x86: {  	_ =	shalt  }
0x87: {  	_ =	shalt  }
.Lfunc_end0:
.L_simem_size_0:
called_computation_lowered:
.L_overlay_start_0:
0x88: {  	s2 =	sld [smem:$0x3FD9]  }
0x89: {  	s3 =	sld [smem:$0x3FFE];
	_ =	sdelay $0x1  }
0x8a: {  	s1 =	srdreg.scid  }
0x8b: {  	s0 =	sand.u32 $0x1, s1  }
0x8c: {  	s17 =	sshll.u32 s0, $0xA;
	s2 =	sadd.s32 s3, s2  }
0x8d: {  	s2 =	sadd.s32 s2, s17  }
0x8e: {  	[smem:$0x3FBF] =	sst s2  }
0x8f: {  	_ = 	snop  }
0x90: {  	(tm) =	ssettm $0x1  }
0x91: {  	s18 =	sld [smem:$0x3FFB];
	_ =	sdelay $0x3  }
0x92: {  	_ =	strace s18  }
0x93: {  	s2 =	sld [smem:$0x3FFC];
	_ =	sdelay $0x3  }
0x94: {  	_ =	strace s2  }
0x95: {  	s2 =	sld [smem:$0x3FFD];
	_ =	sdelay $0x3  }
0x96: {  	_ =	strace s2  }
0x97: {  	_ =	strace $0x8FFFFFFF  }
0x98: {  	s19 =	sld [smem:$0x3FDB];
	_ =	sdelay $0x1  }
0x99: {  	s20 =	simm.s32 $_scs_section_size  }
0x9a: {  	s4 =	simm.s32 $_size__tile_overlayer_lowered;
	s5 =	simm.s32 $_tile_overlayer_lowered  }
0x9b: {  	s6 =	simm.s32 $0x1BFF;
	s21 =	sshll.u32 s5, $0x1;
	s3 =	sadd.s32 s20, s19  }
0x9c: {  	s22 =	simm.s32 $0x0;
	s4 =	sshll.u32 s4, $0x1;
	s5 =	sadd.s32 s21, s3  }
0x9d: {  	[timem:s22], [sflag:s6] =	dma.local [hbm:s5], s4  }
0x9e: {  	_ =	swait.ge [sflag:s6], s4  }
0x9f: {  	s4 =	ssub.s32 $0x0, s4;
	[sflag:s6] =	ssyncset.done $0x0  }
0xa0: {  	[sflag:s6] =	ssyncadd.s32 s4;
	_ =	sdelay $0x1  }
0xa1: {  	s23 =	simm.s32 $0x1B8B  }
0xa2: {  	_ =	swait.ge [sflag:s23], $0x1  }
0xa3: {  	[sflag:s23] =	ssyncset.done $0x0  }
0xa4: {  	[sflag:s23] =	ssyncadd.s32 $0xFFFFFFFF  }
0xa5: {  	s4 =	sld [smem:$0x0]  }
0xa6: {  	s5 =	sand.u32 $0xFFFFFFFE, s1  }
0xa7: {  	p0 =	sne.s32 s1, s5  }
0xa8: {  	s5 =	sshll.u32 @p0 s5, $0xE  }
0xa9: {  	s5 =	sadd.s32 @p0 $0x11B8D, s5;
	s6 =	sshll.u32 @p0 s4, $0x11  }
0xaa: {  	s5 =	sor.u32 @p0 s6, s5  }
0xab: {  	[sflag:s5] =	ssyncadd.remote.s32 @p0 $0x1;
	_ =	sdelay $0x1  }
0xac: {  	s5 =	simm.s32 @p0 $0x1B8D  }
0xad: {  	_ =	swait.eq @p0 [sflag:s5], $0x1  }
0xae: {  	[sflag:s5] =	ssyncadd.s32 @p0 $0xFFFFFFFF  }
0xaf: {  	s6 =	sshll.u32 @!p0 s1, $0xE  }
0xb0: {  	s6 =	sor.u32 @!p0 $0x4000, s6;
	s5 =	simm.s32 @!p0 $0x1B8D  }
0xb1: {  	s4 =	sshll.u32 @!p0 s4, $0x11;
	s6 =	sadd.s32 @!p0 $0x11B8D, s6;
	_ =	swait.eq @!p0 [sflag:s5], $0x1  }
0xb2: {  	s4 =	sor.u32 @!p0 s4, s6;
	[sflag:s5] =	ssyncadd.s32 @!p0 $0xFFFFFFFF  }
0xb3: {  	s25 =	simm.s32 $0x1B8E;
	s24 =	sld [smem:$0x3FFE];
	[sflag:s4] =	ssyncadd.remote.s32 @!p0 $0x1  }
0xb4: {  	s26 =	simm.s32 $execute0_lowered;
	[smem:$0x3FD2] =	sst s25  }
0xb5: {  	s5 =	sshll.u32 s26, $0x1;
	_ =	strace $0x80000049;
	[dreg:$0x1] =	wrdreg $0xFFFFFFFF  }
0xb6: {  	s28 =	simm.s32 $_size_execute0_lowered;
	s3 =	sadd.s32 s3, s5;
	[dreg:$0x0] =	wrdreg $0x0  }
0xb7: {  	s5 =	sshll.u32 s28, $0x1;
	[dreg:$0x2] =	wrdreg s3  }
0xb8: {  	[dreg:$0x3] =	wrdreg s5  }
0xb9: {  	[dreg:$0x4] =	wrdreg $0xC0  }
0xba: {  	_ =	task [dreg:s22], $0x5FFFF  }
0xbb: {  	[dreg:$0x1] =	wrdreg $0xFFFFFFFF  }
0xbc: {  	[dreg:$0x0] =	wrdreg $0x60  }
0xbd: {  	[dreg:$0x2] =	wrdreg s24  }
0xbe: {  	[dreg:$0x3] =	wrdreg $0x80000  }
0xbf: {  	[dreg:$0x4] =	wrdreg $0x9  }
0xc0: {  	_ =	task.clear_ibuf [dreg:s22], $0x5FFFF;
	_ =	strace $0x90000049  }
0xc1: {  	s29 =	simm.s32 $0x9;
	_ =	strace $0x8000004B  }
0xc2: {  	_ =	swait.ge [sflag:s29], $0x1  }
0xc3: {  	[sflag:s29] =	ssyncadd.s32 $0xFFFFFFFF  }
0xc4: {  	_ =	strace $0x9000004B  }
0xc5: {  	_ =	sfence  }
0xc6: {  	s30 =	sld [smem:$0x0];
	_ =	sdelay $0x2  }
0xc7: {  	s31 =	sshll.u32 s1, $0xD;
	s1 =	sshrl.u32 s1, $0x2  }
0xc8: {  	s4 =	sand.u32 $0x4000, s31;
	s1 =	sadd.s32 s1, s30  }
0xc9: {  	s0 =	sor.u32 s4, s0;
	s1 =	sshll.u32 s1, $0x11  }
0xca: {  	s0 =	sor.u32 s1, s0  }
0xcb: {  	s0 =	sadd.s32 $0x8F2B, s0  }
0xcc: {  	[sflag:s0] =	ssyncadd.remote.s32 $0x1  }
0xcd: {  	_ =	sfence.sel $0xFFFF  }
0xce: {  	[dreg:$0x0] =	wrdreg $0xFFFFFFFF;
	(pc) =	sbr.abs _section_cstart, $3  }
0xcf: {  	[dreg:$0x1] =	wrdreg $0xFFFFFFFF  }
0xd0: {  	_ =	task.clear_ibuf [dreg:s22], $0x2FFFF;
	_ =	strace $0x9FFFFFFF  }
0xd1: {  	(tm) =	ssettm $0x7FFFFFFF  }
tec
execute0_lowered:
.L_overlay_start_1:
0x0: {  	(tag) =	ssettag $0x1  }
0x1: {  	s0 =	rddreg [dreg:$0x0];
	s3 =	srdreg.scid  }
0x2: {  	s2 =	rddreg [dreg:$0x1];
	s1 =	stileid.u32  }
0x3: {  	s21 =	simm.s32 $0x5800;
	s22 =	simm.s32 $0x1;
	s23 =	simm.s32 $0x5000  }
0x4: {  	s24 =	simm.s32 $0x2800;
	s28 =	simm.s32 $0x80;
	s7 =	smul.u32 $0x2800, s1  }
0x5: {  	s29 =	simm.s32 $0x0;
	s17 =	sand.u32 $0x1, s3;
	s11 =	smul.u32 $0x4E200, s1  }
0x6: {  	s5 =	sshrl.u32 s1, $0x1;
	s3 =	simm.s32 $0x0;
	s13 =	smul.u32 $0x50000, s1  }
0x7: {  	s6 =	sand.u32 $0x1, s1;
	s8 =	sadd.s32 $0x2000, s0;
	s4 =	smul.u32 $0x138800, s17  }
0x8: {  	s9 =	sadd.s32 $0xC000, s0;
	s5 =	smul.u32 $0x27100, s5;
	[smem:$0x7FF] =	sst s3  }
0x9: {  	p0 =	seq.s32 s6, $0x1;
	s6 =	simm.s32 $0x13880;
	s26 =	ssub.s32 $0x2, s17  }
0xa: {  	s20 =	smul.u32 $0x5000, s17;
	_ =	strace $0x8000004A;
	s6 =	simm.s32 @!p0 $0x0  }
0xb: {  	s10 =	sshrl.u32 s26, $0x1;
	s7 =	sshrl.u32 s7, $0x3;
	s11 =	sshrl.u32 s11, $0x2  }
0xc: {  	s13 =	sshrl.u32 s13, $0x2;
	s4 =	sadd.s32 s4, s5;
	s12 =	ssub.s32 s26, s10  }
0xd: {  	s30 =	sadd.s32 $0x280, s7;
	s31 =	sadd.s32 s11, s2;
	s11 =	sadd.s32 s13, s2  }
0xe: {  	s20 =	sshrl.u32 s20, $0x2;
	s26 =	simm.s32 $0x3C00;
	s5 =	sadd.s32 s6, s4  }
0xf: {  	s4 =	sadd.s32 $0xAD600, s0;
	s12 =	smax.u32 s12, $0x1;
	s13 =	sadd.s32 $0x2800, s11  }
0x10: {  	s14 =	sadd.s32 $0x5000, s11;
	s15 =	sadd.s32 $0x7800, s11;
	s16 =	sadd.s32 $0xA000, s11  }
0x11: {  	s17 =	sadd.s32 $0xC800, s11;
	s18 =	sadd.s32 $0xF000, s11;
	s19 =	sadd.s32 $0x11800, s11  }
0x12: {  	s25 =	sshrl.u32 s31, $0x3;
	s6 =	sshrl.u32 s5, $0x3;
	s5 =	sadd.s32 $0xAD400, s0  }
0x13: {  	s0 =	sadd.s32 s6, s0;
	s6 =	sadd.s32 s8, s7;
	s7 =	sadd.s32 s9, s7  }
0x14: {  	s8 =	sadd.s32 s8, s30;
	s9 =	sadd.s32 s9, s30;
	s10 =	sadd.s32 $0xADC00, s0  }
.LBB2_1:
0x15: {  	[tilespmem:s21], [sflag:$0x1] =	stream.linear.gather [hbm4b:s4+s3], $0x2800, $0x38;
	[tilespmem:$0x1C000] =	vst v63  }
0x16: {  	_ =	swait.ge [sflag:s22], $0x2800  }
0x17: {  	[sflag:s22] =	ssyncset.done $0x0  }
0x18: {  	[sflag:s22] =	ssyncadd.s32 $0xFFFFD800  }
0x19: {  	[tilespmem:s23], [sflag:$0x1] =	stream.linear.gather [hbm4b:s5+s3], $0x800, $0x38;
	[tilespmem:$0x1C000] =	vst v63  }
0x1a: {  	_ =	swait.ge [sflag:s22], $0x800  }
0x1b: {  	[sflag:s22] =	ssyncset.done $0x0  }
0x1c: {  	[sflag:s22] =	ssyncadd.s32 $0xFFFFF800  }
0x1d: {  	[tilespmem:s24], [sflag:$0x1] =	stream.linear.gather [hbm4b:s6+s3], $0x1400, $0x38;
	[tilespmem:$0x1C000] =	vst v63  }
0x1e: {  	_ =	swait.ge [sflag:s22], $0x1400  }
0x1f: {  	[sflag:s22] =	ssyncset.done $0x0  }
0x20: {  	[sflag:s22] =	ssyncadd.s32 $0xFFFFEC00  }
0x21: {  	[tilespmem:s26], [sflag:$0x1] =	stream.linear.gather [hbm4b:s7+s3], $0x1400, $0x38;
	[tilespmem:$0x1C000] =	vst v63  }
0x22: {  	_ =	swait.ge [sflag:s22], $0x1400  }
0x23: {  	[sflag:s22] =	ssyncset.done $0x0  }
0x24: {  	s30 =	simm.s32 $0x0;
	[sflag:s22] =	ssyncadd.s32 $0xFFFFEC00  }
0x25: {  	v0 =	vld [tilespmem:s30+$0x3C70]  }
0x26: {  	v1 =	vld [tilespmem:s30+$0x3C00]  }
0x27: {  	v2 =	vld [tilespmem:s30+$0x2870]  }
0x28: {  	v3 =	vld [tilespmem:s30+$0x3C10]  }
0x29: {  	v4 =	vld [tilespmem:s30+$0x3C20]  }
0x2a: {  	v6 =	vld [tilespmem:s30+$0x3C30]  }
0x2b: {  	v9 =	vld [tilespmem:s30+$0x3C40];
	v0 =	vmul.u32 $0x2710, v0  }
0x2c: {  	v10 =	vld [tilespmem:s30+$0x3C50]  }
0x2d: {  	v11 =	vld [tilespmem:s30+$0x3C60];
	v0 =	vadd.s32 v2, v0  }
0x2e: {  	[tilespmem:s30+$0x70] =	vst v0;
	v0 =	vld [tilespmem:s30+$0x2800]  }
0x2f: {  	v12 =	vld [tilespmem:s30+$0x2810]  }
0x30: {  	v7 =	vld [tilespmem:s30+$0x2820]  }
0x31: {  	v5 =	vld [tilespmem:s30+$0x2830];
	v1 =	vmul.u32 $0x2710, v1  }
0x32: {  	v13 =	vmul.u32 $0x2710, v3;
	v8 =	vmul.u32 $0x2710, v4;
	v2 =	vld [tilespmem:s30+$0x2840]  }
0x33: {  	v3 =	vld [tilespmem:s30+$0x2850];
	v6 =	vmul.u32 $0x2710, v6;
	v4 =	vmul.u32 $0x2710, v9;
	v0 =	vadd.s32 v0, v1  }
0x34: {  	s31 =	simm.s32 $0x80;
	s0 =	simm.s32 $0x400;
	v9 =	vld [tilespmem:s30+$0x2860];
	v1 =	vmul.u32 $0x2710, v10;
	v10 =	vadd.s32 v12, v13;
	[tilespmem:s30+$0x0] =	vst v0;
	v0 =	vmul.u32 $0x2710, v11  }
.LBB2_2:
0x35: {  	p0 =	sne.s32 s0, $0x4E00;
	v11 =	vld [tilespmem:s31+$0x3C70];
	[tilespmem:s30+$0x10] =	vst v10;
	v7 =	vadd.s32 v7, v8  }
0x36: {  	v8 =	vld [tilespmem:s31+$0x3C00];
	[tilespmem:s30+$0x20] =	vst v7;
	v5 =	vadd.s32 v5, v6  }
0x37: {  	v6 =	vld [tilespmem:s31+$0x2870];
	[tilespmem:s30+$0x30] =	vst v5;
	v2 =	vadd.s32 v2, v4  }
0x38: {  	v4 =	vld [tilespmem:s31+$0x3C10];
	[tilespmem:s30+$0x40] =	vst v2;
	v1 =	vadd.s32 v3, v1  }
0x39: {  	v2 =	vld [tilespmem:s31+$0x3C20];
	[tilespmem:s30+$0x50] =	vst v1;
	v0 =	vadd.s32 v9, v0  }
0x3a: {  	v1 =	vld [tilespmem:s31+$0x3C30];
	v3 =	vmul.u32 $0x2710, v11;
	[tilespmem:s30+$0x60] =	vst v0;
	s30 =	smov.u32 s31  }
0x3b: {  	v9 =	vmul.u32 $0x2710, v8;
	v0 =	vld [tilespmem:s30+$0x3C40]  }
0x3c: {  	v10 =	vld [tilespmem:s30+$0x3C50];
	v3 =	vadd.s32 v6, v3  }
0x3d: {  	v11 =	vmul.u32 $0x2710, v4;
	v12 =	vld [tilespmem:s30+$0x3C60];
	[tilespmem:s30+$0x70] =	vst v3  }
0x3e: {  	v3 =	vld [tilespmem:s30+$0x2800];
	v8 =	vmul.u32 $0x2710, v2  }
0x3f: {  	v13 =	vld [tilespmem:s30+$0x2810];
	v6 =	vmul.u32 $0x2710, v1  }
.Ltmp0:
0x40: {  	v7 =	vld [tilespmem:s30+$0x2820];
	v4 =	vmul.u32 $0x2710, v0;
	(pc) =	sbr.rel @p0 .LBB2_2-.Ltmp0, $4  }
0x41: {  	v5 =	vld [tilespmem:s30+$0x2830];
	v1 =	vmul.u32 $0x2710, v10  }
0x42: {  	v2 =	vld [tilespmem:s30+$0x2840];
	v0 =	vmul.u32 $0x2710, v12  }
0x43: {  	v9 =	vadd.s32 v3, v9;
	v3 =	vld [tilespmem:s30+$0x2850]  }
0x44: {  	s31 =	sshra.s32 s0, $0x2;
	s0 =	sadd.s32 $0x200, s0;
	[tilespmem:s30+$0x0] =	vst v9;
	v10 =	vadd.s32 v13, v11;
	v9 =	vld [tilespmem:s30+$0x2860]  }
0x45: {  	v11 =	vld [tilespmem:s31+$0x3C70];
	[tilespmem:s30+$0x10] =	vst v10;
	v7 =	vadd.s32 v7, v8  }
0x46: {  	v8 =	vld [tilespmem:s31+$0x3C00];
	[tilespmem:s30+$0x20] =	vst v7;
	v5 =	vadd.s32 v5, v6  }
0x47: {  	v6 =	vld [tilespmem:s31+$0x2870];
	[tilespmem:s30+$0x30] =	vst v5;
	v2 =	vadd.s32 v2, v4  }
0x48: {  	v4 =	vld [tilespmem:s31+$0x3C10];
	[tilespmem:s30+$0x40] =	vst v2;
	v1 =	vadd.s32 v3, v1  }
0x49: {  	v2 =	vld [tilespmem:s31+$0x3C20];
	[tilespmem:s30+$0x50] =	vst v1;
	v0 =	vadd.s32 v9, v0  }
0x4a: {  	v1 =	vld [tilespmem:s31+$0x3C30];
	[tilespmem:s30+$0x60] =	vst v0  }
0x4b: {  	v0 =	vmul.u32 $0x2710, v11;
	v3 =	vld [tilespmem:s31+$0x3C40]  }
0x4c: {  	v5 =	vld [tilespmem:s31+$0x3C50]  }
0x4d: {  	v7 =	vld [tilespmem:s31+$0x2810];
	v0 =	vadd.s32 v6, v0  }
0x4e: {  	[tilespmem:s31+$0x70] =	vst v0;
	v0 =	vld [tilespmem:s31+$0x2800]  }
0x4f: {  	v9 =	vld [tilespmem:s31+$0x2820]  }
0x50: {  	v10 =	vld [tilespmem:s31+$0x2830]  }
0x51: {  	v8 =	vmul.u32 $0x2710, v8;
	v11 =	vld [tilespmem:s31+$0x2840]  }
0x52: {  	v6 =	vld [tilespmem:s31+$0x3C60];
	v4 =	vmul.u32 $0x2710, v4  }
0x53: {  	v2 =	vmul.u32 $0x2710, v2;
	v0 =	vadd.s32 v0, v8;
	v8 =	vld [tilespmem:s31+$0x2850]  }
0x54: {  	[tilespmem:s31+$0x0] =	vst v0;
	v0 =	vmul.u32 $0x2710, v1;
	v1 =	vadd.s32 v7, v4;
	v4 =	vld [tilespmem:s31+$0x2860]  }
0x55: {  	v3 =	vmul.u32 $0x2710, v3;
	[tilespmem:s31+$0x10] =	vst v1;
	v1 =	vadd.s32 v9, v2  }
0x56: {  	v2 =	vmul.u32 $0x2710, v5;
	[tilespmem:s31+$0x20] =	vst v1;
	v0 =	vadd.s32 v10, v0  }
0x57: {  	v1 =	vmul.u32 $0x2710, v6;
	[tilespmem:s31+$0x30] =	vst v0;
	v0 =	vadd.s32 v11, v3  }
0x58: {  	[tilespmem:s31+$0x40] =	vst v0;
	v0 =	vadd.s32 v8, v2  }
0x59: {  	[tilespmem:s31+$0x50] =	vst v0;
	v0 =	vadd.s32 v4, v1  }
0x5a: {  	s0 =	simm.s32 $0x0;
	[tilespmem:s31+$0x60] =	vst v0  }
0x5b: {  	[tilespmem:s24], [sflag:$0x1] =	stream.linear.gather [hbm4b:s8+s0], $0x1400, $0x38;
	[tilespmem:$0x1C000] =	vst v63  }
0x5c: {  	_ =	swait.ge [sflag:s22], $0x1400  }
0x5d: {  	[sflag:s22] =	ssyncset.done $0x0  }
0x5e: {  	[sflag:s22] =	ssyncadd.s32 $0xFFFFEC00  }
0x5f: {  	[tilespmem:s26], [sflag:$0x1] =	stream.linear.gather [hbm4b:s9+s0], $0x1400, $0x38;
	[tilespmem:$0x1C000] =	vst v63  }
0x60: {  	_ =	swait.ge [sflag:s22], $0x1400  }
0x61: {  	[sflag:s22] =	ssyncset.done $0x0  }
0x62: {  	s30 =	simm.s32 $0x0;
	[sflag:s22] =	ssyncadd.s32 $0xFFFFEC00  }
0x63: {  	v0 =	vld [tilespmem:s30+$0x3C70]  }
0x64: {  	v1 =	vld [tilespmem:s30+$0x3C00]  }
0x65: {  	v2 =	vld [tilespmem:s30+$0x2870]  }
0x66: {  	v3 =	vld [tilespmem:s30+$0x3C10]  }
0x67: {  	v4 =	vld [tilespmem:s30+$0x3C20]  }
0x68: {  	v6 =	vld [tilespmem:s30+$0x3C30]  }
0x69: {  	v9 =	vld [tilespmem:s30+$0x3C40];
	v0 =	vmul.u32 $0x2710, v0  }
0x6a: {  	v10 =	vld [tilespmem:s30+$0x3C50]  }
0x6b: {  	v11 =	vld [tilespmem:s30+$0x3C60];
	v0 =	vadd.s32 v2, v0  }
0x6c: {  	[tilespmem:s30+$0x1470] =	vst v0;
	v0 =	vld [tilespmem:s30+$0x2800]  }
0x6d: {  	v12 =	vld [tilespmem:s30+$0x2810]  }
0x6e: {  	v7 =	vld [tilespmem:s30+$0x2820]  }
0x6f: {  	v5 =	vld [tilespmem:s30+$0x2830];
	v1 =	vmul.u32 $0x2710, v1  }
0x70: {  	v13 =	vmul.u32 $0x2710, v3;
	v8 =	vmul.u32 $0x2710, v4;
	v2 =	vld [tilespmem:s30+$0x2840]  }
0x71: {  	v3 =	vld [tilespmem:s30+$0x2850];
	v6 =	vmul.u32 $0x2710, v6;
	v4 =	vmul.u32 $0x2710, v9;
	v0 =	vadd.s32 v0, v1  }
0x72: {  	s31 =	simm.s32 $0x80;
	s0 =	simm.s32 $0x400;
	v9 =	vld [tilespmem:s30+$0x2860];
	v1 =	vmul.u32 $0x2710, v10;
	v10 =	vadd.s32 v12, v13;
	[tilespmem:s30+$0x1400] =	vst v0;
	v0 =	vmul.u32 $0x2710, v11  }
.LBB2_4:
0x73: {  	p0 =	sne.s32 s0, $0x4E00;
	v11 =	vld [tilespmem:s31+$0x3C70];
	[tilespmem:s30+$0x1410] =	vst v10;
	v7 =	vadd.s32 v7, v8  }
0x74: {  	v8 =	vld [tilespmem:s31+$0x3C00];
	[tilespmem:s30+$0x1420] =	vst v7;
	v5 =	vadd.s32 v5, v6  }
0x75: {  	v6 =	vld [tilespmem:s31+$0x2870];
	[tilespmem:s30+$0x1430] =	vst v5;
	v2 =	vadd.s32 v2, v4  }
0x76: {  	v4 =	vld [tilespmem:s31+$0x3C10];
	[tilespmem:s30+$0x1440] =	vst v2;
	v1 =	vadd.s32 v3, v1  }
0x77: {  	v2 =	vld [tilespmem:s31+$0x3C20];
	[tilespmem:s30+$0x1450] =	vst v1;
	v0 =	vadd.s32 v9, v0  }
0x78: {  	v1 =	vld [tilespmem:s31+$0x3C30];
	v3 =	vmul.u32 $0x2710, v11;
	[tilespmem:s30+$0x1460] =	vst v0;
	s30 =	smov.u32 s31  }
0x79: {  	v9 =	vmul.u32 $0x2710, v8;
	v0 =	vld [tilespmem:s30+$0x3C40]  }
0x7a: {  	v10 =	vld [tilespmem:s30+$0x3C50];
	v3 =	vadd.s32 v6, v3  }
0x7b: {  	v11 =	vmul.u32 $0x2710, v4;
	v12 =	vld [tilespmem:s30+$0x3C60];
	[tilespmem:s30+$0x1470] =	vst v3  }
0x7c: {  	v3 =	vld [tilespmem:s30+$0x2800];
	v8 =	vmul.u32 $0x2710, v2  }
0x7d: {  	v13 =	vld [tilespmem:s30+$0x2810];
	v6 =	vmul.u32 $0x2710, v1  }
.Ltmp1:
0x7e: {  	v7 =	vld [tilespmem:s30+$0x2820];
	v4 =	vmul.u32 $0x2710, v0;
	(pc) =	sbr.rel @p0 .LBB2_4-.Ltmp1, $4  }
0x7f: {  	v5 =	vld [tilespmem:s30+$0x2830];
	v1 =	vmul.u32 $0x2710, v10  }
0x80: {  	v2 =	vld [tilespmem:s30+$0x2840];
	v0 =	vmul.u32 $0x2710, v12  }
0x81: {  	v9 =	vadd.s32 v3, v9;
	v3 =	vld [tilespmem:s30+$0x2850]  }
0x82: {  	s31 =	sshra.s32 s0, $0x2;
	s0 =	sadd.s32 $0x200, s0;
	[tilespmem:s30+$0x1400] =	vst v9;
	v10 =	vadd.s32 v13, v11;
	v9 =	vld [tilespmem:s30+$0x2860]  }
0x83: {  	v11 =	vld [tilespmem:s31+$0x3C70];
	[tilespmem:s30+$0x1410] =	vst v10;
	v7 =	vadd.s32 v7, v8  }
0x84: {  	v45 =	vld [tilespmem:s31+$0x3C00];
	[tilespmem:s30+$0x1420] =	vst v7;
	v5 =	vadd.s32 v5, v6  }
0x85: {  	v46 =	vld [tilespmem:s31+$0x2870];
	[tilespmem:s30+$0x1430] =	vst v5;
	v2 =	vadd.s32 v2, v4  }
0x86: {  	v47 =	vld [tilespmem:s31+$0x3C10];
	[tilespmem:s30+$0x1440] =	vst v2;
	v1 =	vadd.s32 v3, v1  }
0x87: {  	v2 =	vld [tilespmem:s31+$0x3C20];
	[tilespmem:s30+$0x1450] =	vst v1;
	v0 =	vadd.s32 v9, v0  }
0x88: {  	v1 =	vld [tilespmem:s31+$0x3C30];
	[tilespmem:s30+$0x1460] =	vst v0  }
0x89: {  	v49 =	vld [tilespmem:s31+$0x3C40]  }
0x8a: {  	v5 =	vld [tilespmem:s31+$0x3C50]  }
0x8b: {  	v50 =	vld [tilespmem:s31+$0x3C60]  }
0x8c: {  	v51 =	vld [tilespmem:s31+$0x2800]  }
0x8d: {  	v7 =	vld [tilespmem:s31+$0x2810]  }
0x8e: {  	v48 =	vmul.u32 $0x2710, v11;
	v52 =	vld [tilespmem:s31+$0x2820]  }
0x8f: {  	v8 =	vmul.u32 $0x2710, v45;
	v10 =	vld [tilespmem:s31+$0x2830]  }
0x90: {  	v53 =	vld [tilespmem:s31+$0x2840];
	v0 =	vadd.s32 v46, v48;
	v4 =	vmul.u32 $0x2710, v47  }
0x91: {  	v54 =	vld [tilespmem:s31+$0x2850];
	[tilespmem:s31+$0x1470] =	vst v0;
	v2 =	vmul.u32 $0x2710, v2;
	v0 =	vadd.s32 v51, v8  }
0x92: {  	v57 =	vld [tilespmem:s31+$0x2860];
	v55 =	vmul.u32 $0x2710, v1;
	v56 =	vadd.s32 v7, v4;
	[tilespmem:s31+$0x1400] =	vst v0  }
0x93: {  	v3 =	vmul.u32 $0x2710, v49;
	v58 =	vadd.s32 v52, v2;
	[tilespmem:s31+$0x1410] =	vst v56  }
0x94: {  	v59 =	vmul.u32 $0x2710, v5;
	[tilespmem:s31+$0x1420] =	vst v58;
	v0 =	vadd.s32 v10, v55  }
0x95: {  	v60 =	vmul.u32 $0x2710, v50;
	[tilespmem:s31+$0x1430] =	vst v0;
	v61 =	vadd.s32 v53, v3  }
0x96: {  	v62 =	vadd.s32 v54, v59;
	[tilespmem:s31+$0x1440] =	vst v61  }
0x97: {  	v63 =	vadd.s32 v57, v60;
	[tilespmem:s31+$0x1450] =	vst v62  }
0x98: {  	[tilespmem:s31+$0x1460] =	vst v63  }
0x99: {  	[spmem:s11] =	stream.linear.scatter [tilespmem:s21], [sflag:$0x1], $0x2800, $0x38;
	[tilespmem:$0x1C000] =	vst v63  }
0x9a: {  	_ =	swait.ge [sflag:s22], $0x2800  }
0x9b: {  	[sflag:s22] =	ssyncset.done $0x0  }
0x9c: {  	[sflag:s22] =	ssyncadd.s32 $0xFFFFD800  }
0x9d: {  	[spmem:s13] =	stream.linear.scatter [tilespmem:s21], [sflag:$0x1], $0x2800, $0x38;
	[tilespmem:$0x1C000] =	vst v63  }
0x9e: {  	_ =	swait.ge [sflag:s22], $0x2800  }
0x9f: {  	[sflag:s22] =	ssyncset.done $0x0  }
0xa0: {  	[sflag:s22] =	ssyncadd.s32 $0xFFFFD800  }
0xa1: {  	[spmem:s14] =	stream.linear.scatter [tilespmem:s21], [sflag:$0x1], $0x2800, $0x38;
	[tilespmem:$0x1C000] =	vst v63  }
0xa2: {  	_ =	swait.ge [sflag:s22], $0x2800  }
0xa3: {  	[sflag:s22] =	ssyncset.done $0x0  }
0xa4: {  	[sflag:s22] =	ssyncadd.s32 $0xFFFFD800  }
0xa5: {  	[spmem:s15] =	stream.linear.scatter [tilespmem:s21], [sflag:$0x1], $0x2800, $0x38;
	[tilespmem:$0x1C000] =	vst v63  }
0xa6: {  	_ =	swait.ge [sflag:s22], $0x2800  }
0xa7: {  	[sflag:s22] =	ssyncset.done $0x0  }
0xa8: {  	[sflag:s22] =	ssyncadd.s32 $0xFFFFD800  }
0xa9: {  	[spmem:s16] =	stream.linear.scatter [tilespmem:s21], [sflag:$0x1], $0x2800, $0x38;
	[tilespmem:$0x1C000] =	vst v63  }
0xaa: {  	_ =	swait.ge [sflag:s22], $0x2800  }
0xab: {  	[sflag:s22] =	ssyncset.done $0x0  }
0xac: {  	[sflag:s22] =	ssyncadd.s32 $0xFFFFD800  }
0xad: {  	[spmem:s17] =	stream.linear.scatter [tilespmem:s21], [sflag:$0x1], $0x2800, $0x38;
	[tilespmem:$0x1C000] =	vst v63  }
0xae: {  	_ =	swait.ge [sflag:s22], $0x2800  }
0xaf: {  	[sflag:s22] =	ssyncset.done $0x0  }
0xb0: {  	[sflag:s22] =	ssyncadd.s32 $0xFFFFD800  }
0xb1: {  	[spmem:s18] =	stream.linear.scatter [tilespmem:s21], [sflag:$0x1], $0x2800, $0x38;
	[tilespmem:$0x1C000] =	vst v63  }
0xb2: {  	_ =	swait.ge [sflag:s22], $0x2800  }
0xb3: {  	[sflag:s22] =	ssyncset.done $0x0  }
0xb4: {  	[sflag:s22] =	ssyncadd.s32 $0xFFFFD800  }
0xb5: {  	[spmem:s19] =	stream.linear.scatter [tilespmem:s21], [sflag:$0x1], $0x2800, $0x38;
	[tilespmem:$0x1C000] =	vst v63  }
0xb6: {  	_ =	swait.ge [sflag:s22], $0x2800  }
0xb7: {  	[sflag:s22] =	ssyncset.done $0x0  }
0xb8: {  	[sflag:s22] =	ssyncadd.s32 $0xFFFFD800  }
0xb9: {  	s0 =	sadd.s32 $0x0, s20;
	[bflag:$0x0] =	sbarrier.arrive $0xFFFF  }
0xba: {  	[spmem:s2] =	stream.indirect.scatter.add.f32 [tilespmem:s23], [sflag:$0x1], $0x10, s0, s28, $0xb8;
	[tilespmem:$0x1C000] =	vst v63  }
0xbb: {  	s0 =	simm.s32 $0x200;
	_ =	swait.ge [sflag:s22], $0x800  }
.LBB2_6:
0xbc: {  	s30 =	sshra.s32 s0, $0x2;
	[sflag:s22] =	ssyncset.done $0x0;
	p0 =	sne.s32 s0, $0x4E00  }
.Ltmp2:
0xbd: {  	s30 =	sadd.s32 s30, s20;
	[sflag:s22] =	ssyncadd.s32 $0xFFFFF800;
	(pc) =	sbr.rel @p0 .LBB2_6-.Ltmp2, $3  }
0xbe: {  	[spmem:s2] =	stream.indirect.scatter.add.f32 [tilespmem:s23], [sflag:$0x1], $0x10, s30, s28, $0xb8;
	[tilespmem:$0x1C000] =	vst v63  }
0xbf: {  	s0 =	sadd.s32 $0x200, s0;
	_ =	sdelay $0x1  }
0xc0: {  	_ =	swait.ge [sflag:s22], $0x800  }
0xc1: {  	[sflag:s22] =	ssyncset.done $0x0;
	s29 =	sadd.s32 $0x1, s29  }
0xc2: {  	s0 =	sshll.u32 s1, $0x6;
	[sflag:s22] =	ssyncadd.s32 $0xFFFFF800;
	p0 =	sne.s32 s29, s12  }
.Ltmp3:
0xc3: {  	s0 =	sor.u32 $0x1C01, s0;
	[bflag:$0x0] =	sbarrier.arrive $0xFFFF;
	(pc) =	sbr.rel @p0 .LBB2_1-.Ltmp3, $4  }
0xc4: {  	[hbm:s10], [sflag:s0] =	dma.local [spmem:s25], $0x2710  }
0xc5: {  	_ =	swait.ge [sflag:s22], $0x2710  }
0xc6: {  	[sflag:s22] =	ssyncset.done $0x0  }
0xc7: {  	[sflag:s22] =	ssyncadd.s32 $0xFFFFD8F0  }
0xc8: {  	_ =	sfence.sel $0x180000  }
0xc9: {  	[bflag:$0x0] =	sbarrier.arrive $0xFFFF  }
0xca: {  	_ =	strace $0x9000004A  }
0xcb: {  	[bflag:$0x2] =	sbarrier.arrive $0xFFFF  }
0xcc: {  	p0 =	sne.s32 s1, $0x0;
	s0 =	rddreg [dreg:$0x2]  }
0xcd: {  	s0 =	sadd.s32 @!p0 $0x100000, s0  }
0xce: {  	[sflag:s0] =	ssyncadd.tile.s32 @!p0 $0x1;
	_ =	shalt  }
.Lfunc_end2:
_tile_overlayer_lowered:
.L_overlay_start_2:
0xcf: {  	(tag) =	ssettag $0x2  }
0xd0: {  	s0 =	rddreg [dreg:$0x0];
	s2 =	stileid.u32  }
0xd1: {  	s1 =	rddreg [dreg:$0x1];
	p0 =	sne.s32 s2, $0x0  }
0xd2: {  	s3 =	rddreg [dreg:$0x2];
	[bflag:$0x3] =	sbarrier.arrive $0xFFFF;
	s2 =	simm.s32 @!p0 $0x1C01  }
0xd3: {  	[timem:s3], [sflag:s2] =	dma.local @!p0 [hbm:s0], s1  }
0xd4: {  	s0 =	simm.s32 @!p0 $0x1  }
0xd5: {  	_ =	swait.ge @!p0 [sflag:s0], s1  }
0xd6: {  	s1 =	ssub.s32 @!p0 $0x0, s1;
	[sflag:s0] =	ssyncset.done @!p0 $0x0  }
0xd7: {  	[sflag:s0] =	ssyncadd.s32 @!p0 s1  }
0xd8: {  	[bflag:$0x3] =	sbarrier.arrive $0xFFFF  }
0xd9: {  	_ =	shalt  }

</sc_bundles>
